<compile_context>
chip_gen: v7x
topology: tpu7x:2x2x1
jax: 0.10.2.dev20260603
libtpu: 0.0.44.dev20260713+nightly
codegen_flags: <defaults>
</compile_context>

<pallas_src>
import functools
import math

import jax
import jax.numpy as jnp
from jax import lax
from jax.experimental import pallas as pl
from jax.experimental.pallas import tpu as pltpu
from jax.experimental.pallas import tpu_sc as plsc

D_MODEL = 64
SCALE = math.sqrt(D_MODEL)
NC, NS, L = 2, 16, 16
NW = NC * NS
BT = 128
CBLK = 8192


def _make_stage1(V, D):
    nsteps = (V + CBLK - 1) // CBLK

    def body(tt_ref, out_ref):
        out_ref[:, 0:D] = tt_ref[...].T * SCALE

    return pl.pallas_call(
        body,
        grid=(nsteps,),
        in_specs=[pl.BlockSpec((D, CBLK), lambda c: (0, c))],
        out_specs=pl.BlockSpec((CBLK, 2 * D), lambda c: (c, 0)),
        out_shape=jax.ShapeDtypeStruct((V, 2 * D), jnp.float32),
    )


def _make_stage2(S, T, V, D):
    assert S == NW * BT and D == D_MODEL
    mesh = plsc.VectorSubcoreMesh(core_axis_name="c", subcore_axis_name="s")

    @functools.partial(
        pl.kernel,
        mesh=mesh,
        out_type=jax.ShapeDtypeStruct((T, D // 8, NW, 8, BT), jnp.float32),
        scratch_types=[
            pltpu.VMEM((T, BT), jnp.int32),
            pltpu.VMEM((BT, 2 * D), jnp.float32),
            pltpu.VMEM((BT, 2 * D), jnp.float32),
            pltpu.VMEM((D // 8, 8, BT + 1), jnp.float32),
            pltpu.VMEM((D // 8, 8, BT + 1), jnp.float32),
            pltpu.SemaphoreType.DMA,
            pltpu.SemaphoreType.DMA,
            pltpu.SemaphoreType.DMA,
            pltpu.SemaphoreType.DMA,
        ],
        compiler_params=pltpu.CompilerParams(
            use_tc_tiling_on_sc=True, needs_layout_passes=False
        ),
    )
    def lookup(
        xt_hbm,
        t2_hbm,
        out_hbm,
        idx_v,
        buf0,
        buf1,
        obuf0,
        obuf1,
        sem0,
        sem1,
        osem0,
        osem1,
    ):
        wid = lax.axis_index("s") * NC + lax.axis_index("c")
        pltpu.sync_copy(xt_hbm.at[:, pl.ds(wid * BT, BT)], idx_v)

        bufs = (buf0, buf1)
        sems = (sem0, sem1)
        obufs = (obuf0, obuf1)
        osems = (osem0, osem1)

        iota = lax.broadcasted_iota(jnp.int32, (L,), 0)

        def start_gather(t, b):
            pltpu.async_copy(t2_hbm.at[idx_v.at[t]], bufs[b], sems[b])

        def wait_gather(t, b):
            pltpu.make_async_copy(
                t2_hbm.at[idx_v.at[t]], bufs[b], sems[b]
            ).wait()

        def start_out(t, b):
            pltpu.async_copy(
                obufs[b].at[:, :, pl.ds(0, BT)], out_hbm.at[t, :, wid], osems[b]
            )

        def wait_out(t, b):
            pltpu.make_async_copy(
                obufs[b].at[:, :, pl.ds(0, BT)], out_hbm.at[t, :, wid], osems[b]
            ).wait()

        def unit(t, b, first):
            if not first:
                wait_out(t - 2, b)
            wait_gather(t, b)
            buf = bufs[b]
            obuf = obufs[b]

            def kgroup(k, c):
                blv = iota + k * L
                for dg in range(D // 8):
                    vs = [
                        plsc.load_gather(
                            buf, [blv, jnp.full((L,), dg * 8 + j, jnp.int32)]
                        )
                        for j in range(8)
                    ]
                    for j, v in enumerate(vs):
                        d = dg * 8 + j
                        obuf[d // 8, d % 8, pl.ds(k * L, L)] = v
                return c

            lax.fori_loop(0, BT // L, kgroup, 0)
            start_out(t, b)

        start_gather(0, 0)
        start_gather(1, 1)
        unit(0, 0, True)
        start_gather(2, 0)
        unit(1, 1, True)

        def pair(p, c):
            t0 = 2 * p

            @pl.when(t0 + 3 < T)
            def _():
                start_gather(t0 + 3, 1)

            unit(t0 + 2, 0, False)

            @pl.when(t0 + 4 < T)
            def _():
                start_gather(t0 + 4, 0)

            unit(t0 + 3, 1, False)
            return c

        lax.fori_loop(0, (T - 2) // 2, pair, 0)
        wait_out(T - 2, 0)
        wait_out(T - 1, 1)

    return lookup


def kernel(x, table):
    S, T = x.shape
    V, D = table.shape
    xt = x.T
    t2 = _make_stage1(V, D)(table.T)
    out5 = _make_stage2(S, T, V, D)(xt, t2)
    return out5.transpose(2, 4, 0, 1, 3).reshape(S, T, D)

# --- scband reference (transcript-rebuilt; emitter-appended) ---
"""Pipeline reference for scband-embeddings-24567212933973 (READ-ONLY COPY).

The authoritative reference and input builder live on the scoring server;
editing this copy changes nothing except your own understanding.
"""

import jax, jax.numpy as jnp
import numpy as np
import math

PAD_token = 2
VOCAB = 1000000
D_MODEL = 64

def setup_inputs(seed: int = 0) -> dict:
    key = jax.random.key(seed)
    k_idx, k_tab = jax.random.split(key)
    x = jax.random.randint(k_idx, (4096, 200), 0, VOCAB, dtype=jnp.int64 if jax.config.read('jax_enable_x64') else jnp.int32).astype(jnp.int32)
    table = jax.random.normal(k_tab, (VOCAB, D_MODEL), dtype=jnp.float32)
    # padding_idx row is initialized to zero in nn.Embedding
    table = table.at[PAD_token].set(0.0)
    return {"x": x, "table": table}

def reference(x, table):
    # Embeddings.forward: self.lut(x) * sqrt(d_model)
    emb = jnp.take(table, x, axis=0)
    return emb * math.sqrt(D_MODEL)

if __name__ == "__main__":
    import jax
    _d = setup_inputs()
    print(jax.jit(kernel)(*tuple(_d.values())))

</pallas_src>

<mosaic_0001>
#map = affine_map<(d0, d1) -> (0, 0)>
#map1 = affine_map<(d0, d1) -> (0, 0, 0, 0, 0)>
module attributes {stable_mosaic.version = 14 : i64} {
  func.func @lookup(%arg0: i32, %arg1: i32, %arg2: memref<200x4096xi32, #tpu.memory_space<hbm>>, %arg3: memref<1000000x128xf32, #tpu.memory_space<hbm>>, %arg4: memref<200x8x32x8x128xf32, #tpu.memory_space<hbm>>, %arg5: memref<200x128xi32, #tpu.memory_space<vmem>>, %arg6: memref<128x128xf32, #tpu.memory_space<vmem>>, %arg7: memref<128x128xf32, #tpu.memory_space<vmem>>, %arg8: memref<8x8x129xf32, #tpu.memory_space<vmem>>, %arg9: memref<8x8x129xf32, #tpu.memory_space<vmem>>, %arg10: memref<!tpu.dma_semaphore, #tpu.memory_space<semaphore_mem>>, %arg11: memref<!tpu.dma_semaphore, #tpu.memory_space<semaphore_mem>>, %arg12: memref<!tpu.dma_semaphore, #tpu.memory_space<semaphore_mem>>, %arg13: memref<!tpu.dma_semaphore, #tpu.memory_space<semaphore_mem>>) attributes {dimension_semantics = [#tpu.dimension_semantics<core_parallel>, #tpu.dimension_semantics<subcore_parallel>], iteration_bounds = array<i64: 2, 16>, scalar_prefetch = 0 : i64, scratch_operands = 9 : i64, tpu.core_type = #tpu.core_type<sc_vector_subcore>, window_params = [{transform_indices = #map}, {transform_indices = #map}, {transform_indices = #map1}]} {
    %mul3A = arith.constant 2 : i32
    %mul3A_0 = arith.muli %arg1, %mul3A : i32
    %add3A = arith.addi %mul3A_0, %arg0 : i32
    %mul3A_1 = arith.constant 128 : i32
    %mul3A_2 = arith.muli %add3A, %mul3A_1 : i32
    "tpu.region"() ({
      %run_scoped3A = tpu.sem_alloc : memref<!tpu.dma_semaphore, #tpu.memory_space<semaphore_mem>>
      %dma_start3A_129 = arith.constant 0 : i32
      %dma_start3A_130 = tpu.memref_slice %arg2[%dma_start3A_129, %mul3A_2] : memref<200x4096xi32, #tpu.memory_space<hbm>> -> memref<200x128xi32, #tpu.memory_space<hbm>>
      %dma_start3A_131 = arith.constant 0 : i32
      %dma_start3A_132 = tpu.memref_slice %arg2[%dma_start3A_131, %mul3A_2] : memref<200x4096xi32, #tpu.memory_space<hbm>> -> memref<200x128xi32, #tpu.memory_space<hbm>>
      tpu.enqueue_dma source(%dma_start3A_132 : memref<200x128xi32, #tpu.memory_space<hbm>>) target(%arg5 : memref<200x128xi32, #tpu.memory_space<vmem>>) target_semaphore(%run_scoped3A : memref<!tpu.dma_semaphore, #tpu.memory_space<semaphore_mem>>)
      %dma_wait3A_133 = arith.constant 0 : i32
      %dma_wait3A_134 = tpu.memref_slice %arg2[%dma_wait3A_133, %mul3A_2] : memref<200x4096xi32, #tpu.memory_space<hbm>> -> memref<200x128xi32, #tpu.memory_space<hbm>>
      %dma_wait3A_135 = arith.constant 0 : i32
      %dma_wait3A_136 = tpu.memref_slice %arg2[%dma_wait3A_135, %mul3A_2] : memref<200x4096xi32, #tpu.memory_space<hbm>> -> memref<200x128xi32, #tpu.memory_space<hbm>>
      tpu.wait_dma2 semaphore(%run_scoped3A : memref<!tpu.dma_semaphore, #tpu.memory_space<semaphore_mem>>) src(%dma_wait3A_136 : memref<200x128xi32, #tpu.memory_space<hbm>>) dst(%arg5 : memref<200x128xi32, #tpu.memory_space<vmem>>)
      tpu.yield
    }) : () -> ()
    %iota3A = tpu.iota {dimensions = array<i32: 0>} : vector<16xi32>
    %dma_start3A = arith.constant 0 : i32
    %dma_start3A_3 = arith.constant 0 : i32
    %dma_start3A_4 = tpu.memref_slice %arg5[%dma_start3A, %dma_start3A_3] : memref<200x128xi32, #tpu.memory_space<vmem>> -> memref<1x128xi32, #tpu.memory_space<vmem>>
    %dma_start3A_5 = tpu.memref_squeeze %dma_start3A_4 : memref<1x128xi32, #tpu.memory_space<vmem>> -> memref<128xi32, #tpu.memory_space<vmem>>
    %dma_start3A_6 = arith.constant 0 : i32
    %dma_start3A_7 = arith.constant 0 : i32
    %dma_start3A_8 = tpu.memref_slice %arg3[%dma_start3A_6, %dma_start3A_7] : memref<1000000x128xf32, #tpu.memory_space<hbm>> -> memref<1000000x128xf32, #tpu.memory_space<hbm>>
    tpu.enqueue_indirect_dma source(%dma_start3A_8 : memref<1000000x128xf32, #tpu.memory_space<hbm>>) target(%arg6 : memref<128x128xf32, #tpu.memory_space<vmem>>) offsets(%dma_start3A_5 : memref<128xi32, #tpu.memory_space<vmem>>) semaphore(%arg10 : memref<!tpu.dma_semaphore, #tpu.memory_space<semaphore_mem>>)
    %dma_start3A_9 = arith.constant 1 : i32
    %dma_start3A_10 = arith.constant 0 : i32
    %dma_start3A_11 = tpu.memref_slice %arg5[%dma_start3A_9, %dma_start3A_10] : memref<200x128xi32, #tpu.memory_space<vmem>> -> memref<1x128xi32, #tpu.memory_space<vmem>>
    %dma_start3A_12 = tpu.memref_squeeze %dma_start3A_11 : memref<1x128xi32, #tpu.memory_space<vmem>> -> memref<128xi32, #tpu.memory_space<vmem>>
    %dma_start3A_13 = arith.constant 0 : i32
    %dma_start3A_14 = arith.constant 0 : i32
    %dma_start3A_15 = tpu.memref_slice %arg3[%dma_start3A_13, %dma_start3A_14] : memref<1000000x128xf32, #tpu.memory_space<hbm>> -> memref<1000000x128xf32, #tpu.memory_space<hbm>>
    tpu.enqueue_indirect_dma source(%dma_start3A_15 : memref<1000000x128xf32, #tpu.memory_space<hbm>>) target(%arg7 : memref<128x128xf32, #tpu.memory_space<vmem>>) offsets(%dma_start3A_12 : memref<128xi32, #tpu.memory_space<vmem>>) semaphore(%arg11 : memref<!tpu.dma_semaphore, #tpu.memory_space<semaphore_mem>>)
    %dma_wait3A = arith.constant 0 : i32
    %dma_wait3A_16 = arith.constant 0 : i32
    %dma_wait3A_17 = tpu.memref_slice %arg5[%dma_wait3A, %dma_wait3A_16] : memref<200x128xi32, #tpu.memory_space<vmem>> -> memref<1x128xi32, #tpu.memory_space<vmem>>
    %dma_wait3A_18 = tpu.memref_squeeze %dma_wait3A_17 : memref<1x128xi32, #tpu.memory_space<vmem>> -> memref<128xi32, #tpu.memory_space<vmem>>
    %dma_wait3A_19 = arith.constant 0 : i32
    %dma_wait3A_20 = arith.constant 0 : i32
    %dma_wait3A_21 = tpu.memref_slice %arg3[%dma_wait3A_19, %dma_wait3A_20] : memref<1000000x128xf32, #tpu.memory_space<hbm>> -> memref<1000000x128xf32, #tpu.memory_space<hbm>>
    tpu.wait_indirect_dma semaphore(%arg10 : memref<!tpu.dma_semaphore, #tpu.memory_space<semaphore_mem>>) src(%dma_wait3A_21 : memref<1000000x128xf32, #tpu.memory_space<hbm>>) dst(%arg6 : memref<128x128xf32, #tpu.memory_space<vmem>>)
    %scan3A = arith.constant 0 : i32
    %scan3A_22 = arith.constant 0 : i32
    %scan3A_23 = arith.constant 8 : i32
    %scan3A_24 = arith.addi %scan3A_22, %scan3A_23 : i32
    %scan3A_25 = arith.constant 1 : i32
    scf.for %scan3A_129 = %scan3A_22 to %scan3A_24 step %scan3A_25  : i32 {
      %mul3A_130 = arith.constant 16 : i32
      %mul3A_131 = arith.muli %scan3A_129, %mul3A_130 : i32
      %add3A_132 = vector.broadcast %mul3A_131 : i32 to vector<16xi32>
      %add3A_133 = arith.addi %iota3A, %add3A_132 : vector<16xi32>
      %broadcast_in_dim3A = arith.constant 0 : i32
      %broadcast_in_dim3A_134 = vector.broadcast %broadcast_in_dim3A : i32 to vector<16xi32>
      %gather3A = tpu.vector_load_idx %arg6[%add3A_133, %broadcast_in_dim3A_134] : memref<128x128xf32, #tpu.memory_space<vmem>>[vector<16xi32>, vector<16xi32>], vector<16xf32>,
      %broadcast_in_dim3A_135 = arith.constant 1 : i32
      %broadcast_in_dim3A_136 = vector.broadcast %broadcast_in_dim3A_135 : i32 to vector<16xi32>
      %gather3A_137 = tpu.vector_load_idx %arg6[%add3A_133, %broadcast_in_dim3A_136] : memref<128x128xf32, #tpu.memory_space<vmem>>[vector<16xi32>, vector<16xi32>], vector<16xf32>,
      %broadcast_in_dim3A_138 = arith.constant 2 : i32
      %broadcast_in_dim3A_139 = vector.broadcast %broadcast_in_dim3A_138 : i32 to vector<16xi32>
      %gather3A_140 = tpu.vector_load_idx %arg6[%add3A_133, %broadcast_in_dim3A_139] : memref<128x128xf32, #tpu.memory_space<vmem>>[vector<16xi32>, vector<16xi32>], vector<16xf32>,
      %broadcast_in_dim3A_141 = arith.constant 3 : i32
      %broadcast_in_dim3A_142 = vector.broadcast %broadcast_in_dim3A_141 : i32 to vector<16xi32>
      %gather3A_143 = tpu.vector_load_idx %arg6[%add3A_133, %broadcast_in_dim3A_142] : memref<128x128xf32, #tpu.memory_space<vmem>>[vector<16xi32>, vector<16xi32>], vector<16xf32>,
      %broadcast_in_dim3A_144 = arith.constant 4 : i32
      %broadcast_in_dim3A_145 = vector.broadcast %broadcast_in_dim3A_144 : i32 to vector<16xi32>
      %gather3A_146 = tpu.vector_load_idx %arg6[%add3A_133, %broadcast_in_dim3A_145] : memref<128x128xf32, #tpu.memory_space<vmem>>[vector<16xi32>, vector<16xi32>], vector<16xf32>,
      %broadcast_in_dim3A_147 = arith.constant 5 : i32
      %broadcast_in_dim3A_148 = vector.broadcast %broadcast_in_dim3A_147 : i32 to vector<16xi32>
      %gather3A_149 = tpu.vector_load_idx %arg6[%add3A_133, %broadcast_in_dim3A_148] : memref<128x128xf32, #tpu.memory_space<vmem>>[vector<16xi32>, vector<16xi32>], vector<16xf32>,
      %broadcast_in_dim3A_150 = arith.constant 6 : i32
      %broadcast_in_dim3A_151 = vector.broadcast %broadcast_in_dim3A_150 : i32 to vector<16xi32>
      %gather3A_152 = tpu.vector_load_idx %arg6[%add3A_133, %broadcast_in_dim3A_151] : memref<128x128xf32, #tpu.memory_space<vmem>>[vector<16xi32>, vector<16xi32>], vector<16xf32>,
      %broadcast_in_dim3A_153 = arith.constant 7 : i32
      %broadcast_in_dim3A_154 = vector.broadcast %broadcast_in_dim3A_153 : i32 to vector<16xi32>
      %gather3A_155 = tpu.vector_load_idx %arg6[%add3A_133, %broadcast_in_dim3A_154] : memref<128x128xf32, #tpu.memory_space<vmem>>[vector<16xi32>, vector<16xi32>], vector<16xf32>,
      %mul3A_156 = arith.constant 16 : i32
      %mul3A_157 = arith.muli %scan3A_129, %mul3A_156 : i32
      %swap3A = arith.constant 0 : i32
      %swap3A_158 = arith.constant 0 : i32
      %swap3A_159 = arith.index_cast %swap3A : i32 to index
      %swap3A_160 = arith.index_cast %swap3A_158 : i32 to index
      %swap3A_161 = arith.index_cast %mul3A_157 : i32 to index
      %swap3A_162 = tpu.vector_load %arg8[%swap3A_159, %swap3A_160, %swap3A_161] {strides = array<i32>} : memref<8x8x129xf32, #tpu.memory_space<vmem>>, vector<16xf32>,
      tpu.vector_store %arg8[%swap3A_159, %swap3A_160, %swap3A_161], %gather3A {strides = array<i32>} : memref<8x8x129xf32, #tpu.memory_space<vmem>>, vector<16xf32>,
      %mul3A_163 = arith.constant 16 : i32
      %mul3A_164 = arith.muli %scan3A_129, %mul3A_163 : i32
      %swap3A_165 = arith.constant 0 : i32
      %swap3A_166 = arith.constant 1 : i32
      %swap3A_167 = arith.index_cast %swap3A_165 : i32 to index
      %swap3A_168 = arith.index_cast %swap3A_166 : i32 to index
      %swap3A_169 = arith.index_cast %mul3A_164 : i32 to index
      %swap3A_170 = tpu.vector_load %arg8[%swap3A_167, %swap3A_168, %swap3A_169] {strides = array<i32>} : memref<8x8x129xf32, #tpu.memory_space<vmem>>, vector<16xf32>,
      tpu.vector_store %arg8[%swap3A_167, %swap3A_168, %swap3A_169], %gather3A_137 {strides = array<i32>} : memref<8x8x129xf32, #tpu.memory_space<vmem>>, vector<16xf32>,
      %mul3A_171 = arith.constant 16 : i32
      %mul3A_172 = arith.muli %scan3A_129, %mul3A_171 : i32
      %swap3A_173 = arith.constant 0 : i32
      %swap3A_174 = arith.constant 2 : i32
      %swap3A_175 = arith.index_cast %swap3A_173 : i32 to index
      %swap3A_176 = arith.index_cast %swap3A_174 : i32 to index
      %swap3A_177 = arith.index_cast %mul3A_172 : i32 to index
      %swap3A_178 = tpu.vector_load %arg8[%swap3A_175, %swap3A_176, %swap3A_177] {strides = array<i32>} : memref<8x8x129xf32, #tpu.memory_space<vmem>>, vector<16xf32>,
      tpu.vector_store %arg8[%swap3A_175, %swap3A_176, %swap3A_177], %gather3A_140 {strides = array<i32>} : memref<8x8x129xf32, #tpu.memory_space<vmem>>, vector<16xf32>,
      %mul3A_179 = arith.constant 16 : i32
      %mul3A_180 = arith.muli %scan3A_129, %mul3A_179 : i32
      %swap3A_181 = arith.constant 0 : i32
      %swap3A_182 = arith.constant 3 : i32
      %swap3A_183 = arith.index_cast %swap3A_181 : i32 to index
      %swap3A_184 = arith.index_cast %swap3A_182 : i32 to index
      %swap3A_185 = arith.index_cast %mul3A_180 : i32 to index
      %swap3A_186 = tpu.vector_load %arg8[%swap3A_183, %swap3A_184, %swap3A_185] {strides = array<i32>} : memref<8x8x129xf32, #tpu.memory_space<vmem>>, vector<16xf32>,
      tpu.vector_store %arg8[%swap3A_183, %swap3A_184, %swap3A_185], %gather3A_143 {strides = array<i32>} : memref<8x8x129xf32, #tpu.memory_space<vmem>>, vector<16xf32>,
      %mul3A_187 = arith.constant 16 : i32
      %mul3A_188 = arith.muli %scan3A_129, %mul3A_187 : i32
      %swap3A_189 = arith.constant 0 : i32
      %swap3A_190 = arith.constant 4 : i32
      %swap3A_191 = arith.index_cast %swap3A_189 : i32 to index
      %swap3A_192 = arith.index_cast %swap3A_190 : i32 to index
      %swap3A_193 = arith.index_cast %mul3A_188 : i32 to index
      %swap3A_194 = tpu.vector_load %arg8[%swap3A_191, %swap3A_192, %swap3A_193] {strides = array<i32>} : memref<8x8x129xf32, #tpu.memory_space<vmem>>, vector<16xf32>,
      tpu.vector_store %arg8[%swap3A_191, %swap3A_192, %swap3A_193], %gather3A_146 {strides = array<i32>} : memref<8x8x129xf32, #tpu.memory_space<vmem>>, vector<16xf32>,
      %mul3A_195 = arith.constant 16 : i32
      %mul3A_196 = arith.muli %scan3A_129, %mul3A_195 : i32
      %swap3A_197 = arith.constant 0 : i32
      %swap3A_198 = arith.constant 5 : i32
      %swap3A_199 = arith.index_cast %swap3A_197 : i32 to index
      %swap3A_200 = arith.index_cast %swap3A_198 : i32 to index
      %swap3A_201 = arith.index_cast %mul3A_196 : i32 to index
      %swap3A_202 = tpu.vector_load %arg8[%swap3A_199, %swap3A_200, %swap3A_201] {strides = array<i32>} : memref<8x8x129xf32, #tpu.memory_space<vmem>>, vector<16xf32>,
      tpu.vector_store %arg8[%swap3A_199, %swap3A_200, %swap3A_201], %gather3A_149 {strides = array<i32>} : memref<8x8x129xf32, #tpu.memory_space<vmem>>, vector<16xf32>,
      %mul3A_203 = arith.constant 16 : i32
      %mul3A_204 = arith.muli %scan3A_129, %mul3A_203 : i32
      %swap3A_205 = arith.constant 0 : i32
      %swap3A_206 = arith.constant 6 : i32
      %swap3A_207 = arith.index_cast %swap3A_205 : i32 to index
      %swap3A_208 = arith.index_cast %swap3A_206 : i32 to index
      %swap3A_209 = arith.index_cast %mul3A_204 : i32 to index
      %swap3A_210 = tpu.vector_load %arg8[%swap3A_207, %swap3A_208, %swap3A_209] {strides = array<i32>} : memref<8x8x129xf32, #tpu.memory_space<vmem>>, vector<16xf32>,
      tpu.vector_store %arg8[%swap3A_207, %swap3A_208, %swap3A_209], %gather3A_152 {strides = array<i32>} : memref<8x8x129xf32, #tpu.memory_space<vmem>>, vector<16xf32>,
      %mul3A_211 = arith.constant 16 : i32
      %mul3A_212 = arith.muli %scan3A_129, %mul3A_211 : i32
      %swap3A_213 = arith.constant 0 : i32
      %swap3A_214 = arith.constant 7 : i32
      %swap3A_215 = arith.index_cast %swap3A_213 : i32 to index
      %swap3A_216 = arith.index_cast %swap3A_214 : i32 to index
      %swap3A_217 = arith.index_cast %mul3A_212 : i32 to index
      %swap3A_218 = tpu.vector_load %arg8[%swap3A_215, %swap3A_216, %swap3A_217] {strides = array<i32>} : memref<8x8x129xf32, #tpu.memory_space<vmem>>, vector<16xf32>,
      tpu.vector_store %arg8[%swap3A_215, %swap3A_216, %swap3A_217], %gather3A_155 {strides = array<i32>} : memref<8x8x129xf32, #tpu.memory_space<vmem>>, vector<16xf32>,
      %broadcast_in_dim3A_219 = arith.constant 8 : i32
      %broadcast_in_dim3A_220 = vector.broadcast %broadcast_in_dim3A_219 : i32 to vector<16xi32>
      %gather3A_221 = tpu.vector_load_idx %arg6[%add3A_133, %broadcast_in_dim3A_220] : memref<128x128xf32, #tpu.memory_space<vmem>>[vector<16xi32>, vector<16xi32>], vector<16xf32>,
      %broadcast_in_dim3A_222 = arith.constant 9 : i32
      %broadcast_in_dim3A_223 = vector.broadcast %broadcast_in_dim3A_222 : i32 to vector<16xi32>
      %gather3A_224 = tpu.vector_load_idx %arg6[%add3A_133, %broadcast_in_dim3A_223] : memref<128x128xf32, #tpu.memory_space<vmem>>[vector<16xi32>, vector<16xi32>], vector<16xf32>,
      %broadcast_in_dim3A_225 = arith.constant 10 : i32
      %broadcast_in_dim3A_226 = vector.broadcast %broadcast_in_dim3A_225 : i32 to vector<16xi32>
      %gather3A_227 = tpu.vector_load_idx %arg6[%add3A_133, %broadcast_in_dim3A_226] : memref<128x128xf32, #tpu.memory_space<vmem>>[vector<16xi32>, vector<16xi32>], vector<16xf32>,
      %broadcast_in_dim3A_228 = arith.constant 11 : i32
      %broadcast_in_dim3A_229 = vector.broadcast %broadcast_in_dim3A_228 : i32 to vector<16xi32>
      %gather3A_230 = tpu.vector_load_idx %arg6[%add3A_133, %broadcast_in_dim3A_229] : memref<128x128xf32, #tpu.memory_space<vmem>>[vector<16xi32>, vector<16xi32>], vector<16xf32>,
      %broadcast_in_dim3A_231 = arith.constant 12 : i32
      %broadcast_in_dim3A_232 = vector.broadcast %broadcast_in_dim3A_231 : i32 to vector<16xi32>
      %gather3A_233 = tpu.vector_load_idx %arg6[%add3A_133, %broadcast_in_dim3A_232] : memref<128x128xf32, #tpu.memory_space<vmem>>[vector<16xi32>, vector<16xi32>], vector<16xf32>,
      %broadcast_in_dim3A_234 = arith.constant 13 : i32
      %broadcast_in_dim3A_235 = vector.broadcast %broadcast_in_dim3A_234 : i32 to vector<16xi32>
      %gather3A_236 = tpu.vector_load_idx %arg6[%add3A_133, %broadcast_in_dim3A_235] : memref<128x128xf32, #tpu.memory_space<vmem>>[vector<16xi32>, vector<16xi32>], vector<16xf32>,
      %broadcast_in_dim3A_237 = arith.constant 14 : i32
      %broadcast_in_dim3A_238 = vector.broadcast %broadcast_in_dim3A_237 : i32 to vector<16xi32>
      %gather3A_239 = tpu.vector_load_idx %arg6[%add3A_133, %broadcast_in_dim3A_238] : memref<128x128xf32, #tpu.memory_space<vmem>>[vector<16xi32>, vector<16xi32>], vector<16xf32>,
      %broadcast_in_dim3A_240 = arith.constant 15 : i32
      %broadcast_in_dim3A_241 = vector.broadcast %broadcast_in_dim3A_240 : i32 to vector<16xi32>
      %gather3A_242 = tpu.vector_load_idx %arg6[%add3A_133, %broadcast_in_dim3A_241] : memref<128x128xf32, #tpu.memory_space<vmem>>[vector<16xi32>, vector<16xi32>], vector<16xf32>,
      %mul3A_243 = arith.constant 16 : i32
      %mul3A_244 = arith.muli %scan3A_129, %mul3A_243 : i32
      %swap3A_245 = arith.constant 1 : i32
      %swap3A_246 = arith.constant 0 : i32
      %swap3A_247 = arith.index_cast %swap3A_245 : i32 to index
      %swap3A_248 = arith.index_cast %swap3A_246 : i32 to index
      %swap3A_249 = arith.index_cast %mul3A_244 : i32 to index
      %swap3A_250 = tpu.vector_load %arg8[%swap3A_247, %swap3A_248, %swap3A_249] {strides = array<i32>} : memref<8x8x129xf32, #tpu.memory_space<vmem>>, vector<16xf32>,
      tpu.vector_store %arg8[%swap3A_247, %swap3A_248, %swap3A_249], %gather3A_221 {strides = array<i32>} : memref<8x8x129xf32, #tpu.memory_space<vmem>>, vector<16xf32>,
      %mul3A_251 = arith.constant 16 : i32
      %mul3A_252 = arith.muli %scan3A_129, %mul3A_251 : i32
      %swap3A_253 = arith.constant 1 : i32
      %swap3A_254 = arith.constant 1 : i32
      %swap3A_255 = arith.index_cast %swap3A_253 : i32 to index
      %swap3A_256 = arith.index_cast %swap3A_254 : i32 to index
      %swap3A_257 = arith.index_cast %mul3A_252 : i32 to index
      %swap3A_258 = tpu.vector_load %arg8[%swap3A_255, %swap3A_256, %swap3A_257] {strides = array<i32>} : memref<8x8x129xf32, #tpu.memory_space<vmem>>, vector<16xf32>,
      tpu.vector_store %arg8[%swap3A_255, %swap3A_256, %swap3A_257], %gather3A_224 {strides = array<i32>} : memref<8x8x129xf32, #tpu.memory_space<vmem>>, vector<16xf32>,
      %mul3A_259 = arith.constant 16 : i32
      %mul3A_260 = arith.muli %scan3A_129, %mul3A_259 : i32
      %swap3A_261 = arith.constant 1 : i32
      %swap3A_262 = arith.constant 2 : i32
      %swap3A_263 = arith.index_cast %swap3A_261 : i32 to index
      %swap3A_264 = arith.index_cast %swap3A_262 : i32 to index
      %swap3A_265 = arith.index_cast %mul3A_260 : i32 to index
      %swap3A_266 = tpu.vector_load %arg8[%swap3A_263, %swap3A_264, %swap3A_265] {strides = array<i32>} : memref<8x8x129xf32, #tpu.memory_space<vmem>>, vector<16xf32>,
      tpu.vector_store %arg8[%swap3A_263, %swap3A_264, %swap3A_265], %gather3A_227 {strides = array<i32>} : memref<8x8x129xf32, #tpu.memory_space<vmem>>, vector<16xf32>,
      %mul3A_267 = arith.constant 16 : i32
      %mul3A_268 = arith.muli %scan3A_129, %mul3A_267 : i32
      %swap3A_269 = arith.constant 1 : i32
      %swap3A_270 = arith.constant 3 : i32
      %swap3A_271 = arith.index_cast %swap3A_269 : i32 to index
      %swap3A_272 = arith.index_cast %swap3A_270 : i32 to index
      %swap3A_273 = arith.index_cast %mul3A_268 : i32 to index
      %swap3A_274 = tpu.vector_load %arg8[%swap3A_271, %swap3A_272, %swap3A_273] {strides = array<i32>} : memref<8x8x129xf32, #tpu.memory_space<vmem>>, vector<16xf32>,
      tpu.vector_store %arg8[%swap3A_271, %swap3A_272, %swap3A_273], %gather3A_230 {strides = array<i32>} : memref<8x8x129xf32, #tpu.memory_space<vmem>>, vector<16xf32>,
      %mul3A_275 = arith.constant 16 : i32
      %mul3A_276 = arith.muli %scan3A_129, %mul3A_275 : i32
      %swap3A_277 = arith.constant 1 : i32
      %swap3A_278 = arith.constant 4 : i32
      %swap3A_279 = arith.index_cast %swap3A_277 : i32 to index
      %swap3A_280 = arith.index_cast %swap3A_278 : i32 to index
      %swap3A_281 = arith.index_cast %mul3A_276 : i32 to index
      %swap3A_282 = tpu.vector_load %arg8[%swap3A_279, %swap3A_280, %swap3A_281] {strides = array<i32>} : memref<8x8x129xf32, #tpu.memory_space<vmem>>, vector<16xf32>,
      tpu.vector_store %arg8[%swap3A_279, %swap3A_280, %swap3A_281], %gather3A_233 {strides = array<i32>} : memref<8x8x129xf32, #tpu.memory_space<vmem>>, vector<16xf32>,
      %mul3A_283 = arith.constant 16 : i32
      %mul3A_284 = arith.muli %scan3A_129, %mul3A_283 : i32
      %swap3A_285 = arith.constant 1 : i32
      %swap3A_286 = arith.constant 5 : i32
      %swap3A_287 = arith.index_cast %swap3A_285 : i32 to index
      %swap3A_288 = arith.index_cast %swap3A_286 : i32 to index
      %swap3A_289 = arith.index_cast %mul3A_284 : i32 to index
      %swap3A_290 = tpu.vector_load %arg8[%swap3A_287, %swap3A_288, %swap3A_289] {strides = array<i32>} : memref<8x8x129xf32, #tpu.memory_space<vmem>>, vector<16xf32>,
      tpu.vector_store %arg8[%swap3A_287, %swap3A_288, %swap3A_289], %gather3A_236 {strides = array<i32>} : memref<8x8x129xf32, #tpu.memory_space<vmem>>, vector<16xf32>,
      %mul3A_291 = arith.constant 16 : i32
      %mul3A_292 = arith.muli %scan3A_129, %mul3A_291 : i32
      %swap3A_293 = arith.constant 1 : i32
      %swap3A_294 = arith.constant 6 : i32
      %swap3A_295 = arith.index_cast %swap3A_293 : i32 to index
      %swap3A_296 = arith.index_cast %swap3A_294 : i32 to index
      %swap3A_297 = arith.index_cast %mul3A_292 : i32 to index
      %swap3A_298 = tpu.vector_load %arg8[%swap3A_295, %swap3A_296, %swap3A_297] {strides = array<i32>} : memref<8x8x129xf32, #tpu.memory_space<vmem>>, vector<16xf32>,
      tpu.vector_store %arg8[%swap3A_295, %swap3A_296, %swap3A_297], %gather3A_239 {strides = array<i32>} : memref<8x8x129xf32, #tpu.memory_space<vmem>>, vector<16xf32>,
      %mul3A_299 = arith.constant 16 : i32
      %mul3A_300 = arith.muli %scan3A_129, %mul3A_299 : i32
      %swap3A_301 = arith.constant 1 : i32
      %swap3A_302 = arith.constant 7 : i32
      %swap3A_303 = arith.index_cast %swap3A_301 : i32 to index
      %swap3A_304 = arith.index_cast %swap3A_302 : i32 to index
      %swap3A_305 = arith.index_cast %mul3A_300 : i32 to index
      %swap3A_306 = tpu.vector_load %arg8[%swap3A_303, %swap3A_304, %swap3A_305] {strides = array<i32>} : memref<8x8x129xf32, #tpu.memory_space<vmem>>, vector<16xf32>,
      tpu.vector_store %arg8[%swap3A_303, %swap3A_304, %swap3A_305], %gather3A_242 {strides = array<i32>} : memref<8x8x129xf32, #tpu.memory_space<vmem>>, vector<16xf32>,
      %broadcast_in_dim3A_307 = arith.constant 16 : i32
      %broadcast_in_dim3A_308 = vector.broadcast %broadcast_in_dim3A_307 : i32 to vector<16xi32>
      %gather3A_309 = tpu.vector_load_idx %arg6[%add3A_133, %broadcast_in_dim3A_308] : memref<128x128xf32, #tpu.memory_space<vmem>>[vector<16xi32>, vector<16xi32>], vector<16xf32>,
      %broadcast_in_dim3A_310 = arith.constant 17 : i32
      %broadcast_in_dim3A_311 = vector.broadcast %broadcast_in_dim3A_310 : i32 to vector<16xi32>
      %gather3A_312 = tpu.vector_load_idx %arg6[%add3A_133, %broadcast_in_dim3A_311] : memref<128x128xf32, #tpu.memory_space<vmem>>[vector<16xi32>, vector<16xi32>], vector<16xf32>,
      %broadcast_in_dim3A_313 = arith.constant 18 : i32
      %broadcast_in_dim3A_314 = vector.broadcast %broadcast_in_dim3A_313 : i32 to vector<16xi32>
      %gather3A_315 = tpu.vector_load_idx %arg6[%add3A_133, %broadcast_in_dim3A_314] : memref<128x128xf32, #tpu.memory_space<vmem>>[vector<16xi32>, vector<16xi32>], vector<16xf32>,
      %broadcast_in_dim3A_316 = arith.constant 19 : i32
      %broadcast_in_dim3A_317 = vector.broadcast %broadcast_in_dim3A_316 : i32 to vector<16xi32>
      %gather3A_318 = tpu.vector_load_idx %arg6[%add3A_133, %broadcast_in_dim3A_317] : memref<128x128xf32, #tpu.memory_space<vmem>>[vector<16xi32>, vector<16xi32>], vector<16xf32>,
      %broadcast_in_dim3A_319 = arith.constant 20 : i32
      %broadcast_in_dim3A_320 = vector.broadcast %broadcast_in_dim3A_319 : i32 to vector<16xi32>
      %gather3A_321 = tpu.vector_load_idx %arg6[%add3A_133, %broadcast_in_dim3A_320] : memref<128x128xf32, #tpu.memory_space<vmem>>[vector<16xi32>, vector<16xi32>], vector<16xf32>,
      %broadcast_in_dim3A_322 = arith.constant 21 : i32
      %broadcast_in_dim3A_323 = vector.broadcast %broadcast_in_dim3A_322 : i32 to vector<16xi32>
      %gather3A_324 = tpu.vector_load_idx %arg6[%add3A_133, %broadcast_in_dim3A_323] : memref<128x128xf32, #tpu.memory_space<vmem>>[vector<16xi32>, vector<16xi32>], vector<16xf32>,
      %broadcast_in_dim3A_325 = arith.constant 22 : i32
      %broadcast_in_dim3A_326 = vector.broadcast %broadcast_in_dim3A_325 : i32 to vector<16xi32>
      %gather3A_327 = tpu.vector_load_idx %arg6[%add3A_133, %broadcast_in_dim3A_326] : memref<128x128xf32, #tpu.memory_space<vmem>>[vector<16xi32>, vector<16xi32>], vector<16xf32>,
      %broadcast_in_dim3A_328 = arith.constant 23 : i32
      %broadcast_in_dim3A_329 = vector.broadcast %broadcast_in_dim3A_328 : i32 to vector<16xi32>
      %gather3A_330 = tpu.vector_load_idx %arg6[%add3A_133, %broadcast_in_dim3A_329] : memref<128x128xf32, #tpu.memory_space<vmem>>[vector<16xi32>, vector<16xi32>], vector<16xf32>,
      %mul3A_331 = arith.constant 16 : i32
      %mul3A_332 = arith.muli %scan3A_129, %mul3A_331 : i32
      %swap3A_333 = arith.constant 2 : i32
      %swap3A_334 = arith.constant 0 : i32
      %swap3A_335 = arith.index_cast %swap3A_333 : i32 to index
      %swap3A_336 = arith.index_cast %swap3A_334 : i32 to index
      %swap3A_337 = arith.index_cast %mul3A_332 : i32 to index
      %swap3A_338 = tpu.vector_load %arg8[%swap3A_335, %swap3A_336, %swap3A_337] {strides = array<i32>} : memref<8x8x129xf32, #tpu.memory_space<vmem>>, vector<16xf32>,
      tpu.vector_store %arg8[%swap3A_335, %swap3A_336, %swap3A_337], %gather3A_309 {strides = array<i32>} : memref<8x8x129xf32, #tpu.memory_space<vmem>>, vector<16xf32>,
      %mul3A_339 = arith.constant 16 : i32
      %mul3A_340 = arith.muli %scan3A_129, %mul3A_339 : i32
      %swap3A_341 = arith.constant 2 : i32
      %swap3A_342 = arith.constant 1 : i32
      %swap3A_343 = arith.index_cast %swap3A_341 : i32 to index
      %swap3A_344 = arith.index_cast %swap3A_342 : i32 to index
      %swap3A_345 = arith.index_cast %mul3A_340 : i32 to index
      %swap3A_346 = tpu.vector_load %arg8[%swap3A_343, %swap3A_344, %swap3A_345] {strides = array<i32>} : memref<8x8x129xf32, #tpu.memory_space<vmem>>, vector<16xf32>,
      tpu.vector_store %arg8[%swap3A_343, %swap3A_344, %swap3A_345], %gather3A_312 {strides = array<i32>} : memref<8x8x129xf32, #tpu.memory_space<vmem>>, vector<16xf32>,
      %mul3A_347 = arith.constant 16 : i32
      %mul3A_348 = arith.muli %scan3A_129, %mul3A_347 : i32
      %swap3A_349 = arith.constant 2 : i32
      %swap3A_350 = arith.constant 2 : i32
      %swap3A_351 = arith.index_cast %swap3A_349 : i32 to index
      %swap3A_352 = arith.index_cast %swap3A_350 : i32 to index
      %swap3A_353 = arith.index_cast %mul3A_348 : i32 to index
      %swap3A_354 = tpu.vector_load %arg8[%swap3A_351, %swap3A_352, %swap3A_353] {strides = array<i32>} : memref<8x8x129xf32, #tpu.memory_space<vmem>>, vector<16xf32>,
      tpu.vector_store %arg8[%swap3A_351, %swap3A_352, %swap3A_353], %gather3A_315 {strides = array<i32>} : memref<8x8x129xf32, #tpu.memory_space<vmem>>, vector<16xf32>,
      %mul3A_355 = arith.constant 16 : i32
      %mul3A_356 = arith.muli %scan3A_129, %mul3A_355 : i32
      %swap3A_357 = arith.constant 2 : i32
      %swap3A_358 = arith.constant 3 : i32
      %swap3A_359 = arith.index_cast %swap3A_357 : i32 to index
      %swap3A_360 = arith.index_cast %swap3A_358 : i32 to index
      %swap3A_361 = arith.index_cast %mul3A_356 : i32 to index
      %swap3A_362 = tpu.vector_load %arg8[%swap3A_359, %swap3A_360, %swap3A_361] {strides = array<i32>} : memref<8x8x129xf32, #tpu.memory_space<vmem>>, vector<16xf32>,
      tpu.vector_store %arg8[%swap3A_359, %swap3A_360, %swap3A_361], %gather3A_318 {strides = array<i32>} : memref<8x8x129xf32, #tpu.memory_space<vmem>>, vector<16xf32>,
      %mul3A_363 = arith.constant 16 : i32
      %mul3A_364 = arith.muli %scan3A_129, %mul3A_363 : i32
      %swap3A_365 = arith.constant 2 : i32
      %swap3A_366 = arith.constant 4 : i32
      %swap3A_367 = arith.index_cast %swap3A_365 : i32 to index
      %swap3A_368 = arith.index_cast %swap3A_366 : i32 to index
      %swap3A_369 = arith.index_cast %mul3A_364 : i32 to index
      %swap3A_370 = tpu.vector_load %arg8[%swap3A_367, %swap3A_368, %swap3A_369] {strides = array<i32>} : memref<8x8x129xf32, #tpu.memory_space<vmem>>, vector<16xf32>,
      tpu.vector_store %arg8[%swap3A_367, %swap3A_368, %swap3A_369], %gather3A_321 {strides = array<i32>} : memref<8x8x129xf32, #tpu.memory_space<vmem>>, vector<16xf32>,
      %mul3A_371 = arith.constant 16 : i32
      %mul3A_372 = arith.muli %scan3A_129, %mul3A_371 : i32
      %swap3A_373 = arith.constant 2 : i32
      %swap3A_374 = arith.constant 5 : i32
      %swap3A_375 = arith.index_cast %swap3A_373 : i32 to index
      %swap3A_376 = arith.index_cast %swap3A_374 : i32 to index
      %swap3A_377 = arith.index_cast %mul3A_372 : i32 to index
      %swap3A_378 = tpu.vector_load %arg8[%swap3A_375, %swap3A_376, %swap3A_377] {strides = array<i32>} : memref<8x8x129xf32, #tpu.memory_space<vmem>>, vector<16xf32>,
      tpu.vector_store %arg8[%swap3A_375, %swap3A_376, %swap3A_377], %gather3A_324 {strides = array<i32>} : memref<8x8x129xf32, #tpu.memory_space<vmem>>, vector<16xf32>,
      %mul3A_379 = arith.constant 16 : i32
      %mul3A_380 = arith.muli %scan3A_129, %mul3A_379 : i32
      %swap3A_381 = arith.constant 2 : i32
      %swap3A_382 = arith.constant 6 : i32
      %swap3A_383 = arith.index_cast %swap3A_381 : i32 to index
      %swap3A_384 = arith.index_cast %swap3A_382 : i32 to index
      %swap3A_385 = arith.index_cast %mul3A_380 : i32 to index
      %swap3A_386 = tpu.vector_load %arg8[%swap3A_383, %swap3A_384, %swap3A_385] {strides = array<i32>} : memref<8x8x129xf32, #tpu.memory_space<vmem>>, vector<16xf32>,
      tpu.vector_store %arg8[%swap3A_383, %swap3A_384, %swap3A_385], %gather3A_327 {strides = array<i32>} : memref<8x8x129xf32, #tpu.memory_space<vmem>>, vector<16xf32>,
      %mul3A_387 = arith.constant 16 : i32
      %mul3A_388 = arith.muli %scan3A_129, %mul3A_387 : i32
      %swap3A_389 = arith.constant 2 : i32
      %swap3A_390 = arith.constant 7 : i32
      %swap3A_391 = arith.index_cast %swap3A_389 : i32 to index
      %swap3A_392 = arith.index_cast %swap3A_390 : i32 to index
      %swap3A_393 = arith.index_cast %mul3A_388 : i32 to index
      %swap3A_394 = tpu.vector_load %arg8[%swap3A_391, %swap3A_392, %swap3A_393] {strides = array<i32>} : memref<8x8x129xf32, #tpu.memory_space<vmem>>, vector<16xf32>,
      tpu.vector_store %arg8[%swap3A_391, %swap3A_392, %swap3A_393], %gather3A_330 {strides = array<i32>} : memref<8x8x129xf32, #tpu.memory_space<vmem>>, vector<16xf32>,
      %broadcast_in_dim3A_395 = arith.constant 24 : i32
      %broadcast_in_dim3A_396 = vector.broadcast %broadcast_in_dim3A_395 : i32 to vector<16xi32>
      %gather3A_397 = tpu.vector_load_idx %arg6[%add3A_133, %broadcast_in_dim3A_396] : memref<128x128xf32, #tpu.memory_space<vmem>>[vector<16xi32>, vector<16xi32>], vector<16xf32>,
      %broadcast_in_dim3A_398 = arith.constant 25 : i32
      %broadcast_in_dim3A_399 = vector.broadcast %broadcast_in_dim3A_398 : i32 to vector<16xi32>
      %gather3A_400 = tpu.vector_load_idx %arg6[%add3A_133, %broadcast_in_dim3A_399] : memref<128x128xf32, #tpu.memory_space<vmem>>[vector<16xi32>, vector<16xi32>], vector<16xf32>,
      %broadcast_in_dim3A_401 = arith.constant 26 : i32
      %broadcast_in_dim3A_402 = vector.broadcast %broadcast_in_dim3A_401 : i32 to vector<16xi32>
      %gather3A_403 = tpu.vector_load_idx %arg6[%add3A_133, %broadcast_in_dim3A_402] : memref<128x128xf32, #tpu.memory_space<vmem>>[vector<16xi32>, vector<16xi32>], vector<16xf32>,
      %broadcast_in_dim3A_404 = arith.constant 27 : i32
      %broadcast_in_dim3A_405 = vector.broadcast %broadcast_in_dim3A_404 : i32 to vector<16xi32>
      %gather3A_406 = tpu.vector_load_idx %arg6[%add3A_133, %broadcast_in_dim3A_405] : memref<128x128xf32, #tpu.memory_space<vmem>>[vector<16xi32>, vector<16xi32>], vector<16xf32>,
      %broadcast_in_dim3A_407 = arith.constant 28 : i32
      %broadcast_in_dim3A_408 = vector.broadcast %broadcast_in_dim3A_407 : i32 to vector<16xi32>
      %gather3A_409 = tpu.vector_load_idx %arg6[%add3A_133, %broadcast_in_dim3A_408] : memref<128x128xf32, #tpu.memory_space<vmem>>[vector<16xi32>, vector<16xi32>], vector<16xf32>,
      %broadcast_in_dim3A_410 = arith.constant 29 : i32
      %broadcast_in_dim3A_411 = vector.broadcast %broadcast_in_dim3A_410 : i32 to vector<16xi32>
      %gather3A_412 = tpu.vector_load_idx %arg6[%add3A_133, %broadcast_in_dim3A_411] : memref<128x128xf32, #tpu.memory_space<vmem>>[vector<16xi32>, vector<16xi32>], vector<16xf32>,
      %broadcast_in_dim3A_413 = arith.constant 30 : i32
      %broadcast_in_dim3A_414 = vector.broadcast %broadcast_in_dim3A_413 : i32 to vector<16xi32>
      %gather3A_415 = tpu.vector_load_idx %arg6[%add3A_133, %broadcast_in_dim3A_414] : memref<128x128xf32, #tpu.memory_space<vmem>>[vector<16xi32>, vector<16xi32>], vector<16xf32>,
      %broadcast_in_dim3A_416 = arith.constant 31 : i32
      %broadcast_in_dim3A_417 = vector.broadcast %broadcast_in_dim3A_416 : i32 to vector<16xi32>
      %gather3A_418 = tpu.vector_load_idx %arg6[%add3A_133, %broadcast_in_dim3A_417] : memref<128x128xf32, #tpu.memory_space<vmem>>[vector<16xi32>, vector<16xi32>], vector<16xf32>,
      %mul3A_419 = arith.constant 16 : i32
      %mul3A_420 = arith.muli %scan3A_129, %mul3A_419 : i32
      %swap3A_421 = arith.constant 3 : i32
      %swap3A_422 = arith.constant 0 : i32
      %swap3A_423 = arith.index_cast %swap3A_421 : i32 to index
      %swap3A_424 = arith.index_cast %swap3A_422 : i32 to index
      %swap3A_425 = arith.index_cast %mul3A_420 : i32 to index
      %swap3A_426 = tpu.vector_load %arg8[%swap3A_423, %swap3A_424, %swap3A_425] {strides = array<i32>} : memref<8x8x129xf32, #tpu.memory_space<vmem>>, vector<16xf32>,
      tpu.vector_store %arg8[%swap3A_423, %swap3A_424, %swap3A_425], %gather3A_397 {strides = array<i32>} : memref<8x8x129xf32, #tpu.memory_space<vmem>>, vector<16xf32>,
      %mul3A_427 = arith.constant 16 : i32
      %mul3A_428 = arith.muli %scan3A_129, %mul3A_427 : i32
      %swap3A_429 = arith.constant 3 : i32
      %swap3A_430 = arith.constant 1 : i32
      %swap3A_431 = arith.index_cast %swap3A_429 : i32 to index
      %swap3A_432 = arith.index_cast %swap3A_430 : i32 to index
      %swap3A_433 = arith.index_cast %mul3A_428 : i32 to index
      %swap3A_434 = tpu.vector_load %arg8[%swap3A_431, %swap3A_432, %swap3A_433] {strides = array<i32>} : memref<8x8x129xf32, #tpu.memory_space<vmem>>, vector<16xf32>,
      tpu.vector_store %arg8[%swap3A_431, %swap3A_432, %swap3A_433], %gather3A_400 {strides = array<i32>} : memref<8x8x129xf32, #tpu.memory_space<vmem>>, vector<16xf32>,
      %mul3A_435 = arith.constant 16 : i32
      %mul3A_436 = arith.muli %scan3A_129, %mul3A_435 : i32
      %swap3A_437 = arith.constant 3 : i32
      %swap3A_438 = arith.constant 2 : i32
      %swap3A_439 = arith.index_cast %swap3A_437 : i32 to index
      %swap3A_440 = arith.index_cast %swap3A_438 : i32 to index
      %swap3A_441 = arith.index_cast %mul3A_436 : i32 to index
      %swap3A_442 = tpu.vector_load %arg8[%swap3A_439, %swap3A_440, %swap3A_441] {strides = array<i32>} : memref<8x8x129xf32, #tpu.memory_space<vmem>>, vector<16xf32>,
      tpu.vector_store %arg8[%swap3A_439, %swap3A_440, %swap3A_441], %gather3A_403 {strides = array<i32>} : memref<8x8x129xf32, #tpu.memory_space<vmem>>, vector<16xf32>,
      %mul3A_443 = arith.constant 16 : i32
      %mul3A_444 = arith.muli %scan3A_129, %mul3A_443 : i32
      %swap3A_445 = arith.constant 3 : i32
      %swap3A_446 = arith.constant 3 : i32
      %swap3A_447 = arith.index_cast %swap3A_445 : i32 to index
      %swap3A_448 = arith.index_cast %swap3A_446 : i32 to index
      %swap3A_449 = arith.index_cast %mul3A_444 : i32 to index
      %swap3A_450 = tpu.vector_load %arg8[%swap3A_447, %swap3A_448, %swap3A_449] {strides = array<i32>} : memref<8x8x129xf32, #tpu.memory_space<vmem>>, vector<16xf32>,
      tpu.vector_store %arg8[%swap3A_447, %swap3A_448, %swap3A_449], %gather3A_406 {strides = array<i32>} : memref<8x8x129xf32, #tpu.memory_space<vmem>>, vector<16xf32>,
      %mul3A_451 = arith.constant 16 : i32
      %mul3A_452 = arith.muli %scan3A_129, %mul3A_451 : i32
      %swap3A_453 = arith.constant 3 : i32
      %swap3A_454 = arith.constant 4 : i32
      %swap3A_455 = arith.index_cast %swap3A_453 : i32 to index
      %swap3A_456 = arith.index_cast %swap3A_454 : i32 to index
      %swap3A_457 = arith.index_cast %mul3A_452 : i32 to index
      %swap3A_458 = tpu.vector_load %arg8[%swap3A_455, %swap3A_456, %swap3A_457] {strides = array<i32>} : memref<8x8x129xf32, #tpu.memory_space<vmem>>, vector<16xf32>,
      tpu.vector_store %arg8[%swap3A_455, %swap3A_456, %swap3A_457], %gather3A_409 {strides = array<i32>} : memref<8x8x129xf32, #tpu.memory_space<vmem>>, vector<16xf32>,
      %mul3A_459 = arith.constant 16 : i32
      %mul3A_460 = arith.muli %scan3A_129, %mul3A_459 : i32
      %swap3A_461 = arith.constant 3 : i32
      %swap3A_462 = arith.constant 5 : i32
      %swap3A_463 = arith.index_cast %swap3A_461 : i32 to index
      %swap3A_464 = arith.index_cast %swap3A_462 : i32 to index
      %swap3A_465 = arith.index_cast %mul3A_460 : i32 to index
      %swap3A_466 = tpu.vector_load %arg8[%swap3A_463, %swap3A_464, %swap3A_465] {strides = array<i32>} : memref<8x8x129xf32, #tpu.memory_space<vmem>>, vector<16xf32>,
      tpu.vector_store %arg8[%swap3A_463, %swap3A_464, %swap3A_465], %gather3A_412 {strides = array<i32>} : memref<8x8x129xf32, #tpu.memory_space<vmem>>, vector<16xf32>,
      %mul3A_467 = arith.constant 16 : i32
      %mul3A_468 = arith.muli %scan3A_129, %mul3A_467 : i32
      %swap3A_469 = arith.constant 3 : i32
      %swap3A_470 = arith.constant 6 : i32
      %swap3A_471 = arith.index_cast %swap3A_469 : i32 to index
      %swap3A_472 = arith.index_cast %swap3A_470 : i32 to index
      %swap3A_473 = arith.index_cast %mul3A_468 : i32 to index
      %swap3A_474 = tpu.vector_load %arg8[%swap3A_471, %swap3A_472, %swap3A_473] {strides = array<i32>} : memref<8x8x129xf32, #tpu.memory_space<vmem>>, vector<16xf32>,
      tpu.vector_store %arg8[%swap3A_471, %swap3A_472, %swap3A_473], %gather3A_415 {strides = array<i32>} : memref<8x8x129xf32, #tpu.memory_space<vmem>>, vector<16xf32>,
      %mul3A_475 = arith.constant 16 : i32
      %mul3A_476 = arith.muli %scan3A_129, %mul3A_475 : i32
      %swap3A_477 = arith.constant 3 : i32
      %swap3A_478 = arith.constant 7 : i32
      %swap3A_479 = arith.index_cast %swap3A_477 : i32 to index
      %swap3A_480 = arith.index_cast %swap3A_478 : i32 to index
      %swap3A_481 = arith.index_cast %mul3A_476 : i32 to index
      %swap3A_482 = tpu.vector_load %arg8[%swap3A_479, %swap3A_480, %swap3A_481] {strides = array<i32>} : memref<8x8x129xf32, #tpu.memory_space<vmem>>, vector<16xf32>,
      tpu.vector_store %arg8[%swap3A_479, %swap3A_480, %swap3A_481], %gather3A_418 {strides = array<i32>} : memref<8x8x129xf32, #tpu.memory_space<vmem>>, vector<16xf32>,
      %broadcast_in_dim3A_483 = arith.constant 32 : i32
      %broadcast_in_dim3A_484 = vector.broadcast %broadcast_in_dim3A_483 : i32 to vector<16xi32>
      %gather3A_485 = tpu.vector_load_idx %arg6[%add3A_133, %broadcast_in_dim3A_484] : memref<128x128xf32, #tpu.memory_space<vmem>>[vector<16xi32>, vector<16xi32>], vector<16xf32>,
      %broadcast_in_dim3A_486 = arith.constant 33 : i32
      %broadcast_in_dim3A_487 = vector.broadcast %broadcast_in_dim3A_486 : i32 to vector<16xi32>
      %gather3A_488 = tpu.vector_load_idx %arg6[%add3A_133, %broadcast_in_dim3A_487] : memref<128x128xf32, #tpu.memory_space<vmem>>[vector<16xi32>, vector<16xi32>], vector<16xf32>,
      %broadcast_in_dim3A_489 = arith.constant 34 : i32
      %broadcast_in_dim3A_490 = vector.broadcast %broadcast_in_dim3A_489 : i32 to vector<16xi32>
      %gather3A_491 = tpu.vector_load_idx %arg6[%add3A_133, %broadcast_in_dim3A_490] : memref<128x128xf32, #tpu.memory_space<vmem>>[vector<16xi32>, vector<16xi32>], vector<16xf32>,
      %broadcast_in_dim3A_492 = arith.constant 35 : i32
      %broadcast_in_dim3A_493 = vector.broadcast %broadcast_in_dim3A_492 : i32 to vector<16xi32>
      %gather3A_494 = tpu.vector_load_idx %arg6[%add3A_133, %broadcast_in_dim3A_493] : memref<128x128xf32, #tpu.memory_space<vmem>>[vector<16xi32>, vector<16xi32>], vector<16xf32>,
      %broadcast_in_dim3A_495 = arith.constant 36 : i32
      %broadcast_in_dim3A_496 = vector.broadcast %broadcast_in_dim3A_495 : i32 to vector<16xi32>
      %gather3A_497 = tpu.vector_load_idx %arg6[%add3A_133, %broadcast_in_dim3A_496] : memref<128x128xf32, #tpu.memory_space<vmem>>[vector<16xi32>, vector<16xi32>], vector<16xf32>,
      %broadcast_in_dim3A_498 = arith.constant 37 : i32
      %broadcast_in_dim3A_499 = vector.broadcast %broadcast_in_dim3A_498 : i32 to vector<16xi32>
      %gather3A_500 = tpu.vector_load_idx %arg6[%add3A_133, %broadcast_in_dim3A_499] : memref<128x128xf32, #tpu.memory_space<vmem>>[vector<16xi32>, vector<16xi32>], vector<16xf32>,
      %broadcast_in_dim3A_501 = arith.constant 38 : i32
      %broadcast_in_dim3A_502 = vector.broadcast %broadcast_in_dim3A_501 : i32 to vector<16xi32>
      %gather3A_503 = tpu.vector_load_idx %arg6[%add3A_133, %broadcast_in_dim3A_502] : memref<128x128xf32, #tpu.memory_space<vmem>>[vector<16xi32>, vector<16xi32>], vector<16xf32>,
      %broadcast_in_dim3A_504 = arith.constant 39 : i32
      %broadcast_in_dim3A_505 = vector.broadcast %broadcast_in_dim3A_504 : i32 to vector<16xi32>
      %gather3A_506 = tpu.vector_load_idx %arg6[%add3A_133, %broadcast_in_dim3A_505] : memref<128x128xf32, #tpu.memory_space<vmem>>[vector<16xi32>, vector<16xi32>], vector<16xf32>,
      %mul3A_507 = arith.constant 16 : i32
      %mul3A_508 = arith.muli %scan3A_129, %mul3A_507 : i32
      %swap3A_509 = arith.constant 4 : i32
      %swap3A_510 = arith.constant 0 : i32
      %swap3A_511 = arith.index_cast %swap3A_509 : i32 to index
      %swap3A_512 = arith.index_cast %swap3A_510 : i32 to index
      %swap3A_513 = arith.index_cast %mul3A_508 : i32 to index
      %swap3A_514 = tpu.vector_load %arg8[%swap3A_511, %swap3A_512, %swap3A_513] {strides = array<i32>} : memref<8x8x129xf32, #tpu.memory_space<vmem>>, vector<16xf32>,
      tpu.vector_store %arg8[%swap3A_511, %swap3A_512, %swap3A_513], %gather3A_485 {strides = array<i32>} : memref<8x8x129xf32, #tpu.memory_space<vmem>>, vector<16xf32>,
      %mul3A_515 = arith.constant 16 : i32
      %mul3A_516 = arith.muli %scan3A_129, %mul3A_515 : i32
      %swap3A_517 = arith.constant 4 : i32
      %swap3A_518 = arith.constant 1 : i32
      %swap3A_519 = arith.index_cast %swap3A_517 : i32 to index
      %swap3A_520 = arith.index_cast %swap3A_518 : i32 to index
      %swap3A_521 = arith.index_cast %mul3A_516 : i32 to index
      %swap3A_522 = tpu.vector_load %arg8[%swap3A_519, %swap3A_520, %swap3A_521] {strides = array<i32>} : memref<8x8x129xf32, #tpu.memory_space<vmem>>, vector<16xf32>,
      tpu.vector_store %arg8[%swap3A_519, %swap3A_520, %swap3A_521], %gather3A_488 {strides = array<i32>} : memref<8x8x129xf32, #tpu.memory_space<vmem>>, vector<16xf32>,
      %mul3A_523 = arith.constant 16 : i32
      %mul3A_524 = arith.muli %scan3A_129, %mul3A_523 : i32
      %swap3A_525 = arith.constant 4 : i32
      %swap3A_526 = arith.constant 2 : i32
      %swap3A_527 = arith.index_cast %swap3A_525 : i32 to index
      %swap3A_528 = arith.index_cast %swap3A_526 : i32 to index
      %swap3A_529 = arith.index_cast %mul3A_524 : i32 to index
      %swap3A_530 = tpu.vector_load %arg8[%swap3A_527, %swap3A_528, %swap3A_529] {strides = array<i32>} : memref<8x8x129xf32, #tpu.memory_space<vmem>>, vector<16xf32>,
      tpu.vector_store %arg8[%swap3A_527, %swap3A_528, %swap3A_529], %gather3A_491 {strides = array<i32>} : memref<8x8x129xf32, #tpu.memory_space<vmem>>, vector<16xf32>,
      %mul3A_531 = arith.constant 16 : i32
      %mul3A_532 = arith.muli %scan3A_129, %mul3A_531 : i32
      %swap3A_533 = arith.constant 4 : i32
      %swap3A_534 = arith.constant 3 : i32
      %swap3A_535 = arith.index_cast %swap3A_533 : i32 to index
      %swap3A_536 = arith.index_cast %swap3A_534 : i32 to index
      %swap3A_537 = arith.index_cast %mul3A_532 : i32 to index
      %swap3A_538 = tpu.vector_load %arg8[%swap3A_535, %swap3A_536, %swap3A_537] {strides = array<i32>} : memref<8x8x129xf32, #tpu.memory_space<vmem>>, vector<16xf32>,
      tpu.vector_store %arg8[%swap3A_535, %swap3A_536, %swap3A_537], %gather3A_494 {strides = array<i32>} : memref<8x8x129xf32, #tpu.memory_space<vmem>>, vector<16xf32>,
      %mul3A_539 = arith.constant 16 : i32
      %mul3A_540 = arith.muli %scan3A_129, %mul3A_539 : i32
      %swap3A_541 = arith.constant 4 : i32
      %swap3A_542 = arith.constant 4 : i32
      %swap3A_543 = arith.index_cast %swap3A_541 : i32 to index
      %swap3A_544 = arith.index_cast %swap3A_542 : i32 to index
      %swap3A_545 = arith.index_cast %mul3A_540 : i32 to index
      %swap3A_546 = tpu.vector_load %arg8[%swap3A_543, %swap3A_544, %swap3A_545] {strides = array<i32>} : memref<8x8x129xf32, #tpu.memory_space<vmem>>, vector<16xf32>,
      tpu.vector_store %arg8[%swap3A_543, %swap3A_544, %swap3A_545], %gather3A_497 {strides = array<i32>} : memref<8x8x129xf32, #tpu.memory_space<vmem>>, vector<16xf32>,
      %mul3A_547 = arith.constant 16 : i32
      %mul3A_548 = arith.muli %scan3A_129, %mul3A_547 : i32
      %swap3A_549 = arith.constant 4 : i32
      %swap3A_550 = arith.constant 5 : i32
      %swap3A_551 = arith.index_cast %swap3A_549 : i32 to index
      %swap3A_552 = arith.index_cast %swap3A_550 : i32 to index
      %swap3A_553 = arith.index_cast %mul3A_548 : i32 to index
      %swap3A_554 = tpu.vector_load %arg8[%swap3A_551, %swap3A_552, %swap3A_553] {strides = array<i32>} : memref<8x8x129xf32, #tpu.memory_space<vmem>>, vector<16xf32>,
      tpu.vector_store %arg8[%swap3A_551, %swap3A_552, %swap3A_553], %gather3A_500 {strides = array<i32>} : memref<8x8x129xf32, #tpu.memory_space<vmem>>, vector<16xf32>,
      %mul3A_555 = arith.constant 16 : i32
      %mul3A_556 = arith.muli %scan3A_129, %mul3A_555 : i32
      %swap3A_557 = arith.constant 4 : i32
      %swap3A_558 = arith.constant 6 : i32
      %swap3A_559 = arith.index_cast %swap3A_557 : i32 to index
      %swap3A_560 = arith.index_cast %swap3A_558 : i32 to index
      %swap3A_561 = arith.index_cast %mul3A_556 : i32 to index
      %swap3A_562 = tpu.vector_load %arg8[%swap3A_559, %swap3A_560, %swap3A_561] {strides = array<i32>} : memref<8x8x129xf32, #tpu.memory_space<vmem>>, vector<16xf32>,
      tpu.vector_store %arg8[%swap3A_559, %swap3A_560, %swap3A_561], %gather3A_503 {strides = array<i32>} : memref<8x8x129xf32, #tpu.memory_space<vmem>>, vector<16xf32>,
      %mul3A_563 = arith.constant 16 : i32
      %mul3A_564 = arith.muli %scan3A_129, %mul3A_563 : i32
      %swap3A_565 = arith.constant 4 : i32
      %swap3A_566 = arith.constant 7 : i32
      %swap3A_567 = arith.index_cast %swap3A_565 : i32 to index
      %swap3A_568 = arith.index_cast %swap3A_566 : i32 to index
      %swap3A_569 = arith.index_cast %mul3A_564 : i32 to index
      %swap3A_570 = tpu.vector_load %arg8[%swap3A_567, %swap3A_568, %swap3A_569] {strides = array<i32>} : memref<8x8x129xf32, #tpu.memory_space<vmem>>, vector<16xf32>,
      tpu.vector_store %arg8[%swap3A_567, %swap3A_568, %swap3A_569], %gather3A_506 {strides = array<i32>} : memref<8x8x129xf32, #tpu.memory_space<vmem>>, vector<16xf32>,
      %broadcast_in_dim3A_571 = arith.constant 40 : i32
      %broadcast_in_dim3A_572 = vector.broadcast %broadcast_in_dim3A_571 : i32 to vector<16xi32>
      %gather3A_573 = tpu.vector_load_idx %arg6[%add3A_133, %broadcast_in_dim3A_572] : memref<128x128xf32, #tpu.memory_space<vmem>>[vector<16xi32>, vector<16xi32>], vector<16xf32>,
      %broadcast_in_dim3A_574 = arith.constant 41 : i32
      %broadcast_in_dim3A_575 = vector.broadcast %broadcast_in_dim3A_574 : i32 to vector<16xi32>
      %gather3A_576 = tpu.vector_load_idx %arg6[%add3A_133, %broadcast_in_dim3A_575] : memref<128x128xf32, #tpu.memory_space<vmem>>[vector<16xi32>, vector<16xi32>], vector<16xf32>,
      %broadcast_in_dim3A_577 = arith.constant 42 : i32
      %broadcast_in_dim3A_578 = vector.broadcast %broadcast_in_dim3A_577 : i32 to vector<16xi32>
      %gather3A_579 = tpu.vector_load_idx %arg6[%add3A_133, %broadcast_in_dim3A_578] : memref<128x128xf32, #tpu.memory_space<vmem>>[vector<16xi32>, vector<16xi32>], vector<16xf32>,
      %broadcast_in_dim3A_580 = arith.constant 43 : i32
      %broadcast_in_dim3A_581 = vector.broadcast %broadcast_in_dim3A_580 : i32 to vector<16xi32>
      %gather3A_582 = tpu.vector_load_idx %arg6[%add3A_133, %broadcast_in_dim3A_581] : memref<128x128xf32, #tpu.memory_space<vmem>>[vector<16xi32>, vector<16xi32>], vector<16xf32>,
      %broadcast_in_dim3A_583 = arith.constant 44 : i32
      %broadcast_in_dim3A_584 = vector.broadcast %broadcast_in_dim3A_583 : i32 to vector<16xi32>
      %gather3A_585 = tpu.vector_load_idx %arg6[%add3A_133, %broadcast_in_dim3A_584] : memref<128x128xf32, #tpu.memory_space<vmem>>[vector<16xi32>, vector<16xi32>], vector<16xf32>,
      %broadcast_in_dim3A_586 = arith.constant 45 : i32
      %broadcast_in_dim3A_587 = vector.broadcast %broadcast_in_dim3A_586 : i32 to vector<16xi32>
      %gather3A_588 = tpu.vector_load_idx %arg6[%add3A_133, %broadcast_in_dim3A_587] : memref<128x128xf32, #tpu.memory_space<vmem>>[vector<16xi32>, vector<16xi32>], vector<16xf32>,
      %broadcast_in_dim3A_589 = arith.constant 46 : i32
      %broadcast_in_dim3A_590 = vector.broadcast %broadcast_in_dim3A_589 : i32 to vector<16xi32>
      %gather3A_591 = tpu.vector_load_idx %arg6[%add3A_133, %broadcast_in_dim3A_590] : memref<128x128xf32, #tpu.memory_space<vmem>>[vector<16xi32>, vector<16xi32>], vector<16xf32>,
      %broadcast_in_dim3A_592 = arith.constant 47 : i32
      %broadcast_in_dim3A_593 = vector.broadcast %broadcast_in_dim3A_592 : i32 to vector<16xi32>
      %gather3A_594 = tpu.vector_load_idx %arg6[%add3A_133, %broadcast_in_dim3A_593] : memref<128x128xf32, #tpu.memory_space<vmem>>[vector<16xi32>, vector<16xi32>], vector<16xf32>,
      %mul3A_595 = arith.constant 16 : i32
      %mul3A_596 = arith.muli %scan3A_129, %mul3A_595 : i32
      %swap3A_597 = arith.constant 5 : i32
      %swap3A_598 = arith.constant 0 : i32
      %swap3A_599 = arith.index_cast %swap3A_597 : i32 to index
      %swap3A_600 = arith.index_cast %swap3A_598 : i32 to index
      %swap3A_601 = arith.index_cast %mul3A_596 : i32 to index
      %swap3A_602 = tpu.vector_load %arg8[%swap3A_599, %swap3A_600, %swap3A_601] {strides = array<i32>} : memref<8x8x129xf32, #tpu.memory_space<vmem>>, vector<16xf32>,
      tpu.vector_store %arg8[%swap3A_599, %swap3A_600, %swap3A_601], %gather3A_573 {strides = array<i32>} : memref<8x8x129xf32, #tpu.memory_space<vmem>>, vector<16xf32>,
      %mul3A_603 = arith.constant 16 : i32
      %mul3A_604 = arith.muli %scan3A_129, %mul3A_603 : i32
      %swap3A_605 = arith.constant 5 : i32
      %swap3A_606 = arith.constant 1 : i32
      %swap3A_607 = arith.index_cast %swap3A_605 : i32 to index
      %swap3A_608 = arith.index_cast %swap3A_606 : i32 to index
      %swap3A_609 = arith.index_cast %mul3A_604 : i32 to index
      %swap3A_610 = tpu.vector_load %arg8[%swap3A_607, %swap3A_608, %swap3A_609] {strides = array<i32>} : memref<8x8x129xf32, #tpu.memory_space<vmem>>, vector<16xf32>,
      tpu.vector_store %arg8[%swap3A_607, %swap3A_608, %swap3A_609], %gather3A_576 {strides = array<i32>} : memref<8x8x129xf32, #tpu.memory_space<vmem>>, vector<16xf32>,
      %mul3A_611 = arith.constant 16 : i32
      %mul3A_612 = arith.muli %scan3A_129, %mul3A_611 : i32
      %swap3A_613 = arith.constant 5 : i32
      %swap3A_614 = arith.constant 2 : i32
      %swap3A_615 = arith.index_cast %swap3A_613 : i32 to index
      %swap3A_616 = arith.index_cast %swap3A_614 : i32 to index
      %swap3A_617 = arith.index_cast %mul3A_612 : i32 to index
      %swap3A_618 = tpu.vector_load %arg8[%swap3A_615, %swap3A_616, %swap3A_617] {strides = array<i32>} : memref<8x8x129xf32, #tpu.memory_space<vmem>>, vector<16xf32>,
      tpu.vector_store %arg8[%swap3A_615, %swap3A_616, %swap3A_617], %gather3A_579 {strides = array<i32>} : memref<8x8x129xf32, #tpu.memory_space<vmem>>, vector<16xf32>,
      %mul3A_619 = arith.constant 16 : i32
      %mul3A_620 = arith.muli %scan3A_129, %mul3A_619 : i32
      %swap3A_621 = arith.constant 5 : i32
      %swap3A_622 = arith.constant 3 : i32
      %swap3A_623 = arith.index_cast %swap3A_621 : i32 to index
      %swap3A_624 = arith.index_cast %swap3A_622 : i32 to index
      %swap3A_625 = arith.index_cast %mul3A_620 : i32 to index
      %swap3A_626 = tpu.vector_load %arg8[%swap3A_623, %swap3A_624, %swap3A_625] {strides = array<i32>} : memref<8x8x129xf32, #tpu.memory_space<vmem>>, vector<16xf32>,
      tpu.vector_store %arg8[%swap3A_623, %swap3A_624, %swap3A_625], %gather3A_582 {strides = array<i32>} : memref<8x8x129xf32, #tpu.memory_space<vmem>>, vector<16xf32>,
      %mul3A_627 = arith.constant 16 : i32
      %mul3A_628 = arith.muli %scan3A_129, %mul3A_627 : i32
      %swap3A_629 = arith.constant 5 : i32
      %swap3A_630 = arith.constant 4 : i32
      %swap3A_631 = arith.index_cast %swap3A_629 : i32 to index
      %swap3A_632 = arith.index_cast %swap3A_630 : i32 to index
      %swap3A_633 = arith.index_cast %mul3A_628 : i32 to index
      %swap3A_634 = tpu.vector_load %arg8[%swap3A_631, %swap3A_632, %swap3A_633] {strides = array<i32>} : memref<8x8x129xf32, #tpu.memory_space<vmem>>, vector<16xf32>,
      tpu.vector_store %arg8[%swap3A_631, %swap3A_632, %swap3A_633], %gather3A_585 {strides = array<i32>} : memref<8x8x129xf32, #tpu.memory_space<vmem>>, vector<16xf32>,
      %mul3A_635 = arith.constant 16 : i32
      %mul3A_636 = arith.muli %scan3A_129, %mul3A_635 : i32
      %swap3A_637 = arith.constant 5 : i32
      %swap3A_638 = arith.constant 5 : i32
      %swap3A_639 = arith.index_cast %swap3A_637 : i32 to index
      %swap3A_640 = arith.index_cast %swap3A_638 : i32 to index
      %swap3A_641 = arith.index_cast %mul3A_636 : i32 to index
      %swap3A_642 = tpu.vector_load %arg8[%swap3A_639, %swap3A_640, %swap3A_641] {strides = array<i32>} : memref<8x8x129xf32, #tpu.memory_space<vmem>>, vector<16xf32>,
      tpu.vector_store %arg8[%swap3A_639, %swap3A_640, %swap3A_641], %gather3A_588 {strides = array<i32>} : memref<8x8x129xf32, #tpu.memory_space<vmem>>, vector<16xf32>,
      %mul3A_643 = arith.constant 16 : i32
      %mul3A_644 = arith.muli %scan3A_129, %mul3A_643 : i32
      %swap3A_645 = arith.constant 5 : i32
      %swap3A_646 = arith.constant 6 : i32
      %swap3A_647 = arith.index_cast %swap3A_645 : i32 to index
      %swap3A_648 = arith.index_cast %swap3A_646 : i32 to index
      %swap3A_649 = arith.index_cast %mul3A_644 : i32 to index
      %swap3A_650 = tpu.vector_load %arg8[%swap3A_647, %swap3A_648, %swap3A_649] {strides = array<i32>} : memref<8x8x129xf32, #tpu.memory_space<vmem>>, vector<16xf32>,
      tpu.vector_store %arg8[%swap3A_647, %swap3A_648, %swap3A_649], %gather3A_591 {strides = array<i32>} : memref<8x8x129xf32, #tpu.memory_space<vmem>>, vector<16xf32>,
      %mul3A_651 = arith.constant 16 : i32
      %mul3A_652 = arith.muli %scan3A_129, %mul3A_651 : i32
      %swap3A_653 = arith.constant 5 : i32
      %swap3A_654 = arith.constant 7 : i32
      %swap3A_655 = arith.index_cast %swap3A_653 : i32 to index
      %swap3A_656 = arith.index_cast %swap3A_654 : i32 to index
      %swap3A_657 = arith.index_cast %mul3A_652 : i32 to index
      %swap3A_658 = tpu.vector_load %arg8[%swap3A_655, %swap3A_656, %swap3A_657] {strides = array<i32>} : memref<8x8x129xf32, #tpu.memory_space<vmem>>, vector<16xf32>,
      tpu.vector_store %arg8[%swap3A_655, %swap3A_656, %swap3A_657], %gather3A_594 {strides = array<i32>} : memref<8x8x129xf32, #tpu.memory_space<vmem>>, vector<16xf32>,
      %broadcast_in_dim3A_659 = arith.constant 48 : i32
      %broadcast_in_dim3A_660 = vector.broadcast %broadcast_in_dim3A_659 : i32 to vector<16xi32>
      %gather3A_661 = tpu.vector_load_idx %arg6[%add3A_133, %broadcast_in_dim3A_660] : memref<128x128xf32, #tpu.memory_space<vmem>>[vector<16xi32>, vector<16xi32>], vector<16xf32>,
      %broadcast_in_dim3A_662 = arith.constant 49 : i32
      %broadcast_in_dim3A_663 = vector.broadcast %broadcast_in_dim3A_662 : i32 to vector<16xi32>
      %gather3A_664 = tpu.vector_load_idx %arg6[%add3A_133, %broadcast_in_dim3A_663] : memref<128x128xf32, #tpu.memory_space<vmem>>[vector<16xi32>, vector<16xi32>], vector<16xf32>,
      %broadcast_in_dim3A_665 = arith.constant 50 : i32
      %broadcast_in_dim3A_666 = vector.broadcast %broadcast_in_dim3A_665 : i32 to vector<16xi32>
      %gather3A_667 = tpu.vector_load_idx %arg6[%add3A_133, %broadcast_in_dim3A_666] : memref<128x128xf32, #tpu.memory_space<vmem>>[vector<16xi32>, vector<16xi32>], vector<16xf32>,
      %broadcast_in_dim3A_668 = arith.constant 51 : i32
      %broadcast_in_dim3A_669 = vector.broadcast %broadcast_in_dim3A_668 : i32 to vector<16xi32>
      %gather3A_670 = tpu.vector_load_idx %arg6[%add3A_133, %broadcast_in_dim3A_669] : memref<128x128xf32, #tpu.memory_space<vmem>>[vector<16xi32>, vector<16xi32>], vector<16xf32>,
      %broadcast_in_dim3A_671 = arith.constant 52 : i32
      %broadcast_in_dim3A_672 = vector.broadcast %broadcast_in_dim3A_671 : i32 to vector<16xi32>
      %gather3A_673 = tpu.vector_load_idx %arg6[%add3A_133, %broadcast_in_dim3A_672] : memref<128x128xf32, #tpu.memory_space<vmem>>[vector<16xi32>, vector<16xi32>], vector<16xf32>,
      %broadcast_in_dim3A_674 = arith.constant 53 : i32
      %broadcast_in_dim3A_675 = vector.broadcast %broadcast_in_dim3A_674 : i32 to vector<16xi32>
      %gather3A_676 = tpu.vector_load_idx %arg6[%add3A_133, %broadcast_in_dim3A_675] : memref<128x128xf32, #tpu.memory_space<vmem>>[vector<16xi32>, vector<16xi32>], vector<16xf32>,
      %broadcast_in_dim3A_677 = arith.constant 54 : i32
      %broadcast_in_dim3A_678 = vector.broadcast %broadcast_in_dim3A_677 : i32 to vector<16xi32>
      %gather3A_679 = tpu.vector_load_idx %arg6[%add3A_133, %broadcast_in_dim3A_678] : memref<128x128xf32, #tpu.memory_space<vmem>>[vector<16xi32>, vector<16xi32>], vector<16xf32>,
      %broadcast_in_dim3A_680 = arith.constant 55 : i32
      %broadcast_in_dim3A_681 = vector.broadcast %broadcast_in_dim3A_680 : i32 to vector<16xi32>
      %gather3A_682 = tpu.vector_load_idx %arg6[%add3A_133, %broadcast_in_dim3A_681] : memref<128x128xf32, #tpu.memory_space<vmem>>[vector<16xi32>, vector<16xi32>], vector<16xf32>,
      %mul3A_683 = arith.constant 16 : i32
      %mul3A_684 = arith.muli %scan3A_129, %mul3A_683 : i32
      %swap3A_685 = arith.constant 6 : i32
      %swap3A_686 = arith.constant 0 : i32
      %swap3A_687 = arith.index_cast %swap3A_685 : i32 to index
      %swap3A_688 = arith.index_cast %swap3A_686 : i32 to index
      %swap3A_689 = arith.index_cast %mul3A_684 : i32 to index
      %swap3A_690 = tpu.vector_load %arg8[%swap3A_687, %swap3A_688, %swap3A_689] {strides = array<i32>} : memref<8x8x129xf32, #tpu.memory_space<vmem>>, vector<16xf32>,
      tpu.vector_store %arg8[%swap3A_687, %swap3A_688, %swap3A_689], %gather3A_661 {strides = array<i32>} : memref<8x8x129xf32, #tpu.memory_space<vmem>>, vector<16xf32>,
      %mul3A_691 = arith.constant 16 : i32
      %mul3A_692 = arith.muli %scan3A_129, %mul3A_691 : i32
      %swap3A_693 = arith.constant 6 : i32
      %swap3A_694 = arith.constant 1 : i32
      %swap3A_695 = arith.index_cast %swap3A_693 : i32 to index
      %swap3A_696 = arith.index_cast %swap3A_694 : i32 to index
      %swap3A_697 = arith.index_cast %mul3A_692 : i32 to index
      %swap3A_698 = tpu.vector_load %arg8[%swap3A_695, %swap3A_696, %swap3A_697] {strides = array<i32>} : memref<8x8x129xf32, #tpu.memory_space<vmem>>, vector<16xf32>,
      tpu.vector_store %arg8[%swap3A_695, %swap3A_696, %swap3A_697], %gather3A_664 {strides = array<i32>} : memref<8x8x129xf32, #tpu.memory_space<vmem>>, vector<16xf32>,
      %mul3A_699 = arith.constant 16 : i32
      %mul3A_700 = arith.muli %scan3A_129, %mul3A_699 : i32
      %swap3A_701 = arith.constant 6 : i32
      %swap3A_702 = arith.constant 2 : i32
      %swap3A_703 = arith.index_cast %swap3A_701 : i32 to index
      %swap3A_704 = arith.index_cast %swap3A_702 : i32 to index
      %swap3A_705 = arith.index_cast %mul3A_700 : i32 to index
      %swap3A_706 = tpu.vector_load %arg8[%swap3A_703, %swap3A_704, %swap3A_705] {strides = array<i32>} : memref<8x8x129xf32, #tpu.memory_space<vmem>>, vector<16xf32>,
      tpu.vector_store %arg8[%swap3A_703, %swap3A_704, %swap3A_705], %gather3A_667 {strides = array<i32>} : memref<8x8x129xf32, #tpu.memory_space<vmem>>, vector<16xf32>,
      %mul3A_707 = arith.constant 16 : i32
      %mul3A_708 = arith.muli %scan3A_129, %mul3A_707 : i32
      %swap3A_709 = arith.constant 6 : i32
      %swap3A_710 = arith.constant 3 : i32
      %swap3A_711 = arith.index_cast %swap3A_709 : i32 to index
      %swap3A_712 = arith.index_cast %swap3A_710 : i32 to index
      %swap3A_713 = arith.index_cast %mul3A_708 : i32 to index
      %swap3A_714 = tpu.vector_load %arg8[%swap3A_711, %swap3A_712, %swap3A_713] {strides = array<i32>} : memref<8x8x129xf32, #tpu.memory_space<vmem>>, vector<16xf32>,
      tpu.vector_store %arg8[%swap3A_711, %swap3A_712, %swap3A_713], %gather3A_670 {strides = array<i32>} : memref<8x8x129xf32, #tpu.memory_space<vmem>>, vector<16xf32>,
      %mul3A_715 = arith.constant 16 : i32
      %mul3A_716 = arith.muli %scan3A_129, %mul3A_715 : i32
      %swap3A_717 = arith.constant 6 : i32
      %swap3A_718 = arith.constant 4 : i32
      %swap3A_719 = arith.index_cast %swap3A_717 : i32 to index
      %swap3A_720 = arith.index_cast %swap3A_718 : i32 to index
      %swap3A_721 = arith.index_cast %mul3A_716 : i32 to index
      %swap3A_722 = tpu.vector_load %arg8[%swap3A_719, %swap3A_720, %swap3A_721] {strides = array<i32>} : memref<8x8x129xf32, #tpu.memory_space<vmem>>, vector<16xf32>,
      tpu.vector_store %arg8[%swap3A_719, %swap3A_720, %swap3A_721], %gather3A_673 {strides = array<i32>} : memref<8x8x129xf32, #tpu.memory_space<vmem>>, vector<16xf32>,
      %mul3A_723 = arith.constant 16 : i32
      %mul3A_724 = arith.muli %scan3A_129, %mul3A_723 : i32
      %swap3A_725 = arith.constant 6 : i32
      %swap3A_726 = arith.constant 5 : i32
      %swap3A_727 = arith.index_cast %swap3A_725 : i32 to index
      %swap3A_728 = arith.index_cast %swap3A_726 : i32 to index
      %swap3A_729 = arith.index_cast %mul3A_724 : i32 to index
      %swap3A_730 = tpu.vector_load %arg8[%swap3A_727, %swap3A_728, %swap3A_729] {strides = array<i32>} : memref<8x8x129xf32, #tpu.memory_space<vmem>>, vector<16xf32>,
      tpu.vector_store %arg8[%swap3A_727, %swap3A_728, %swap3A_729], %gather3A_676 {strides = array<i32>} : memref<8x8x129xf32, #tpu.memory_space<vmem>>, vector<16xf32>,
      %mul3A_731 = arith.constant 16 : i32
      %mul3A_732 = arith.muli %scan3A_129, %mul3A_731 : i32
      %swap3A_733 = arith.constant 6 : i32
      %swap3A_734 = arith.constant 6 : i32
      %swap3A_735 = arith.index_cast %swap3A_733 : i32 to index
      %swap3A_736 = arith.index_cast %swap3A_734 : i32 to index
      %swap3A_737 = arith.index_cast %mul3A_732 : i32 to index
      %swap3A_738 = tpu.vector_load %arg8[%swap3A_735, %swap3A_736, %swap3A_737] {strides = array<i32>} : memref<8x8x129xf32, #tpu.memory_space<vmem>>, vector<16xf32>,
      tpu.vector_store %arg8[%swap3A_735, %swap3A_736, %swap3A_737], %gather3A_679 {strides = array<i32>} : memref<8x8x129xf32, #tpu.memory_space<vmem>>, vector<16xf32>,
      %mul3A_739 = arith.constant 16 : i32
      %mul3A_740 = arith.muli %scan3A_129, %mul3A_739 : i32
      %swap3A_741 = arith.constant 6 : i32
      %swap3A_742 = arith.constant 7 : i32
      %swap3A_743 = arith.index_cast %swap3A_741 : i32 to index
      %swap3A_744 = arith.index_cast %swap3A_742 : i32 to index
      %swap3A_745 = arith.index_cast %mul3A_740 : i32 to index
      %swap3A_746 = tpu.vector_load %arg8[%swap3A_743, %swap3A_744, %swap3A_745] {strides = array<i32>} : memref<8x8x129xf32, #tpu.memory_space<vmem>>, vector<16xf32>,
      tpu.vector_store %arg8[%swap3A_743, %swap3A_744, %swap3A_745], %gather3A_682 {strides = array<i32>} : memref<8x8x129xf32, #tpu.memory_space<vmem>>, vector<16xf32>,
      %broadcast_in_dim3A_747 = arith.constant 56 : i32
      %broadcast_in_dim3A_748 = vector.broadcast %broadcast_in_dim3A_747 : i32 to vector<16xi32>
      %gather3A_749 = tpu.vector_load_idx %arg6[%add3A_133, %broadcast_in_dim3A_748] : memref<128x128xf32, #tpu.memory_space<vmem>>[vector<16xi32>, vector<16xi32>], vector<16xf32>,
      %broadcast_in_dim3A_750 = arith.constant 57 : i32
      %broadcast_in_dim3A_751 = vector.broadcast %broadcast_in_dim3A_750 : i32 to vector<16xi32>
      %gather3A_752 = tpu.vector_load_idx %arg6[%add3A_133, %broadcast_in_dim3A_751] : memref<128x128xf32, #tpu.memory_space<vmem>>[vector<16xi32>, vector<16xi32>], vector<16xf32>,
      %broadcast_in_dim3A_753 = arith.constant 58 : i32
      %broadcast_in_dim3A_754 = vector.broadcast %broadcast_in_dim3A_753 : i32 to vector<16xi32>
      %gather3A_755 = tpu.vector_load_idx %arg6[%add3A_133, %broadcast_in_dim3A_754] : memref<128x128xf32, #tpu.memory_space<vmem>>[vector<16xi32>, vector<16xi32>], vector<16xf32>,
      %broadcast_in_dim3A_756 = arith.constant 59 : i32
      %broadcast_in_dim3A_757 = vector.broadcast %broadcast_in_dim3A_756 : i32 to vector<16xi32>
      %gather3A_758 = tpu.vector_load_idx %arg6[%add3A_133, %broadcast_in_dim3A_757] : memref<128x128xf32, #tpu.memory_space<vmem>>[vector<16xi32>, vector<16xi32>], vector<16xf32>,
      %broadcast_in_dim3A_759 = arith.constant 60 : i32
      %broadcast_in_dim3A_760 = vector.broadcast %broadcast_in_dim3A_759 : i32 to vector<16xi32>
      %gather3A_761 = tpu.vector_load_idx %arg6[%add3A_133, %broadcast_in_dim3A_760] : memref<128x128xf32, #tpu.memory_space<vmem>>[vector<16xi32>, vector<16xi32>], vector<16xf32>,
      %broadcast_in_dim3A_762 = arith.constant 61 : i32
      %broadcast_in_dim3A_763 = vector.broadcast %broadcast_in_dim3A_762 : i32 to vector<16xi32>
      %gather3A_764 = tpu.vector_load_idx %arg6[%add3A_133, %broadcast_in_dim3A_763] : memref<128x128xf32, #tpu.memory_space<vmem>>[vector<16xi32>, vector<16xi32>], vector<16xf32>,
      %broadcast_in_dim3A_765 = arith.constant 62 : i32
      %broadcast_in_dim3A_766 = vector.broadcast %broadcast_in_dim3A_765 : i32 to vector<16xi32>
      %gather3A_767 = tpu.vector_load_idx %arg6[%add3A_133, %broadcast_in_dim3A_766] : memref<128x128xf32, #tpu.memory_space<vmem>>[vector<16xi32>, vector<16xi32>], vector<16xf32>,
      %broadcast_in_dim3A_768 = arith.constant 63 : i32
      %broadcast_in_dim3A_769 = vector.broadcast %broadcast_in_dim3A_768 : i32 to vector<16xi32>
      %gather3A_770 = tpu.vector_load_idx %arg6[%add3A_133, %broadcast_in_dim3A_769] : memref<128x128xf32, #tpu.memory_space<vmem>>[vector<16xi32>, vector<16xi32>], vector<16xf32>,
      %mul3A_771 = arith.constant 16 : i32
      %mul3A_772 = arith.muli %scan3A_129, %mul3A_771 : i32
      %swap3A_773 = arith.constant 7 : i32
      %swap3A_774 = arith.constant 0 : i32
      %swap3A_775 = arith.index_cast %swap3A_773 : i32 to index
      %swap3A_776 = arith.index_cast %swap3A_774 : i32 to index
      %swap3A_777 = arith.index_cast %mul3A_772 : i32 to index
      %swap3A_778 = tpu.vector_load %arg8[%swap3A_775, %swap3A_776, %swap3A_777] {strides = array<i32>} : memref<8x8x129xf32, #tpu.memory_space<vmem>>, vector<16xf32>,
      tpu.vector_store %arg8[%swap3A_775, %swap3A_776, %swap3A_777], %gather3A_749 {strides = array<i32>} : memref<8x8x129xf32, #tpu.memory_space<vmem>>, vector<16xf32>,
      %mul3A_779 = arith.constant 16 : i32
      %mul3A_780 = arith.muli %scan3A_129, %mul3A_779 : i32
      %swap3A_781 = arith.constant 7 : i32
      %swap3A_782 = arith.constant 1 : i32
      %swap3A_783 = arith.index_cast %swap3A_781 : i32 to index
      %swap3A_784 = arith.index_cast %swap3A_782 : i32 to index
      %swap3A_785 = arith.index_cast %mul3A_780 : i32 to index
      %swap3A_786 = tpu.vector_load %arg8[%swap3A_783, %swap3A_784, %swap3A_785] {strides = array<i32>} : memref<8x8x129xf32, #tpu.memory_space<vmem>>, vector<16xf32>,
      tpu.vector_store %arg8[%swap3A_783, %swap3A_784, %swap3A_785], %gather3A_752 {strides = array<i32>} : memref<8x8x129xf32, #tpu.memory_space<vmem>>, vector<16xf32>,
      %mul3A_787 = arith.constant 16 : i32
      %mul3A_788 = arith.muli %scan3A_129, %mul3A_787 : i32
      %swap3A_789 = arith.constant 7 : i32
      %swap3A_790 = arith.constant 2 : i32
      %swap3A_791 = arith.index_cast %swap3A_789 : i32 to index
      %swap3A_792 = arith.index_cast %swap3A_790 : i32 to index
      %swap3A_793 = arith.index_cast %mul3A_788 : i32 to index
      %swap3A_794 = tpu.vector_load %arg8[%swap3A_791, %swap3A_792, %swap3A_793] {strides = array<i32>} : memref<8x8x129xf32, #tpu.memory_space<vmem>>, vector<16xf32>,
      tpu.vector_store %arg8[%swap3A_791, %swap3A_792, %swap3A_793], %gather3A_755 {strides = array<i32>} : memref<8x8x129xf32, #tpu.memory_space<vmem>>, vector<16xf32>,
      %mul3A_795 = arith.constant 16 : i32
      %mul3A_796 = arith.muli %scan3A_129, %mul3A_795 : i32
      %swap3A_797 = arith.constant 7 : i32
      %swap3A_798 = arith.constant 3 : i32
      %swap3A_799 = arith.index_cast %swap3A_797 : i32 to index
      %swap3A_800 = arith.index_cast %swap3A_798 : i32 to index
      %swap3A_801 = arith.index_cast %mul3A_796 : i32 to index
      %swap3A_802 = tpu.vector_load %arg8[%swap3A_799, %swap3A_800, %swap3A_801] {strides = array<i32>} : memref<8x8x129xf32, #tpu.memory_space<vmem>>, vector<16xf32>,
      tpu.vector_store %arg8[%swap3A_799, %swap3A_800, %swap3A_801], %gather3A_758 {strides = array<i32>} : memref<8x8x129xf32, #tpu.memory_space<vmem>>, vector<16xf32>,
      %mul3A_803 = arith.constant 16 : i32
      %mul3A_804 = arith.muli %scan3A_129, %mul3A_803 : i32
      %swap3A_805 = arith.constant 7 : i32
      %swap3A_806 = arith.constant 4 : i32
      %swap3A_807 = arith.index_cast %swap3A_805 : i32 to index
      %swap3A_808 = arith.index_cast %swap3A_806 : i32 to index
      %swap3A_809 = arith.index_cast %mul3A_804 : i32 to index
      %swap3A_810 = tpu.vector_load %arg8[%swap3A_807, %swap3A_808, %swap3A_809] {strides = array<i32>} : memref<8x8x129xf32, #tpu.memory_space<vmem>>, vector<16xf32>,
      tpu.vector_store %arg8[%swap3A_807, %swap3A_808, %swap3A_809], %gather3A_761 {strides = array<i32>} : memref<8x8x129xf32, #tpu.memory_space<vmem>>, vector<16xf32>,
      %mul3A_811 = arith.constant 16 : i32
      %mul3A_812 = arith.muli %scan3A_129, %mul3A_811 : i32
      %swap3A_813 = arith.constant 7 : i32
      %swap3A_814 = arith.constant 5 : i32
      %swap3A_815 = arith.index_cast %swap3A_813 : i32 to index
      %swap3A_816 = arith.index_cast %swap3A_814 : i32 to index
      %swap3A_817 = arith.index_cast %mul3A_812 : i32 to index
      %swap3A_818 = tpu.vector_load %arg8[%swap3A_815, %swap3A_816, %swap3A_817] {strides = array<i32>} : memref<8x8x129xf32, #tpu.memory_space<vmem>>, vector<16xf32>,
      tpu.vector_store %arg8[%swap3A_815, %swap3A_816, %swap3A_817], %gather3A_764 {strides = array<i32>} : memref<8x8x129xf32, #tpu.memory_space<vmem>>, vector<16xf32>,
      %mul3A_819 = arith.constant 16 : i32
      %mul3A_820 = arith.muli %scan3A_129, %mul3A_819 : i32
      %swap3A_821 = arith.constant 7 : i32
      %swap3A_822 = arith.constant 6 : i32
      %swap3A_823 = arith.index_cast %swap3A_821 : i32 to index
      %swap3A_824 = arith.index_cast %swap3A_822 : i32 to index
      %swap3A_825 = arith.index_cast %mul3A_820 : i32 to index
      %swap3A_826 = tpu.vector_load %arg8[%swap3A_823, %swap3A_824, %swap3A_825] {strides = array<i32>} : memref<8x8x129xf32, #tpu.memory_space<vmem>>, vector<16xf32>,
      tpu.vector_store %arg8[%swap3A_823, %swap3A_824, %swap3A_825], %gather3A_767 {strides = array<i32>} : memref<8x8x129xf32, #tpu.memory_space<vmem>>, vector<16xf32>,
      %mul3A_827 = arith.constant 16 : i32
      %mul3A_828 = arith.muli %scan3A_129, %mul3A_827 : i32
      %swap3A_829 = arith.constant 7 : i32
      %swap3A_830 = arith.constant 7 : i32
      %swap3A_831 = arith.index_cast %swap3A_829 : i32 to index
      %swap3A_832 = arith.index_cast %swap3A_830 : i32 to index
      %swap3A_833 = arith.index_cast %mul3A_828 : i32 to index
      %swap3A_834 = tpu.vector_load %arg8[%swap3A_831, %swap3A_832, %swap3A_833] {strides = array<i32>} : memref<8x8x129xf32, #tpu.memory_space<vmem>>, vector<16xf32>,
      tpu.vector_store %arg8[%swap3A_831, %swap3A_832, %swap3A_833], %gather3A_770 {strides = array<i32>} : memref<8x8x129xf32, #tpu.memory_space<vmem>>, vector<16xf32>,
    }
    %scan3A_26 = arith.constant 8 : i32
    %dma_start3A_27 = arith.constant 0 : i32
    %dma_start3A_28 = arith.constant 0 : i32
    %dma_start3A_29 = arith.constant 0 : i32
    %dma_start3A_30 = arith.constant 0 : i32
    %dma_start3A_31 = tpu.memref_slice %arg8[%dma_start3A_28, %dma_start3A_29, %dma_start3A_30] : memref<8x8x129xf32, #tpu.memory_space<vmem>> -> memref<8x8x128xf32, #tpu.memory_space<vmem>>
    %dma_start3A_32 = arith.constant 0 : i32
    %dma_start3A_33 = arith.constant 0 : i32
    %dma_start3A_34 = arith.constant 0 : i32
    %dma_start3A_35 = tpu.memref_slice %arg4[%dma_start3A_27, %dma_start3A_32, %add3A, %dma_start3A_33, %dma_start3A_34] : memref<200x8x32x8x128xf32, #tpu.memory_space<hbm>> -> memref<1x8x1x8x128xf32, #tpu.memory_space<hbm>>
    %dma_start3A_36 = tpu.memref_squeeze %dma_start3A_35 : memref<1x8x1x8x128xf32, #tpu.memory_space<hbm>> -> memref<8x8x128xf32, #tpu.memory_space<hbm>>
    %dma_start3A_37 = arith.constant 0 : i32
    %dma_start3A_38 = arith.constant 0 : i32
    %dma_start3A_39 = arith.constant 0 : i32
    %dma_start3A_40 = tpu.memref_slice %arg4[%dma_start3A_27, %dma_start3A_37, %add3A, %dma_start3A_38, %dma_start3A_39] : memref<200x8x32x8x128xf32, #tpu.memory_space<hbm>> -> memref<1x8x1x8x128xf32, #tpu.memory_space<hbm>>
    %dma_start3A_41 = tpu.memref_squeeze %dma_start3A_40 : memref<1x8x1x8x128xf32, #tpu.memory_space<hbm>> -> memref<8x8x128xf32, #tpu.memory_space<hbm>>
    %dma_start3A_42 = arith.constant 0 : i32
    %dma_start3A_43 = arith.constant 0 : i32
    %dma_start3A_44 = arith.constant 0 : i32
    %dma_start3A_45 = tpu.memref_slice %arg8[%dma_start3A_42, %dma_start3A_43, %dma_start3A_44] : memref<8x8x129xf32, #tpu.memory_space<vmem>> -> memref<8x8x128xf32, #tpu.memory_space<vmem>>
    tpu.enqueue_dma source(%dma_start3A_45 : memref<8x8x128xf32, #tpu.memory_space<vmem>>) target(%dma_start3A_41 : memref<8x8x128xf32, #tpu.memory_space<hbm>>) target_semaphore(%arg12 : memref<!tpu.dma_semaphore, #tpu.memory_space<semaphore_mem>>)
    %dma_start3A_46 = arith.constant 2 : i32
    %dma_start3A_47 = arith.constant 0 : i32
    %dma_start3A_48 = tpu.memref_slice %arg5[%dma_start3A_46, %dma_start3A_47] : memref<200x128xi32, #tpu.memory_space<vmem>> -> memref<1x128xi32, #tpu.memory_space<vmem>>
    %dma_start3A_49 = tpu.memref_squeeze %dma_start3A_48 : memref<1x128xi32, #tpu.memory_space<vmem>> -> memref<128xi32, #tpu.memory_space<vmem>>
    %dma_start3A_50 = arith.constant 0 : i32
    %dma_start3A_51 = arith.constant 0 : i32
    %dma_start3A_52 = tpu.memref_slice %arg3[%dma_start3A_50, %dma_start3A_51] : memref<1000000x128xf32, #tpu.memory_space<hbm>> -> memref<1000000x128xf32, #tpu.memory_space<hbm>>
    tpu.enqueue_indirect_dma source(%dma_start3A_52 : memref<1000000x128xf32, #tpu.memory_space<hbm>>) target(%arg6 : memref<128x128xf32, #tpu.memory_space<vmem>>) offsets(%dma_start3A_49 : memref<128xi32, #tpu.memory_space<vmem>>) semaphore(%arg10 : memref<!tpu.dma_semaphore, #tpu.memory_space<semaphore_mem>>)
    %dma_wait3A_53 = arith.constant 1 : i32
    %dma_wait3A_54 = arith.constant 0 : i32
    %dma_wait3A_55 = tpu.memref_slice %arg5[%dma_wait3A_53, %dma_wait3A_54] : memref<200x128xi32, #tpu.memory_space<vmem>> -> memref<1x128xi32, #tpu.memory_space<vmem>>
    %dma_wait3A_56 = tpu.memref_squeeze %dma_wait3A_55 : memref<1x128xi32, #tpu.memory_space<vmem>> -> memref<128xi32, #tpu.memory_space<vmem>>
    %dma_wait3A_57 = arith.constant 0 : i32
    %dma_wait3A_58 = arith.constant 0 : i32
    %dma_wait3A_59 = tpu.memref_slice %arg3[%dma_wait3A_57, %dma_wait3A_58] : memref<1000000x128xf32, #tpu.memory_space<hbm>> -> memref<1000000x128xf32, #tpu.memory_space<hbm>>
    tpu.wait_indirect_dma semaphore(%arg11 : memref<!tpu.dma_semaphore, #tpu.memory_space<semaphore_mem>>) src(%dma_wait3A_59 : memref<1000000x128xf32, #tpu.memory_space<hbm>>) dst(%arg7 : memref<128x128xf32, #tpu.memory_space<vmem>>)
    %scan3A_60 = arith.constant 0 : i32
    %scan3A_61 = arith.constant 0 : i32
    %scan3A_62 = arith.constant 8 : i32
    %scan3A_63 = arith.addi %scan3A_61, %scan3A_62 : i32
    %scan3A_64 = arith.constant 1 : i32
    scf.for %scan3A_129 = %scan3A_61 to %scan3A_63 step %scan3A_64  : i32 {
      %mul3A_130 = arith.constant 16 : i32
      %mul3A_131 = arith.muli %scan3A_129, %mul3A_130 : i32
      %add3A_132 = vector.broadcast %mul3A_131 : i32 to vector<16xi32>
      %add3A_133 = arith.addi %iota3A, %add3A_132 : vector<16xi32>
      %broadcast_in_dim3A = arith.constant 0 : i32
      %broadcast_in_dim3A_134 = vector.broadcast %broadcast_in_dim3A : i32 to vector<16xi32>
      %gather3A = tpu.vector_load_idx %arg7[%add3A_133, %broadcast_in_dim3A_134] : memref<128x128xf32, #tpu.memory_space<vmem>>[vector<16xi32>, vector<16xi32>], vector<16xf32>,
      %broadcast_in_dim3A_135 = arith.constant 1 : i32
      %broadcast_in_dim3A_136 = vector.broadcast %broadcast_in_dim3A_135 : i32 to vector<16xi32>
      %gather3A_137 = tpu.vector_load_idx %arg7[%add3A_133, %broadcast_in_dim3A_136] : memref<128x128xf32, #tpu.memory_space<vmem>>[vector<16xi32>, vector<16xi32>], vector<16xf32>,
      %broadcast_in_dim3A_138 = arith.constant 2 : i32
      %broadcast_in_dim3A_139 = vector.broadcast %broadcast_in_dim3A_138 : i32 to vector<16xi32>
      %gather3A_140 = tpu.vector_load_idx %arg7[%add3A_133, %broadcast_in_dim3A_139] : memref<128x128xf32, #tpu.memory_space<vmem>>[vector<16xi32>, vector<16xi32>], vector<16xf32>,
      %broadcast_in_dim3A_141 = arith.constant 3 : i32
      %broadcast_in_dim3A_142 = vector.broadcast %broadcast_in_dim3A_141 : i32 to vector<16xi32>
      %gather3A_143 = tpu.vector_load_idx %arg7[%add3A_133, %broadcast_in_dim3A_142] : memref<128x128xf32, #tpu.memory_space<vmem>>[vector<16xi32>, vector<16xi32>], vector<16xf32>,
      %broadcast_in_dim3A_144 = arith.constant 4 : i32
      %broadcast_in_dim3A_145 = vector.broadcast %broadcast_in_dim3A_144 : i32 to vector<16xi32>
      %gather3A_146 = tpu.vector_load_idx %arg7[%add3A_133, %broadcast_in_dim3A_145] : memref<128x128xf32, #tpu.memory_space<vmem>>[vector<16xi32>, vector<16xi32>], vector<16xf32>,
      %broadcast_in_dim3A_147 = arith.constant 5 : i32
      %broadcast_in_dim3A_148 = vector.broadcast %broadcast_in_dim3A_147 : i32 to vector<16xi32>
      %gather3A_149 = tpu.vector_load_idx %arg7[%add3A_133, %broadcast_in_dim3A_148] : memref<128x128xf32, #tpu.memory_space<vmem>>[vector<16xi32>, vector<16xi32>], vector<16xf32>,
      %broadcast_in_dim3A_150 = arith.constant 6 : i32
      %broadcast_in_dim3A_151 = vector.broadcast %broadcast_in_dim3A_150 : i32 to vector<16xi32>
      %gather3A_152 = tpu.vector_load_idx %arg7[%add3A_133, %broadcast_in_dim3A_151] : memref<128x128xf32, #tpu.memory_space<vmem>>[vector<16xi32>, vector<16xi32>], vector<16xf32>,
      %broadcast_in_dim3A_153 = arith.constant 7 : i32
      %broadcast_in_dim3A_154 = vector.broadcast %broadcast_in_dim3A_153 : i32 to vector<16xi32>
      %gather3A_155 = tpu.vector_load_idx %arg7[%add3A_133, %broadcast_in_dim3A_154] : memref<128x128xf32, #tpu.memory_space<vmem>>[vector<16xi32>, vector<16xi32>], vector<16xf32>,
      %mul3A_156 = arith.constant 16 : i32
      %mul3A_157 = arith.muli %scan3A_129, %mul3A_156 : i32
      %swap3A = arith.constant 0 : i32
      %swap3A_158 = arith.constant 0 : i32
      %swap3A_159 = arith.index_cast %swap3A : i32 to index
      %swap3A_160 = arith.index_cast %swap3A_158 : i32 to index
      %swap3A_161 = arith.index_cast %mul3A_157 : i32 to index
      %swap3A_162 = tpu.vector_load %arg9[%swap3A_159, %swap3A_160, %swap3A_161] {strides = array<i32>} : memref<8x8x129xf32, #tpu.memory_space<vmem>>, vector<16xf32>,
      tpu.vector_store %arg9[%swap3A_159, %swap3A_160, %swap3A_161], %gather3A {strides = array<i32>} : memref<8x8x129xf32, #tpu.memory_space<vmem>>, vector<16xf32>,
      %mul3A_163 = arith.constant 16 : i32
      %mul3A_164 = arith.muli %scan3A_129, %mul3A_163 : i32
      %swap3A_165 = arith.constant 0 : i32
      %swap3A_166 = arith.constant 1 : i32
      %swap3A_167 = arith.index_cast %swap3A_165 : i32 to index
      %swap3A_168 = arith.index_cast %swap3A_166 : i32 to index
      %swap3A_169 = arith.index_cast %mul3A_164 : i32 to index
      %swap3A_170 = tpu.vector_load %arg9[%swap3A_167, %swap3A_168, %swap3A_169] {strides = array<i32>} : memref<8x8x129xf32, #tpu.memory_space<vmem>>, vector<16xf32>,
      tpu.vector_store %arg9[%swap3A_167, %swap3A_168, %swap3A_169], %gather3A_137 {strides = array<i32>} : memref<8x8x129xf32, #tpu.memory_space<vmem>>, vector<16xf32>,
      %mul3A_171 = arith.constant 16 : i32
      %mul3A_172 = arith.muli %scan3A_129, %mul3A_171 : i32
      %swap3A_173 = arith.constant 0 : i32
      %swap3A_174 = arith.constant 2 : i32
      %swap3A_175 = arith.index_cast %swap3A_173 : i32 to index
      %swap3A_176 = arith.index_cast %swap3A_174 : i32 to index
      %swap3A_177 = arith.index_cast %mul3A_172 : i32 to index
      %swap3A_178 = tpu.vector_load %arg9[%swap3A_175, %swap3A_176, %swap3A_177] {strides = array<i32>} : memref<8x8x129xf32, #tpu.memory_space<vmem>>, vector<16xf32>,
      tpu.vector_store %arg9[%swap3A_175, %swap3A_176, %swap3A_177], %gather3A_140 {strides = array<i32>} : memref<8x8x129xf32, #tpu.memory_space<vmem>>, vector<16xf32>,
      %mul3A_179 = arith.constant 16 : i32
      %mul3A_180 = arith.muli %scan3A_129, %mul3A_179 : i32
      %swap3A_181 = arith.constant 0 : i32
      %swap3A_182 = arith.constant 3 : i32
      %swap3A_183 = arith.index_cast %swap3A_181 : i32 to index
      %swap3A_184 = arith.index_cast %swap3A_182 : i32 to index
      %swap3A_185 = arith.index_cast %mul3A_180 : i32 to index
      %swap3A_186 = tpu.vector_load %arg9[%swap3A_183, %swap3A_184, %swap3A_185] {strides = array<i32>} : memref<8x8x129xf32, #tpu.memory_space<vmem>>, vector<16xf32>,
      tpu.vector_store %arg9[%swap3A_183, %swap3A_184, %swap3A_185], %gather3A_143 {strides = array<i32>} : memref<8x8x129xf32, #tpu.memory_space<vmem>>, vector<16xf32>,
      %mul3A_187 = arith.constant 16 : i32
      %mul3A_188 = arith.muli %scan3A_129, %mul3A_187 : i32
      %swap3A_189 = arith.constant 0 : i32
      %swap3A_190 = arith.constant 4 : i32
      %swap3A_191 = arith.index_cast %swap3A_189 : i32 to index
      %swap3A_192 = arith.index_cast %swap3A_190 : i32 to index
      %swap3A_193 = arith.index_cast %mul3A_188 : i32 to index
      %swap3A_194 = tpu.vector_load %arg9[%swap3A_191, %swap3A_192, %swap3A_193] {strides = array<i32>} : memref<8x8x129xf32, #tpu.memory_space<vmem>>, vector<16xf32>,
      tpu.vector_store %arg9[%swap3A_191, %swap3A_192, %swap3A_193], %gather3A_146 {strides = array<i32>} : memref<8x8x129xf32, #tpu.memory_space<vmem>>, vector<16xf32>,
      %mul3A_195 = arith.constant 16 : i32
      %mul3A_196 = arith.muli %scan3A_129, %mul3A_195 : i32
      %swap3A_197 = arith.constant 0 : i32
      %swap3A_198 = arith.constant 5 : i32
      %swap3A_199 = arith.index_cast %swap3A_197 : i32 to index
      %swap3A_200 = arith.index_cast %swap3A_198 : i32 to index
      %swap3A_201 = arith.index_cast %mul3A_196 : i32 to index
      %swap3A_202 = tpu.vector_load %arg9[%swap3A_199, %swap3A_200, %swap3A_201] {strides = array<i32>} : memref<8x8x129xf32, #tpu.memory_space<vmem>>, vector<16xf32>,
      tpu.vector_store %arg9[%swap3A_199, %swap3A_200, %swap3A_201], %gather3A_149 {strides = array<i32>} : memref<8x8x129xf32, #tpu.memory_space<vmem>>, vector<16xf32>,
      %mul3A_203 = arith.constant 16 : i32
      %mul3A_204 = arith.muli %scan3A_129, %mul3A_203 : i32
      %swap3A_205 = arith.constant 0 : i32
      %swap3A_206 = arith.constant 6 : i32
      %swap3A_207 = arith.index_cast %swap3A_205 : i32 to index
      %swap3A_208 = arith.index_cast %swap3A_206 : i32 to index
      %swap3A_209 = arith.index_cast %mul3A_204 : i32 to index
      %swap3A_210 = tpu.vector_load %arg9[%swap3A_207, %swap3A_208, %swap3A_209] {strides = array<i32>} : memref<8x8x129xf32, #tpu.memory_space<vmem>>, vector<16xf32>,
      tpu.vector_store %arg9[%swap3A_207, %swap3A_208, %swap3A_209], %gather3A_152 {strides = array<i32>} : memref<8x8x129xf32, #tpu.memory_space<vmem>>, vector<16xf32>,
      %mul3A_211 = arith.constant 16 : i32
      %mul3A_212 = arith.muli %scan3A_129, %mul3A_211 : i32
      %swap3A_213 = arith.constant 0 : i32
      %swap3A_214 = arith.constant 7 : i32
      %swap3A_215 = arith.index_cast %swap3A_213 : i32 to index
      %swap3A_216 = arith.index_cast %swap3A_214 : i32 to index
      %swap3A_217 = arith.index_cast %mul3A_212 : i32 to index
      %swap3A_218 = tpu.vector_load %arg9[%swap3A_215, %swap3A_216, %swap3A_217] {strides = array<i32>} : memref<8x8x129xf32, #tpu.memory_space<vmem>>, vector<16xf32>,
      tpu.vector_store %arg9[%swap3A_215, %swap3A_216, %swap3A_217], %gather3A_155 {strides = array<i32>} : memref<8x8x129xf32, #tpu.memory_space<vmem>>, vector<16xf32>,
      %broadcast_in_dim3A_219 = arith.constant 8 : i32
      %broadcast_in_dim3A_220 = vector.broadcast %broadcast_in_dim3A_219 : i32 to vector<16xi32>
      %gather3A_221 = tpu.vector_load_idx %arg7[%add3A_133, %broadcast_in_dim3A_220] : memref<128x128xf32, #tpu.memory_space<vmem>>[vector<16xi32>, vector<16xi32>], vector<16xf32>,
      %broadcast_in_dim3A_222 = arith.constant 9 : i32
      %broadcast_in_dim3A_223 = vector.broadcast %broadcast_in_dim3A_222 : i32 to vector<16xi32>
      %gather3A_224 = tpu.vector_load_idx %arg7[%add3A_133, %broadcast_in_dim3A_223] : memref<128x128xf32, #tpu.memory_space<vmem>>[vector<16xi32>, vector<16xi32>], vector<16xf32>,
      %broadcast_in_dim3A_225 = arith.constant 10 : i32
      %broadcast_in_dim3A_226 = vector.broadcast %broadcast_in_dim3A_225 : i32 to vector<16xi32>
      %gather3A_227 = tpu.vector_load_idx %arg7[%add3A_133, %broadcast_in_dim3A_226] : memref<128x128xf32, #tpu.memory_space<vmem>>[vector<16xi32>, vector<16xi32>], vector<16xf32>,
      %broadcast_in_dim3A_228 = arith.constant 11 : i32
      %broadcast_in_dim3A_229 = vector.broadcast %broadcast_in_dim3A_228 : i32 to vector<16xi32>
      %gather3A_230 = tpu.vector_load_idx %arg7[%add3A_133, %broadcast_in_dim3A_229] : memref<128x128xf32, #tpu.memory_space<vmem>>[vector<16xi32>, vector<16xi32>], vector<16xf32>,
      %broadcast_in_dim3A_231 = arith.constant 12 : i32
      %broadcast_in_dim3A_232 = vector.broadcast %broadcast_in_dim3A_231 : i32 to vector<16xi32>
      %gather3A_233 = tpu.vector_load_idx %arg7[%add3A_133, %broadcast_in_dim3A_232] : memref<128x128xf32, #tpu.memory_space<vmem>>[vector<16xi32>, vector<16xi32>], vector<16xf32>,
      %broadcast_in_dim3A_234 = arith.constant 13 : i32
      %broadcast_in_dim3A_235 = vector.broadcast %broadcast_in_dim3A_234 : i32 to vector<16xi32>
      %gather3A_236 = tpu.vector_load_idx %arg7[%add3A_133, %broadcast_in_dim3A_235] : memref<128x128xf32, #tpu.memory_space<vmem>>[vector<16xi32>, vector<16xi32>], vector<16xf32>,
      %broadcast_in_dim3A_237 = arith.constant 14 : i32
      %broadcast_in_dim3A_238 = vector.broadcast %broadcast_in_dim3A_237 : i32 to vector<16xi32>
      %gather3A_239 = tpu.vector_load_idx %arg7[%add3A_133, %broadcast_in_dim3A_238] : memref<128x128xf32, #tpu.memory_space<vmem>>[vector<16xi32>, vector<16xi32>], vector<16xf32>,
      %broadcast_in_dim3A_240 = arith.constant 15 : i32
      %broadcast_in_dim3A_241 = vector.broadcast %broadcast_in_dim3A_240 : i32 to vector<16xi32>
      %gather3A_242 = tpu.vector_load_idx %arg7[%add3A_133, %broadcast_in_dim3A_241] : memref<128x128xf32, #tpu.memory_space<vmem>>[vector<16xi32>, vector<16xi32>], vector<16xf32>,
      %mul3A_243 = arith.constant 16 : i32
      %mul3A_244 = arith.muli %scan3A_129, %mul3A_243 : i32
      %swap3A_245 = arith.constant 1 : i32
      %swap3A_246 = arith.constant 0 : i32
      %swap3A_247 = arith.index_cast %swap3A_245 : i32 to index
      %swap3A_248 = arith.index_cast %swap3A_246 : i32 to index
      %swap3A_249 = arith.index_cast %mul3A_244 : i32 to index
      %swap3A_250 = tpu.vector_load %arg9[%swap3A_247, %swap3A_248, %swap3A_249] {strides = array<i32>} : memref<8x8x129xf32, #tpu.memory_space<vmem>>, vector<16xf32>,
      tpu.vector_store %arg9[%swap3A_247, %swap3A_248, %swap3A_249], %gather3A_221 {strides = array<i32>} : memref<8x8x129xf32, #tpu.memory_space<vmem>>, vector<16xf32>,
      %mul3A_251 = arith.constant 16 : i32
      %mul3A_252 = arith.muli %scan3A_129, %mul3A_251 : i32
      %swap3A_253 = arith.constant 1 : i32
      %swap3A_254 = arith.constant 1 : i32
      %swap3A_255 = arith.index_cast %swap3A_253 : i32 to index
      %swap3A_256 = arith.index_cast %swap3A_254 : i32 to index
      %swap3A_257 = arith.index_cast %mul3A_252 : i32 to index
      %swap3A_258 = tpu.vector_load %arg9[%swap3A_255, %swap3A_256, %swap3A_257] {strides = array<i32>} : memref<8x8x129xf32, #tpu.memory_space<vmem>>, vector<16xf32>,
      tpu.vector_store %arg9[%swap3A_255, %swap3A_256, %swap3A_257], %gather3A_224 {strides = array<i32>} : memref<8x8x129xf32, #tpu.memory_space<vmem>>, vector<16xf32>,
      %mul3A_259 = arith.constant 16 : i32
      %mul3A_260 = arith.muli %scan3A_129, %mul3A_259 : i32
      %swap3A_261 = arith.constant 1 : i32
      %swap3A_262 = arith.constant 2 : i32
      %swap3A_263 = arith.index_cast %swap3A_261 : i32 to index
      %swap3A_264 = arith.index_cast %swap3A_262 : i32 to index
      %swap3A_265 = arith.index_cast %mul3A_260 : i32 to index
      %swap3A_266 = tpu.vector_load %arg9[%swap3A_263, %swap3A_264, %swap3A_265] {strides = array<i32>} : memref<8x8x129xf32, #tpu.memory_space<vmem>>, vector<16xf32>,
      tpu.vector_store %arg9[%swap3A_263, %swap3A_264, %swap3A_265], %gather3A_227 {strides = array<i32>} : memref<8x8x129xf32, #tpu.memory_space<vmem>>, vector<16xf32>,
      %mul3A_267 = arith.constant 16 : i32
      %mul3A_268 = arith.muli %scan3A_129, %mul3A_267 : i32
      %swap3A_269 = arith.constant 1 : i32
      %swap3A_270 = arith.constant 3 : i32
      %swap3A_271 = arith.index_cast %swap3A_269 : i32 to index
      %swap3A_272 = arith.index_cast %swap3A_270 : i32 to index
      %swap3A_273 = arith.index_cast %mul3A_268 : i32 to index
      %swap3A_274 = tpu.vector_load %arg9[%swap3A_271, %swap3A_272, %swap3A_273] {strides = array<i32>} : memref<8x8x129xf32, #tpu.memory_space<vmem>>, vector<16xf32>,
      tpu.vector_store %arg9[%swap3A_271, %swap3A_272, %swap3A_273], %gather3A_230 {strides = array<i32>} : memref<8x8x129xf32, #tpu.memory_space<vmem>>, vector<16xf32>,
      %mul3A_275 = arith.constant 16 : i32
      %mul3A_276 = arith.muli %scan3A_129, %mul3A_275 : i32
      %swap3A_277 = arith.constant 1 : i32
      %swap3A_278 = arith.constant 4 : i32
      %swap3A_279 = arith.index_cast %swap3A_277 : i32 to index
      %swap3A_280 = arith.index_cast %swap3A_278 : i32 to index
      %swap3A_281 = arith.index_cast %mul3A_276 : i32 to index
      %swap3A_282 = tpu.vector_load %arg9[%swap3A_279, %swap3A_280, %swap3A_281] {strides = array<i32>} : memref<8x8x129xf32, #tpu.memory_space<vmem>>, vector<16xf32>,
      tpu.vector_store %arg9[%swap3A_279, %swap3A_280, %swap3A_281], %gather3A_233 {strides = array<i32>} : memref<8x8x129xf32, #tpu.memory_space<vmem>>, vector<16xf32>,
      %mul3A_283 = arith.constant 16 : i32
      %mul3A_284 = arith.muli %scan3A_129, %mul3A_283 : i32
      %swap3A_285 = arith.constant 1 : i32
      %swap3A_286 = arith.constant 5 : i32
      %swap3A_287 = arith.index_cast %swap3A_285 : i32 to index
      %swap3A_288 = arith.index_cast %swap3A_286 : i32 to index
      %swap3A_289 = arith.index_cast %mul3A_284 : i32 to index
      %swap3A_290 = tpu.vector_load %arg9[%swap3A_287, %swap3A_288, %swap3A_289] {strides = array<i32>} : memref<8x8x129xf32, #tpu.memory_space<vmem>>, vector<16xf32>,
      tpu.vector_store %arg9[%swap3A_287, %swap3A_288, %swap3A_289], %gather3A_236 {strides = array<i32>} : memref<8x8x129xf32, #tpu.memory_space<vmem>>, vector<16xf32>,
      %mul3A_291 = arith.constant 16 : i32
      %mul3A_292 = arith.muli %scan3A_129, %mul3A_291 : i32
      %swap3A_293 = arith.constant 1 : i32
      %swap3A_294 = arith.constant 6 : i32
      %swap3A_295 = arith.index_cast %swap3A_293 : i32 to index
      %swap3A_296 = arith.index_cast %swap3A_294 : i32 to index
      %swap3A_297 = arith.index_cast %mul3A_292 : i32 to index
      %swap3A_298 = tpu.vector_load %arg9[%swap3A_295, %swap3A_296, %swap3A_297] {strides = array<i32>} : memref<8x8x129xf32, #tpu.memory_space<vmem>>, vector<16xf32>,
      tpu.vector_store %arg9[%swap3A_295, %swap3A_296, %swap3A_297], %gather3A_239 {strides = array<i32>} : memref<8x8x129xf32, #tpu.memory_space<vmem>>, vector<16xf32>,
      %mul3A_299 = arith.constant 16 : i32
      %mul3A_300 = arith.muli %scan3A_129, %mul3A_299 : i32
      %swap3A_301 = arith.constant 1 : i32
      %swap3A_302 = arith.constant 7 : i32
      %swap3A_303 = arith.index_cast %swap3A_301 : i32 to index
      %swap3A_304 = arith.index_cast %swap3A_302 : i32 to index
      %swap3A_305 = arith.index_cast %mul3A_300 : i32 to index
      %swap3A_306 = tpu.vector_load %arg9[%swap3A_303, %swap3A_304, %swap3A_305] {strides = array<i32>} : memref<8x8x129xf32, #tpu.memory_space<vmem>>, vector<16xf32>,
      tpu.vector_store %arg9[%swap3A_303, %swap3A_304, %swap3A_305], %gather3A_242 {strides = array<i32>} : memref<8x8x129xf32, #tpu.memory_space<vmem>>, vector<16xf32>,
      %broadcast_in_dim3A_307 = arith.constant 16 : i32
      %broadcast_in_dim3A_308 = vector.broadcast %broadcast_in_dim3A_307 : i32 to vector<16xi32>
      %gather3A_309 = tpu.vector_load_idx %arg7[%add3A_133, %broadcast_in_dim3A_308] : memref<128x128xf32, #tpu.memory_space<vmem>>[vector<16xi32>, vector<16xi32>], vector<16xf32>,
      %broadcast_in_dim3A_310 = arith.constant 17 : i32
      %broadcast_in_dim3A_311 = vector.broadcast %broadcast_in_dim3A_310 : i32 to vector<16xi32>
      %gather3A_312 = tpu.vector_load_idx %arg7[%add3A_133, %broadcast_in_dim3A_311] : memref<128x128xf32, #tpu.memory_space<vmem>>[vector<16xi32>, vector<16xi32>], vector<16xf32>,
      %broadcast_in_dim3A_313 = arith.constant 18 : i32
      %broadcast_in_dim3A_314 = vector.broadcast %broadcast_in_dim3A_313 : i32 to vector<16xi32>
      %gather3A_315 = tpu.vector_load_idx %arg7[%add3A_133, %broadcast_in_dim3A_314] : memref<128x128xf32, #tpu.memory_space<vmem>>[vector<16xi32>, vector<16xi32>], vector<16xf32>,
      %broadcast_in_dim3A_316 = arith.constant 19 : i32
      %broadcast_in_dim3A_317 = vector.broadcast %broadcast_in_dim3A_316 : i32 to vector<16xi32>
      %gather3A_318 = tpu.vector_load_idx %arg7[%add3A_133, %broadcast_in_dim3A_317] : memref<128x128xf32, #tpu.memory_space<vmem>>[vector<16xi32>, vector<16xi32>], vector<16xf32>,
      %broadcast_in_dim3A_319 = arith.constant 20 : i32
      %broadcast_in_dim3A_320 = vector.broadcast %broadcast_in_dim3A_319 : i32 to vector<16xi32>
      %gather3A_321 = tpu.vector_load_idx %arg7[%add3A_133, %broadcast_in_dim3A_320] : memref<128x128xf32, #tpu.memory_space<vmem>>[vector<16xi32>, vector<16xi32>], vector<16xf32>,
      %broadcast_in_dim3A_322 = arith.constant 21 : i32
      %broadcast_in_dim3A_323 = vector.broadcast %broadcast_in_dim3A_322 : i32 to vector<16xi32>
      %gather3A_324 = tpu.vector_load_idx %arg7[%add3A_133, %broadcast_in_dim3A_323] : memref<128x128xf32, #tpu.memory_space<vmem>>[vector<16xi32>, vector<16xi32>], vector<16xf32>,
      %broadcast_in_dim3A_325 = arith.constant 22 : i32
      %broadcast_in_dim3A_326 = vector.broadcast %broadcast_in_dim3A_325 : i32 to vector<16xi32>
      %gather3A_327 = tpu.vector_load_idx %arg7[%add3A_133, %broadcast_in_dim3A_326] : memref<128x128xf32, #tpu.memory_space<vmem>>[vector<16xi32>, vector<16xi32>], vector<16xf32>,
      %broadcast_in_dim3A_328 = arith.constant 23 : i32
      %broadcast_in_dim3A_329 = vector.broadcast %broadcast_in_dim3A_328 : i32 to vector<16xi32>
      %gather3A_330 = tpu.vector_load_idx %arg7[%add3A_133, %broadcast_in_dim3A_329] : memref<128x128xf32, #tpu.memory_space<vmem>>[vector<16xi32>, vector<16xi32>], vector<16xf32>,
      %mul3A_331 = arith.constant 16 : i32
      %mul3A_332 = arith.muli %scan3A_129, %mul3A_331 : i32
      %swap3A_333 = arith.constant 2 : i32
      %swap3A_334 = arith.constant 0 : i32
      %swap3A_335 = arith.index_cast %swap3A_333 : i32 to index
      %swap3A_336 = arith.index_cast %swap3A_334 : i32 to index
      %swap3A_337 = arith.index_cast %mul3A_332 : i32 to index
      %swap3A_338 = tpu.vector_load %arg9[%swap3A_335, %swap3A_336, %swap3A_337] {strides = array<i32>} : memref<8x8x129xf32, #tpu.memory_space<vmem>>, vector<16xf32>,
      tpu.vector_store %arg9[%swap3A_335, %swap3A_336, %swap3A_337], %gather3A_309 {strides = array<i32>} : memref<8x8x129xf32, #tpu.memory_space<vmem>>, vector<16xf32>,
      %mul3A_339 = arith.constant 16 : i32
      %mul3A_340 = arith.muli %scan3A_129, %mul3A_339 : i32
      %swap3A_341 = arith.constant 2 : i32
      %swap3A_342 = arith.constant 1 : i32
      %swap3A_343 = arith.index_cast %swap3A_341 : i32 to index
      %swap3A_344 = arith.index_cast %swap3A_342 : i32 to index
      %swap3A_345 = arith.index_cast %mul3A_340 : i32 to index
      %swap3A_346 = tpu.vector_load %arg9[%swap3A_343, %swap3A_344, %swap3A_345] {strides = array<i32>} : memref<8x8x129xf32, #tpu.memory_space<vmem>>, vector<16xf32>,
      tpu.vector_store %arg9[%swap3A_343, %swap3A_344, %swap3A_345], %gather3A_312 {strides = array<i32>} : memref<8x8x129xf32, #tpu.memory_space<vmem>>, vector<16xf32>,
      %mul3A_347 = arith.constant 16 : i32
      %mul3A_348 = arith.muli %scan3A_129, %mul3A_347 : i32
      %swap3A_349 = arith.constant 2 : i32
      %swap3A_350 = arith.constant 2 : i32
      %swap3A_351 = arith.index_cast %swap3A_349 : i32 to index
      %swap3A_352 = arith.index_cast %swap3A_350 : i32 to index
      %swap3A_353 = arith.index_cast %mul3A_348 : i32 to index
      %swap3A_354 = tpu.vector_load %arg9[%swap3A_351, %swap3A_352, %swap3A_353] {strides = array<i32>} : memref<8x8x129xf32, #tpu.memory_space<vmem>>, vector<16xf32>,
      tpu.vector_store %arg9[%swap3A_351, %swap3A_352, %swap3A_353], %gather3A_315 {strides = array<i32>} : memref<8x8x129xf32, #tpu.memory_space<vmem>>, vector<16xf32>,
      %mul3A_355 = arith.constant 16 : i32
      %mul3A_356 = arith.muli %scan3A_129, %mul3A_355 : i32
      %swap3A_357 = arith.constant 2 : i32
      %swap3A_358 = arith.constant 3 : i32
      %swap3A_359 = arith.index_cast %swap3A_357 : i32 to index
      %swap3A_360 = arith.index_cast %swap3A_358 : i32 to index
      %swap3A_361 = arith.index_cast %mul3A_356 : i32 to index
      %swap3A_362 = tpu.vector_load %arg9[%swap3A_359, %swap3A_360, %swap3A_361] {strides = array<i32>} : memref<8x8x129xf32, #tpu.memory_space<vmem>>, vector<16xf32>,
      tpu.vector_store %arg9[%swap3A_359, %swap3A_360, %swap3A_361], %gather3A_318 {strides = array<i32>} : memref<8x8x129xf32, #tpu.memory_space<vmem>>, vector<16xf32>,
      %mul3A_363 = arith.constant 16 : i32
      %mul3A_364 = arith.muli %scan3A_129, %mul3A_363 : i32
      %swap3A_365 = arith.constant 2 : i32
      %swap3A_366 = arith.constant 4 : i32
      %swap3A_367 = arith.index_cast %swap3A_365 : i32 to index
      %swap3A_368 = arith.index_cast %swap3A_366 : i32 to index
      %swap3A_369 = arith.index_cast %mul3A_364 : i32 to index
      %swap3A_370 = tpu.vector_load %arg9[%swap3A_367, %swap3A_368, %swap3A_369] {strides = array<i32>} : memref<8x8x129xf32, #tpu.memory_space<vmem>>, vector<16xf32>,
      tpu.vector_store %arg9[%swap3A_367, %swap3A_368, %swap3A_369], %gather3A_321 {strides = array<i32>} : memref<8x8x129xf32, #tpu.memory_space<vmem>>, vector<16xf32>,
      %mul3A_371 = arith.constant 16 : i32
      %mul3A_372 = arith.muli %scan3A_129, %mul3A_371 : i32
      %swap3A_373 = arith.constant 2 : i32
      %swap3A_374 = arith.constant 5 : i32
      %swap3A_375 = arith.index_cast %swap3A_373 : i32 to index
      %swap3A_376 = arith.index_cast %swap3A_374 : i32 to index
      %swap3A_377 = arith.index_cast %mul3A_372 : i32 to index
      %swap3A_378 = tpu.vector_load %arg9[%swap3A_375, %swap3A_376, %swap3A_377] {strides = array<i32>} : memref<8x8x129xf32, #tpu.memory_space<vmem>>, vector<16xf32>,
      tpu.vector_store %arg9[%swap3A_375, %swap3A_376, %swap3A_377], %gather3A_324 {strides = array<i32>} : memref<8x8x129xf32, #tpu.memory_space<vmem>>, vector<16xf32>,
      %mul3A_379 = arith.constant 16 : i32
      %mul3A_380 = arith.muli %scan3A_129, %mul3A_379 : i32
      %swap3A_381 = arith.constant 2 : i32
      %swap3A_382 = arith.constant 6 : i32
      %swap3A_383 = arith.index_cast %swap3A_381 : i32 to index
      %swap3A_384 = arith.index_cast %swap3A_382 : i32 to index
      %swap3A_385 = arith.index_cast %mul3A_380 : i32 to index
      %swap3A_386 = tpu.vector_load %arg9[%swap3A_383, %swap3A_384, %swap3A_385] {strides = array<i32>} : memref<8x8x129xf32, #tpu.memory_space<vmem>>, vector<16xf32>,
      tpu.vector_store %arg9[%swap3A_383, %swap3A_384, %swap3A_385], %gather3A_327 {strides = array<i32>} : memref<8x8x129xf32, #tpu.memory_space<vmem>>, vector<16xf32>,
      %mul3A_387 = arith.constant 16 : i32
      %mul3A_388 = arith.muli %scan3A_129, %mul3A_387 : i32
      %swap3A_389 = arith.constant 2 : i32
      %swap3A_390 = arith.constant 7 : i32
      %swap3A_391 = arith.index_cast %swap3A_389 : i32 to index
      %swap3A_392 = arith.index_cast %swap3A_390 : i32 to index
      %swap3A_393 = arith.index_cast %mul3A_388 : i32 to index
      %swap3A_394 = tpu.vector_load %arg9[%swap3A_391, %swap3A_392, %swap3A_393] {strides = array<i32>} : memref<8x8x129xf32, #tpu.memory_space<vmem>>, vector<16xf32>,
      tpu.vector_store %arg9[%swap3A_391, %swap3A_392, %swap3A_393], %gather3A_330 {strides = array<i32>} : memref<8x8x129xf32, #tpu.memory_space<vmem>>, vector<16xf32>,
      %broadcast_in_dim3A_395 = arith.constant 24 : i32
      %broadcast_in_dim3A_396 = vector.broadcast %broadcast_in_dim3A_395 : i32 to vector<16xi32>
      %gather3A_397 = tpu.vector_load_idx %arg7[%add3A_133, %broadcast_in_dim3A_396] : memref<128x128xf32, #tpu.memory_space<vmem>>[vector<16xi32>, vector<16xi32>], vector<16xf32>,
      %broadcast_in_dim3A_398 = arith.constant 25 : i32
      %broadcast_in_dim3A_399 = vector.broadcast %broadcast_in_dim3A_398 : i32 to vector<16xi32>
      %gather3A_400 = tpu.vector_load_idx %arg7[%add3A_133, %broadcast_in_dim3A_399] : memref<128x128xf32, #tpu.memory_space<vmem>>[vector<16xi32>, vector<16xi32>], vector<16xf32>,
      %broadcast_in_dim3A_401 = arith.constant 26 : i32
      %broadcast_in_dim3A_402 = vector.broadcast %broadcast_in_dim3A_401 : i32 to vector<16xi32>
      %gather3A_403 = tpu.vector_load_idx %arg7[%add3A_133, %broadcast_in_dim3A_402] : memref<128x128xf32, #tpu.memory_space<vmem>>[vector<16xi32>, vector<16xi32>], vector<16xf32>,
      %broadcast_in_dim3A_404 = arith.constant 27 : i32
      %broadcast_in_dim3A_405 = vector.broadcast %broadcast_in_dim3A_404 : i32 to vector<16xi32>
      %gather3A_406 = tpu.vector_load_idx %arg7[%add3A_133, %broadcast_in_dim3A_405] : memref<128x128xf32, #tpu.memory_space<vmem>>[vector<16xi32>, vector<16xi32>], vector<16xf32>,
      %broadcast_in_dim3A_407 = arith.constant 28 : i32
      %broadcast_in_dim3A_408 = vector.broadcast %broadcast_in_dim3A_407 : i32 to vector<16xi32>
      %gather3A_409 = tpu.vector_load_idx %arg7[%add3A_133, %broadcast_in_dim3A_408] : memref<128x128xf32, #tpu.memory_space<vmem>>[vector<16xi32>, vector<16xi32>], vector<16xf32>,
      %broadcast_in_dim3A_410 = arith.constant 29 : i32
      %broadcast_in_dim3A_411 = vector.broadcast %broadcast_in_dim3A_410 : i32 to vector<16xi32>
      %gather3A_412 = tpu.vector_load_idx %arg7[%add3A_133, %broadcast_in_dim3A_411] : memref<128x128xf32, #tpu.memory_space<vmem>>[vector<16xi32>, vector<16xi32>], vector<16xf32>,
      %broadcast_in_dim3A_413 = arith.constant 30 : i32
      %broadcast_in_dim3A_414 = vector.broadcast %broadcast_in_dim3A_413 : i32 to vector<16xi32>
      %gather3A_415 = tpu.vector_load_idx %arg7[%add3A_133, %broadcast_in_dim3A_414] : memref<128x128xf32, #tpu.memory_space<vmem>>[vector<16xi32>, vector<16xi32>], vector<16xf32>,
      %broadcast_in_dim3A_416 = arith.constant 31 : i32
      %broadcast_in_dim3A_417 = vector.broadcast %broadcast_in_dim3A_416 : i32 to vector<16xi32>
      %gather3A_418 = tpu.vector_load_idx %arg7[%add3A_133, %broadcast_in_dim3A_417] : memref<128x128xf32, #tpu.memory_space<vmem>>[vector<16xi32>, vector<16xi32>], vector<16xf32>,
      %mul3A_419 = arith.constant 16 : i32
      %mul3A_420 = arith.muli %scan3A_129, %mul3A_419 : i32
      %swap3A_421 = arith.constant 3 : i32
      %swap3A_422 = arith.constant 0 : i32
      %swap3A_423 = arith.index_cast %swap3A_421 : i32 to index
      %swap3A_424 = arith.index_cast %swap3A_422 : i32 to index
      %swap3A_425 = arith.index_cast %mul3A_420 : i32 to index
      %swap3A_426 = tpu.vector_load %arg9[%swap3A_423, %swap3A_424, %swap3A_425] {strides = array<i32>} : memref<8x8x129xf32, #tpu.memory_space<vmem>>, vector<16xf32>,
      tpu.vector_store %arg9[%swap3A_423, %swap3A_424, %swap3A_425], %gather3A_397 {strides = array<i32>} : memref<8x8x129xf32, #tpu.memory_space<vmem>>, vector<16xf32>,
      %mul3A_427 = arith.constant 16 : i32
      %mul3A_428 = arith.muli %scan3A_129, %mul3A_427 : i32
      %swap3A_429 = arith.constant 3 : i32
      %swap3A_430 = arith.constant 1 : i32
      %swap3A_431 = arith.index_cast %swap3A_429 : i32 to index
      %swap3A_432 = arith.index_cast %swap3A_430 : i32 to index
      %swap3A_433 = arith.index_cast %mul3A_428 : i32 to index
      %swap3A_434 = tpu.vector_load %arg9[%swap3A_431, %swap3A_432, %swap3A_433] {strides = array<i32>} : memref<8x8x129xf32, #tpu.memory_space<vmem>>, vector<16xf32>,
      tpu.vector_store %arg9[%swap3A_431, %swap3A_432, %swap3A_433], %gather3A_400 {strides = array<i32>} : memref<8x8x129xf32, #tpu.memory_space<vmem>>, vector<16xf32>,
      %mul3A_435 = arith.constant 16 : i32
      %mul3A_436 = arith.muli %scan3A_129, %mul3A_435 : i32
      %swap3A_437 = arith.constant 3 : i32
      %swap3A_438 = arith.constant 2 : i32
      %swap3A_439 = arith.index_cast %swap3A_437 : i32 to index
      %swap3A_440 = arith.index_cast %swap3A_438 : i32 to index
      %swap3A_441 = arith.index_cast %mul3A_436 : i32 to index
      %swap3A_442 = tpu.vector_load %arg9[%swap3A_439, %swap3A_440, %swap3A_441] {strides = array<i32>} : memref<8x8x129xf32, #tpu.memory_space<vmem>>, vector<16xf32>,
      tpu.vector_store %arg9[%swap3A_439, %swap3A_440, %swap3A_441], %gather3A_403 {strides = array<i32>} : memref<8x8x129xf32, #tpu.memory_space<vmem>>, vector<16xf32>,
      %mul3A_443 = arith.constant 16 : i32
      %mul3A_444 = arith.muli %scan3A_129, %mul3A_443 : i32
      %swap3A_445 = arith.constant 3 : i32
      %swap3A_446 = arith.constant 3 : i32
      %swap3A_447 = arith.index_cast %swap3A_445 : i32 to index
      %swap3A_448 = arith.index_cast %swap3A_446 : i32 to index
      %swap3A_449 = arith.index_cast %mul3A_444 : i32 to index
      %swap3A_450 = tpu.vector_load %arg9[%swap3A_447, %swap3A_448, %swap3A_449] {strides = array<i32>} : memref<8x8x129xf32, #tpu.memory_space<vmem>>, vector<16xf32>,
      tpu.vector_store %arg9[%swap3A_447, %swap3A_448, %swap3A_449], %gather3A_406 {strides = array<i32>} : memref<8x8x129xf32, #tpu.memory_space<vmem>>, vector<16xf32>,
      %mul3A_451 = arith.constant 16 : i32
      %mul3A_452 = arith.muli %scan3A_129, %mul3A_451 : i32
      %swap3A_453 = arith.constant 3 : i32
      %swap3A_454 = arith.constant 4 : i32
      %swap3A_455 = arith.index_cast %swap3A_453 : i32 to index
      %swap3A_456 = arith.index_cast %swap3A_454 : i32 to index
      %swap3A_457 = arith.index_cast %mul3A_452 : i32 to index
      %swap3A_458 = tpu.vector_load %arg9[%swap3A_455, %swap3A_456, %swap3A_457] {strides = array<i32>} : memref<8x8x129xf32, #tpu.memory_space<vmem>>, vector<16xf32>,
      tpu.vector_store %arg9[%swap3A_455, %swap3A_456, %swap3A_457], %gather3A_409 {strides = array<i32>} : memref<8x8x129xf32, #tpu.memory_space<vmem>>, vector<16xf32>,
      %mul3A_459 = arith.constant 16 : i32
      %mul3A_460 = arith.muli %scan3A_129, %mul3A_459 : i32
      %swap3A_461 = arith.constant 3 : i32
      %swap3A_462 = arith.constant 5 : i32
      %swap3A_463 = arith.index_cast %swap3A_461 : i32 to index
      %swap3A_464 = arith.index_cast %swap3A_462 : i32 to index
      %swap3A_465 = arith.index_cast %mul3A_460 : i32 to index
      %swap3A_466 = tpu.vector_load %arg9[%swap3A_463, %swap3A_464, %swap3A_465] {strides = array<i32>} : memref<8x8x129xf32, #tpu.memory_space<vmem>>, vector<16xf32>,
      tpu.vector_store %arg9[%swap3A_463, %swap3A_464, %swap3A_465], %gather3A_412 {strides = array<i32>} : memref<8x8x129xf32, #tpu.memory_space<vmem>>, vector<16xf32>,
      %mul3A_467 = arith.constant 16 : i32
      %mul3A_468 = arith.muli %scan3A_129, %mul3A_467 : i32
      %swap3A_469 = arith.constant 3 : i32
      %swap3A_470 = arith.constant 6 : i32
      %swap3A_471 = arith.index_cast %swap3A_469 : i32 to index
      %swap3A_472 = arith.index_cast %swap3A_470 : i32 to index
      %swap3A_473 = arith.index_cast %mul3A_468 : i32 to index
      %swap3A_474 = tpu.vector_load %arg9[%swap3A_471, %swap3A_472, %swap3A_473] {strides = array<i32>} : memref<8x8x129xf32, #tpu.memory_space<vmem>>, vector<16xf32>,
      tpu.vector_store %arg9[%swap3A_471, %swap3A_472, %swap3A_473], %gather3A_415 {strides = array<i32>} : memref<8x8x129xf32, #tpu.memory_space<vmem>>, vector<16xf32>,
      %mul3A_475 = arith.constant 16 : i32
      %mul3A_476 = arith.muli %scan3A_129, %mul3A_475 : i32
      %swap3A_477 = arith.constant 3 : i32
      %swap3A_478 = arith.constant 7 : i32
      %swap3A_479 = arith.index_cast %swap3A_477 : i32 to index
      %swap3A_480 = arith.index_cast %swap3A_478 : i32 to index
      %swap3A_481 = arith.index_cast %mul3A_476 : i32 to index
      %swap3A_482 = tpu.vector_load %arg9[%swap3A_479, %swap3A_480, %swap3A_481] {strides = array<i32>} : memref<8x8x129xf32, #tpu.memory_space<vmem>>, vector<16xf32>,
      tpu.vector_store %arg9[%swap3A_479, %swap3A_480, %swap3A_481], %gather3A_418 {strides = array<i32>} : memref<8x8x129xf32, #tpu.memory_space<vmem>>, vector<16xf32>,
      %broadcast_in_dim3A_483 = arith.constant 32 : i32
      %broadcast_in_dim3A_484 = vector.broadcast %broadcast_in_dim3A_483 : i32 to vector<16xi32>
      %gather3A_485 = tpu.vector_load_idx %arg7[%add3A_133, %broadcast_in_dim3A_484] : memref<128x128xf32, #tpu.memory_space<vmem>>[vector<16xi32>, vector<16xi32>], vector<16xf32>,
      %broadcast_in_dim3A_486 = arith.constant 33 : i32
      %broadcast_in_dim3A_487 = vector.broadcast %broadcast_in_dim3A_486 : i32 to vector<16xi32>
      %gather3A_488 = tpu.vector_load_idx %arg7[%add3A_133, %broadcast_in_dim3A_487] : memref<128x128xf32, #tpu.memory_space<vmem>>[vector<16xi32>, vector<16xi32>], vector<16xf32>,
      %broadcast_in_dim3A_489 = arith.constant 34 : i32
      %broadcast_in_dim3A_490 = vector.broadcast %broadcast_in_dim3A_489 : i32 to vector<16xi32>
      %gather3A_491 = tpu.vector_load_idx %arg7[%add3A_133, %broadcast_in_dim3A_490] : memref<128x128xf32, #tpu.memory_space<vmem>>[vector<16xi32>, vector<16xi32>], vector<16xf32>,
      %broadcast_in_dim3A_492 = arith.constant 35 : i32
      %broadcast_in_dim3A_493 = vector.broadcast %broadcast_in_dim3A_492 : i32 to vector<16xi32>
      %gather3A_494 = tpu.vector_load_idx %arg7[%add3A_133, %broadcast_in_dim3A_493] : memref<128x128xf32, #tpu.memory_space<vmem>>[vector<16xi32>, vector<16xi32>], vector<16xf32>,
      %broadcast_in_dim3A_495 = arith.constant 36 : i32
      %broadcast_in_dim3A_496 = vector.broadcast %broadcast_in_dim3A_495 : i32 to vector<16xi32>
      %gather3A_497 = tpu.vector_load_idx %arg7[%add3A_133, %broadcast_in_dim3A_496] : memref<128x128xf32, #tpu.memory_space<vmem>>[vector<16xi32>, vector<16xi32>], vector<16xf32>,
      %broadcast_in_dim3A_498 = arith.constant 37 : i32
      %broadcast_in_dim3A_499 = vector.broadcast %broadcast_in_dim3A_498 : i32 to vector<16xi32>
      %gather3A_500 = tpu.vector_load_idx %arg7[%add3A_133, %broadcast_in_dim3A_499] : memref<128x128xf32, #tpu.memory_space<vmem>>[vector<16xi32>, vector<16xi32>], vector<16xf32>,
      %broadcast_in_dim3A_501 = arith.constant 38 : i32
      %broadcast_in_dim3A_502 = vector.broadcast %broadcast_in_dim3A_501 : i32 to vector<16xi32>
      %gather3A_503 = tpu.vector_load_idx %arg7[%add3A_133, %broadcast_in_dim3A_502] : memref<128x128xf32, #tpu.memory_space<vmem>>[vector<16xi32>, vector<16xi32>], vector<16xf32>,
      %broadcast_in_dim3A_504 = arith.constant 39 : i32
      %broadcast_in_dim3A_505 = vector.broadcast %broadcast_in_dim3A_504 : i32 to vector<16xi32>
      %gather3A_506 = tpu.vector_load_idx %arg7[%add3A_133, %broadcast_in_dim3A_505] : memref<128x128xf32, #tpu.memory_space<vmem>>[vector<16xi32>, vector<16xi32>], vector<16xf32>,
      %mul3A_507 = arith.constant 16 : i32
      %mul3A_508 = arith.muli %scan3A_129, %mul3A_507 : i32
      %swap3A_509 = arith.constant 4 : i32
      %swap3A_510 = arith.constant 0 : i32
      %swap3A_511 = arith.index_cast %swap3A_509 : i32 to index
      %swap3A_512 = arith.index_cast %swap3A_510 : i32 to index
      %swap3A_513 = arith.index_cast %mul3A_508 : i32 to index
      %swap3A_514 = tpu.vector_load %arg9[%swap3A_511, %swap3A_512, %swap3A_513] {strides = array<i32>} : memref<8x8x129xf32, #tpu.memory_space<vmem>>, vector<16xf32>,
      tpu.vector_store %arg9[%swap3A_511, %swap3A_512, %swap3A_513], %gather3A_485 {strides = array<i32>} : memref<8x8x129xf32, #tpu.memory_space<vmem>>, vector<16xf32>,
      %mul3A_515 = arith.constant 16 : i32
      %mul3A_516 = arith.muli %scan3A_129, %mul3A_515 : i32
      %swap3A_517 = arith.constant 4 : i32
      %swap3A_518 = arith.constant 1 : i32
      %swap3A_519 = arith.index_cast %swap3A_517 : i32 to index
      %swap3A_520 = arith.index_cast %swap3A_518 : i32 to index
      %swap3A_521 = arith.index_cast %mul3A_516 : i32 to index
      %swap3A_522 = tpu.vector_load %arg9[%swap3A_519, %swap3A_520, %swap3A_521] {strides = array<i32>} : memref<8x8x129xf32, #tpu.memory_space<vmem>>, vector<16xf32>,
      tpu.vector_store %arg9[%swap3A_519, %swap3A_520, %swap3A_521], %gather3A_488 {strides = array<i32>} : memref<8x8x129xf32, #tpu.memory_space<vmem>>, vector<16xf32>,
      %mul3A_523 = arith.constant 16 : i32
      %mul3A_524 = arith.muli %scan3A_129, %mul3A_523 : i32
      %swap3A_525 = arith.constant 4 : i32
      %swap3A_526 = arith.constant 2 : i32
      %swap3A_527 = arith.index_cast %swap3A_525 : i32 to index
      %swap3A_528 = arith.index_cast %swap3A_526 : i32 to index
      %swap3A_529 = arith.index_cast %mul3A_524 : i32 to index
      %swap3A_530 = tpu.vector_load %arg9[%swap3A_527, %swap3A_528, %swap3A_529] {strides = array<i32>} : memref<8x8x129xf32, #tpu.memory_space<vmem>>, vector<16xf32>,
      tpu.vector_store %arg9[%swap3A_527, %swap3A_528, %swap3A_529], %gather3A_491 {strides = array<i32>} : memref<8x8x129xf32, #tpu.memory_space<vmem>>, vector<16xf32>,
      %mul3A_531 = arith.constant 16 : i32
      %mul3A_532 = arith.muli %scan3A_129, %mul3A_531 : i32
      %swap3A_533 = arith.constant 4 : i32
      %swap3A_534 = arith.constant 3 : i32
      %swap3A_535 = arith.index_cast %swap3A_533 : i32 to index
      %swap3A_536 = arith.index_cast %swap3A_534 : i32 to index
      %swap3A_537 = arith.index_cast %mul3A_532 : i32 to index
      %swap3A_538 = tpu.vector_load %arg9[%swap3A_535, %swap3A_536, %swap3A_537] {strides = array<i32>} : memref<8x8x129xf32, #tpu.memory_space<vmem>>, vector<16xf32>,
      tpu.vector_store %arg9[%swap3A_535, %swap3A_536, %swap3A_537], %gather3A_494 {strides = array<i32>} : memref<8x8x129xf32, #tpu.memory_space<vmem>>, vector<16xf32>,
      %mul3A_539 = arith.constant 16 : i32
      %mul3A_540 = arith.muli %scan3A_129, %mul3A_539 : i32
      %swap3A_541 = arith.constant 4 : i32
      %swap3A_542 = arith.constant 4 : i32
      %swap3A_543 = arith.index_cast %swap3A_541 : i32 to index
      %swap3A_544 = arith.index_cast %swap3A_542 : i32 to index
      %swap3A_545 = arith.index_cast %mul3A_540 : i32 to index
      %swap3A_546 = tpu.vector_load %arg9[%swap3A_543, %swap3A_544, %swap3A_545] {strides = array<i32>} : memref<8x8x129xf32, #tpu.memory_space<vmem>>, vector<16xf32>,
      tpu.vector_store %arg9[%swap3A_543, %swap3A_544, %swap3A_545], %gather3A_497 {strides = array<i32>} : memref<8x8x129xf32, #tpu.memory_space<vmem>>, vector<16xf32>,
      %mul3A_547 = arith.constant 16 : i32
      %mul3A_548 = arith.muli %scan3A_129, %mul3A_547 : i32
      %swap3A_549 = arith.constant 4 : i32
      %swap3A_550 = arith.constant 5 : i32
      %swap3A_551 = arith.index_cast %swap3A_549 : i32 to index
      %swap3A_552 = arith.index_cast %swap3A_550 : i32 to index
      %swap3A_553 = arith.index_cast %mul3A_548 : i32 to index
      %swap3A_554 = tpu.vector_load %arg9[%swap3A_551, %swap3A_552, %swap3A_553] {strides = array<i32>} : memref<8x8x129xf32, #tpu.memory_space<vmem>>, vector<16xf32>,
      tpu.vector_store %arg9[%swap3A_551, %swap3A_552, %swap3A_553], %gather3A_500 {strides = array<i32>} : memref<8x8x129xf32, #tpu.memory_space<vmem>>, vector<16xf32>,
      %mul3A_555 = arith.constant 16 : i32
      %mul3A_556 = arith.muli %scan3A_129, %mul3A_555 : i32
      %swap3A_557 = arith.constant 4 : i32
      %swap3A_558 = arith.constant 6 : i32
      %swap3A_559 = arith.index_cast %swap3A_557 : i32 to index
      %swap3A_560 = arith.index_cast %swap3A_558 : i32 to index
      %swap3A_561 = arith.index_cast %mul3A_556 : i32 to index
      %swap3A_562 = tpu.vector_load %arg9[%swap3A_559, %swap3A_560, %swap3A_561] {strides = array<i32>} : memref<8x8x129xf32, #tpu.memory_space<vmem>>, vector<16xf32>,
      tpu.vector_store %arg9[%swap3A_559, %swap3A_560, %swap3A_561], %gather3A_503 {strides = array<i32>} : memref<8x8x129xf32, #tpu.memory_space<vmem>>, vector<16xf32>,
      %mul3A_563 = arith.constant 16 : i32
      %mul3A_564 = arith.muli %scan3A_129, %mul3A_563 : i32
      %swap3A_565 = arith.constant 4 : i32
      %swap3A_566 = arith.constant 7 : i32
      %swap3A_567 = arith.index_cast %swap3A_565 : i32 to index
      %swap3A_568 = arith.index_cast %swap3A_566 : i32 to index
      %swap3A_569 = arith.index_cast %mul3A_564 : i32 to index
      %swap3A_570 = tpu.vector_load %arg9[%swap3A_567, %swap3A_568, %swap3A_569] {strides = array<i32>} : memref<8x8x129xf32, #tpu.memory_space<vmem>>, vector<16xf32>,
      tpu.vector_store %arg9[%swap3A_567, %swap3A_568, %swap3A_569], %gather3A_506 {strides = array<i32>} : memref<8x8x129xf32, #tpu.memory_space<vmem>>, vector<16xf32>,
      %broadcast_in_dim3A_571 = arith.constant 40 : i32
      %broadcast_in_dim3A_572 = vector.broadcast %broadcast_in_dim3A_571 : i32 to vector<16xi32>
      %gather3A_573 = tpu.vector_load_idx %arg7[%add3A_133, %broadcast_in_dim3A_572] : memref<128x128xf32, #tpu.memory_space<vmem>>[vector<16xi32>, vector<16xi32>], vector<16xf32>,
      %broadcast_in_dim3A_574 = arith.constant 41 : i32
      %broadcast_in_dim3A_575 = vector.broadcast %broadcast_in_dim3A_574 : i32 to vector<16xi32>
      %gather3A_576 = tpu.vector_load_idx %arg7[%add3A_133, %broadcast_in_dim3A_575] : memref<128x128xf32, #tpu.memory_space<vmem>>[vector<16xi32>, vector<16xi32>], vector<16xf32>,
      %broadcast_in_dim3A_577 = arith.constant 42 : i32
      %broadcast_in_dim3A_578 = vector.broadcast %broadcast_in_dim3A_577 : i32 to vector<16xi32>
      %gather3A_579 = tpu.vector_load_idx %arg7[%add3A_133, %broadcast_in_dim3A_578] : memref<128x128xf32, #tpu.memory_space<vmem>>[vector<16xi32>, vector<16xi32>], vector<16xf32>,
      %broadcast_in_dim3A_580 = arith.constant 43 : i32
      %broadcast_in_dim3A_581 = vector.broadcast %broadcast_in_dim3A_580 : i32 to vector<16xi32>
      %gather3A_582 = tpu.vector_load_idx %arg7[%add3A_133, %broadcast_in_dim3A_581] : memref<128x128xf32, #tpu.memory_space<vmem>>[vector<16xi32>, vector<16xi32>], vector<16xf32>,
      %broadcast_in_dim3A_583 = arith.constant 44 : i32
      %broadcast_in_dim3A_584 = vector.broadcast %broadcast_in_dim3A_583 : i32 to vector<16xi32>
      %gather3A_585 = tpu.vector_load_idx %arg7[%add3A_133, %broadcast_in_dim3A_584] : memref<128x128xf32, #tpu.memory_space<vmem>>[vector<16xi32>, vector<16xi32>], vector<16xf32>,
      %broadcast_in_dim3A_586 = arith.constant 45 : i32
      %broadcast_in_dim3A_587 = vector.broadcast %broadcast_in_dim3A_586 : i32 to vector<16xi32>
      %gather3A_588 = tpu.vector_load_idx %arg7[%add3A_133, %broadcast_in_dim3A_587] : memref<128x128xf32, #tpu.memory_space<vmem>>[vector<16xi32>, vector<16xi32>], vector<16xf32>,
      %broadcast_in_dim3A_589 = arith.constant 46 : i32
      %broadcast_in_dim3A_590 = vector.broadcast %broadcast_in_dim3A_589 : i32 to vector<16xi32>
      %gather3A_591 = tpu.vector_load_idx %arg7[%add3A_133, %broadcast_in_dim3A_590] : memref<128x128xf32, #tpu.memory_space<vmem>>[vector<16xi32>, vector<16xi32>], vector<16xf32>,
      %broadcast_in_dim3A_592 = arith.constant 47 : i32
      %broadcast_in_dim3A_593 = vector.broadcast %broadcast_in_dim3A_592 : i32 to vector<16xi32>
      %gather3A_594 = tpu.vector_load_idx %arg7[%add3A_133, %broadcast_in_dim3A_593] : memref<128x128xf32, #tpu.memory_space<vmem>>[vector<16xi32>, vector<16xi32>], vector<16xf32>,
      %mul3A_595 = arith.constant 16 : i32
      %mul3A_596 = arith.muli %scan3A_129, %mul3A_595 : i32
      %swap3A_597 = arith.constant 5 : i32
      %swap3A_598 = arith.constant 0 : i32
      %swap3A_599 = arith.index_cast %swap3A_597 : i32 to index
      %swap3A_600 = arith.index_cast %swap3A_598 : i32 to index
      %swap3A_601 = arith.index_cast %mul3A_596 : i32 to index
      %swap3A_602 = tpu.vector_load %arg9[%swap3A_599, %swap3A_600, %swap3A_601] {strides = array<i32>} : memref<8x8x129xf32, #tpu.memory_space<vmem>>, vector<16xf32>,
      tpu.vector_store %arg9[%swap3A_599, %swap3A_600, %swap3A_601], %gather3A_573 {strides = array<i32>} : memref<8x8x129xf32, #tpu.memory_space<vmem>>, vector<16xf32>,
      %mul3A_603 = arith.constant 16 : i32
      %mul3A_604 = arith.muli %scan3A_129, %mul3A_603 : i32
      %swap3A_605 = arith.constant 5 : i32
      %swap3A_606 = arith.constant 1 : i32
      %swap3A_607 = arith.index_cast %swap3A_605 : i32 to index
      %swap3A_608 = arith.index_cast %swap3A_606 : i32 to index
      %swap3A_609 = arith.index_cast %mul3A_604 : i32 to index
      %swap3A_610 = tpu.vector_load %arg9[%swap3A_607, %swap3A_608, %swap3A_609] {strides = array<i32>} : memref<8x8x129xf32, #tpu.memory_space<vmem>>, vector<16xf32>,
      tpu.vector_store %arg9[%swap3A_607, %swap3A_608, %swap3A_609], %gather3A_576 {strides = array<i32>} : memref<8x8x129xf32, #tpu.memory_space<vmem>>, vector<16xf32>,
      %mul3A_611 = arith.constant 16 : i32
      %mul3A_612 = arith.muli %scan3A_129, %mul3A_611 : i32
      %swap3A_613 = arith.constant 5 : i32
      %swap3A_614 = arith.constant 2 : i32
      %swap3A_615 = arith.index_cast %swap3A_613 : i32 to index
      %swap3A_616 = arith.index_cast %swap3A_614 : i32 to index
      %swap3A_617 = arith.index_cast %mul3A_612 : i32 to index
      %swap3A_618 = tpu.vector_load %arg9[%swap3A_615, %swap3A_616, %swap3A_617] {strides = array<i32>} : memref<8x8x129xf32, #tpu.memory_space<vmem>>, vector<16xf32>,
      tpu.vector_store %arg9[%swap3A_615, %swap3A_616, %swap3A_617], %gather3A_579 {strides = array<i32>} : memref<8x8x129xf32, #tpu.memory_space<vmem>>, vector<16xf32>,
      %mul3A_619 = arith.constant 16 : i32
      %mul3A_620 = arith.muli %scan3A_129, %mul3A_619 : i32
      %swap3A_621 = arith.constant 5 : i32
      %swap3A_622 = arith.constant 3 : i32
      %swap3A_623 = arith.index_cast %swap3A_621 : i32 to index
      %swap3A_624 = arith.index_cast %swap3A_622 : i32 to index
      %swap3A_625 = arith.index_cast %mul3A_620 : i32 to index
      %swap3A_626 = tpu.vector_load %arg9[%swap3A_623, %swap3A_624, %swap3A_625] {strides = array<i32>} : memref<8x8x129xf32, #tpu.memory_space<vmem>>, vector<16xf32>,
      tpu.vector_store %arg9[%swap3A_623, %swap3A_624, %swap3A_625], %gather3A_582 {strides = array<i32>} : memref<8x8x129xf32, #tpu.memory_space<vmem>>, vector<16xf32>,
      %mul3A_627 = arith.constant 16 : i32
      %mul3A_628 = arith.muli %scan3A_129, %mul3A_627 : i32
      %swap3A_629 = arith.constant 5 : i32
      %swap3A_630 = arith.constant 4 : i32
      %swap3A_631 = arith.index_cast %swap3A_629 : i32 to index
      %swap3A_632 = arith.index_cast %swap3A_630 : i32 to index
      %swap3A_633 = arith.index_cast %mul3A_628 : i32 to index
      %swap3A_634 = tpu.vector_load %arg9[%swap3A_631, %swap3A_632, %swap3A_633] {strides = array<i32>} : memref<8x8x129xf32, #tpu.memory_space<vmem>>, vector<16xf32>,
      tpu.vector_store %arg9[%swap3A_631, %swap3A_632, %swap3A_633], %gather3A_585 {strides = array<i32>} : memref<8x8x129xf32, #tpu.memory_space<vmem>>, vector<16xf32>,
      %mul3A_635 = arith.constant 16 : i32
      %mul3A_636 = arith.muli %scan3A_129, %mul3A_635 : i32
      %swap3A_637 = arith.constant 5 : i32
      %swap3A_638 = arith.constant 5 : i32
      %swap3A_639 = arith.index_cast %swap3A_637 : i32 to index
      %swap3A_640 = arith.index_cast %swap3A_638 : i32 to index
      %swap3A_641 = arith.index_cast %mul3A_636 : i32 to index
      %swap3A_642 = tpu.vector_load %arg9[%swap3A_639, %swap3A_640, %swap3A_641] {strides = array<i32>} : memref<8x8x129xf32, #tpu.memory_space<vmem>>, vector<16xf32>,
      tpu.vector_store %arg9[%swap3A_639, %swap3A_640, %swap3A_641], %gather3A_588 {strides = array<i32>} : memref<8x8x129xf32, #tpu.memory_space<vmem>>, vector<16xf32>,
      %mul3A_643 = arith.constant 16 : i32
      %mul3A_644 = arith.muli %scan3A_129, %mul3A_643 : i32
      %swap3A_645 = arith.constant 5 : i32
      %swap3A_646 = arith.constant 6 : i32
      %swap3A_647 = arith.index_cast %swap3A_645 : i32 to index
      %swap3A_648 = arith.index_cast %swap3A_646 : i32 to index
      %swap3A_649 = arith.index_cast %mul3A_644 : i32 to index
      %swap3A_650 = tpu.vector_load %arg9[%swap3A_647, %swap3A_648, %swap3A_649] {strides = array<i32>} : memref<8x8x129xf32, #tpu.memory_space<vmem>>, vector<16xf32>,
      tpu.vector_store %arg9[%swap3A_647, %swap3A_648, %swap3A_649], %gather3A_591 {strides = array<i32>} : memref<8x8x129xf32, #tpu.memory_space<vmem>>, vector<16xf32>,
      %mul3A_651 = arith.constant 16 : i32
      %mul3A_652 = arith.muli %scan3A_129, %mul3A_651 : i32
      %swap3A_653 = arith.constant 5 : i32
      %swap3A_654 = arith.constant 7 : i32
      %swap3A_655 = arith.index_cast %swap3A_653 : i32 to index
      %swap3A_656 = arith.index_cast %swap3A_654 : i32 to index
      %swap3A_657 = arith.index_cast %mul3A_652 : i32 to index
      %swap3A_658 = tpu.vector_load %arg9[%swap3A_655, %swap3A_656, %swap3A_657] {strides = array<i32>} : memref<8x8x129xf32, #tpu.memory_space<vmem>>, vector<16xf32>,
      tpu.vector_store %arg9[%swap3A_655, %swap3A_656, %swap3A_657], %gather3A_594 {strides = array<i32>} : memref<8x8x129xf32, #tpu.memory_space<vmem>>, vector<16xf32>,
      %broadcast_in_dim3A_659 = arith.constant 48 : i32
      %broadcast_in_dim3A_660 = vector.broadcast %broadcast_in_dim3A_659 : i32 to vector<16xi32>
      %gather3A_661 = tpu.vector_load_idx %arg7[%add3A_133, %broadcast_in_dim3A_660] : memref<128x128xf32, #tpu.memory_space<vmem>>[vector<16xi32>, vector<16xi32>], vector<16xf32>,
      %broadcast_in_dim3A_662 = arith.constant 49 : i32
      %broadcast_in_dim3A_663 = vector.broadcast %broadcast_in_dim3A_662 : i32 to vector<16xi32>
      %gather3A_664 = tpu.vector_load_idx %arg7[%add3A_133, %broadcast_in_dim3A_663] : memref<128x128xf32, #tpu.memory_space<vmem>>[vector<16xi32>, vector<16xi32>], vector<16xf32>,
      %broadcast_in_dim3A_665 = arith.constant 50 : i32
      %broadcast_in_dim3A_666 = vector.broadcast %broadcast_in_dim3A_665 : i32 to vector<16xi32>
      %gather3A_667 = tpu.vector_load_idx %arg7[%add3A_133, %broadcast_in_dim3A_666] : memref<128x128xf32, #tpu.memory_space<vmem>>[vector<16xi32>, vector<16xi32>], vector<16xf32>,
      %broadcast_in_dim3A_668 = arith.constant 51 : i32
      %broadcast_in_dim3A_669 = vector.broadcast %broadcast_in_dim3A_668 : i32 to vector<16xi32>
      %gather3A_670 = tpu.vector_load_idx %arg7[%add3A_133, %broadcast_in_dim3A_669] : memref<128x128xf32, #tpu.memory_space<vmem>>[vector<16xi32>, vector<16xi32>], vector<16xf32>,
      %broadcast_in_dim3A_671 = arith.constant 52 : i32
      %broadcast_in_dim3A_672 = vector.broadcast %broadcast_in_dim3A_671 : i32 to vector<16xi32>
      %gather3A_673 = tpu.vector_load_idx %arg7[%add3A_133, %broadcast_in_dim3A_672] : memref<128x128xf32, #tpu.memory_space<vmem>>[vector<16xi32>, vector<16xi32>], vector<16xf32>,
      %broadcast_in_dim3A_674 = arith.constant 53 : i32
      %broadcast_in_dim3A_675 = vector.broadcast %broadcast_in_dim3A_674 : i32 to vector<16xi32>
      %gather3A_676 = tpu.vector_load_idx %arg7[%add3A_133, %broadcast_in_dim3A_675] : memref<128x128xf32, #tpu.memory_space<vmem>>[vector<16xi32>, vector<16xi32>], vector<16xf32>,
      %broadcast_in_dim3A_677 = arith.constant 54 : i32
      %broadcast_in_dim3A_678 = vector.broadcast %broadcast_in_dim3A_677 : i32 to vector<16xi32>
      %gather3A_679 = tpu.vector_load_idx %arg7[%add3A_133, %broadcast_in_dim3A_678] : memref<128x128xf32, #tpu.memory_space<vmem>>[vector<16xi32>, vector<16xi32>], vector<16xf32>,
      %broadcast_in_dim3A_680 = arith.constant 55 : i32
      %broadcast_in_dim3A_681 = vector.broadcast %broadcast_in_dim3A_680 : i32 to vector<16xi32>
      %gather3A_682 = tpu.vector_load_idx %arg7[%add3A_133, %broadcast_in_dim3A_681] : memref<128x128xf32, #tpu.memory_space<vmem>>[vector<16xi32>, vector<16xi32>], vector<16xf32>,
      %mul3A_683 = arith.constant 16 : i32
      %mul3A_684 = arith.muli %scan3A_129, %mul3A_683 : i32
      %swap3A_685 = arith.constant 6 : i32
      %swap3A_686 = arith.constant 0 : i32
      %swap3A_687 = arith.index_cast %swap3A_685 : i32 to index
      %swap3A_688 = arith.index_cast %swap3A_686 : i32 to index
      %swap3A_689 = arith.index_cast %mul3A_684 : i32 to index
      %swap3A_690 = tpu.vector_load %arg9[%swap3A_687, %swap3A_688, %swap3A_689] {strides = array<i32>} : memref<8x8x129xf32, #tpu.memory_space<vmem>>, vector<16xf32>,
      tpu.vector_store %arg9[%swap3A_687, %swap3A_688, %swap3A_689], %gather3A_661 {strides = array<i32>} : memref<8x8x129xf32, #tpu.memory_space<vmem>>, vector<16xf32>,
      %mul3A_691 = arith.constant 16 : i32
      %mul3A_692 = arith.muli %scan3A_129, %mul3A_691 : i32
      %swap3A_693 = arith.constant 6 : i32
      %swap3A_694 = arith.constant 1 : i32
      %swap3A_695 = arith.index_cast %swap3A_693 : i32 to index
      %swap3A_696 = arith.index_cast %swap3A_694 : i32 to index
      %swap3A_697 = arith.index_cast %mul3A_692 : i32 to index
      %swap3A_698 = tpu.vector_load %arg9[%swap3A_695, %swap3A_696, %swap3A_697] {strides = array<i32>} : memref<8x8x129xf32, #tpu.memory_space<vmem>>, vector<16xf32>,
      tpu.vector_store %arg9[%swap3A_695, %swap3A_696, %swap3A_697], %gather3A_664 {strides = array<i32>} : memref<8x8x129xf32, #tpu.memory_space<vmem>>, vector<16xf32>,
      %mul3A_699 = arith.constant 16 : i32
      %mul3A_700 = arith.muli %scan3A_129, %mul3A_699 : i32
      %swap3A_701 = arith.constant 6 : i32
      %swap3A_702 = arith.constant 2 : i32
      %swap3A_703 = arith.index_cast %swap3A_701 : i32 to index
      %swap3A_704 = arith.index_cast %swap3A_702 : i32 to index
      %swap3A_705 = arith.index_cast %mul3A_700 : i32 to index
      %swap3A_706 = tpu.vector_load %arg9[%swap3A_703, %swap3A_704, %swap3A_705] {strides = array<i32>} : memref<8x8x129xf32, #tpu.memory_space<vmem>>, vector<16xf32>,
      tpu.vector_store %arg9[%swap3A_703, %swap3A_704, %swap3A_705], %gather3A_667 {strides = array<i32>} : memref<8x8x129xf32, #tpu.memory_space<vmem>>, vector<16xf32>,
      %mul3A_707 = arith.constant 16 : i32
      %mul3A_708 = arith.muli %scan3A_129, %mul3A_707 : i32
      %swap3A_709 = arith.constant 6 : i32
      %swap3A_710 = arith.constant 3 : i32
      %swap3A_711 = arith.index_cast %swap3A_709 : i32 to index
      %swap3A_712 = arith.index_cast %swap3A_710 : i32 to index
      %swap3A_713 = arith.index_cast %mul3A_708 : i32 to index
      %swap3A_714 = tpu.vector_load %arg9[%swap3A_711, %swap3A_712, %swap3A_713] {strides = array<i32>} : memref<8x8x129xf32, #tpu.memory_space<vmem>>, vector<16xf32>,
      tpu.vector_store %arg9[%swap3A_711, %swap3A_712, %swap3A_713], %gather3A_670 {strides = array<i32>} : memref<8x8x129xf32, #tpu.memory_space<vmem>>, vector<16xf32>,
      %mul3A_715 = arith.constant 16 : i32
      %mul3A_716 = arith.muli %scan3A_129, %mul3A_715 : i32
      %swap3A_717 = arith.constant 6 : i32
      %swap3A_718 = arith.constant 4 : i32
      %swap3A_719 = arith.index_cast %swap3A_717 : i32 to index
      %swap3A_720 = arith.index_cast %swap3A_718 : i32 to index
      %swap3A_721 = arith.index_cast %mul3A_716 : i32 to index
      %swap3A_722 = tpu.vector_load %arg9[%swap3A_719, %swap3A_720, %swap3A_721] {strides = array<i32>} : memref<8x8x129xf32, #tpu.memory_space<vmem>>, vector<16xf32>,
      tpu.vector_store %arg9[%swap3A_719, %swap3A_720, %swap3A_721], %gather3A_673 {strides = array<i32>} : memref<8x8x129xf32, #tpu.memory_space<vmem>>, vector<16xf32>,
      %mul3A_723 = arith.constant 16 : i32
      %mul3A_724 = arith.muli %scan3A_129, %mul3A_723 : i32
      %swap3A_725 = arith.constant 6 : i32
      %swap3A_726 = arith.constant 5 : i32
      %swap3A_727 = arith.index_cast %swap3A_725 : i32 to index
      %swap3A_728 = arith.index_cast %swap3A_726 : i32 to index
      %swap3A_729 = arith.index_cast %mul3A_724 : i32 to index
      %swap3A_730 = tpu.vector_load %arg9[%swap3A_727, %swap3A_728, %swap3A_729] {strides = array<i32>} : memref<8x8x129xf32, #tpu.memory_space<vmem>>, vector<16xf32>,
      tpu.vector_store %arg9[%swap3A_727, %swap3A_728, %swap3A_729], %gather3A_676 {strides = array<i32>} : memref<8x8x129xf32, #tpu.memory_space<vmem>>, vector<16xf32>,
      %mul3A_731 = arith.constant 16 : i32
      %mul3A_732 = arith.muli %scan3A_129, %mul3A_731 : i32
      %swap3A_733 = arith.constant 6 : i32
      %swap3A_734 = arith.constant 6 : i32
      %swap3A_735 = arith.index_cast %swap3A_733 : i32 to index
      %swap3A_736 = arith.index_cast %swap3A_734 : i32 to index
      %swap3A_737 = arith.index_cast %mul3A_732 : i32 to index
      %swap3A_738 = tpu.vector_load %arg9[%swap3A_735, %swap3A_736, %swap3A_737] {strides = array<i32>} : memref<8x8x129xf32, #tpu.memory_space<vmem>>, vector<16xf32>,
      tpu.vector_store %arg9[%swap3A_735, %swap3A_736, %swap3A_737], %gather3A_679 {strides = array<i32>} : memref<8x8x129xf32, #tpu.memory_space<vmem>>, vector<16xf32>,
      %mul3A_739 = arith.constant 16 : i32
      %mul3A_740 = arith.muli %scan3A_129, %mul3A_739 : i32
      %swap3A_741 = arith.constant 6 : i32
      %swap3A_742 = arith.constant 7 : i32
      %swap3A_743 = arith.index_cast %swap3A_741 : i32 to index
      %swap3A_744 = arith.index_cast %swap3A_742 : i32 to index
      %swap3A_745 = arith.index_cast %mul3A_740 : i32 to index
      %swap3A_746 = tpu.vector_load %arg9[%swap3A_743, %swap3A_744, %swap3A_745] {strides = array<i32>} : memref<8x8x129xf32, #tpu.memory_space<vmem>>, vector<16xf32>,
      tpu.vector_store %arg9[%swap3A_743, %swap3A_744, %swap3A_745], %gather3A_682 {strides = array<i32>} : memref<8x8x129xf32, #tpu.memory_space<vmem>>, vector<16xf32>,
      %broadcast_in_dim3A_747 = arith.constant 56 : i32
      %broadcast_in_dim3A_748 = vector.broadcast %broadcast_in_dim3A_747 : i32 to vector<16xi32>
      %gather3A_749 = tpu.vector_load_idx %arg7[%add3A_133, %broadcast_in_dim3A_748] : memref<128x128xf32, #tpu.memory_space<vmem>>[vector<16xi32>, vector<16xi32>], vector<16xf32>,
      %broadcast_in_dim3A_750 = arith.constant 57 : i32
      %broadcast_in_dim3A_751 = vector.broadcast %broadcast_in_dim3A_750 : i32 to vector<16xi32>
      %gather3A_752 = tpu.vector_load_idx %arg7[%add3A_133, %broadcast_in_dim3A_751] : memref<128x128xf32, #tpu.memory_space<vmem>>[vector<16xi32>, vector<16xi32>], vector<16xf32>,
      %broadcast_in_dim3A_753 = arith.constant 58 : i32
      %broadcast_in_dim3A_754 = vector.broadcast %broadcast_in_dim3A_753 : i32 to vector<16xi32>
      %gather3A_755 = tpu.vector_load_idx %arg7[%add3A_133, %broadcast_in_dim3A_754] : memref<128x128xf32, #tpu.memory_space<vmem>>[vector<16xi32>, vector<16xi32>], vector<16xf32>,
      %broadcast_in_dim3A_756 = arith.constant 59 : i32
      %broadcast_in_dim3A_757 = vector.broadcast %broadcast_in_dim3A_756 : i32 to vector<16xi32>
      %gather3A_758 = tpu.vector_load_idx %arg7[%add3A_133, %broadcast_in_dim3A_757] : memref<128x128xf32, #tpu.memory_space<vmem>>[vector<16xi32>, vector<16xi32>], vector<16xf32>,
      %broadcast_in_dim3A_759 = arith.constant 60 : i32
      %broadcast_in_dim3A_760 = vector.broadcast %broadcast_in_dim3A_759 : i32 to vector<16xi32>
      %gather3A_761 = tpu.vector_load_idx %arg7[%add3A_133, %broadcast_in_dim3A_760] : memref<128x128xf32, #tpu.memory_space<vmem>>[vector<16xi32>, vector<16xi32>], vector<16xf32>,
      %broadcast_in_dim3A_762 = arith.constant 61 : i32
      %broadcast_in_dim3A_763 = vector.broadcast %broadcast_in_dim3A_762 : i32 to vector<16xi32>
      %gather3A_764 = tpu.vector_load_idx %arg7[%add3A_133, %broadcast_in_dim3A_763] : memref<128x128xf32, #tpu.memory_space<vmem>>[vector<16xi32>, vector<16xi32>], vector<16xf32>,
      %broadcast_in_dim3A_765 = arith.constant 62 : i32
      %broadcast_in_dim3A_766 = vector.broadcast %broadcast_in_dim3A_765 : i32 to vector<16xi32>
      %gather3A_767 = tpu.vector_load_idx %arg7[%add3A_133, %broadcast_in_dim3A_766] : memref<128x128xf32, #tpu.memory_space<vmem>>[vector<16xi32>, vector<16xi32>], vector<16xf32>,
      %broadcast_in_dim3A_768 = arith.constant 63 : i32
      %broadcast_in_dim3A_769 = vector.broadcast %broadcast_in_dim3A_768 : i32 to vector<16xi32>
      %gather3A_770 = tpu.vector_load_idx %arg7[%add3A_133, %broadcast_in_dim3A_769] : memref<128x128xf32, #tpu.memory_space<vmem>>[vector<16xi32>, vector<16xi32>], vector<16xf32>,
      %mul3A_771 = arith.constant 16 : i32
      %mul3A_772 = arith.muli %scan3A_129, %mul3A_771 : i32
      %swap3A_773 = arith.constant 7 : i32
      %swap3A_774 = arith.constant 0 : i32
      %swap3A_775 = arith.index_cast %swap3A_773 : i32 to index
      %swap3A_776 = arith.index_cast %swap3A_774 : i32 to index
      %swap3A_777 = arith.index_cast %mul3A_772 : i32 to index
      %swap3A_778 = tpu.vector_load %arg9[%swap3A_775, %swap3A_776, %swap3A_777] {strides = array<i32>} : memref<8x8x129xf32, #tpu.memory_space<vmem>>, vector<16xf32>,
      tpu.vector_store %arg9[%swap3A_775, %swap3A_776, %swap3A_777], %gather3A_749 {strides = array<i32>} : memref<8x8x129xf32, #tpu.memory_space<vmem>>, vector<16xf32>,
      %mul3A_779 = arith.constant 16 : i32
      %mul3A_780 = arith.muli %scan3A_129, %mul3A_779 : i32
      %swap3A_781 = arith.constant 7 : i32
      %swap3A_782 = arith.constant 1 : i32
      %swap3A_783 = arith.index_cast %swap3A_781 : i32 to index
      %swap3A_784 = arith.index_cast %swap3A_782 : i32 to index
      %swap3A_785 = arith.index_cast %mul3A_780 : i32 to index
      %swap3A_786 = tpu.vector_load %arg9[%swap3A_783, %swap3A_784, %swap3A_785] {strides = array<i32>} : memref<8x8x129xf32, #tpu.memory_space<vmem>>, vector<16xf32>,
      tpu.vector_store %arg9[%swap3A_783, %swap3A_784, %swap3A_785], %gather3A_752 {strides = array<i32>} : memref<8x8x129xf32, #tpu.memory_space<vmem>>, vector<16xf32>,
      %mul3A_787 = arith.constant 16 : i32
      %mul3A_788 = arith.muli %scan3A_129, %mul3A_787 : i32
      %swap3A_789 = arith.constant 7 : i32
      %swap3A_790 = arith.constant 2 : i32
      %swap3A_791 = arith.index_cast %swap3A_789 : i32 to index
      %swap3A_792 = arith.index_cast %swap3A_790 : i32 to index
      %swap3A_793 = arith.index_cast %mul3A_788 : i32 to index
      %swap3A_794 = tpu.vector_load %arg9[%swap3A_791, %swap3A_792, %swap3A_793] {strides = array<i32>} : memref<8x8x129xf32, #tpu.memory_space<vmem>>, vector<16xf32>,
      tpu.vector_store %arg9[%swap3A_791, %swap3A_792, %swap3A_793], %gather3A_755 {strides = array<i32>} : memref<8x8x129xf32, #tpu.memory_space<vmem>>, vector<16xf32>,
      %mul3A_795 = arith.constant 16 : i32
      %mul3A_796 = arith.muli %scan3A_129, %mul3A_795 : i32
      %swap3A_797 = arith.constant 7 : i32
      %swap3A_798 = arith.constant 3 : i32
      %swap3A_799 = arith.index_cast %swap3A_797 : i32 to index
      %swap3A_800 = arith.index_cast %swap3A_798 : i32 to index
      %swap3A_801 = arith.index_cast %mul3A_796 : i32 to index
      %swap3A_802 = tpu.vector_load %arg9[%swap3A_799, %swap3A_800, %swap3A_801] {strides = array<i32>} : memref<8x8x129xf32, #tpu.memory_space<vmem>>, vector<16xf32>,
      tpu.vector_store %arg9[%swap3A_799, %swap3A_800, %swap3A_801], %gather3A_758 {strides = array<i32>} : memref<8x8x129xf32, #tpu.memory_space<vmem>>, vector<16xf32>,
      %mul3A_803 = arith.constant 16 : i32
      %mul3A_804 = arith.muli %scan3A_129, %mul3A_803 : i32
      %swap3A_805 = arith.constant 7 : i32
      %swap3A_806 = arith.constant 4 : i32
      %swap3A_807 = arith.index_cast %swap3A_805 : i32 to index
      %swap3A_808 = arith.index_cast %swap3A_806 : i32 to index
      %swap3A_809 = arith.index_cast %mul3A_804 : i32 to index
      %swap3A_810 = tpu.vector_load %arg9[%swap3A_807, %swap3A_808, %swap3A_809] {strides = array<i32>} : memref<8x8x129xf32, #tpu.memory_space<vmem>>, vector<16xf32>,
      tpu.vector_store %arg9[%swap3A_807, %swap3A_808, %swap3A_809], %gather3A_761 {strides = array<i32>} : memref<8x8x129xf32, #tpu.memory_space<vmem>>, vector<16xf32>,
      %mul3A_811 = arith.constant 16 : i32
      %mul3A_812 = arith.muli %scan3A_129, %mul3A_811 : i32
      %swap3A_813 = arith.constant 7 : i32
      %swap3A_814 = arith.constant 5 : i32
      %swap3A_815 = arith.index_cast %swap3A_813 : i32 to index
      %swap3A_816 = arith.index_cast %swap3A_814 : i32 to index
      %swap3A_817 = arith.index_cast %mul3A_812 : i32 to index
      %swap3A_818 = tpu.vector_load %arg9[%swap3A_815, %swap3A_816, %swap3A_817] {strides = array<i32>} : memref<8x8x129xf32, #tpu.memory_space<vmem>>, vector<16xf32>,
      tpu.vector_store %arg9[%swap3A_815, %swap3A_816, %swap3A_817], %gather3A_764 {strides = array<i32>} : memref<8x8x129xf32, #tpu.memory_space<vmem>>, vector<16xf32>,
      %mul3A_819 = arith.constant 16 : i32
      %mul3A_820 = arith.muli %scan3A_129, %mul3A_819 : i32
      %swap3A_821 = arith.constant 7 : i32
      %swap3A_822 = arith.constant 6 : i32
      %swap3A_823 = arith.index_cast %swap3A_821 : i32 to index
      %swap3A_824 = arith.index_cast %swap3A_822 : i32 to index
      %swap3A_825 = arith.index_cast %mul3A_820 : i32 to index
      %swap3A_826 = tpu.vector_load %arg9[%swap3A_823, %swap3A_824, %swap3A_825] {strides = array<i32>} : memref<8x8x129xf32, #tpu.memory_space<vmem>>, vector<16xf32>,
      tpu.vector_store %arg9[%swap3A_823, %swap3A_824, %swap3A_825], %gather3A_767 {strides = array<i32>} : memref<8x8x129xf32, #tpu.memory_space<vmem>>, vector<16xf32>,
      %mul3A_827 = arith.constant 16 : i32
      %mul3A_828 = arith.muli %scan3A_129, %mul3A_827 : i32
      %swap3A_829 = arith.constant 7 : i32
      %swap3A_830 = arith.constant 7 : i32
      %swap3A_831 = arith.index_cast %swap3A_829 : i32 to index
      %swap3A_832 = arith.index_cast %swap3A_830 : i32 to index
      %swap3A_833 = arith.index_cast %mul3A_828 : i32 to index
      %swap3A_834 = tpu.vector_load %arg9[%swap3A_831, %swap3A_832, %swap3A_833] {strides = array<i32>} : memref<8x8x129xf32, #tpu.memory_space<vmem>>, vector<16xf32>,
      tpu.vector_store %arg9[%swap3A_831, %swap3A_832, %swap3A_833], %gather3A_770 {strides = array<i32>} : memref<8x8x129xf32, #tpu.memory_space<vmem>>, vector<16xf32>,
    }
    %scan3A_65 = arith.constant 8 : i32
    %dma_start3A_66 = arith.constant 1 : i32
    %dma_start3A_67 = arith.constant 0 : i32
    %dma_start3A_68 = arith.constant 0 : i32
    %dma_start3A_69 = arith.constant 0 : i32
    %dma_start3A_70 = tpu.memref_slice %arg9[%dma_start3A_67, %dma_start3A_68, %dma_start3A_69] : memref<8x8x129xf32, #tpu.memory_space<vmem>> -> memref<8x8x128xf32, #tpu.memory_space<vmem>>
    %dma_start3A_71 = arith.constant 0 : i32
    %dma_start3A_72 = arith.constant 0 : i32
    %dma_start3A_73 = arith.constant 0 : i32
    %dma_start3A_74 = tpu.memref_slice %arg4[%dma_start3A_66, %dma_start3A_71, %add3A, %dma_start3A_72, %dma_start3A_73] : memref<200x8x32x8x128xf32, #tpu.memory_space<hbm>> -> memref<1x8x1x8x128xf32, #tpu.memory_space<hbm>>
    %dma_start3A_75 = tpu.memref_squeeze %dma_start3A_74 : memref<1x8x1x8x128xf32, #tpu.memory_space<hbm>> -> memref<8x8x128xf32, #tpu.memory_space<hbm>>
    %dma_start3A_76 = arith.constant 0 : i32
    %dma_start3A_77 = arith.constant 0 : i32
    %dma_start3A_78 = arith.constant 0 : i32
    %dma_start3A_79 = tpu.memref_slice %arg4[%dma_start3A_66, %dma_start3A_76, %add3A, %dma_start3A_77, %dma_start3A_78] : memref<200x8x32x8x128xf32, #tpu.memory_space<hbm>> -> memref<1x8x1x8x128xf32, #tpu.memory_space<hbm>>
    %dma_start3A_80 = tpu.memref_squeeze %dma_start3A_79 : memref<1x8x1x8x128xf32, #tpu.memory_space<hbm>> -> memref<8x8x128xf32, #tpu.memory_space<hbm>>
    %dma_start3A_81 = arith.constant 0 : i32
    %dma_start3A_82 = arith.constant 0 : i32
    %dma_start3A_83 = arith.constant 0 : i32
    %dma_start3A_84 = tpu.memref_slice %arg9[%dma_start3A_81, %dma_start3A_82, %dma_start3A_83] : memref<8x8x129xf32, #tpu.memory_space<vmem>> -> memref<8x8x128xf32, #tpu.memory_space<vmem>>
    tpu.enqueue_dma source(%dma_start3A_84 : memref<8x8x128xf32, #tpu.memory_space<vmem>>) target(%dma_start3A_80 : memref<8x8x128xf32, #tpu.memory_space<hbm>>) target_semaphore(%arg13 : memref<!tpu.dma_semaphore, #tpu.memory_space<semaphore_mem>>)
    %scan3A_85 = arith.constant 0 : i32
    %scan3A_86 = arith.constant 0 : i32
    %scan3A_87 = arith.constant 99 : i32
    %scan3A_88 = arith.addi %scan3A_86, %scan3A_87 : i32
    %scan3A_89 = arith.constant 1 : i32
    scf.for %scan3A_129 = %scan3A_86 to %scan3A_88 step %scan3A_89  : i32 {
      %mul3A_130 = arith.constant 2 : i32
      %mul3A_131 = arith.muli %mul3A_130, %scan3A_129 : i32
      %add3A_132 = arith.constant 3 : i32
      %add3A_133 = arith.addi %mul3A_131, %add3A_132 : i32
      %lt3A = arith.constant 200 : i32
      %lt3A_134 = arith.cmpi slt, %add3A_133, %lt3A : i32
      %convert_element_type3A = arith.extui %lt3A_134 : i1 to i32
      %cond3A = arith.constant 0 : i32
      %cond3A_135 = arith.cmpi ne, %convert_element_type3A, %cond3A : i32
      scf.if %cond3A_135 {
        %add3A_246 = arith.constant 3 : i32
        %add3A_247 = arith.addi %mul3A_131, %add3A_246 : i32
        %dma_start3A_248 = arith.constant 0 : i32
        %dma_start3A_249 = tpu.memref_slice %arg5[%add3A_247, %dma_start3A_248] : memref<200x128xi32, #tpu.memory_space<vmem>> -> memref<1x128xi32, #tpu.memory_space<vmem>>
        %dma_start3A_250 = tpu.memref_squeeze %dma_start3A_249 : memref<1x128xi32, #tpu.memory_space<vmem>> -> memref<128xi32, #tpu.memory_space<vmem>>
        %dma_start3A_251 = arith.constant 0 : i32
        %dma_start3A_252 = arith.constant 0 : i32
        %dma_start3A_253 = tpu.memref_slice %arg3[%dma_start3A_251, %dma_start3A_252] : memref<1000000x128xf32, #tpu.memory_space<hbm>> -> memref<1000000x128xf32, #tpu.memory_space<hbm>>
        tpu.enqueue_indirect_dma source(%dma_start3A_253 : memref<1000000x128xf32, #tpu.memory_space<hbm>>) target(%arg7 : memref<128x128xf32, #tpu.memory_space<vmem>>) offsets(%dma_start3A_250 : memref<128xi32, #tpu.memory_space<vmem>>) semaphore(%arg11 : memref<!tpu.dma_semaphore, #tpu.memory_space<semaphore_mem>>)
      } else {
      }
      %add3A_136 = arith.constant 2 : i32
      %add3A_137 = arith.addi %mul3A_131, %add3A_136 : i32
      %sub3A = arith.constant 2 : i32
      %sub3A_138 = arith.subi %add3A_137, %sub3A : i32
      %dma_wait3A_139 = arith.constant 0 : i32
      %dma_wait3A_140 = arith.constant 0 : i32
      %dma_wait3A_141 = arith.constant 0 : i32
      %dma_wait3A_142 = tpu.memref_slice %arg8[%dma_wait3A_139, %dma_wait3A_140, %dma_wait3A_141] : memref<8x8x129xf32, #tpu.memory_space<vmem>> -> memref<8x8x128xf32, #tpu.memory_space<vmem>>
      %dma_wait3A_143 = arith.constant 0 : i32
      %dma_wait3A_144 = arith.constant 0 : i32
      %dma_wait3A_145 = arith.constant 0 : i32
      %dma_wait3A_146 = tpu.memref_slice %arg4[%sub3A_138, %dma_wait3A_143, %add3A, %dma_wait3A_144, %dma_wait3A_145] : memref<200x8x32x8x128xf32, #tpu.memory_space<hbm>> -> memref<1x8x1x8x128xf32, #tpu.memory_space<hbm>>
      %dma_wait3A_147 = tpu.memref_squeeze %dma_wait3A_146 : memref<1x8x1x8x128xf32, #tpu.memory_space<hbm>> -> memref<8x8x128xf32, #tpu.memory_space<hbm>>
      %dma_wait3A_148 = arith.constant 0 : i32
      %dma_wait3A_149 = arith.constant 0 : i32
      %dma_wait3A_150 = arith.constant 0 : i32
      %dma_wait3A_151 = tpu.memref_slice %arg4[%sub3A_138, %dma_wait3A_148, %add3A, %dma_wait3A_149, %dma_wait3A_150] : memref<200x8x32x8x128xf32, #tpu.memory_space<hbm>> -> memref<1x8x1x8x128xf32, #tpu.memory_space<hbm>>
      %dma_wait3A_152 = tpu.memref_squeeze %dma_wait3A_151 : memref<1x8x1x8x128xf32, #tpu.memory_space<hbm>> -> memref<8x8x128xf32, #tpu.memory_space<hbm>>
      %dma_wait3A_153 = arith.constant 0 : i32
      %dma_wait3A_154 = arith.constant 0 : i32
      %dma_wait3A_155 = arith.constant 0 : i32
      %dma_wait3A_156 = tpu.memref_slice %arg8[%dma_wait3A_153, %dma_wait3A_154, %dma_wait3A_155] : memref<8x8x129xf32, #tpu.memory_space<vmem>> -> memref<8x8x128xf32, #tpu.memory_space<vmem>>
      tpu.wait_dma2 semaphore(%arg12 : memref<!tpu.dma_semaphore, #tpu.memory_space<semaphore_mem>>) src(%dma_wait3A_156 : memref<8x8x128xf32, #tpu.memory_space<vmem>>) dst(%dma_wait3A_152 : memref<8x8x128xf32, #tpu.memory_space<hbm>>)
      %dma_wait3A_157 = arith.constant 0 : i32
      %dma_wait3A_158 = tpu.memref_slice %arg5[%add3A_137, %dma_wait3A_157] : memref<200x128xi32, #tpu.memory_space<vmem>> -> memref<1x128xi32, #tpu.memory_space<vmem>>
      %dma_wait3A_159 = tpu.memref_squeeze %dma_wait3A_158 : memref<1x128xi32, #tpu.memory_space<vmem>> -> memref<128xi32, #tpu.memory_space<vmem>>
      %dma_wait3A_160 = arith.constant 0 : i32
      %dma_wait3A_161 = arith.constant 0 : i32
      %dma_wait3A_162 = tpu.memref_slice %arg3[%dma_wait3A_160, %dma_wait3A_161] : memref<1000000x128xf32, #tpu.memory_space<hbm>> -> memref<1000000x128xf32, #tpu.memory_space<hbm>>
      tpu.wait_indirect_dma semaphore(%arg10 : memref<!tpu.dma_semaphore, #tpu.memory_space<semaphore_mem>>) src(%dma_wait3A_162 : memref<1000000x128xf32, #tpu.memory_space<hbm>>) dst(%arg6 : memref<128x128xf32, #tpu.memory_space<vmem>>)
      %scan3A_163 = arith.constant 0 : i32
      %scan3A_164 = arith.constant 0 : i32
      %scan3A_165 = arith.constant 8 : i32
      %scan3A_166 = arith.addi %scan3A_164, %scan3A_165 : i32
      %scan3A_167 = arith.constant 1 : i32
      scf.for %scan3A_246 = %scan3A_164 to %scan3A_166 step %scan3A_167  : i32 {
        %mul3A_247 = arith.constant 16 : i32
        %mul3A_248 = arith.muli %scan3A_246, %mul3A_247 : i32
        %add3A_249 = vector.broadcast %mul3A_248 : i32 to vector<16xi32>
        %add3A_250 = arith.addi %iota3A, %add3A_249 : vector<16xi32>
        %broadcast_in_dim3A = arith.constant 0 : i32
        %broadcast_in_dim3A_251 = vector.broadcast %broadcast_in_dim3A : i32 to vector<16xi32>
        %gather3A = tpu.vector_load_idx %arg6[%add3A_250, %broadcast_in_dim3A_251] : memref<128x128xf32, #tpu.memory_space<vmem>>[vector<16xi32>, vector<16xi32>], vector<16xf32>,
        %broadcast_in_dim3A_252 = arith.constant 1 : i32
        %broadcast_in_dim3A_253 = vector.broadcast %broadcast_in_dim3A_252 : i32 to vector<16xi32>
        %gather3A_254 = tpu.vector_load_idx %arg6[%add3A_250, %broadcast_in_dim3A_253] : memref<128x128xf32, #tpu.memory_space<vmem>>[vector<16xi32>, vector<16xi32>], vector<16xf32>,
        %broadcast_in_dim3A_255 = arith.constant 2 : i32
        %broadcast_in_dim3A_256 = vector.broadcast %broadcast_in_dim3A_255 : i32 to vector<16xi32>
        %gather3A_257 = tpu.vector_load_idx %arg6[%add3A_250, %broadcast_in_dim3A_256] : memref<128x128xf32, #tpu.memory_space<vmem>>[vector<16xi32>, vector<16xi32>], vector<16xf32>,
        %broadcast_in_dim3A_258 = arith.constant 3 : i32
        %broadcast_in_dim3A_259 = vector.broadcast %broadcast_in_dim3A_258 : i32 to vector<16xi32>
        %gather3A_260 = tpu.vector_load_idx %arg6[%add3A_250, %broadcast_in_dim3A_259] : memref<128x128xf32, #tpu.memory_space<vmem>>[vector<16xi32>, vector<16xi32>], vector<16xf32>,
        %broadcast_in_dim3A_261 = arith.constant 4 : i32
        %broadcast_in_dim3A_262 = vector.broadcast %broadcast_in_dim3A_261 : i32 to vector<16xi32>
        %gather3A_263 = tpu.vector_load_idx %arg6[%add3A_250, %broadcast_in_dim3A_262] : memref<128x128xf32, #tpu.memory_space<vmem>>[vector<16xi32>, vector<16xi32>], vector<16xf32>,
        %broadcast_in_dim3A_264 = arith.constant 5 : i32
        %broadcast_in_dim3A_265 = vector.broadcast %broadcast_in_dim3A_264 : i32 to vector<16xi32>
        %gather3A_266 = tpu.vector_load_idx %arg6[%add3A_250, %broadcast_in_dim3A_265] : memref<128x128xf32, #tpu.memory_space<vmem>>[vector<16xi32>, vector<16xi32>], vector<16xf32>,
        %broadcast_in_dim3A_267 = arith.constant 6 : i32
        %broadcast_in_dim3A_268 = vector.broadcast %broadcast_in_dim3A_267 : i32 to vector<16xi32>
        %gather3A_269 = tpu.vector_load_idx %arg6[%add3A_250, %broadcast_in_dim3A_268] : memref<128x128xf32, #tpu.memory_space<vmem>>[vector<16xi32>, vector<16xi32>], vector<16xf32>,
        %broadcast_in_dim3A_270 = arith.constant 7 : i32
        %broadcast_in_dim3A_271 = vector.broadcast %broadcast_in_dim3A_270 : i32 to vector<16xi32>
        %gather3A_272 = tpu.vector_load_idx %arg6[%add3A_250, %broadcast_in_dim3A_271] : memref<128x128xf32, #tpu.memory_space<vmem>>[vector<16xi32>, vector<16xi32>], vector<16xf32>,
        %mul3A_273 = arith.constant 16 : i32
        %mul3A_274 = arith.muli %scan3A_246, %mul3A_273 : i32
        %swap3A = arith.constant 0 : i32
        %swap3A_275 = arith.constant 0 : i32
        %swap3A_276 = arith.index_cast %swap3A : i32 to index
        %swap3A_277 = arith.index_cast %swap3A_275 : i32 to index
        %swap3A_278 = arith.index_cast %mul3A_274 : i32 to index
        %swap3A_279 = tpu.vector_load %arg8[%swap3A_276, %swap3A_277, %swap3A_278] {strides = array<i32>} : memref<8x8x129xf32, #tpu.memory_space<vmem>>, vector<16xf32>,
        tpu.vector_store %arg8[%swap3A_276, %swap3A_277, %swap3A_278], %gather3A {strides = array<i32>} : memref<8x8x129xf32, #tpu.memory_space<vmem>>, vector<16xf32>,
        %mul3A_280 = arith.constant 16 : i32
        %mul3A_281 = arith.muli %scan3A_246, %mul3A_280 : i32
        %swap3A_282 = arith.constant 0 : i32
        %swap3A_283 = arith.constant 1 : i32
        %swap3A_284 = arith.index_cast %swap3A_282 : i32 to index
        %swap3A_285 = arith.index_cast %swap3A_283 : i32 to index
        %swap3A_286 = arith.index_cast %mul3A_281 : i32 to index
        %swap3A_287 = tpu.vector_load %arg8[%swap3A_284, %swap3A_285, %swap3A_286] {strides = array<i32>} : memref<8x8x129xf32, #tpu.memory_space<vmem>>, vector<16xf32>,
        tpu.vector_store %arg8[%swap3A_284, %swap3A_285, %swap3A_286], %gather3A_254 {strides = array<i32>} : memref<8x8x129xf32, #tpu.memory_space<vmem>>, vector<16xf32>,
        %mul3A_288 = arith.constant 16 : i32
        %mul3A_289 = arith.muli %scan3A_246, %mul3A_288 : i32
        %swap3A_290 = arith.constant 0 : i32
        %swap3A_291 = arith.constant 2 : i32
        %swap3A_292 = arith.index_cast %swap3A_290 : i32 to index
        %swap3A_293 = arith.index_cast %swap3A_291 : i32 to index
        %swap3A_294 = arith.index_cast %mul3A_289 : i32 to index
        %swap3A_295 = tpu.vector_load %arg8[%swap3A_292, %swap3A_293, %swap3A_294] {strides = array<i32>} : memref<8x8x129xf32, #tpu.memory_space<vmem>>, vector<16xf32>,
        tpu.vector_store %arg8[%swap3A_292, %swap3A_293, %swap3A_294], %gather3A_257 {strides = array<i32>} : memref<8x8x129xf32, #tpu.memory_space<vmem>>, vector<16xf32>,
        %mul3A_296 = arith.constant 16 : i32
        %mul3A_297 = arith.muli %scan3A_246, %mul3A_296 : i32
        %swap3A_298 = arith.constant 0 : i32
        %swap3A_299 = arith.constant 3 : i32
        %swap3A_300 = arith.index_cast %swap3A_298 : i32 to index
        %swap3A_301 = arith.index_cast %swap3A_299 : i32 to index
        %swap3A_302 = arith.index_cast %mul3A_297 : i32 to index
        %swap3A_303 = tpu.vector_load %arg8[%swap3A_300, %swap3A_301, %swap3A_302] {strides = array<i32>} : memref<8x8x129xf32, #tpu.memory_space<vmem>>, vector<16xf32>,
        tpu.vector_store %arg8[%swap3A_300, %swap3A_301, %swap3A_302], %gather3A_260 {strides = array<i32>} : memref<8x8x129xf32, #tpu.memory_space<vmem>>, vector<16xf32>,
        %mul3A_304 = arith.constant 16 : i32
        %mul3A_305 = arith.muli %scan3A_246, %mul3A_304 : i32
        %swap3A_306 = arith.constant 0 : i32
        %swap3A_307 = arith.constant 4 : i32
        %swap3A_308 = arith.index_cast %swap3A_306 : i32 to index
        %swap3A_309 = arith.index_cast %swap3A_307 : i32 to index
        %swap3A_310 = arith.index_cast %mul3A_305 : i32 to index
        %swap3A_311 = tpu.vector_load %arg8[%swap3A_308, %swap3A_309, %swap3A_310] {strides = array<i32>} : memref<8x8x129xf32, #tpu.memory_space<vmem>>, vector<16xf32>,
        tpu.vector_store %arg8[%swap3A_308, %swap3A_309, %swap3A_310], %gather3A_263 {strides = array<i32>} : memref<8x8x129xf32, #tpu.memory_space<vmem>>, vector<16xf32>,
        %mul3A_312 = arith.constant 16 : i32
        %mul3A_313 = arith.muli %scan3A_246, %mul3A_312 : i32
        %swap3A_314 = arith.constant 0 : i32
        %swap3A_315 = arith.constant 5 : i32
        %swap3A_316 = arith.index_cast %swap3A_314 : i32 to index
        %swap3A_317 = arith.index_cast %swap3A_315 : i32 to index
        %swap3A_318 = arith.index_cast %mul3A_313 : i32 to index
        %swap3A_319 = tpu.vector_load %arg8[%swap3A_316, %swap3A_317, %swap3A_318] {strides = array<i32>} : memref<8x8x129xf32, #tpu.memory_space<vmem>>, vector<16xf32>,
        tpu.vector_store %arg8[%swap3A_316, %swap3A_317, %swap3A_318], %gather3A_266 {strides = array<i32>} : memref<8x8x129xf32, #tpu.memory_space<vmem>>, vector<16xf32>,
        %mul3A_320 = arith.constant 16 : i32
        %mul3A_321 = arith.muli %scan3A_246, %mul3A_320 : i32
        %swap3A_322 = arith.constant 0 : i32
        %swap3A_323 = arith.constant 6 : i32
        %swap3A_324 = arith.index_cast %swap3A_322 : i32 to index
        %swap3A_325 = arith.index_cast %swap3A_323 : i32 to index
        %swap3A_326 = arith.index_cast %mul3A_321 : i32 to index
        %swap3A_327 = tpu.vector_load %arg8[%swap3A_324, %swap3A_325, %swap3A_326] {strides = array<i32>} : memref<8x8x129xf32, #tpu.memory_space<vmem>>, vector<16xf32>,
        tpu.vector_store %arg8[%swap3A_324, %swap3A_325, %swap3A_326], %gather3A_269 {strides = array<i32>} : memref<8x8x129xf32, #tpu.memory_space<vmem>>, vector<16xf32>,
        %mul3A_328 = arith.constant 16 : i32
        %mul3A_329 = arith.muli %scan3A_246, %mul3A_328 : i32
        %swap3A_330 = arith.constant 0 : i32
        %swap3A_331 = arith.constant 7 : i32
        %swap3A_332 = arith.index_cast %swap3A_330 : i32 to index
        %swap3A_333 = arith.index_cast %swap3A_331 : i32 to index
        %swap3A_334 = arith.index_cast %mul3A_329 : i32 to index
        %swap3A_335 = tpu.vector_load %arg8[%swap3A_332, %swap3A_333, %swap3A_334] {strides = array<i32>} : memref<8x8x129xf32, #tpu.memory_space<vmem>>, vector<16xf32>,
        tpu.vector_store %arg8[%swap3A_332, %swap3A_333, %swap3A_334], %gather3A_272 {strides = array<i32>} : memref<8x8x129xf32, #tpu.memory_space<vmem>>, vector<16xf32>,
        %broadcast_in_dim3A_336 = arith.constant 8 : i32
        %broadcast_in_dim3A_337 = vector.broadcast %broadcast_in_dim3A_336 : i32 to vector<16xi32>
        %gather3A_338 = tpu.vector_load_idx %arg6[%add3A_250, %broadcast_in_dim3A_337] : memref<128x128xf32, #tpu.memory_space<vmem>>[vector<16xi32>, vector<16xi32>], vector<16xf32>,
        %broadcast_in_dim3A_339 = arith.constant 9 : i32
        %broadcast_in_dim3A_340 = vector.broadcast %broadcast_in_dim3A_339 : i32 to vector<16xi32>
        %gather3A_341 = tpu.vector_load_idx %arg6[%add3A_250, %broadcast_in_dim3A_340] : memref<128x128xf32, #tpu.memory_space<vmem>>[vector<16xi32>, vector<16xi32>], vector<16xf32>,
        %broadcast_in_dim3A_342 = arith.constant 10 : i32
        %broadcast_in_dim3A_343 = vector.broadcast %broadcast_in_dim3A_342 : i32 to vector<16xi32>
        %gather3A_344 = tpu.vector_load_idx %arg6[%add3A_250, %broadcast_in_dim3A_343] : memref<128x128xf32, #tpu.memory_space<vmem>>[vector<16xi32>, vector<16xi32>], vector<16xf32>,
        %broadcast_in_dim3A_345 = arith.constant 11 : i32
        %broadcast_in_dim3A_346 = vector.broadcast %broadcast_in_dim3A_345 : i32 to vector<16xi32>
        %gather3A_347 = tpu.vector_load_idx %arg6[%add3A_250, %broadcast_in_dim3A_346] : memref<128x128xf32, #tpu.memory_space<vmem>>[vector<16xi32>, vector<16xi32>], vector<16xf32>,
        %broadcast_in_dim3A_348 = arith.constant 12 : i32
        %broadcast_in_dim3A_349 = vector.broadcast %broadcast_in_dim3A_348 : i32 to vector<16xi32>
        %gather3A_350 = tpu.vector_load_idx %arg6[%add3A_250, %broadcast_in_dim3A_349] : memref<128x128xf32, #tpu.memory_space<vmem>>[vector<16xi32>, vector<16xi32>], vector<16xf32>,
        %broadcast_in_dim3A_351 = arith.constant 13 : i32
        %broadcast_in_dim3A_352 = vector.broadcast %broadcast_in_dim3A_351 : i32 to vector<16xi32>
        %gather3A_353 = tpu.vector_load_idx %arg6[%add3A_250, %broadcast_in_dim3A_352] : memref<128x128xf32, #tpu.memory_space<vmem>>[vector<16xi32>, vector<16xi32>], vector<16xf32>,
        %broadcast_in_dim3A_354 = arith.constant 14 : i32
        %broadcast_in_dim3A_355 = vector.broadcast %broadcast_in_dim3A_354 : i32 to vector<16xi32>
        %gather3A_356 = tpu.vector_load_idx %arg6[%add3A_250, %broadcast_in_dim3A_355] : memref<128x128xf32, #tpu.memory_space<vmem>>[vector<16xi32>, vector<16xi32>], vector<16xf32>,
        %broadcast_in_dim3A_357 = arith.constant 15 : i32
        %broadcast_in_dim3A_358 = vector.broadcast %broadcast_in_dim3A_357 : i32 to vector<16xi32>
        %gather3A_359 = tpu.vector_load_idx %arg6[%add3A_250, %broadcast_in_dim3A_358] : memref<128x128xf32, #tpu.memory_space<vmem>>[vector<16xi32>, vector<16xi32>], vector<16xf32>,
        %mul3A_360 = arith.constant 16 : i32
        %mul3A_361 = arith.muli %scan3A_246, %mul3A_360 : i32
        %swap3A_362 = arith.constant 1 : i32
        %swap3A_363 = arith.constant 0 : i32
        %swap3A_364 = arith.index_cast %swap3A_362 : i32 to index
        %swap3A_365 = arith.index_cast %swap3A_363 : i32 to index
        %swap3A_366 = arith.index_cast %mul3A_361 : i32 to index
        %swap3A_367 = tpu.vector_load %arg8[%swap3A_364, %swap3A_365, %swap3A_366] {strides = array<i32>} : memref<8x8x129xf32, #tpu.memory_space<vmem>>, vector<16xf32>,
        tpu.vector_store %arg8[%swap3A_364, %swap3A_365, %swap3A_366], %gather3A_338 {strides = array<i32>} : memref<8x8x129xf32, #tpu.memory_space<vmem>>, vector<16xf32>,
        %mul3A_368 = arith.constant 16 : i32
        %mul3A_369 = arith.muli %scan3A_246, %mul3A_368 : i32
        %swap3A_370 = arith.constant 1 : i32
        %swap3A_371 = arith.constant 1 : i32
        %swap3A_372 = arith.index_cast %swap3A_370 : i32 to index
        %swap3A_373 = arith.index_cast %swap3A_371 : i32 to index
        %swap3A_374 = arith.index_cast %mul3A_369 : i32 to index
        %swap3A_375 = tpu.vector_load %arg8[%swap3A_372, %swap3A_373, %swap3A_374] {strides = array<i32>} : memref<8x8x129xf32, #tpu.memory_space<vmem>>, vector<16xf32>,
        tpu.vector_store %arg8[%swap3A_372, %swap3A_373, %swap3A_374], %gather3A_341 {strides = array<i32>} : memref<8x8x129xf32, #tpu.memory_space<vmem>>, vector<16xf32>,
        %mul3A_376 = arith.constant 16 : i32
        %mul3A_377 = arith.muli %scan3A_246, %mul3A_376 : i32
        %swap3A_378 = arith.constant 1 : i32
        %swap3A_379 = arith.constant 2 : i32
        %swap3A_380 = arith.index_cast %swap3A_378 : i32 to index
        %swap3A_381 = arith.index_cast %swap3A_379 : i32 to index
        %swap3A_382 = arith.index_cast %mul3A_377 : i32 to index
        %swap3A_383 = tpu.vector_load %arg8[%swap3A_380, %swap3A_381, %swap3A_382] {strides = array<i32>} : memref<8x8x129xf32, #tpu.memory_space<vmem>>, vector<16xf32>,
        tpu.vector_store %arg8[%swap3A_380, %swap3A_381, %swap3A_382], %gather3A_344 {strides = array<i32>} : memref<8x8x129xf32, #tpu.memory_space<vmem>>, vector<16xf32>,
        %mul3A_384 = arith.constant 16 : i32
        %mul3A_385 = arith.muli %scan3A_246, %mul3A_384 : i32
        %swap3A_386 = arith.constant 1 : i32
        %swap3A_387 = arith.constant 3 : i32
        %swap3A_388 = arith.index_cast %swap3A_386 : i32 to index
        %swap3A_389 = arith.index_cast %swap3A_387 : i32 to index
        %swap3A_390 = arith.index_cast %mul3A_385 : i32 to index
        %swap3A_391 = tpu.vector_load %arg8[%swap3A_388, %swap3A_389, %swap3A_390] {strides = array<i32>} : memref<8x8x129xf32, #tpu.memory_space<vmem>>, vector<16xf32>,
        tpu.vector_store %arg8[%swap3A_388, %swap3A_389, %swap3A_390], %gather3A_347 {strides = array<i32>} : memref<8x8x129xf32, #tpu.memory_space<vmem>>, vector<16xf32>,
        %mul3A_392 = arith.constant 16 : i32
        %mul3A_393 = arith.muli %scan3A_246, %mul3A_392 : i32
        %swap3A_394 = arith.constant 1 : i32
        %swap3A_395 = arith.constant 4 : i32
        %swap3A_396 = arith.index_cast %swap3A_394 : i32 to index
        %swap3A_397 = arith.index_cast %swap3A_395 : i32 to index
        %swap3A_398 = arith.index_cast %mul3A_393 : i32 to index
        %swap3A_399 = tpu.vector_load %arg8[%swap3A_396, %swap3A_397, %swap3A_398] {strides = array<i32>} : memref<8x8x129xf32, #tpu.memory_space<vmem>>, vector<16xf32>,
        tpu.vector_store %arg8[%swap3A_396, %swap3A_397, %swap3A_398], %gather3A_350 {strides = array<i32>} : memref<8x8x129xf32, #tpu.memory_space<vmem>>, vector<16xf32>,
        %mul3A_400 = arith.constant 16 : i32
        %mul3A_401 = arith.muli %scan3A_246, %mul3A_400 : i32
        %swap3A_402 = arith.constant 1 : i32
        %swap3A_403 = arith.constant 5 : i32
        %swap3A_404 = arith.index_cast %swap3A_402 : i32 to index
        %swap3A_405 = arith.index_cast %swap3A_403 : i32 to index
        %swap3A_406 = arith.index_cast %mul3A_401 : i32 to index
        %swap3A_407 = tpu.vector_load %arg8[%swap3A_404, %swap3A_405, %swap3A_406] {strides = array<i32>} : memref<8x8x129xf32, #tpu.memory_space<vmem>>, vector<16xf32>,
        tpu.vector_store %arg8[%swap3A_404, %swap3A_405, %swap3A_406], %gather3A_353 {strides = array<i32>} : memref<8x8x129xf32, #tpu.memory_space<vmem>>, vector<16xf32>,
        %mul3A_408 = arith.constant 16 : i32
        %mul3A_409 = arith.muli %scan3A_246, %mul3A_408 : i32
        %swap3A_410 = arith.constant 1 : i32
        %swap3A_411 = arith.constant 6 : i32
        %swap3A_412 = arith.index_cast %swap3A_410 : i32 to index
        %swap3A_413 = arith.index_cast %swap3A_411 : i32 to index
        %swap3A_414 = arith.index_cast %mul3A_409 : i32 to index
        %swap3A_415 = tpu.vector_load %arg8[%swap3A_412, %swap3A_413, %swap3A_414] {strides = array<i32>} : memref<8x8x129xf32, #tpu.memory_space<vmem>>, vector<16xf32>,
        tpu.vector_store %arg8[%swap3A_412, %swap3A_413, %swap3A_414], %gather3A_356 {strides = array<i32>} : memref<8x8x129xf32, #tpu.memory_space<vmem>>, vector<16xf32>,
        %mul3A_416 = arith.constant 16 : i32
        %mul3A_417 = arith.muli %scan3A_246, %mul3A_416 : i32
        %swap3A_418 = arith.constant 1 : i32
        %swap3A_419 = arith.constant 7 : i32
        %swap3A_420 = arith.index_cast %swap3A_418 : i32 to index
        %swap3A_421 = arith.index_cast %swap3A_419 : i32 to index
        %swap3A_422 = arith.index_cast %mul3A_417 : i32 to index
        %swap3A_423 = tpu.vector_load %arg8[%swap3A_420, %swap3A_421, %swap3A_422] {strides = array<i32>} : memref<8x8x129xf32, #tpu.memory_space<vmem>>, vector<16xf32>,
        tpu.vector_store %arg8[%swap3A_420, %swap3A_421, %swap3A_422], %gather3A_359 {strides = array<i32>} : memref<8x8x129xf32, #tpu.memory_space<vmem>>, vector<16xf32>,
        %broadcast_in_dim3A_424 = arith.constant 16 : i32
        %broadcast_in_dim3A_425 = vector.broadcast %broadcast_in_dim3A_424 : i32 to vector<16xi32>
        %gather3A_426 = tpu.vector_load_idx %arg6[%add3A_250, %broadcast_in_dim3A_425] : memref<128x128xf32, #tpu.memory_space<vmem>>[vector<16xi32>, vector<16xi32>], vector<16xf32>,
        %broadcast_in_dim3A_427 = arith.constant 17 : i32
        %broadcast_in_dim3A_428 = vector.broadcast %broadcast_in_dim3A_427 : i32 to vector<16xi32>
        %gather3A_429 = tpu.vector_load_idx %arg6[%add3A_250, %broadcast_in_dim3A_428] : memref<128x128xf32, #tpu.memory_space<vmem>>[vector<16xi32>, vector<16xi32>], vector<16xf32>,
        %broadcast_in_dim3A_430 = arith.constant 18 : i32
        %broadcast_in_dim3A_431 = vector.broadcast %broadcast_in_dim3A_430 : i32 to vector<16xi32>
        %gather3A_432 = tpu.vector_load_idx %arg6[%add3A_250, %broadcast_in_dim3A_431] : memref<128x128xf32, #tpu.memory_space<vmem>>[vector<16xi32>, vector<16xi32>], vector<16xf32>,
        %broadcast_in_dim3A_433 = arith.constant 19 : i32
        %broadcast_in_dim3A_434 = vector.broadcast %broadcast_in_dim3A_433 : i32 to vector<16xi32>
        %gather3A_435 = tpu.vector_load_idx %arg6[%add3A_250, %broadcast_in_dim3A_434] : memref<128x128xf32, #tpu.memory_space<vmem>>[vector<16xi32>, vector<16xi32>], vector<16xf32>,
        %broadcast_in_dim3A_436 = arith.constant 20 : i32
        %broadcast_in_dim3A_437 = vector.broadcast %broadcast_in_dim3A_436 : i32 to vector<16xi32>
        %gather3A_438 = tpu.vector_load_idx %arg6[%add3A_250, %broadcast_in_dim3A_437] : memref<128x128xf32, #tpu.memory_space<vmem>>[vector<16xi32>, vector<16xi32>], vector<16xf32>,
        %broadcast_in_dim3A_439 = arith.constant 21 : i32
        %broadcast_in_dim3A_440 = vector.broadcast %broadcast_in_dim3A_439 : i32 to vector<16xi32>
        %gather3A_441 = tpu.vector_load_idx %arg6[%add3A_250, %broadcast_in_dim3A_440] : memref<128x128xf32, #tpu.memory_space<vmem>>[vector<16xi32>, vector<16xi32>], vector<16xf32>,
        %broadcast_in_dim3A_442 = arith.constant 22 : i32
        %broadcast_in_dim3A_443 = vector.broadcast %broadcast_in_dim3A_442 : i32 to vector<16xi32>
        %gather3A_444 = tpu.vector_load_idx %arg6[%add3A_250, %broadcast_in_dim3A_443] : memref<128x128xf32, #tpu.memory_space<vmem>>[vector<16xi32>, vector<16xi32>], vector<16xf32>,
        %broadcast_in_dim3A_445 = arith.constant 23 : i32
        %broadcast_in_dim3A_446 = vector.broadcast %broadcast_in_dim3A_445 : i32 to vector<16xi32>
        %gather3A_447 = tpu.vector_load_idx %arg6[%add3A_250, %broadcast_in_dim3A_446] : memref<128x128xf32, #tpu.memory_space<vmem>>[vector<16xi32>, vector<16xi32>], vector<16xf32>,
        %mul3A_448 = arith.constant 16 : i32
        %mul3A_449 = arith.muli %scan3A_246, %mul3A_448 : i32
        %swap3A_450 = arith.constant 2 : i32
        %swap3A_451 = arith.constant 0 : i32
        %swap3A_452 = arith.index_cast %swap3A_450 : i32 to index
        %swap3A_453 = arith.index_cast %swap3A_451 : i32 to index
        %swap3A_454 = arith.index_cast %mul3A_449 : i32 to index
        %swap3A_455 = tpu.vector_load %arg8[%swap3A_452, %swap3A_453, %swap3A_454] {strides = array<i32>} : memref<8x8x129xf32, #tpu.memory_space<vmem>>, vector<16xf32>,
        tpu.vector_store %arg8[%swap3A_452, %swap3A_453, %swap3A_454], %gather3A_426 {strides = array<i32>} : memref<8x8x129xf32, #tpu.memory_space<vmem>>, vector<16xf32>,
        %mul3A_456 = arith.constant 16 : i32
        %mul3A_457 = arith.muli %scan3A_246, %mul3A_456 : i32
        %swap3A_458 = arith.constant 2 : i32
        %swap3A_459 = arith.constant 1 : i32
        %swap3A_460 = arith.index_cast %swap3A_458 : i32 to index
        %swap3A_461 = arith.index_cast %swap3A_459 : i32 to index
        %swap3A_462 = arith.index_cast %mul3A_457 : i32 to index
        %swap3A_463 = tpu.vector_load %arg8[%swap3A_460, %swap3A_461, %swap3A_462] {strides = array<i32>} : memref<8x8x129xf32, #tpu.memory_space<vmem>>, vector<16xf32>,
        tpu.vector_store %arg8[%swap3A_460, %swap3A_461, %swap3A_462], %gather3A_429 {strides = array<i32>} : memref<8x8x129xf32, #tpu.memory_space<vmem>>, vector<16xf32>,
        %mul3A_464 = arith.constant 16 : i32
        %mul3A_465 = arith.muli %scan3A_246, %mul3A_464 : i32
        %swap3A_466 = arith.constant 2 : i32
        %swap3A_467 = arith.constant 2 : i32
        %swap3A_468 = arith.index_cast %swap3A_466 : i32 to index
        %swap3A_469 = arith.index_cast %swap3A_467 : i32 to index
        %swap3A_470 = arith.index_cast %mul3A_465 : i32 to index
        %swap3A_471 = tpu.vector_load %arg8[%swap3A_468, %swap3A_469, %swap3A_470] {strides = array<i32>} : memref<8x8x129xf32, #tpu.memory_space<vmem>>, vector<16xf32>,
        tpu.vector_store %arg8[%swap3A_468, %swap3A_469, %swap3A_470], %gather3A_432 {strides = array<i32>} : memref<8x8x129xf32, #tpu.memory_space<vmem>>, vector<16xf32>,
        %mul3A_472 = arith.constant 16 : i32
        %mul3A_473 = arith.muli %scan3A_246, %mul3A_472 : i32
        %swap3A_474 = arith.constant 2 : i32
        %swap3A_475 = arith.constant 3 : i32
        %swap3A_476 = arith.index_cast %swap3A_474 : i32 to index
        %swap3A_477 = arith.index_cast %swap3A_475 : i32 to index
        %swap3A_478 = arith.index_cast %mul3A_473 : i32 to index
        %swap3A_479 = tpu.vector_load %arg8[%swap3A_476, %swap3A_477, %swap3A_478] {strides = array<i32>} : memref<8x8x129xf32, #tpu.memory_space<vmem>>, vector<16xf32>,
        tpu.vector_store %arg8[%swap3A_476, %swap3A_477, %swap3A_478], %gather3A_435 {strides = array<i32>} : memref<8x8x129xf32, #tpu.memory_space<vmem>>, vector<16xf32>,
        %mul3A_480 = arith.constant 16 : i32
        %mul3A_481 = arith.muli %scan3A_246, %mul3A_480 : i32
        %swap3A_482 = arith.constant 2 : i32
        %swap3A_483 = arith.constant 4 : i32
        %swap3A_484 = arith.index_cast %swap3A_482 : i32 to index
        %swap3A_485 = arith.index_cast %swap3A_483 : i32 to index
        %swap3A_486 = arith.index_cast %mul3A_481 : i32 to index
        %swap3A_487 = tpu.vector_load %arg8[%swap3A_484, %swap3A_485, %swap3A_486] {strides = array<i32>} : memref<8x8x129xf32, #tpu.memory_space<vmem>>, vector<16xf32>,
        tpu.vector_store %arg8[%swap3A_484, %swap3A_485, %swap3A_486], %gather3A_438 {strides = array<i32>} : memref<8x8x129xf32, #tpu.memory_space<vmem>>, vector<16xf32>,
        %mul3A_488 = arith.constant 16 : i32
        %mul3A_489 = arith.muli %scan3A_246, %mul3A_488 : i32
        %swap3A_490 = arith.constant 2 : i32
        %swap3A_491 = arith.constant 5 : i32
        %swap3A_492 = arith.index_cast %swap3A_490 : i32 to index
        %swap3A_493 = arith.index_cast %swap3A_491 : i32 to index
        %swap3A_494 = arith.index_cast %mul3A_489 : i32 to index
        %swap3A_495 = tpu.vector_load %arg8[%swap3A_492, %swap3A_493, %swap3A_494] {strides = array<i32>} : memref<8x8x129xf32, #tpu.memory_space<vmem>>, vector<16xf32>,
        tpu.vector_store %arg8[%swap3A_492, %swap3A_493, %swap3A_494], %gather3A_441 {strides = array<i32>} : memref<8x8x129xf32, #tpu.memory_space<vmem>>, vector<16xf32>,
        %mul3A_496 = arith.constant 16 : i32
        %mul3A_497 = arith.muli %scan3A_246, %mul3A_496 : i32
        %swap3A_498 = arith.constant 2 : i32
        %swap3A_499 = arith.constant 6 : i32
        %swap3A_500 = arith.index_cast %swap3A_498 : i32 to index
        %swap3A_501 = arith.index_cast %swap3A_499 : i32 to index
        %swap3A_502 = arith.index_cast %mul3A_497 : i32 to index
        %swap3A_503 = tpu.vector_load %arg8[%swap3A_500, %swap3A_501, %swap3A_502] {strides = array<i32>} : memref<8x8x129xf32, #tpu.memory_space<vmem>>, vector<16xf32>,
        tpu.vector_store %arg8[%swap3A_500, %swap3A_501, %swap3A_502], %gather3A_444 {strides = array<i32>} : memref<8x8x129xf32, #tpu.memory_space<vmem>>, vector<16xf32>,
        %mul3A_504 = arith.constant 16 : i32
        %mul3A_505 = arith.muli %scan3A_246, %mul3A_504 : i32
        %swap3A_506 = arith.constant 2 : i32
        %swap3A_507 = arith.constant 7 : i32
        %swap3A_508 = arith.index_cast %swap3A_506 : i32 to index
        %swap3A_509 = arith.index_cast %swap3A_507 : i32 to index
        %swap3A_510 = arith.index_cast %mul3A_505 : i32 to index
        %swap3A_511 = tpu.vector_load %arg8[%swap3A_508, %swap3A_509, %swap3A_510] {strides = array<i32>} : memref<8x8x129xf32, #tpu.memory_space<vmem>>, vector<16xf32>,
        tpu.vector_store %arg8[%swap3A_508, %swap3A_509, %swap3A_510], %gather3A_447 {strides = array<i32>} : memref<8x8x129xf32, #tpu.memory_space<vmem>>, vector<16xf32>,
        %broadcast_in_dim3A_512 = arith.constant 24 : i32
        %broadcast_in_dim3A_513 = vector.broadcast %broadcast_in_dim3A_512 : i32 to vector<16xi32>
        %gather3A_514 = tpu.vector_load_idx %arg6[%add3A_250, %broadcast_in_dim3A_513] : memref<128x128xf32, #tpu.memory_space<vmem>>[vector<16xi32>, vector<16xi32>], vector<16xf32>,
        %broadcast_in_dim3A_515 = arith.constant 25 : i32
        %broadcast_in_dim3A_516 = vector.broadcast %broadcast_in_dim3A_515 : i32 to vector<16xi32>
        %gather3A_517 = tpu.vector_load_idx %arg6[%add3A_250, %broadcast_in_dim3A_516] : memref<128x128xf32, #tpu.memory_space<vmem>>[vector<16xi32>, vector<16xi32>], vector<16xf32>,
        %broadcast_in_dim3A_518 = arith.constant 26 : i32
        %broadcast_in_dim3A_519 = vector.broadcast %broadcast_in_dim3A_518 : i32 to vector<16xi32>
        %gather3A_520 = tpu.vector_load_idx %arg6[%add3A_250, %broadcast_in_dim3A_519] : memref<128x128xf32, #tpu.memory_space<vmem>>[vector<16xi32>, vector<16xi32>], vector<16xf32>,
        %broadcast_in_dim3A_521 = arith.constant 27 : i32
        %broadcast_in_dim3A_522 = vector.broadcast %broadcast_in_dim3A_521 : i32 to vector<16xi32>
        %gather3A_523 = tpu.vector_load_idx %arg6[%add3A_250, %broadcast_in_dim3A_522] : memref<128x128xf32, #tpu.memory_space<vmem>>[vector<16xi32>, vector<16xi32>], vector<16xf32>,
        %broadcast_in_dim3A_524 = arith.constant 28 : i32
        %broadcast_in_dim3A_525 = vector.broadcast %broadcast_in_dim3A_524 : i32 to vector<16xi32>
        %gather3A_526 = tpu.vector_load_idx %arg6[%add3A_250, %broadcast_in_dim3A_525] : memref<128x128xf32, #tpu.memory_space<vmem>>[vector<16xi32>, vector<16xi32>], vector<16xf32>,
        %broadcast_in_dim3A_527 = arith.constant 29 : i32
        %broadcast_in_dim3A_528 = vector.broadcast %broadcast_in_dim3A_527 : i32 to vector<16xi32>
        %gather3A_529 = tpu.vector_load_idx %arg6[%add3A_250, %broadcast_in_dim3A_528] : memref<128x128xf32, #tpu.memory_space<vmem>>[vector<16xi32>, vector<16xi32>], vector<16xf32>,
        %broadcast_in_dim3A_530 = arith.constant 30 : i32
        %broadcast_in_dim3A_531 = vector.broadcast %broadcast_in_dim3A_530 : i32 to vector<16xi32>
        %gather3A_532 = tpu.vector_load_idx %arg6[%add3A_250, %broadcast_in_dim3A_531] : memref<128x128xf32, #tpu.memory_space<vmem>>[vector<16xi32>, vector<16xi32>], vector<16xf32>,
        %broadcast_in_dim3A_533 = arith.constant 31 : i32
        %broadcast_in_dim3A_534 = vector.broadcast %broadcast_in_dim3A_533 : i32 to vector<16xi32>
        %gather3A_535 = tpu.vector_load_idx %arg6[%add3A_250, %broadcast_in_dim3A_534] : memref<128x128xf32, #tpu.memory_space<vmem>>[vector<16xi32>, vector<16xi32>], vector<16xf32>,
        %mul3A_536 = arith.constant 16 : i32
        %mul3A_537 = arith.muli %scan3A_246, %mul3A_536 : i32
        %swap3A_538 = arith.constant 3 : i32
        %swap3A_539 = arith.constant 0 : i32
        %swap3A_540 = arith.index_cast %swap3A_538 : i32 to index
        %swap3A_541 = arith.index_cast %swap3A_539 : i32 to index
        %swap3A_542 = arith.index_cast %mul3A_537 : i32 to index
        %swap3A_543 = tpu.vector_load %arg8[%swap3A_540, %swap3A_541, %swap3A_542] {strides = array<i32>} : memref<8x8x129xf32, #tpu.memory_space<vmem>>, vector<16xf32>,
        tpu.vector_store %arg8[%swap3A_540, %swap3A_541, %swap3A_542], %gather3A_514 {strides = array<i32>} : memref<8x8x129xf32, #tpu.memory_space<vmem>>, vector<16xf32>,
        %mul3A_544 = arith.constant 16 : i32
        %mul3A_545 = arith.muli %scan3A_246, %mul3A_544 : i32
        %swap3A_546 = arith.constant 3 : i32
        %swap3A_547 = arith.constant 1 : i32
        %swap3A_548 = arith.index_cast %swap3A_546 : i32 to index
        %swap3A_549 = arith.index_cast %swap3A_547 : i32 to index
        %swap3A_550 = arith.index_cast %mul3A_545 : i32 to index
        %swap3A_551 = tpu.vector_load %arg8[%swap3A_548, %swap3A_549, %swap3A_550] {strides = array<i32>} : memref<8x8x129xf32, #tpu.memory_space<vmem>>, vector<16xf32>,
        tpu.vector_store %arg8[%swap3A_548, %swap3A_549, %swap3A_550], %gather3A_517 {strides = array<i32>} : memref<8x8x129xf32, #tpu.memory_space<vmem>>, vector<16xf32>,
        %mul3A_552 = arith.constant 16 : i32
        %mul3A_553 = arith.muli %scan3A_246, %mul3A_552 : i32
        %swap3A_554 = arith.constant 3 : i32
        %swap3A_555 = arith.constant 2 : i32
        %swap3A_556 = arith.index_cast %swap3A_554 : i32 to index
        %swap3A_557 = arith.index_cast %swap3A_555 : i32 to index
        %swap3A_558 = arith.index_cast %mul3A_553 : i32 to index
        %swap3A_559 = tpu.vector_load %arg8[%swap3A_556, %swap3A_557, %swap3A_558] {strides = array<i32>} : memref<8x8x129xf32, #tpu.memory_space<vmem>>, vector<16xf32>,
        tpu.vector_store %arg8[%swap3A_556, %swap3A_557, %swap3A_558], %gather3A_520 {strides = array<i32>} : memref<8x8x129xf32, #tpu.memory_space<vmem>>, vector<16xf32>,
        %mul3A_560 = arith.constant 16 : i32
        %mul3A_561 = arith.muli %scan3A_246, %mul3A_560 : i32
        %swap3A_562 = arith.constant 3 : i32
        %swap3A_563 = arith.constant 3 : i32
        %swap3A_564 = arith.index_cast %swap3A_562 : i32 to index
        %swap3A_565 = arith.index_cast %swap3A_563 : i32 to index
        %swap3A_566 = arith.index_cast %mul3A_561 : i32 to index
        %swap3A_567 = tpu.vector_load %arg8[%swap3A_564, %swap3A_565, %swap3A_566] {strides = array<i32>} : memref<8x8x129xf32, #tpu.memory_space<vmem>>, vector<16xf32>,
        tpu.vector_store %arg8[%swap3A_564, %swap3A_565, %swap3A_566], %gather3A_523 {strides = array<i32>} : memref<8x8x129xf32, #tpu.memory_space<vmem>>, vector<16xf32>,
        %mul3A_568 = arith.constant 16 : i32
        %mul3A_569 = arith.muli %scan3A_246, %mul3A_568 : i32
        %swap3A_570 = arith.constant 3 : i32
        %swap3A_571 = arith.constant 4 : i32
        %swap3A_572 = arith.index_cast %swap3A_570 : i32 to index
        %swap3A_573 = arith.index_cast %swap3A_571 : i32 to index
        %swap3A_574 = arith.index_cast %mul3A_569 : i32 to index
        %swap3A_575 = tpu.vector_load %arg8[%swap3A_572, %swap3A_573, %swap3A_574] {strides = array<i32>} : memref<8x8x129xf32, #tpu.memory_space<vmem>>, vector<16xf32>,
        tpu.vector_store %arg8[%swap3A_572, %swap3A_573, %swap3A_574], %gather3A_526 {strides = array<i32>} : memref<8x8x129xf32, #tpu.memory_space<vmem>>, vector<16xf32>,
        %mul3A_576 = arith.constant 16 : i32
        %mul3A_577 = arith.muli %scan3A_246, %mul3A_576 : i32
        %swap3A_578 = arith.constant 3 : i32
        %swap3A_579 = arith.constant 5 : i32
        %swap3A_580 = arith.index_cast %swap3A_578 : i32 to index
        %swap3A_581 = arith.index_cast %swap3A_579 : i32 to index
        %swap3A_582 = arith.index_cast %mul3A_577 : i32 to index
        %swap3A_583 = tpu.vector_load %arg8[%swap3A_580, %swap3A_581, %swap3A_582] {strides = array<i32>} : memref<8x8x129xf32, #tpu.memory_space<vmem>>, vector<16xf32>,
        tpu.vector_store %arg8[%swap3A_580, %swap3A_581, %swap3A_582], %gather3A_529 {strides = array<i32>} : memref<8x8x129xf32, #tpu.memory_space<vmem>>, vector<16xf32>,
        %mul3A_584 = arith.constant 16 : i32
        %mul3A_585 = arith.muli %scan3A_246, %mul3A_584 : i32
        %swap3A_586 = arith.constant 3 : i32
        %swap3A_587 = arith.constant 6 : i32
        %swap3A_588 = arith.index_cast %swap3A_586 : i32 to index
        %swap3A_589 = arith.index_cast %swap3A_587 : i32 to index
        %swap3A_590 = arith.index_cast %mul3A_585 : i32 to index
        %swap3A_591 = tpu.vector_load %arg8[%swap3A_588, %swap3A_589, %swap3A_590] {strides = array<i32>} : memref<8x8x129xf32, #tpu.memory_space<vmem>>, vector<16xf32>,
        tpu.vector_store %arg8[%swap3A_588, %swap3A_589, %swap3A_590], %gather3A_532 {strides = array<i32>} : memref<8x8x129xf32, #tpu.memory_space<vmem>>, vector<16xf32>,
        %mul3A_592 = arith.constant 16 : i32
        %mul3A_593 = arith.muli %scan3A_246, %mul3A_592 : i32
        %swap3A_594 = arith.constant 3 : i32
        %swap3A_595 = arith.constant 7 : i32
        %swap3A_596 = arith.index_cast %swap3A_594 : i32 to index
        %swap3A_597 = arith.index_cast %swap3A_595 : i32 to index
        %swap3A_598 = arith.index_cast %mul3A_593 : i32 to index
        %swap3A_599 = tpu.vector_load %arg8[%swap3A_596, %swap3A_597, %swap3A_598] {strides = array<i32>} : memref<8x8x129xf32, #tpu.memory_space<vmem>>, vector<16xf32>,
        tpu.vector_store %arg8[%swap3A_596, %swap3A_597, %swap3A_598], %gather3A_535 {strides = array<i32>} : memref<8x8x129xf32, #tpu.memory_space<vmem>>, vector<16xf32>,
        %broadcast_in_dim3A_600 = arith.constant 32 : i32
        %broadcast_in_dim3A_601 = vector.broadcast %broadcast_in_dim3A_600 : i32 to vector<16xi32>
        %gather3A_602 = tpu.vector_load_idx %arg6[%add3A_250, %broadcast_in_dim3A_601] : memref<128x128xf32, #tpu.memory_space<vmem>>[vector<16xi32>, vector<16xi32>], vector<16xf32>,
        %broadcast_in_dim3A_603 = arith.constant 33 : i32
        %broadcast_in_dim3A_604 = vector.broadcast %broadcast_in_dim3A_603 : i32 to vector<16xi32>
        %gather3A_605 = tpu.vector_load_idx %arg6[%add3A_250, %broadcast_in_dim3A_604] : memref<128x128xf32, #tpu.memory_space<vmem>>[vector<16xi32>, vector<16xi32>], vector<16xf32>,
        %broadcast_in_dim3A_606 = arith.constant 34 : i32
        %broadcast_in_dim3A_607 = vector.broadcast %broadcast_in_dim3A_606 : i32 to vector<16xi32>
        %gather3A_608 = tpu.vector_load_idx %arg6[%add3A_250, %broadcast_in_dim3A_607] : memref<128x128xf32, #tpu.memory_space<vmem>>[vector<16xi32>, vector<16xi32>], vector<16xf32>,
        %broadcast_in_dim3A_609 = arith.constant 35 : i32
        %broadcast_in_dim3A_610 = vector.broadcast %broadcast_in_dim3A_609 : i32 to vector<16xi32>
        %gather3A_611 = tpu.vector_load_idx %arg6[%add3A_250, %broadcast_in_dim3A_610] : memref<128x128xf32, #tpu.memory_space<vmem>>[vector<16xi32>, vector<16xi32>], vector<16xf32>,
        %broadcast_in_dim3A_612 = arith.constant 36 : i32
        %broadcast_in_dim3A_613 = vector.broadcast %broadcast_in_dim3A_612 : i32 to vector<16xi32>
        %gather3A_614 = tpu.vector_load_idx %arg6[%add3A_250, %broadcast_in_dim3A_613] : memref<128x128xf32, #tpu.memory_space<vmem>>[vector<16xi32>, vector<16xi32>], vector<16xf32>,
        %broadcast_in_dim3A_615 = arith.constant 37 : i32
        %broadcast_in_dim3A_616 = vector.broadcast %broadcast_in_dim3A_615 : i32 to vector<16xi32>
        %gather3A_617 = tpu.vector_load_idx %arg6[%add3A_250, %broadcast_in_dim3A_616] : memref<128x128xf32, #tpu.memory_space<vmem>>[vector<16xi32>, vector<16xi32>], vector<16xf32>,
        %broadcast_in_dim3A_618 = arith.constant 38 : i32
        %broadcast_in_dim3A_619 = vector.broadcast %broadcast_in_dim3A_618 : i32 to vector<16xi32>
        %gather3A_620 = tpu.vector_load_idx %arg6[%add3A_250, %broadcast_in_dim3A_619] : memref<128x128xf32, #tpu.memory_space<vmem>>[vector<16xi32>, vector<16xi32>], vector<16xf32>,
        %broadcast_in_dim3A_621 = arith.constant 39 : i32
        %broadcast_in_dim3A_622 = vector.broadcast %broadcast_in_dim3A_621 : i32 to vector<16xi32>
        %gather3A_623 = tpu.vector_load_idx %arg6[%add3A_250, %broadcast_in_dim3A_622] : memref<128x128xf32, #tpu.memory_space<vmem>>[vector<16xi32>, vector<16xi32>], vector<16xf32>,
        %mul3A_624 = arith.constant 16 : i32
        %mul3A_625 = arith.muli %scan3A_246, %mul3A_624 : i32
        %swap3A_626 = arith.constant 4 : i32
        %swap3A_627 = arith.constant 0 : i32
        %swap3A_628 = arith.index_cast %swap3A_626 : i32 to index
        %swap3A_629 = arith.index_cast %swap3A_627 : i32 to index
        %swap3A_630 = arith.index_cast %mul3A_625 : i32 to index
        %swap3A_631 = tpu.vector_load %arg8[%swap3A_628, %swap3A_629, %swap3A_630] {strides = array<i32>} : memref<8x8x129xf32, #tpu.memory_space<vmem>>, vector<16xf32>,
        tpu.vector_store %arg8[%swap3A_628, %swap3A_629, %swap3A_630], %gather3A_602 {strides = array<i32>} : memref<8x8x129xf32, #tpu.memory_space<vmem>>, vector<16xf32>,
        %mul3A_632 = arith.constant 16 : i32
        %mul3A_633 = arith.muli %scan3A_246, %mul3A_632 : i32
        %swap3A_634 = arith.constant 4 : i32
        %swap3A_635 = arith.constant 1 : i32
        %swap3A_636 = arith.index_cast %swap3A_634 : i32 to index
        %swap3A_637 = arith.index_cast %swap3A_635 : i32 to index
        %swap3A_638 = arith.index_cast %mul3A_633 : i32 to index
        %swap3A_639 = tpu.vector_load %arg8[%swap3A_636, %swap3A_637, %swap3A_638] {strides = array<i32>} : memref<8x8x129xf32, #tpu.memory_space<vmem>>, vector<16xf32>,
        tpu.vector_store %arg8[%swap3A_636, %swap3A_637, %swap3A_638], %gather3A_605 {strides = array<i32>} : memref<8x8x129xf32, #tpu.memory_space<vmem>>, vector<16xf32>,
        %mul3A_640 = arith.constant 16 : i32
        %mul3A_641 = arith.muli %scan3A_246, %mul3A_640 : i32
        %swap3A_642 = arith.constant 4 : i32
        %swap3A_643 = arith.constant 2 : i32
        %swap3A_644 = arith.index_cast %swap3A_642 : i32 to index
        %swap3A_645 = arith.index_cast %swap3A_643 : i32 to index
        %swap3A_646 = arith.index_cast %mul3A_641 : i32 to index
        %swap3A_647 = tpu.vector_load %arg8[%swap3A_644, %swap3A_645, %swap3A_646] {strides = array<i32>} : memref<8x8x129xf32, #tpu.memory_space<vmem>>, vector<16xf32>,
        tpu.vector_store %arg8[%swap3A_644, %swap3A_645, %swap3A_646], %gather3A_608 {strides = array<i32>} : memref<8x8x129xf32, #tpu.memory_space<vmem>>, vector<16xf32>,
        %mul3A_648 = arith.constant 16 : i32
        %mul3A_649 = arith.muli %scan3A_246, %mul3A_648 : i32
        %swap3A_650 = arith.constant 4 : i32
        %swap3A_651 = arith.constant 3 : i32
        %swap3A_652 = arith.index_cast %swap3A_650 : i32 to index
        %swap3A_653 = arith.index_cast %swap3A_651 : i32 to index
        %swap3A_654 = arith.index_cast %mul3A_649 : i32 to index
        %swap3A_655 = tpu.vector_load %arg8[%swap3A_652, %swap3A_653, %swap3A_654] {strides = array<i32>} : memref<8x8x129xf32, #tpu.memory_space<vmem>>, vector<16xf32>,
        tpu.vector_store %arg8[%swap3A_652, %swap3A_653, %swap3A_654], %gather3A_611 {strides = array<i32>} : memref<8x8x129xf32, #tpu.memory_space<vmem>>, vector<16xf32>,
        %mul3A_656 = arith.constant 16 : i32
        %mul3A_657 = arith.muli %scan3A_246, %mul3A_656 : i32
        %swap3A_658 = arith.constant 4 : i32
        %swap3A_659 = arith.constant 4 : i32
        %swap3A_660 = arith.index_cast %swap3A_658 : i32 to index
        %swap3A_661 = arith.index_cast %swap3A_659 : i32 to index
        %swap3A_662 = arith.index_cast %mul3A_657 : i32 to index
        %swap3A_663 = tpu.vector_load %arg8[%swap3A_660, %swap3A_661, %swap3A_662] {strides = array<i32>} : memref<8x8x129xf32, #tpu.memory_space<vmem>>, vector<16xf32>,
        tpu.vector_store %arg8[%swap3A_660, %swap3A_661, %swap3A_662], %gather3A_614 {strides = array<i32>} : memref<8x8x129xf32, #tpu.memory_space<vmem>>, vector<16xf32>,
        %mul3A_664 = arith.constant 16 : i32
        %mul3A_665 = arith.muli %scan3A_246, %mul3A_664 : i32
        %swap3A_666 = arith.constant 4 : i32
        %swap3A_667 = arith.constant 5 : i32
        %swap3A_668 = arith.index_cast %swap3A_666 : i32 to index
        %swap3A_669 = arith.index_cast %swap3A_667 : i32 to index
        %swap3A_670 = arith.index_cast %mul3A_665 : i32 to index
        %swap3A_671 = tpu.vector_load %arg8[%swap3A_668, %swap3A_669, %swap3A_670] {strides = array<i32>} : memref<8x8x129xf32, #tpu.memory_space<vmem>>, vector<16xf32>,
        tpu.vector_store %arg8[%swap3A_668, %swap3A_669, %swap3A_670], %gather3A_617 {strides = array<i32>} : memref<8x8x129xf32, #tpu.memory_space<vmem>>, vector<16xf32>,
        %mul3A_672 = arith.constant 16 : i32
        %mul3A_673 = arith.muli %scan3A_246, %mul3A_672 : i32
        %swap3A_674 = arith.constant 4 : i32
        %swap3A_675 = arith.constant 6 : i32
        %swap3A_676 = arith.index_cast %swap3A_674 : i32 to index
        %swap3A_677 = arith.index_cast %swap3A_675 : i32 to index
        %swap3A_678 = arith.index_cast %mul3A_673 : i32 to index
        %swap3A_679 = tpu.vector_load %arg8[%swap3A_676, %swap3A_677, %swap3A_678] {strides = array<i32>} : memref<8x8x129xf32, #tpu.memory_space<vmem>>, vector<16xf32>,
        tpu.vector_store %arg8[%swap3A_676, %swap3A_677, %swap3A_678], %gather3A_620 {strides = array<i32>} : memref<8x8x129xf32, #tpu.memory_space<vmem>>, vector<16xf32>,
        %mul3A_680 = arith.constant 16 : i32
        %mul3A_681 = arith.muli %scan3A_246, %mul3A_680 : i32
        %swap3A_682 = arith.constant 4 : i32
        %swap3A_683 = arith.constant 7 : i32
        %swap3A_684 = arith.index_cast %swap3A_682 : i32 to index
        %swap3A_685 = arith.index_cast %swap3A_683 : i32 to index
        %swap3A_686 = arith.index_cast %mul3A_681 : i32 to index
        %swap3A_687 = tpu.vector_load %arg8[%swap3A_684, %swap3A_685, %swap3A_686] {strides = array<i32>} : memref<8x8x129xf32, #tpu.memory_space<vmem>>, vector<16xf32>,
        tpu.vector_store %arg8[%swap3A_684, %swap3A_685, %swap3A_686], %gather3A_623 {strides = array<i32>} : memref<8x8x129xf32, #tpu.memory_space<vmem>>, vector<16xf32>,
        %broadcast_in_dim3A_688 = arith.constant 40 : i32
        %broadcast_in_dim3A_689 = vector.broadcast %broadcast_in_dim3A_688 : i32 to vector<16xi32>
        %gather3A_690 = tpu.vector_load_idx %arg6[%add3A_250, %broadcast_in_dim3A_689] : memref<128x128xf32, #tpu.memory_space<vmem>>[vector<16xi32>, vector<16xi32>], vector<16xf32>,
        %broadcast_in_dim3A_691 = arith.constant 41 : i32
        %broadcast_in_dim3A_692 = vector.broadcast %broadcast_in_dim3A_691 : i32 to vector<16xi32>
        %gather3A_693 = tpu.vector_load_idx %arg6[%add3A_250, %broadcast_in_dim3A_692] : memref<128x128xf32, #tpu.memory_space<vmem>>[vector<16xi32>, vector<16xi32>], vector<16xf32>,
        %broadcast_in_dim3A_694 = arith.constant 42 : i32
        %broadcast_in_dim3A_695 = vector.broadcast %broadcast_in_dim3A_694 : i32 to vector<16xi32>
        %gather3A_696 = tpu.vector_load_idx %arg6[%add3A_250, %broadcast_in_dim3A_695] : memref<128x128xf32, #tpu.memory_space<vmem>>[vector<16xi32>, vector<16xi32>], vector<16xf32>,
        %broadcast_in_dim3A_697 = arith.constant 43 : i32
        %broadcast_in_dim3A_698 = vector.broadcast %broadcast_in_dim3A_697 : i32 to vector<16xi32>
        %gather3A_699 = tpu.vector_load_idx %arg6[%add3A_250, %broadcast_in_dim3A_698] : memref<128x128xf32, #tpu.memory_space<vmem>>[vector<16xi32>, vector<16xi32>], vector<16xf32>,
        %broadcast_in_dim3A_700 = arith.constant 44 : i32
        %broadcast_in_dim3A_701 = vector.broadcast %broadcast_in_dim3A_700 : i32 to vector<16xi32>
        %gather3A_702 = tpu.vector_load_idx %arg6[%add3A_250, %broadcast_in_dim3A_701] : memref<128x128xf32, #tpu.memory_space<vmem>>[vector<16xi32>, vector<16xi32>], vector<16xf32>,
        %broadcast_in_dim3A_703 = arith.constant 45 : i32
        %broadcast_in_dim3A_704 = vector.broadcast %broadcast_in_dim3A_703 : i32 to vector<16xi32>
        %gather3A_705 = tpu.vector_load_idx %arg6[%add3A_250, %broadcast_in_dim3A_704] : memref<128x128xf32, #tpu.memory_space<vmem>>[vector<16xi32>, vector<16xi32>], vector<16xf32>,
        %broadcast_in_dim3A_706 = arith.constant 46 : i32
        %broadcast_in_dim3A_707 = vector.broadcast %broadcast_in_dim3A_706 : i32 to vector<16xi32>
        %gather3A_708 = tpu.vector_load_idx %arg6[%add3A_250, %broadcast_in_dim3A_707] : memref<128x128xf32, #tpu.memory_space<vmem>>[vector<16xi32>, vector<16xi32>], vector<16xf32>,
        %broadcast_in_dim3A_709 = arith.constant 47 : i32
        %broadcast_in_dim3A_710 = vector.broadcast %broadcast_in_dim3A_709 : i32 to vector<16xi32>
        %gather3A_711 = tpu.vector_load_idx %arg6[%add3A_250, %broadcast_in_dim3A_710] : memref<128x128xf32, #tpu.memory_space<vmem>>[vector<16xi32>, vector<16xi32>], vector<16xf32>,
        %mul3A_712 = arith.constant 16 : i32
        %mul3A_713 = arith.muli %scan3A_246, %mul3A_712 : i32
        %swap3A_714 = arith.constant 5 : i32
        %swap3A_715 = arith.constant 0 : i32
        %swap3A_716 = arith.index_cast %swap3A_714 : i32 to index
        %swap3A_717 = arith.index_cast %swap3A_715 : i32 to index
        %swap3A_718 = arith.index_cast %mul3A_713 : i32 to index
        %swap3A_719 = tpu.vector_load %arg8[%swap3A_716, %swap3A_717, %swap3A_718] {strides = array<i32>} : memref<8x8x129xf32, #tpu.memory_space<vmem>>, vector<16xf32>,
        tpu.vector_store %arg8[%swap3A_716, %swap3A_717, %swap3A_718], %gather3A_690 {strides = array<i32>} : memref<8x8x129xf32, #tpu.memory_space<vmem>>, vector<16xf32>,
        %mul3A_720 = arith.constant 16 : i32
        %mul3A_721 = arith.muli %scan3A_246, %mul3A_720 : i32
        %swap3A_722 = arith.constant 5 : i32
        %swap3A_723 = arith.constant 1 : i32
        %swap3A_724 = arith.index_cast %swap3A_722 : i32 to index
        %swap3A_725 = arith.index_cast %swap3A_723 : i32 to index
        %swap3A_726 = arith.index_cast %mul3A_721 : i32 to index
        %swap3A_727 = tpu.vector_load %arg8[%swap3A_724, %swap3A_725, %swap3A_726] {strides = array<i32>} : memref<8x8x129xf32, #tpu.memory_space<vmem>>, vector<16xf32>,
        tpu.vector_store %arg8[%swap3A_724, %swap3A_725, %swap3A_726], %gather3A_693 {strides = array<i32>} : memref<8x8x129xf32, #tpu.memory_space<vmem>>, vector<16xf32>,
        %mul3A_728 = arith.constant 16 : i32
        %mul3A_729 = arith.muli %scan3A_246, %mul3A_728 : i32
        %swap3A_730 = arith.constant 5 : i32
        %swap3A_731 = arith.constant 2 : i32
        %swap3A_732 = arith.index_cast %swap3A_730 : i32 to index
        %swap3A_733 = arith.index_cast %swap3A_731 : i32 to index
        %swap3A_734 = arith.index_cast %mul3A_729 : i32 to index
        %swap3A_735 = tpu.vector_load %arg8[%swap3A_732, %swap3A_733, %swap3A_734] {strides = array<i32>} : memref<8x8x129xf32, #tpu.memory_space<vmem>>, vector<16xf32>,
        tpu.vector_store %arg8[%swap3A_732, %swap3A_733, %swap3A_734], %gather3A_696 {strides = array<i32>} : memref<8x8x129xf32, #tpu.memory_space<vmem>>, vector<16xf32>,
        %mul3A_736 = arith.constant 16 : i32
        %mul3A_737 = arith.muli %scan3A_246, %mul3A_736 : i32
        %swap3A_738 = arith.constant 5 : i32
        %swap3A_739 = arith.constant 3 : i32
        %swap3A_740 = arith.index_cast %swap3A_738 : i32 to index
        %swap3A_741 = arith.index_cast %swap3A_739 : i32 to index
        %swap3A_742 = arith.index_cast %mul3A_737 : i32 to index
        %swap3A_743 = tpu.vector_load %arg8[%swap3A_740, %swap3A_741, %swap3A_742] {strides = array<i32>} : memref<8x8x129xf32, #tpu.memory_space<vmem>>, vector<16xf32>,
        tpu.vector_store %arg8[%swap3A_740, %swap3A_741, %swap3A_742], %gather3A_699 {strides = array<i32>} : memref<8x8x129xf32, #tpu.memory_space<vmem>>, vector<16xf32>,
        %mul3A_744 = arith.constant 16 : i32
        %mul3A_745 = arith.muli %scan3A_246, %mul3A_744 : i32
        %swap3A_746 = arith.constant 5 : i32
        %swap3A_747 = arith.constant 4 : i32
        %swap3A_748 = arith.index_cast %swap3A_746 : i32 to index
        %swap3A_749 = arith.index_cast %swap3A_747 : i32 to index
        %swap3A_750 = arith.index_cast %mul3A_745 : i32 to index
        %swap3A_751 = tpu.vector_load %arg8[%swap3A_748, %swap3A_749, %swap3A_750] {strides = array<i32>} : memref<8x8x129xf32, #tpu.memory_space<vmem>>, vector<16xf32>,
        tpu.vector_store %arg8[%swap3A_748, %swap3A_749, %swap3A_750], %gather3A_702 {strides = array<i32>} : memref<8x8x129xf32, #tpu.memory_space<vmem>>, vector<16xf32>,
        %mul3A_752 = arith.constant 16 : i32
        %mul3A_753 = arith.muli %scan3A_246, %mul3A_752 : i32
        %swap3A_754 = arith.constant 5 : i32
        %swap3A_755 = arith.constant 5 : i32
        %swap3A_756 = arith.index_cast %swap3A_754 : i32 to index
        %swap3A_757 = arith.index_cast %swap3A_755 : i32 to index
        %swap3A_758 = arith.index_cast %mul3A_753 : i32 to index
        %swap3A_759 = tpu.vector_load %arg8[%swap3A_756, %swap3A_757, %swap3A_758] {strides = array<i32>} : memref<8x8x129xf32, #tpu.memory_space<vmem>>, vector<16xf32>,
        tpu.vector_store %arg8[%swap3A_756, %swap3A_757, %swap3A_758], %gather3A_705 {strides = array<i32>} : memref<8x8x129xf32, #tpu.memory_space<vmem>>, vector<16xf32>,
        %mul3A_760 = arith.constant 16 : i32
        %mul3A_761 = arith.muli %scan3A_246, %mul3A_760 : i32
        %swap3A_762 = arith.constant 5 : i32
        %swap3A_763 = arith.constant 6 : i32
        %swap3A_764 = arith.index_cast %swap3A_762 : i32 to index
        %swap3A_765 = arith.index_cast %swap3A_763 : i32 to index
        %swap3A_766 = arith.index_cast %mul3A_761 : i32 to index
        %swap3A_767 = tpu.vector_load %arg8[%swap3A_764, %swap3A_765, %swap3A_766] {strides = array<i32>} : memref<8x8x129xf32, #tpu.memory_space<vmem>>, vector<16xf32>,
        tpu.vector_store %arg8[%swap3A_764, %swap3A_765, %swap3A_766], %gather3A_708 {strides = array<i32>} : memref<8x8x129xf32, #tpu.memory_space<vmem>>, vector<16xf32>,
        %mul3A_768 = arith.constant 16 : i32
        %mul3A_769 = arith.muli %scan3A_246, %mul3A_768 : i32
        %swap3A_770 = arith.constant 5 : i32
        %swap3A_771 = arith.constant 7 : i32
        %swap3A_772 = arith.index_cast %swap3A_770 : i32 to index
        %swap3A_773 = arith.index_cast %swap3A_771 : i32 to index
        %swap3A_774 = arith.index_cast %mul3A_769 : i32 to index
        %swap3A_775 = tpu.vector_load %arg8[%swap3A_772, %swap3A_773, %swap3A_774] {strides = array<i32>} : memref<8x8x129xf32, #tpu.memory_space<vmem>>, vector<16xf32>,
        tpu.vector_store %arg8[%swap3A_772, %swap3A_773, %swap3A_774], %gather3A_711 {strides = array<i32>} : memref<8x8x129xf32, #tpu.memory_space<vmem>>, vector<16xf32>,
        %broadcast_in_dim3A_776 = arith.constant 48 : i32
        %broadcast_in_dim3A_777 = vector.broadcast %broadcast_in_dim3A_776 : i32 to vector<16xi32>
        %gather3A_778 = tpu.vector_load_idx %arg6[%add3A_250, %broadcast_in_dim3A_777] : memref<128x128xf32, #tpu.memory_space<vmem>>[vector<16xi32>, vector<16xi32>], vector<16xf32>,
        %broadcast_in_dim3A_779 = arith.constant 49 : i32
        %broadcast_in_dim3A_780 = vector.broadcast %broadcast_in_dim3A_779 : i32 to vector<16xi32>
        %gather3A_781 = tpu.vector_load_idx %arg6[%add3A_250, %broadcast_in_dim3A_780] : memref<128x128xf32, #tpu.memory_space<vmem>>[vector<16xi32>, vector<16xi32>], vector<16xf32>,
        %broadcast_in_dim3A_782 = arith.constant 50 : i32
        %broadcast_in_dim3A_783 = vector.broadcast %broadcast_in_dim3A_782 : i32 to vector<16xi32>
        %gather3A_784 = tpu.vector_load_idx %arg6[%add3A_250, %broadcast_in_dim3A_783] : memref<128x128xf32, #tpu.memory_space<vmem>>[vector<16xi32>, vector<16xi32>], vector<16xf32>,
        %broadcast_in_dim3A_785 = arith.constant 51 : i32
        %broadcast_in_dim3A_786 = vector.broadcast %broadcast_in_dim3A_785 : i32 to vector<16xi32>
        %gather3A_787 = tpu.vector_load_idx %arg6[%add3A_250, %broadcast_in_dim3A_786] : memref<128x128xf32, #tpu.memory_space<vmem>>[vector<16xi32>, vector<16xi32>], vector<16xf32>,
        %broadcast_in_dim3A_788 = arith.constant 52 : i32
        %broadcast_in_dim3A_789 = vector.broadcast %broadcast_in_dim3A_788 : i32 to vector<16xi32>
        %gather3A_790 = tpu.vector_load_idx %arg6[%add3A_250, %broadcast_in_dim3A_789] : memref<128x128xf32, #tpu.memory_space<vmem>>[vector<16xi32>, vector<16xi32>], vector<16xf32>,
        %broadcast_in_dim3A_791 = arith.constant 53 : i32
        %broadcast_in_dim3A_792 = vector.broadcast %broadcast_in_dim3A_791 : i32 to vector<16xi32>
        %gather3A_793 = tpu.vector_load_idx %arg6[%add3A_250, %broadcast_in_dim3A_792] : memref<128x128xf32, #tpu.memory_space<vmem>>[vector<16xi32>, vector<16xi32>], vector<16xf32>,
        %broadcast_in_dim3A_794 = arith.constant 54 : i32
        %broadcast_in_dim3A_795 = vector.broadcast %broadcast_in_dim3A_794 : i32 to vector<16xi32>
        %gather3A_796 = tpu.vector_load_idx %arg6[%add3A_250, %broadcast_in_dim3A_795] : memref<128x128xf32, #tpu.memory_space<vmem>>[vector<16xi32>, vector<16xi32>], vector<16xf32>,
        %broadcast_in_dim3A_797 = arith.constant 55 : i32
        %broadcast_in_dim3A_798 = vector.broadcast %broadcast_in_dim3A_797 : i32 to vector<16xi32>
        %gather3A_799 = tpu.vector_load_idx %arg6[%add3A_250, %broadcast_in_dim3A_798] : memref<128x128xf32, #tpu.memory_space<vmem>>[vector<16xi32>, vector<16xi32>], vector<16xf32>,
        %mul3A_800 = arith.constant 16 : i32
        %mul3A_801 = arith.muli %scan3A_246, %mul3A_800 : i32
        %swap3A_802 = arith.constant 6 : i32
        %swap3A_803 = arith.constant 0 : i32
        %swap3A_804 = arith.index_cast %swap3A_802 : i32 to index
        %swap3A_805 = arith.index_cast %swap3A_803 : i32 to index
        %swap3A_806 = arith.index_cast %mul3A_801 : i32 to index
        %swap3A_807 = tpu.vector_load %arg8[%swap3A_804, %swap3A_805, %swap3A_806] {strides = array<i32>} : memref<8x8x129xf32, #tpu.memory_space<vmem>>, vector<16xf32>,
        tpu.vector_store %arg8[%swap3A_804, %swap3A_805, %swap3A_806], %gather3A_778 {strides = array<i32>} : memref<8x8x129xf32, #tpu.memory_space<vmem>>, vector<16xf32>,
        %mul3A_808 = arith.constant 16 : i32
        %mul3A_809 = arith.muli %scan3A_246, %mul3A_808 : i32
        %swap3A_810 = arith.constant 6 : i32
        %swap3A_811 = arith.constant 1 : i32
        %swap3A_812 = arith.index_cast %swap3A_810 : i32 to index
        %swap3A_813 = arith.index_cast %swap3A_811 : i32 to index
        %swap3A_814 = arith.index_cast %mul3A_809 : i32 to index
        %swap3A_815 = tpu.vector_load %arg8[%swap3A_812, %swap3A_813, %swap3A_814] {strides = array<i32>} : memref<8x8x129xf32, #tpu.memory_space<vmem>>, vector<16xf32>,
        tpu.vector_store %arg8[%swap3A_812, %swap3A_813, %swap3A_814], %gather3A_781 {strides = array<i32>} : memref<8x8x129xf32, #tpu.memory_space<vmem>>, vector<16xf32>,
        %mul3A_816 = arith.constant 16 : i32
        %mul3A_817 = arith.muli %scan3A_246, %mul3A_816 : i32
        %swap3A_818 = arith.constant 6 : i32
        %swap3A_819 = arith.constant 2 : i32
        %swap3A_820 = arith.index_cast %swap3A_818 : i32 to index
        %swap3A_821 = arith.index_cast %swap3A_819 : i32 to index
        %swap3A_822 = arith.index_cast %mul3A_817 : i32 to index
        %swap3A_823 = tpu.vector_load %arg8[%swap3A_820, %swap3A_821, %swap3A_822] {strides = array<i32>} : memref<8x8x129xf32, #tpu.memory_space<vmem>>, vector<16xf32>,
        tpu.vector_store %arg8[%swap3A_820, %swap3A_821, %swap3A_822], %gather3A_784 {strides = array<i32>} : memref<8x8x129xf32, #tpu.memory_space<vmem>>, vector<16xf32>,
        %mul3A_824 = arith.constant 16 : i32
        %mul3A_825 = arith.muli %scan3A_246, %mul3A_824 : i32
        %swap3A_826 = arith.constant 6 : i32
        %swap3A_827 = arith.constant 3 : i32
        %swap3A_828 = arith.index_cast %swap3A_826 : i32 to index
        %swap3A_829 = arith.index_cast %swap3A_827 : i32 to index
        %swap3A_830 = arith.index_cast %mul3A_825 : i32 to index
        %swap3A_831 = tpu.vector_load %arg8[%swap3A_828, %swap3A_829, %swap3A_830] {strides = array<i32>} : memref<8x8x129xf32, #tpu.memory_space<vmem>>, vector<16xf32>,
        tpu.vector_store %arg8[%swap3A_828, %swap3A_829, %swap3A_830], %gather3A_787 {strides = array<i32>} : memref<8x8x129xf32, #tpu.memory_space<vmem>>, vector<16xf32>,
        %mul3A_832 = arith.constant 16 : i32
        %mul3A_833 = arith.muli %scan3A_246, %mul3A_832 : i32
        %swap3A_834 = arith.constant 6 : i32
        %swap3A_835 = arith.constant 4 : i32
        %swap3A_836 = arith.index_cast %swap3A_834 : i32 to index
        %swap3A_837 = arith.index_cast %swap3A_835 : i32 to index
        %swap3A_838 = arith.index_cast %mul3A_833 : i32 to index
        %swap3A_839 = tpu.vector_load %arg8[%swap3A_836, %swap3A_837, %swap3A_838] {strides = array<i32>} : memref<8x8x129xf32, #tpu.memory_space<vmem>>, vector<16xf32>,
        tpu.vector_store %arg8[%swap3A_836, %swap3A_837, %swap3A_838], %gather3A_790 {strides = array<i32>} : memref<8x8x129xf32, #tpu.memory_space<vmem>>, vector<16xf32>,
        %mul3A_840 = arith.constant 16 : i32
        %mul3A_841 = arith.muli %scan3A_246, %mul3A_840 : i32
        %swap3A_842 = arith.constant 6 : i32
        %swap3A_843 = arith.constant 5 : i32
        %swap3A_844 = arith.index_cast %swap3A_842 : i32 to index
        %swap3A_845 = arith.index_cast %swap3A_843 : i32 to index
        %swap3A_846 = arith.index_cast %mul3A_841 : i32 to index
        %swap3A_847 = tpu.vector_load %arg8[%swap3A_844, %swap3A_845, %swap3A_846] {strides = array<i32>} : memref<8x8x129xf32, #tpu.memory_space<vmem>>, vector<16xf32>,
        tpu.vector_store %arg8[%swap3A_844, %swap3A_845, %swap3A_846], %gather3A_793 {strides = array<i32>} : memref<8x8x129xf32, #tpu.memory_space<vmem>>, vector<16xf32>,
        %mul3A_848 = arith.constant 16 : i32
        %mul3A_849 = arith.muli %scan3A_246, %mul3A_848 : i32
        %swap3A_850 = arith.constant 6 : i32
        %swap3A_851 = arith.constant 6 : i32
        %swap3A_852 = arith.index_cast %swap3A_850 : i32 to index
        %swap3A_853 = arith.index_cast %swap3A_851 : i32 to index
        %swap3A_854 = arith.index_cast %mul3A_849 : i32 to index
        %swap3A_855 = tpu.vector_load %arg8[%swap3A_852, %swap3A_853, %swap3A_854] {strides = array<i32>} : memref<8x8x129xf32, #tpu.memory_space<vmem>>, vector<16xf32>,
        tpu.vector_store %arg8[%swap3A_852, %swap3A_853, %swap3A_854], %gather3A_796 {strides = array<i32>} : memref<8x8x129xf32, #tpu.memory_space<vmem>>, vector<16xf32>,
        %mul3A_856 = arith.constant 16 : i32
        %mul3A_857 = arith.muli %scan3A_246, %mul3A_856 : i32
        %swap3A_858 = arith.constant 6 : i32
        %swap3A_859 = arith.constant 7 : i32
        %swap3A_860 = arith.index_cast %swap3A_858 : i32 to index
        %swap3A_861 = arith.index_cast %swap3A_859 : i32 to index
        %swap3A_862 = arith.index_cast %mul3A_857 : i32 to index
        %swap3A_863 = tpu.vector_load %arg8[%swap3A_860, %swap3A_861, %swap3A_862] {strides = array<i32>} : memref<8x8x129xf32, #tpu.memory_space<vmem>>, vector<16xf32>,
        tpu.vector_store %arg8[%swap3A_860, %swap3A_861, %swap3A_862], %gather3A_799 {strides = array<i32>} : memref<8x8x129xf32, #tpu.memory_space<vmem>>, vector<16xf32>,
        %broadcast_in_dim3A_864 = arith.constant 56 : i32
        %broadcast_in_dim3A_865 = vector.broadcast %broadcast_in_dim3A_864 : i32 to vector<16xi32>
        %gather3A_866 = tpu.vector_load_idx %arg6[%add3A_250, %broadcast_in_dim3A_865] : memref<128x128xf32, #tpu.memory_space<vmem>>[vector<16xi32>, vector<16xi32>], vector<16xf32>,
        %broadcast_in_dim3A_867 = arith.constant 57 : i32
        %broadcast_in_dim3A_868 = vector.broadcast %broadcast_in_dim3A_867 : i32 to vector<16xi32>
        %gather3A_869 = tpu.vector_load_idx %arg6[%add3A_250, %broadcast_in_dim3A_868] : memref<128x128xf32, #tpu.memory_space<vmem>>[vector<16xi32>, vector<16xi32>], vector<16xf32>,
        %broadcast_in_dim3A_870 = arith.constant 58 : i32
        %broadcast_in_dim3A_871 = vector.broadcast %broadcast_in_dim3A_870 : i32 to vector<16xi32>
        %gather3A_872 = tpu.vector_load_idx %arg6[%add3A_250, %broadcast_in_dim3A_871] : memref<128x128xf32, #tpu.memory_space<vmem>>[vector<16xi32>, vector<16xi32>], vector<16xf32>,
        %broadcast_in_dim3A_873 = arith.constant 59 : i32
        %broadcast_in_dim3A_874 = vector.broadcast %broadcast_in_dim3A_873 : i32 to vector<16xi32>
        %gather3A_875 = tpu.vector_load_idx %arg6[%add3A_250, %broadcast_in_dim3A_874] : memref<128x128xf32, #tpu.memory_space<vmem>>[vector<16xi32>, vector<16xi32>], vector<16xf32>,
        %broadcast_in_dim3A_876 = arith.constant 60 : i32
        %broadcast_in_dim3A_877 = vector.broadcast %broadcast_in_dim3A_876 : i32 to vector<16xi32>
        %gather3A_878 = tpu.vector_load_idx %arg6[%add3A_250, %broadcast_in_dim3A_877] : memref<128x128xf32, #tpu.memory_space<vmem>>[vector<16xi32>, vector<16xi32>], vector<16xf32>,
        %broadcast_in_dim3A_879 = arith.constant 61 : i32
        %broadcast_in_dim3A_880 = vector.broadcast %broadcast_in_dim3A_879 : i32 to vector<16xi32>
        %gather3A_881 = tpu.vector_load_idx %arg6[%add3A_250, %broadcast_in_dim3A_880] : memref<128x128xf32, #tpu.memory_space<vmem>>[vector<16xi32>, vector<16xi32>], vector<16xf32>,
        %broadcast_in_dim3A_882 = arith.constant 62 : i32
        %broadcast_in_dim3A_883 = vector.broadcast %broadcast_in_dim3A_882 : i32 to vector<16xi32>
        %gather3A_884 = tpu.vector_load_idx %arg6[%add3A_250, %broadcast_in_dim3A_883] : memref<128x128xf32, #tpu.memory_space<vmem>>[vector<16xi32>, vector<16xi32>], vector<16xf32>,
        %broadcast_in_dim3A_885 = arith.constant 63 : i32
        %broadcast_in_dim3A_886 = vector.broadcast %broadcast_in_dim3A_885 : i32 to vector<16xi32>
        %gather3A_887 = tpu.vector_load_idx %arg6[%add3A_250, %broadcast_in_dim3A_886] : memref<128x128xf32, #tpu.memory_space<vmem>>[vector<16xi32>, vector<16xi32>], vector<16xf32>,
        %mul3A_888 = arith.constant 16 : i32
        %mul3A_889 = arith.muli %scan3A_246, %mul3A_888 : i32
        %swap3A_890 = arith.constant 7 : i32
        %swap3A_891 = arith.constant 0 : i32
        %swap3A_892 = arith.index_cast %swap3A_890 : i32 to index
        %swap3A_893 = arith.index_cast %swap3A_891 : i32 to index
        %swap3A_894 = arith.index_cast %mul3A_889 : i32 to index
        %swap3A_895 = tpu.vector_load %arg8[%swap3A_892, %swap3A_893, %swap3A_894] {strides = array<i32>} : memref<8x8x129xf32, #tpu.memory_space<vmem>>, vector<16xf32>,
        tpu.vector_store %arg8[%swap3A_892, %swap3A_893, %swap3A_894], %gather3A_866 {strides = array<i32>} : memref<8x8x129xf32, #tpu.memory_space<vmem>>, vector<16xf32>,
        %mul3A_896 = arith.constant 16 : i32
        %mul3A_897 = arith.muli %scan3A_246, %mul3A_896 : i32
        %swap3A_898 = arith.constant 7 : i32
        %swap3A_899 = arith.constant 1 : i32
        %swap3A_900 = arith.index_cast %swap3A_898 : i32 to index
        %swap3A_901 = arith.index_cast %swap3A_899 : i32 to index
        %swap3A_902 = arith.index_cast %mul3A_897 : i32 to index
        %swap3A_903 = tpu.vector_load %arg8[%swap3A_900, %swap3A_901, %swap3A_902] {strides = array<i32>} : memref<8x8x129xf32, #tpu.memory_space<vmem>>, vector<16xf32>,
        tpu.vector_store %arg8[%swap3A_900, %swap3A_901, %swap3A_902], %gather3A_869 {strides = array<i32>} : memref<8x8x129xf32, #tpu.memory_space<vmem>>, vector<16xf32>,
        %mul3A_904 = arith.constant 16 : i32
        %mul3A_905 = arith.muli %scan3A_246, %mul3A_904 : i32
        %swap3A_906 = arith.constant 7 : i32
        %swap3A_907 = arith.constant 2 : i32
        %swap3A_908 = arith.index_cast %swap3A_906 : i32 to index
        %swap3A_909 = arith.index_cast %swap3A_907 : i32 to index
        %swap3A_910 = arith.index_cast %mul3A_905 : i32 to index
        %swap3A_911 = tpu.vector_load %arg8[%swap3A_908, %swap3A_909, %swap3A_910] {strides = array<i32>} : memref<8x8x129xf32, #tpu.memory_space<vmem>>, vector<16xf32>,
        tpu.vector_store %arg8[%swap3A_908, %swap3A_909, %swap3A_910], %gather3A_872 {strides = array<i32>} : memref<8x8x129xf32, #tpu.memory_space<vmem>>, vector<16xf32>,
        %mul3A_912 = arith.constant 16 : i32
        %mul3A_913 = arith.muli %scan3A_246, %mul3A_912 : i32
        %swap3A_914 = arith.constant 7 : i32
        %swap3A_915 = arith.constant 3 : i32
        %swap3A_916 = arith.index_cast %swap3A_914 : i32 to index
        %swap3A_917 = arith.index_cast %swap3A_915 : i32 to index
        %swap3A_918 = arith.index_cast %mul3A_913 : i32 to index
        %swap3A_919 = tpu.vector_load %arg8[%swap3A_916, %swap3A_917, %swap3A_918] {strides = array<i32>} : memref<8x8x129xf32, #tpu.memory_space<vmem>>, vector<16xf32>,
        tpu.vector_store %arg8[%swap3A_916, %swap3A_917, %swap3A_918], %gather3A_875 {strides = array<i32>} : memref<8x8x129xf32, #tpu.memory_space<vmem>>, vector<16xf32>,
        %mul3A_920 = arith.constant 16 : i32
        %mul3A_921 = arith.muli %scan3A_246, %mul3A_920 : i32
        %swap3A_922 = arith.constant 7 : i32
        %swap3A_923 = arith.constant 4 : i32
        %swap3A_924 = arith.index_cast %swap3A_922 : i32 to index
        %swap3A_925 = arith.index_cast %swap3A_923 : i32 to index
        %swap3A_926 = arith.index_cast %mul3A_921 : i32 to index
        %swap3A_927 = tpu.vector_load %arg8[%swap3A_924, %swap3A_925, %swap3A_926] {strides = array<i32>} : memref<8x8x129xf32, #tpu.memory_space<vmem>>, vector<16xf32>,
        tpu.vector_store %arg8[%swap3A_924, %swap3A_925, %swap3A_926], %gather3A_878 {strides = array<i32>} : memref<8x8x129xf32, #tpu.memory_space<vmem>>, vector<16xf32>,
        %mul3A_928 = arith.constant 16 : i32
        %mul3A_929 = arith.muli %scan3A_246, %mul3A_928 : i32
        %swap3A_930 = arith.constant 7 : i32
        %swap3A_931 = arith.constant 5 : i32
        %swap3A_932 = arith.index_cast %swap3A_930 : i32 to index
        %swap3A_933 = arith.index_cast %swap3A_931 : i32 to index
        %swap3A_934 = arith.index_cast %mul3A_929 : i32 to index
        %swap3A_935 = tpu.vector_load %arg8[%swap3A_932, %swap3A_933, %swap3A_934] {strides = array<i32>} : memref<8x8x129xf32, #tpu.memory_space<vmem>>, vector<16xf32>,
        tpu.vector_store %arg8[%swap3A_932, %swap3A_933, %swap3A_934], %gather3A_881 {strides = array<i32>} : memref<8x8x129xf32, #tpu.memory_space<vmem>>, vector<16xf32>,
        %mul3A_936 = arith.constant 16 : i32
        %mul3A_937 = arith.muli %scan3A_246, %mul3A_936 : i32
        %swap3A_938 = arith.constant 7 : i32
        %swap3A_939 = arith.constant 6 : i32
        %swap3A_940 = arith.index_cast %swap3A_938 : i32 to index
        %swap3A_941 = arith.index_cast %swap3A_939 : i32 to index
        %swap3A_942 = arith.index_cast %mul3A_937 : i32 to index
        %swap3A_943 = tpu.vector_load %arg8[%swap3A_940, %swap3A_941, %swap3A_942] {strides = array<i32>} : memref<8x8x129xf32, #tpu.memory_space<vmem>>, vector<16xf32>,
        tpu.vector_store %arg8[%swap3A_940, %swap3A_941, %swap3A_942], %gather3A_884 {strides = array<i32>} : memref<8x8x129xf32, #tpu.memory_space<vmem>>, vector<16xf32>,
        %mul3A_944 = arith.constant 16 : i32
        %mul3A_945 = arith.muli %scan3A_246, %mul3A_944 : i32
        %swap3A_946 = arith.constant 7 : i32
        %swap3A_947 = arith.constant 7 : i32
        %swap3A_948 = arith.index_cast %swap3A_946 : i32 to index
        %swap3A_949 = arith.index_cast %swap3A_947 : i32 to index
        %swap3A_950 = arith.index_cast %mul3A_945 : i32 to index
        %swap3A_951 = tpu.vector_load %arg8[%swap3A_948, %swap3A_949, %swap3A_950] {strides = array<i32>} : memref<8x8x129xf32, #tpu.memory_space<vmem>>, vector<16xf32>,
        tpu.vector_store %arg8[%swap3A_948, %swap3A_949, %swap3A_950], %gather3A_887 {strides = array<i32>} : memref<8x8x129xf32, #tpu.memory_space<vmem>>, vector<16xf32>,
      }
      %scan3A_168 = arith.constant 8 : i32
      %dma_start3A_169 = arith.constant 0 : i32
      %dma_start3A_170 = arith.constant 0 : i32
      %dma_start3A_171 = arith.constant 0 : i32
      %dma_start3A_172 = tpu.memref_slice %arg8[%dma_start3A_169, %dma_start3A_170, %dma_start3A_171] : memref<8x8x129xf32, #tpu.memory_space<vmem>> -> memref<8x8x128xf32, #tpu.memory_space<vmem>>
      %dma_start3A_173 = arith.constant 0 : i32
      %dma_start3A_174 = arith.constant 0 : i32
      %dma_start3A_175 = arith.constant 0 : i32
      %dma_start3A_176 = tpu.memref_slice %arg4[%add3A_137, %dma_start3A_173, %add3A, %dma_start3A_174, %dma_start3A_175] : memref<200x8x32x8x128xf32, #tpu.memory_space<hbm>> -> memref<1x8x1x8x128xf32, #tpu.memory_space<hbm>>
      %dma_start3A_177 = tpu.memref_squeeze %dma_start3A_176 : memref<1x8x1x8x128xf32, #tpu.memory_space<hbm>> -> memref<8x8x128xf32, #tpu.memory_space<hbm>>
      %dma_start3A_178 = arith.constant 0 : i32
      %dma_start3A_179 = arith.constant 0 : i32
      %dma_start3A_180 = arith.constant 0 : i32
      %dma_start3A_181 = tpu.memref_slice %arg4[%add3A_137, %dma_start3A_178, %add3A, %dma_start3A_179, %dma_start3A_180] : memref<200x8x32x8x128xf32, #tpu.memory_space<hbm>> -> memref<1x8x1x8x128xf32, #tpu.memory_space<hbm>>
      %dma_start3A_182 = tpu.memref_squeeze %dma_start3A_181 : memref<1x8x1x8x128xf32, #tpu.memory_space<hbm>> -> memref<8x8x128xf32, #tpu.memory_space<hbm>>
      %dma_start3A_183 = arith.constant 0 : i32
      %dma_start3A_184 = arith.constant 0 : i32
      %dma_start3A_185 = arith.constant 0 : i32
      %dma_start3A_186 = tpu.memref_slice %arg8[%dma_start3A_183, %dma_start3A_184, %dma_start3A_185] : memref<8x8x129xf32, #tpu.memory_space<vmem>> -> memref<8x8x128xf32, #tpu.memory_space<vmem>>
      tpu.enqueue_dma source(%dma_start3A_186 : memref<8x8x128xf32, #tpu.memory_space<vmem>>) target(%dma_start3A_182 : memref<8x8x128xf32, #tpu.memory_space<hbm>>) target_semaphore(%arg12 : memref<!tpu.dma_semaphore, #tpu.memory_space<semaphore_mem>>)
      %add3A_187 = arith.constant 4 : i32
      %add3A_188 = arith.addi %mul3A_131, %add3A_187 : i32
      %lt3A_189 = arith.constant 200 : i32
      %lt3A_190 = arith.cmpi slt, %add3A_188, %lt3A_189 : i32
      %convert_element_type3A_191 = arith.extui %lt3A_190 : i1 to i32
      %cond3A_192 = arith.constant 0 : i32
      %cond3A_193 = arith.cmpi ne, %convert_element_type3A_191, %cond3A_192 : i32
      scf.if %cond3A_193 {
        %add3A_246 = arith.constant 4 : i32
        %add3A_247 = arith.addi %mul3A_131, %add3A_246 : i32
        %dma_start3A_248 = arith.constant 0 : i32
        %dma_start3A_249 = tpu.memref_slice %arg5[%add3A_247, %dma_start3A_248] : memref<200x128xi32, #tpu.memory_space<vmem>> -> memref<1x128xi32, #tpu.memory_space<vmem>>
        %dma_start3A_250 = tpu.memref_squeeze %dma_start3A_249 : memref<1x128xi32, #tpu.memory_space<vmem>> -> memref<128xi32, #tpu.memory_space<vmem>>
        %dma_start3A_251 = arith.constant 0 : i32
        %dma_start3A_252 = arith.constant 0 : i32
        %dma_start3A_253 = tpu.memref_slice %arg3[%dma_start3A_251, %dma_start3A_252] : memref<1000000x128xf32, #tpu.memory_space<hbm>> -> memref<1000000x128xf32, #tpu.memory_space<hbm>>
        tpu.enqueue_indirect_dma source(%dma_start3A_253 : memref<1000000x128xf32, #tpu.memory_space<hbm>>) target(%arg6 : memref<128x128xf32, #tpu.memory_space<vmem>>) offsets(%dma_start3A_250 : memref<128xi32, #tpu.memory_space<vmem>>) semaphore(%arg10 : memref<!tpu.dma_semaphore, #tpu.memory_space<semaphore_mem>>)
      } else {
      }
      %add3A_194 = arith.constant 3 : i32
      %add3A_195 = arith.addi %mul3A_131, %add3A_194 : i32
      %sub3A_196 = arith.constant 2 : i32
      %sub3A_197 = arith.subi %add3A_195, %sub3A_196 : i32
      %dma_wait3A_198 = arith.constant 0 : i32
      %dma_wait3A_199 = arith.constant 0 : i32
      %dma_wait3A_200 = arith.constant 0 : i32
      %dma_wait3A_201 = tpu.memref_slice %arg9[%dma_wait3A_198, %dma_wait3A_199, %dma_wait3A_200] : memref<8x8x129xf32, #tpu.memory_space<vmem>> -> memref<8x8x128xf32, #tpu.memory_space<vmem>>
      %dma_wait3A_202 = arith.constant 0 : i32
      %dma_wait3A_203 = arith.constant 0 : i32
      %dma_wait3A_204 = arith.constant 0 : i32
      %dma_wait3A_205 = tpu.memref_slice %arg4[%sub3A_197, %dma_wait3A_202, %add3A, %dma_wait3A_203, %dma_wait3A_204] : memref<200x8x32x8x128xf32, #tpu.memory_space<hbm>> -> memref<1x8x1x8x128xf32, #tpu.memory_space<hbm>>
      %dma_wait3A_206 = tpu.memref_squeeze %dma_wait3A_205 : memref<1x8x1x8x128xf32, #tpu.memory_space<hbm>> -> memref<8x8x128xf32, #tpu.memory_space<hbm>>
      %dma_wait3A_207 = arith.constant 0 : i32
      %dma_wait3A_208 = arith.constant 0 : i32
      %dma_wait3A_209 = arith.constant 0 : i32
      %dma_wait3A_210 = tpu.memref_slice %arg4[%sub3A_197, %dma_wait3A_207, %add3A, %dma_wait3A_208, %dma_wait3A_209] : memref<200x8x32x8x128xf32, #tpu.memory_space<hbm>> -> memref<1x8x1x8x128xf32, #tpu.memory_space<hbm>>
      %dma_wait3A_211 = tpu.memref_squeeze %dma_wait3A_210 : memref<1x8x1x8x128xf32, #tpu.memory_space<hbm>> -> memref<8x8x128xf32, #tpu.memory_space<hbm>>
      %dma_wait3A_212 = arith.constant 0 : i32
      %dma_wait3A_213 = arith.constant 0 : i32
      %dma_wait3A_214 = arith.constant 0 : i32
      %dma_wait3A_215 = tpu.memref_slice %arg9[%dma_wait3A_212, %dma_wait3A_213, %dma_wait3A_214] : memref<8x8x129xf32, #tpu.memory_space<vmem>> -> memref<8x8x128xf32, #tpu.memory_space<vmem>>
      tpu.wait_dma2 semaphore(%arg13 : memref<!tpu.dma_semaphore, #tpu.memory_space<semaphore_mem>>) src(%dma_wait3A_215 : memref<8x8x128xf32, #tpu.memory_space<vmem>>) dst(%dma_wait3A_211 : memref<8x8x128xf32, #tpu.memory_space<hbm>>)
      %dma_wait3A_216 = arith.constant 0 : i32
      %dma_wait3A_217 = tpu.memref_slice %arg5[%add3A_195, %dma_wait3A_216] : memref<200x128xi32, #tpu.memory_space<vmem>> -> memref<1x128xi32, #tpu.memory_space<vmem>>
      %dma_wait3A_218 = tpu.memref_squeeze %dma_wait3A_217 : memref<1x128xi32, #tpu.memory_space<vmem>> -> memref<128xi32, #tpu.memory_space<vmem>>
      %dma_wait3A_219 = arith.constant 0 : i32
      %dma_wait3A_220 = arith.constant 0 : i32
      %dma_wait3A_221 = tpu.memref_slice %arg3[%dma_wait3A_219, %dma_wait3A_220] : memref<1000000x128xf32, #tpu.memory_space<hbm>> -> memref<1000000x128xf32, #tpu.memory_space<hbm>>
      tpu.wait_indirect_dma semaphore(%arg11 : memref<!tpu.dma_semaphore, #tpu.memory_space<semaphore_mem>>) src(%dma_wait3A_221 : memref<1000000x128xf32, #tpu.memory_space<hbm>>) dst(%arg7 : memref<128x128xf32, #tpu.memory_space<vmem>>)
      %scan3A_222 = arith.constant 0 : i32
      %scan3A_223 = arith.constant 0 : i32
      %scan3A_224 = arith.constant 8 : i32
      %scan3A_225 = arith.addi %scan3A_223, %scan3A_224 : i32
      %scan3A_226 = arith.constant 1 : i32
      scf.for %scan3A_246 = %scan3A_223 to %scan3A_225 step %scan3A_226  : i32 {
        %mul3A_247 = arith.constant 16 : i32
        %mul3A_248 = arith.muli %scan3A_246, %mul3A_247 : i32
        %add3A_249 = vector.broadcast %mul3A_248 : i32 to vector<16xi32>
        %add3A_250 = arith.addi %iota3A, %add3A_249 : vector<16xi32>
        %broadcast_in_dim3A = arith.constant 0 : i32
        %broadcast_in_dim3A_251 = vector.broadcast %broadcast_in_dim3A : i32 to vector<16xi32>
        %gather3A = tpu.vector_load_idx %arg7[%add3A_250, %broadcast_in_dim3A_251] : memref<128x128xf32, #tpu.memory_space<vmem>>[vector<16xi32>, vector<16xi32>], vector<16xf32>,
        %broadcast_in_dim3A_252 = arith.constant 1 : i32
        %broadcast_in_dim3A_253 = vector.broadcast %broadcast_in_dim3A_252 : i32 to vector<16xi32>
        %gather3A_254 = tpu.vector_load_idx %arg7[%add3A_250, %broadcast_in_dim3A_253] : memref<128x128xf32, #tpu.memory_space<vmem>>[vector<16xi32>, vector<16xi32>], vector<16xf32>,
        %broadcast_in_dim3A_255 = arith.constant 2 : i32
        %broadcast_in_dim3A_256 = vector.broadcast %broadcast_in_dim3A_255 : i32 to vector<16xi32>
        %gather3A_257 = tpu.vector_load_idx %arg7[%add3A_250, %broadcast_in_dim3A_256] : memref<128x128xf32, #tpu.memory_space<vmem>>[vector<16xi32>, vector<16xi32>], vector<16xf32>,
        %broadcast_in_dim3A_258 = arith.constant 3 : i32
        %broadcast_in_dim3A_259 = vector.broadcast %broadcast_in_dim3A_258 : i32 to vector<16xi32>
        %gather3A_260 = tpu.vector_load_idx %arg7[%add3A_250, %broadcast_in_dim3A_259] : memref<128x128xf32, #tpu.memory_space<vmem>>[vector<16xi32>, vector<16xi32>], vector<16xf32>,
        %broadcast_in_dim3A_261 = arith.constant 4 : i32
        %broadcast_in_dim3A_262 = vector.broadcast %broadcast_in_dim3A_261 : i32 to vector<16xi32>
        %gather3A_263 = tpu.vector_load_idx %arg7[%add3A_250, %broadcast_in_dim3A_262] : memref<128x128xf32, #tpu.memory_space<vmem>>[vector<16xi32>, vector<16xi32>], vector<16xf32>,
        %broadcast_in_dim3A_264 = arith.constant 5 : i32
        %broadcast_in_dim3A_265 = vector.broadcast %broadcast_in_dim3A_264 : i32 to vector<16xi32>
        %gather3A_266 = tpu.vector_load_idx %arg7[%add3A_250, %broadcast_in_dim3A_265] : memref<128x128xf32, #tpu.memory_space<vmem>>[vector<16xi32>, vector<16xi32>], vector<16xf32>,
        %broadcast_in_dim3A_267 = arith.constant 6 : i32
        %broadcast_in_dim3A_268 = vector.broadcast %broadcast_in_dim3A_267 : i32 to vector<16xi32>
        %gather3A_269 = tpu.vector_load_idx %arg7[%add3A_250, %broadcast_in_dim3A_268] : memref<128x128xf32, #tpu.memory_space<vmem>>[vector<16xi32>, vector<16xi32>], vector<16xf32>,
        %broadcast_in_dim3A_270 = arith.constant 7 : i32
        %broadcast_in_dim3A_271 = vector.broadcast %broadcast_in_dim3A_270 : i32 to vector<16xi32>
        %gather3A_272 = tpu.vector_load_idx %arg7[%add3A_250, %broadcast_in_dim3A_271] : memref<128x128xf32, #tpu.memory_space<vmem>>[vector<16xi32>, vector<16xi32>], vector<16xf32>,
        %mul3A_273 = arith.constant 16 : i32
        %mul3A_274 = arith.muli %scan3A_246, %mul3A_273 : i32
        %swap3A = arith.constant 0 : i32
        %swap3A_275 = arith.constant 0 : i32
        %swap3A_276 = arith.index_cast %swap3A : i32 to index
        %swap3A_277 = arith.index_cast %swap3A_275 : i32 to index
        %swap3A_278 = arith.index_cast %mul3A_274 : i32 to index
        %swap3A_279 = tpu.vector_load %arg9[%swap3A_276, %swap3A_277, %swap3A_278] {strides = array<i32>} : memref<8x8x129xf32, #tpu.memory_space<vmem>>, vector<16xf32>,
        tpu.vector_store %arg9[%swap3A_276, %swap3A_277, %swap3A_278], %gather3A {strides = array<i32>} : memref<8x8x129xf32, #tpu.memory_space<vmem>>, vector<16xf32>,
        %mul3A_280 = arith.constant 16 : i32
        %mul3A_281 = arith.muli %scan3A_246, %mul3A_280 : i32
        %swap3A_282 = arith.constant 0 : i32
        %swap3A_283 = arith.constant 1 : i32
        %swap3A_284 = arith.index_cast %swap3A_282 : i32 to index
        %swap3A_285 = arith.index_cast %swap3A_283 : i32 to index
        %swap3A_286 = arith.index_cast %mul3A_281 : i32 to index
        %swap3A_287 = tpu.vector_load %arg9[%swap3A_284, %swap3A_285, %swap3A_286] {strides = array<i32>} : memref<8x8x129xf32, #tpu.memory_space<vmem>>, vector<16xf32>,
        tpu.vector_store %arg9[%swap3A_284, %swap3A_285, %swap3A_286], %gather3A_254 {strides = array<i32>} : memref<8x8x129xf32, #tpu.memory_space<vmem>>, vector<16xf32>,
        %mul3A_288 = arith.constant 16 : i32
        %mul3A_289 = arith.muli %scan3A_246, %mul3A_288 : i32
        %swap3A_290 = arith.constant 0 : i32
        %swap3A_291 = arith.constant 2 : i32
        %swap3A_292 = arith.index_cast %swap3A_290 : i32 to index
        %swap3A_293 = arith.index_cast %swap3A_291 : i32 to index
        %swap3A_294 = arith.index_cast %mul3A_289 : i32 to index
        %swap3A_295 = tpu.vector_load %arg9[%swap3A_292, %swap3A_293, %swap3A_294] {strides = array<i32>} : memref<8x8x129xf32, #tpu.memory_space<vmem>>, vector<16xf32>,
        tpu.vector_store %arg9[%swap3A_292, %swap3A_293, %swap3A_294], %gather3A_257 {strides = array<i32>} : memref<8x8x129xf32, #tpu.memory_space<vmem>>, vector<16xf32>,
        %mul3A_296 = arith.constant 16 : i32
        %mul3A_297 = arith.muli %scan3A_246, %mul3A_296 : i32
        %swap3A_298 = arith.constant 0 : i32
        %swap3A_299 = arith.constant 3 : i32
        %swap3A_300 = arith.index_cast %swap3A_298 : i32 to index
        %swap3A_301 = arith.index_cast %swap3A_299 : i32 to index
        %swap3A_302 = arith.index_cast %mul3A_297 : i32 to index
        %swap3A_303 = tpu.vector_load %arg9[%swap3A_300, %swap3A_301, %swap3A_302] {strides = array<i32>} : memref<8x8x129xf32, #tpu.memory_space<vmem>>, vector<16xf32>,
        tpu.vector_store %arg9[%swap3A_300, %swap3A_301, %swap3A_302], %gather3A_260 {strides = array<i32>} : memref<8x8x129xf32, #tpu.memory_space<vmem>>, vector<16xf32>,
        %mul3A_304 = arith.constant 16 : i32
        %mul3A_305 = arith.muli %scan3A_246, %mul3A_304 : i32
        %swap3A_306 = arith.constant 0 : i32
        %swap3A_307 = arith.constant 4 : i32
        %swap3A_308 = arith.index_cast %swap3A_306 : i32 to index
        %swap3A_309 = arith.index_cast %swap3A_307 : i32 to index
        %swap3A_310 = arith.index_cast %mul3A_305 : i32 to index
        %swap3A_311 = tpu.vector_load %arg9[%swap3A_308, %swap3A_309, %swap3A_310] {strides = array<i32>} : memref<8x8x129xf32, #tpu.memory_space<vmem>>, vector<16xf32>,
        tpu.vector_store %arg9[%swap3A_308, %swap3A_309, %swap3A_310], %gather3A_263 {strides = array<i32>} : memref<8x8x129xf32, #tpu.memory_space<vmem>>, vector<16xf32>,
        %mul3A_312 = arith.constant 16 : i32
        %mul3A_313 = arith.muli %scan3A_246, %mul3A_312 : i32
        %swap3A_314 = arith.constant 0 : i32
        %swap3A_315 = arith.constant 5 : i32
        %swap3A_316 = arith.index_cast %swap3A_314 : i32 to index
        %swap3A_317 = arith.index_cast %swap3A_315 : i32 to index
        %swap3A_318 = arith.index_cast %mul3A_313 : i32 to index
        %swap3A_319 = tpu.vector_load %arg9[%swap3A_316, %swap3A_317, %swap3A_318] {strides = array<i32>} : memref<8x8x129xf32, #tpu.memory_space<vmem>>, vector<16xf32>,
        tpu.vector_store %arg9[%swap3A_316, %swap3A_317, %swap3A_318], %gather3A_266 {strides = array<i32>} : memref<8x8x129xf32, #tpu.memory_space<vmem>>, vector<16xf32>,
        %mul3A_320 = arith.constant 16 : i32
        %mul3A_321 = arith.muli %scan3A_246, %mul3A_320 : i32
        %swap3A_322 = arith.constant 0 : i32
        %swap3A_323 = arith.constant 6 : i32
        %swap3A_324 = arith.index_cast %swap3A_322 : i32 to index
        %swap3A_325 = arith.index_cast %swap3A_323 : i32 to index
        %swap3A_326 = arith.index_cast %mul3A_321 : i32 to index
        %swap3A_327 = tpu.vector_load %arg9[%swap3A_324, %swap3A_325, %swap3A_326] {strides = array<i32>} : memref<8x8x129xf32, #tpu.memory_space<vmem>>, vector<16xf32>,
        tpu.vector_store %arg9[%swap3A_324, %swap3A_325, %swap3A_326], %gather3A_269 {strides = array<i32>} : memref<8x8x129xf32, #tpu.memory_space<vmem>>, vector<16xf32>,
        %mul3A_328 = arith.constant 16 : i32
        %mul3A_329 = arith.muli %scan3A_246, %mul3A_328 : i32
        %swap3A_330 = arith.constant 0 : i32
        %swap3A_331 = arith.constant 7 : i32
        %swap3A_332 = arith.index_cast %swap3A_330 : i32 to index
        %swap3A_333 = arith.index_cast %swap3A_331 : i32 to index
        %swap3A_334 = arith.index_cast %mul3A_329 : i32 to index
        %swap3A_335 = tpu.vector_load %arg9[%swap3A_332, %swap3A_333, %swap3A_334] {strides = array<i32>} : memref<8x8x129xf32, #tpu.memory_space<vmem>>, vector<16xf32>,
        tpu.vector_store %arg9[%swap3A_332, %swap3A_333, %swap3A_334], %gather3A_272 {strides = array<i32>} : memref<8x8x129xf32, #tpu.memory_space<vmem>>, vector<16xf32>,
        %broadcast_in_dim3A_336 = arith.constant 8 : i32
        %broadcast_in_dim3A_337 = vector.broadcast %broadcast_in_dim3A_336 : i32 to vector<16xi32>
        %gather3A_338 = tpu.vector_load_idx %arg7[%add3A_250, %broadcast_in_dim3A_337] : memref<128x128xf32, #tpu.memory_space<vmem>>[vector<16xi32>, vector<16xi32>], vector<16xf32>,
        %broadcast_in_dim3A_339 = arith.constant 9 : i32
        %broadcast_in_dim3A_340 = vector.broadcast %broadcast_in_dim3A_339 : i32 to vector<16xi32>
        %gather3A_341 = tpu.vector_load_idx %arg7[%add3A_250, %broadcast_in_dim3A_340] : memref<128x128xf32, #tpu.memory_space<vmem>>[vector<16xi32>, vector<16xi32>], vector<16xf32>,
        %broadcast_in_dim3A_342 = arith.constant 10 : i32
        %broadcast_in_dim3A_343 = vector.broadcast %broadcast_in_dim3A_342 : i32 to vector<16xi32>
        %gather3A_344 = tpu.vector_load_idx %arg7[%add3A_250, %broadcast_in_dim3A_343] : memref<128x128xf32, #tpu.memory_space<vmem>>[vector<16xi32>, vector<16xi32>], vector<16xf32>,
        %broadcast_in_dim3A_345 = arith.constant 11 : i32
        %broadcast_in_dim3A_346 = vector.broadcast %broadcast_in_dim3A_345 : i32 to vector<16xi32>
        %gather3A_347 = tpu.vector_load_idx %arg7[%add3A_250, %broadcast_in_dim3A_346] : memref<128x128xf32, #tpu.memory_space<vmem>>[vector<16xi32>, vector<16xi32>], vector<16xf32>,
        %broadcast_in_dim3A_348 = arith.constant 12 : i32
        %broadcast_in_dim3A_349 = vector.broadcast %broadcast_in_dim3A_348 : i32 to vector<16xi32>
        %gather3A_350 = tpu.vector_load_idx %arg7[%add3A_250, %broadcast_in_dim3A_349] : memref<128x128xf32, #tpu.memory_space<vmem>>[vector<16xi32>, vector<16xi32>], vector<16xf32>,
        %broadcast_in_dim3A_351 = arith.constant 13 : i32
        %broadcast_in_dim3A_352 = vector.broadcast %broadcast_in_dim3A_351 : i32 to vector<16xi32>
        %gather3A_353 = tpu.vector_load_idx %arg7[%add3A_250, %broadcast_in_dim3A_352] : memref<128x128xf32, #tpu.memory_space<vmem>>[vector<16xi32>, vector<16xi32>], vector<16xf32>,
        %broadcast_in_dim3A_354 = arith.constant 14 : i32
        %broadcast_in_dim3A_355 = vector.broadcast %broadcast_in_dim3A_354 : i32 to vector<16xi32>
        %gather3A_356 = tpu.vector_load_idx %arg7[%add3A_250, %broadcast_in_dim3A_355] : memref<128x128xf32, #tpu.memory_space<vmem>>[vector<16xi32>, vector<16xi32>], vector<16xf32>,
        %broadcast_in_dim3A_357 = arith.constant 15 : i32
        %broadcast_in_dim3A_358 = vector.broadcast %broadcast_in_dim3A_357 : i32 to vector<16xi32>
        %gather3A_359 = tpu.vector_load_idx %arg7[%add3A_250, %broadcast_in_dim3A_358] : memref<128x128xf32, #tpu.memory_space<vmem>>[vector<16xi32>, vector<16xi32>], vector<16xf32>,
        %mul3A_360 = arith.constant 16 : i32
        %mul3A_361 = arith.muli %scan3A_246, %mul3A_360 : i32
        %swap3A_362 = arith.constant 1 : i32
        %swap3A_363 = arith.constant 0 : i32
        %swap3A_364 = arith.index_cast %swap3A_362 : i32 to index
        %swap3A_365 = arith.index_cast %swap3A_363 : i32 to index
        %swap3A_366 = arith.index_cast %mul3A_361 : i32 to index
        %swap3A_367 = tpu.vector_load %arg9[%swap3A_364, %swap3A_365, %swap3A_366] {strides = array<i32>} : memref<8x8x129xf32, #tpu.memory_space<vmem>>, vector<16xf32>,
        tpu.vector_store %arg9[%swap3A_364, %swap3A_365, %swap3A_366], %gather3A_338 {strides = array<i32>} : memref<8x8x129xf32, #tpu.memory_space<vmem>>, vector<16xf32>,
        %mul3A_368 = arith.constant 16 : i32
        %mul3A_369 = arith.muli %scan3A_246, %mul3A_368 : i32
        %swap3A_370 = arith.constant 1 : i32
        %swap3A_371 = arith.constant 1 : i32
        %swap3A_372 = arith.index_cast %swap3A_370 : i32 to index
        %swap3A_373 = arith.index_cast %swap3A_371 : i32 to index
        %swap3A_374 = arith.index_cast %mul3A_369 : i32 to index
        %swap3A_375 = tpu.vector_load %arg9[%swap3A_372, %swap3A_373, %swap3A_374] {strides = array<i32>} : memref<8x8x129xf32, #tpu.memory_space<vmem>>, vector<16xf32>,
        tpu.vector_store %arg9[%swap3A_372, %swap3A_373, %swap3A_374], %gather3A_341 {strides = array<i32>} : memref<8x8x129xf32, #tpu.memory_space<vmem>>, vector<16xf32>,
        %mul3A_376 = arith.constant 16 : i32
        %mul3A_377 = arith.muli %scan3A_246, %mul3A_376 : i32
        %swap3A_378 = arith.constant 1 : i32
        %swap3A_379 = arith.constant 2 : i32
        %swap3A_380 = arith.index_cast %swap3A_378 : i32 to index
        %swap3A_381 = arith.index_cast %swap3A_379 : i32 to index
        %swap3A_382 = arith.index_cast %mul3A_377 : i32 to index
        %swap3A_383 = tpu.vector_load %arg9[%swap3A_380, %swap3A_381, %swap3A_382] {strides = array<i32>} : memref<8x8x129xf32, #tpu.memory_space<vmem>>, vector<16xf32>,
        tpu.vector_store %arg9[%swap3A_380, %swap3A_381, %swap3A_382], %gather3A_344 {strides = array<i32>} : memref<8x8x129xf32, #tpu.memory_space<vmem>>, vector<16xf32>,
        %mul3A_384 = arith.constant 16 : i32
        %mul3A_385 = arith.muli %scan3A_246, %mul3A_384 : i32
        %swap3A_386 = arith.constant 1 : i32
        %swap3A_387 = arith.constant 3 : i32
        %swap3A_388 = arith.index_cast %swap3A_386 : i32 to index
        %swap3A_389 = arith.index_cast %swap3A_387 : i32 to index
        %swap3A_390 = arith.index_cast %mul3A_385 : i32 to index
        %swap3A_391 = tpu.vector_load %arg9[%swap3A_388, %swap3A_389, %swap3A_390] {strides = array<i32>} : memref<8x8x129xf32, #tpu.memory_space<vmem>>, vector<16xf32>,
        tpu.vector_store %arg9[%swap3A_388, %swap3A_389, %swap3A_390], %gather3A_347 {strides = array<i32>} : memref<8x8x129xf32, #tpu.memory_space<vmem>>, vector<16xf32>,
        %mul3A_392 = arith.constant 16 : i32
        %mul3A_393 = arith.muli %scan3A_246, %mul3A_392 : i32
        %swap3A_394 = arith.constant 1 : i32
        %swap3A_395 = arith.constant 4 : i32
        %swap3A_396 = arith.index_cast %swap3A_394 : i32 to index
        %swap3A_397 = arith.index_cast %swap3A_395 : i32 to index
        %swap3A_398 = arith.index_cast %mul3A_393 : i32 to index
        %swap3A_399 = tpu.vector_load %arg9[%swap3A_396, %swap3A_397, %swap3A_398] {strides = array<i32>} : memref<8x8x129xf32, #tpu.memory_space<vmem>>, vector<16xf32>,
        tpu.vector_store %arg9[%swap3A_396, %swap3A_397, %swap3A_398], %gather3A_350 {strides = array<i32>} : memref<8x8x129xf32, #tpu.memory_space<vmem>>, vector<16xf32>,
        %mul3A_400 = arith.constant 16 : i32
        %mul3A_401 = arith.muli %scan3A_246, %mul3A_400 : i32
        %swap3A_402 = arith.constant 1 : i32
        %swap3A_403 = arith.constant 5 : i32
        %swap3A_404 = arith.index_cast %swap3A_402 : i32 to index
        %swap3A_405 = arith.index_cast %swap3A_403 : i32 to index
        %swap3A_406 = arith.index_cast %mul3A_401 : i32 to index
        %swap3A_407 = tpu.vector_load %arg9[%swap3A_404, %swap3A_405, %swap3A_406] {strides = array<i32>} : memref<8x8x129xf32, #tpu.memory_space<vmem>>, vector<16xf32>,
        tpu.vector_store %arg9[%swap3A_404, %swap3A_405, %swap3A_406], %gather3A_353 {strides = array<i32>} : memref<8x8x129xf32, #tpu.memory_space<vmem>>, vector<16xf32>,
        %mul3A_408 = arith.constant 16 : i32
        %mul3A_409 = arith.muli %scan3A_246, %mul3A_408 : i32
        %swap3A_410 = arith.constant 1 : i32
        %swap3A_411 = arith.constant 6 : i32
        %swap3A_412 = arith.index_cast %swap3A_410 : i32 to index
        %swap3A_413 = arith.index_cast %swap3A_411 : i32 to index
        %swap3A_414 = arith.index_cast %mul3A_409 : i32 to index
        %swap3A_415 = tpu.vector_load %arg9[%swap3A_412, %swap3A_413, %swap3A_414] {strides = array<i32>} : memref<8x8x129xf32, #tpu.memory_space<vmem>>, vector<16xf32>,
        tpu.vector_store %arg9[%swap3A_412, %swap3A_413, %swap3A_414], %gather3A_356 {strides = array<i32>} : memref<8x8x129xf32, #tpu.memory_space<vmem>>, vector<16xf32>,
        %mul3A_416 = arith.constant 16 : i32
        %mul3A_417 = arith.muli %scan3A_246, %mul3A_416 : i32
        %swap3A_418 = arith.constant 1 : i32
        %swap3A_419 = arith.constant 7 : i32
        %swap3A_420 = arith.index_cast %swap3A_418 : i32 to index
        %swap3A_421 = arith.index_cast %swap3A_419 : i32 to index
        %swap3A_422 = arith.index_cast %mul3A_417 : i32 to index
        %swap3A_423 = tpu.vector_load %arg9[%swap3A_420, %swap3A_421, %swap3A_422] {strides = array<i32>} : memref<8x8x129xf32, #tpu.memory_space<vmem>>, vector<16xf32>,
        tpu.vector_store %arg9[%swap3A_420, %swap3A_421, %swap3A_422], %gather3A_359 {strides = array<i32>} : memref<8x8x129xf32, #tpu.memory_space<vmem>>, vector<16xf32>,
        %broadcast_in_dim3A_424 = arith.constant 16 : i32
        %broadcast_in_dim3A_425 = vector.broadcast %broadcast_in_dim3A_424 : i32 to vector<16xi32>
        %gather3A_426 = tpu.vector_load_idx %arg7[%add3A_250, %broadcast_in_dim3A_425] : memref<128x128xf32, #tpu.memory_space<vmem>>[vector<16xi32>, vector<16xi32>], vector<16xf32>,
        %broadcast_in_dim3A_427 = arith.constant 17 : i32
        %broadcast_in_dim3A_428 = vector.broadcast %broadcast_in_dim3A_427 : i32 to vector<16xi32>
        %gather3A_429 = tpu.vector_load_idx %arg7[%add3A_250, %broadcast_in_dim3A_428] : memref<128x128xf32, #tpu.memory_space<vmem>>[vector<16xi32>, vector<16xi32>], vector<16xf32>,
        %broadcast_in_dim3A_430 = arith.constant 18 : i32
        %broadcast_in_dim3A_431 = vector.broadcast %broadcast_in_dim3A_430 : i32 to vector<16xi32>
        %gather3A_432 = tpu.vector_load_idx %arg7[%add3A_250, %broadcast_in_dim3A_431] : memref<128x128xf32, #tpu.memory_space<vmem>>[vector<16xi32>, vector<16xi32>], vector<16xf32>,
        %broadcast_in_dim3A_433 = arith.constant 19 : i32
        %broadcast_in_dim3A_434 = vector.broadcast %broadcast_in_dim3A_433 : i32 to vector<16xi32>
        %gather3A_435 = tpu.vector_load_idx %arg7[%add3A_250, %broadcast_in_dim3A_434] : memref<128x128xf32, #tpu.memory_space<vmem>>[vector<16xi32>, vector<16xi32>], vector<16xf32>,
        %broadcast_in_dim3A_436 = arith.constant 20 : i32
        %broadcast_in_dim3A_437 = vector.broadcast %broadcast_in_dim3A_436 : i32 to vector<16xi32>
        %gather3A_438 = tpu.vector_load_idx %arg7[%add3A_250, %broadcast_in_dim3A_437] : memref<128x128xf32, #tpu.memory_space<vmem>>[vector<16xi32>, vector<16xi32>], vector<16xf32>,
        %broadcast_in_dim3A_439 = arith.constant 21 : i32
        %broadcast_in_dim3A_440 = vector.broadcast %broadcast_in_dim3A_439 : i32 to vector<16xi32>
        %gather3A_441 = tpu.vector_load_idx %arg7[%add3A_250, %broadcast_in_dim3A_440] : memref<128x128xf32, #tpu.memory_space<vmem>>[vector<16xi32>, vector<16xi32>], vector<16xf32>,
        %broadcast_in_dim3A_442 = arith.constant 22 : i32
        %broadcast_in_dim3A_443 = vector.broadcast %broadcast_in_dim3A_442 : i32 to vector<16xi32>
        %gather3A_444 = tpu.vector_load_idx %arg7[%add3A_250, %broadcast_in_dim3A_443] : memref<128x128xf32, #tpu.memory_space<vmem>>[vector<16xi32>, vector<16xi32>], vector<16xf32>,
        %broadcast_in_dim3A_445 = arith.constant 23 : i32
        %broadcast_in_dim3A_446 = vector.broadcast %broadcast_in_dim3A_445 : i32 to vector<16xi32>
        %gather3A_447 = tpu.vector_load_idx %arg7[%add3A_250, %broadcast_in_dim3A_446] : memref<128x128xf32, #tpu.memory_space<vmem>>[vector<16xi32>, vector<16xi32>], vector<16xf32>,
        %mul3A_448 = arith.constant 16 : i32
        %mul3A_449 = arith.muli %scan3A_246, %mul3A_448 : i32
        %swap3A_450 = arith.constant 2 : i32
        %swap3A_451 = arith.constant 0 : i32
        %swap3A_452 = arith.index_cast %swap3A_450 : i32 to index
        %swap3A_453 = arith.index_cast %swap3A_451 : i32 to index
        %swap3A_454 = arith.index_cast %mul3A_449 : i32 to index
        %swap3A_455 = tpu.vector_load %arg9[%swap3A_452, %swap3A_453, %swap3A_454] {strides = array<i32>} : memref<8x8x129xf32, #tpu.memory_space<vmem>>, vector<16xf32>,
        tpu.vector_store %arg9[%swap3A_452, %swap3A_453, %swap3A_454], %gather3A_426 {strides = array<i32>} : memref<8x8x129xf32, #tpu.memory_space<vmem>>, vector<16xf32>,
        %mul3A_456 = arith.constant 16 : i32
        %mul3A_457 = arith.muli %scan3A_246, %mul3A_456 : i32
        %swap3A_458 = arith.constant 2 : i32
        %swap3A_459 = arith.constant 1 : i32
        %swap3A_460 = arith.index_cast %swap3A_458 : i32 to index
        %swap3A_461 = arith.index_cast %swap3A_459 : i32 to index
        %swap3A_462 = arith.index_cast %mul3A_457 : i32 to index
        %swap3A_463 = tpu.vector_load %arg9[%swap3A_460, %swap3A_461, %swap3A_462] {strides = array<i32>} : memref<8x8x129xf32, #tpu.memory_space<vmem>>, vector<16xf32>,
        tpu.vector_store %arg9[%swap3A_460, %swap3A_461, %swap3A_462], %gather3A_429 {strides = array<i32>} : memref<8x8x129xf32, #tpu.memory_space<vmem>>, vector<16xf32>,
        %mul3A_464 = arith.constant 16 : i32
        %mul3A_465 = arith.muli %scan3A_246, %mul3A_464 : i32
        %swap3A_466 = arith.constant 2 : i32
        %swap3A_467 = arith.constant 2 : i32
        %swap3A_468 = arith.index_cast %swap3A_466 : i32 to index
        %swap3A_469 = arith.index_cast %swap3A_467 : i32 to index
        %swap3A_470 = arith.index_cast %mul3A_465 : i32 to index
        %swap3A_471 = tpu.vector_load %arg9[%swap3A_468, %swap3A_469, %swap3A_470] {strides = array<i32>} : memref<8x8x129xf32, #tpu.memory_space<vmem>>, vector<16xf32>,
        tpu.vector_store %arg9[%swap3A_468, %swap3A_469, %swap3A_470], %gather3A_432 {strides = array<i32>} : memref<8x8x129xf32, #tpu.memory_space<vmem>>, vector<16xf32>,
        %mul3A_472 = arith.constant 16 : i32
        %mul3A_473 = arith.muli %scan3A_246, %mul3A_472 : i32
        %swap3A_474 = arith.constant 2 : i32
        %swap3A_475 = arith.constant 3 : i32
        %swap3A_476 = arith.index_cast %swap3A_474 : i32 to index
        %swap3A_477 = arith.index_cast %swap3A_475 : i32 to index
        %swap3A_478 = arith.index_cast %mul3A_473 : i32 to index
        %swap3A_479 = tpu.vector_load %arg9[%swap3A_476, %swap3A_477, %swap3A_478] {strides = array<i32>} : memref<8x8x129xf32, #tpu.memory_space<vmem>>, vector<16xf32>,
        tpu.vector_store %arg9[%swap3A_476, %swap3A_477, %swap3A_478], %gather3A_435 {strides = array<i32>} : memref<8x8x129xf32, #tpu.memory_space<vmem>>, vector<16xf32>,
        %mul3A_480 = arith.constant 16 : i32
        %mul3A_481 = arith.muli %scan3A_246, %mul3A_480 : i32
        %swap3A_482 = arith.constant 2 : i32
        %swap3A_483 = arith.constant 4 : i32
        %swap3A_484 = arith.index_cast %swap3A_482 : i32 to index
        %swap3A_485 = arith.index_cast %swap3A_483 : i32 to index
        %swap3A_486 = arith.index_cast %mul3A_481 : i32 to index
        %swap3A_487 = tpu.vector_load %arg9[%swap3A_484, %swap3A_485, %swap3A_486] {strides = array<i32>} : memref<8x8x129xf32, #tpu.memory_space<vmem>>, vector<16xf32>,
        tpu.vector_store %arg9[%swap3A_484, %swap3A_485, %swap3A_486], %gather3A_438 {strides = array<i32>} : memref<8x8x129xf32, #tpu.memory_space<vmem>>, vector<16xf32>,
        %mul3A_488 = arith.constant 16 : i32
        %mul3A_489 = arith.muli %scan3A_246, %mul3A_488 : i32
        %swap3A_490 = arith.constant 2 : i32
        %swap3A_491 = arith.constant 5 : i32
        %swap3A_492 = arith.index_cast %swap3A_490 : i32 to index
        %swap3A_493 = arith.index_cast %swap3A_491 : i32 to index
        %swap3A_494 = arith.index_cast %mul3A_489 : i32 to index
        %swap3A_495 = tpu.vector_load %arg9[%swap3A_492, %swap3A_493, %swap3A_494] {strides = array<i32>} : memref<8x8x129xf32, #tpu.memory_space<vmem>>, vector<16xf32>,
        tpu.vector_store %arg9[%swap3A_492, %swap3A_493, %swap3A_494], %gather3A_441 {strides = array<i32>} : memref<8x8x129xf32, #tpu.memory_space<vmem>>, vector<16xf32>,
        %mul3A_496 = arith.constant 16 : i32
        %mul3A_497 = arith.muli %scan3A_246, %mul3A_496 : i32
        %swap3A_498 = arith.constant 2 : i32
        %swap3A_499 = arith.constant 6 : i32
        %swap3A_500 = arith.index_cast %swap3A_498 : i32 to index
        %swap3A_501 = arith.index_cast %swap3A_499 : i32 to index
        %swap3A_502 = arith.index_cast %mul3A_497 : i32 to index
        %swap3A_503 = tpu.vector_load %arg9[%swap3A_500, %swap3A_501, %swap3A_502] {strides = array<i32>} : memref<8x8x129xf32, #tpu.memory_space<vmem>>, vector<16xf32>,
        tpu.vector_store %arg9[%swap3A_500, %swap3A_501, %swap3A_502], %gather3A_444 {strides = array<i32>} : memref<8x8x129xf32, #tpu.memory_space<vmem>>, vector<16xf32>,
        %mul3A_504 = arith.constant 16 : i32
        %mul3A_505 = arith.muli %scan3A_246, %mul3A_504 : i32
        %swap3A_506 = arith.constant 2 : i32
        %swap3A_507 = arith.constant 7 : i32
        %swap3A_508 = arith.index_cast %swap3A_506 : i32 to index
        %swap3A_509 = arith.index_cast %swap3A_507 : i32 to index
        %swap3A_510 = arith.index_cast %mul3A_505 : i32 to index
        %swap3A_511 = tpu.vector_load %arg9[%swap3A_508, %swap3A_509, %swap3A_510] {strides = array<i32>} : memref<8x8x129xf32, #tpu.memory_space<vmem>>, vector<16xf32>,
        tpu.vector_store %arg9[%swap3A_508, %swap3A_509, %swap3A_510], %gather3A_447 {strides = array<i32>} : memref<8x8x129xf32, #tpu.memory_space<vmem>>, vector<16xf32>,
        %broadcast_in_dim3A_512 = arith.constant 24 : i32
        %broadcast_in_dim3A_513 = vector.broadcast %broadcast_in_dim3A_512 : i32 to vector<16xi32>
        %gather3A_514 = tpu.vector_load_idx %arg7[%add3A_250, %broadcast_in_dim3A_513] : memref<128x128xf32, #tpu.memory_space<vmem>>[vector<16xi32>, vector<16xi32>], vector<16xf32>,
        %broadcast_in_dim3A_515 = arith.constant 25 : i32
        %broadcast_in_dim3A_516 = vector.broadcast %broadcast_in_dim3A_515 : i32 to vector<16xi32>
        %gather3A_517 = tpu.vector_load_idx %arg7[%add3A_250, %broadcast_in_dim3A_516] : memref<128x128xf32, #tpu.memory_space<vmem>>[vector<16xi32>, vector<16xi32>], vector<16xf32>,
        %broadcast_in_dim3A_518 = arith.constant 26 : i32
        %broadcast_in_dim3A_519 = vector.broadcast %broadcast_in_dim3A_518 : i32 to vector<16xi32>
        %gather3A_520 = tpu.vector_load_idx %arg7[%add3A_250, %broadcast_in_dim3A_519] : memref<128x128xf32, #tpu.memory_space<vmem>>[vector<16xi32>, vector<16xi32>], vector<16xf32>,
        %broadcast_in_dim3A_521 = arith.constant 27 : i32
        %broadcast_in_dim3A_522 = vector.broadcast %broadcast_in_dim3A_521 : i32 to vector<16xi32>
        %gather3A_523 = tpu.vector_load_idx %arg7[%add3A_250, %broadcast_in_dim3A_522] : memref<128x128xf32, #tpu.memory_space<vmem>>[vector<16xi32>, vector<16xi32>], vector<16xf32>,
        %broadcast_in_dim3A_524 = arith.constant 28 : i32
        %broadcast_in_dim3A_525 = vector.broadcast %broadcast_in_dim3A_524 : i32 to vector<16xi32>
        %gather3A_526 = tpu.vector_load_idx %arg7[%add3A_250, %broadcast_in_dim3A_525] : memref<128x128xf32, #tpu.memory_space<vmem>>[vector<16xi32>, vector<16xi32>], vector<16xf32>,
        %broadcast_in_dim3A_527 = arith.constant 29 : i32
        %broadcast_in_dim3A_528 = vector.broadcast %broadcast_in_dim3A_527 : i32 to vector<16xi32>
        %gather3A_529 = tpu.vector_load_idx %arg7[%add3A_250, %broadcast_in_dim3A_528] : memref<128x128xf32, #tpu.memory_space<vmem>>[vector<16xi32>, vector<16xi32>], vector<16xf32>,
        %broadcast_in_dim3A_530 = arith.constant 30 : i32
        %broadcast_in_dim3A_531 = vector.broadcast %broadcast_in_dim3A_530 : i32 to vector<16xi32>
        %gather3A_532 = tpu.vector_load_idx %arg7[%add3A_250, %broadcast_in_dim3A_531] : memref<128x128xf32, #tpu.memory_space<vmem>>[vector<16xi32>, vector<16xi32>], vector<16xf32>,
        %broadcast_in_dim3A_533 = arith.constant 31 : i32
        %broadcast_in_dim3A_534 = vector.broadcast %broadcast_in_dim3A_533 : i32 to vector<16xi32>
        %gather3A_535 = tpu.vector_load_idx %arg7[%add3A_250, %broadcast_in_dim3A_534] : memref<128x128xf32, #tpu.memory_space<vmem>>[vector<16xi32>, vector<16xi32>], vector<16xf32>,
        %mul3A_536 = arith.constant 16 : i32
        %mul3A_537 = arith.muli %scan3A_246, %mul3A_536 : i32
        %swap3A_538 = arith.constant 3 : i32
        %swap3A_539 = arith.constant 0 : i32
        %swap3A_540 = arith.index_cast %swap3A_538 : i32 to index
        %swap3A_541 = arith.index_cast %swap3A_539 : i32 to index
        %swap3A_542 = arith.index_cast %mul3A_537 : i32 to index
        %swap3A_543 = tpu.vector_load %arg9[%swap3A_540, %swap3A_541, %swap3A_542] {strides = array<i32>} : memref<8x8x129xf32, #tpu.memory_space<vmem>>, vector<16xf32>,
        tpu.vector_store %arg9[%swap3A_540, %swap3A_541, %swap3A_542], %gather3A_514 {strides = array<i32>} : memref<8x8x129xf32, #tpu.memory_space<vmem>>, vector<16xf32>,
        %mul3A_544 = arith.constant 16 : i32
        %mul3A_545 = arith.muli %scan3A_246, %mul3A_544 : i32
        %swap3A_546 = arith.constant 3 : i32
        %swap3A_547 = arith.constant 1 : i32
        %swap3A_548 = arith.index_cast %swap3A_546 : i32 to index
        %swap3A_549 = arith.index_cast %swap3A_547 : i32 to index
        %swap3A_550 = arith.index_cast %mul3A_545 : i32 to index
        %swap3A_551 = tpu.vector_load %arg9[%swap3A_548, %swap3A_549, %swap3A_550] {strides = array<i32>} : memref<8x8x129xf32, #tpu.memory_space<vmem>>, vector<16xf32>,
        tpu.vector_store %arg9[%swap3A_548, %swap3A_549, %swap3A_550], %gather3A_517 {strides = array<i32>} : memref<8x8x129xf32, #tpu.memory_space<vmem>>, vector<16xf32>,
        %mul3A_552 = arith.constant 16 : i32
        %mul3A_553 = arith.muli %scan3A_246, %mul3A_552 : i32
        %swap3A_554 = arith.constant 3 : i32
        %swap3A_555 = arith.constant 2 : i32
        %swap3A_556 = arith.index_cast %swap3A_554 : i32 to index
        %swap3A_557 = arith.index_cast %swap3A_555 : i32 to index
        %swap3A_558 = arith.index_cast %mul3A_553 : i32 to index
        %swap3A_559 = tpu.vector_load %arg9[%swap3A_556, %swap3A_557, %swap3A_558] {strides = array<i32>} : memref<8x8x129xf32, #tpu.memory_space<vmem>>, vector<16xf32>,
        tpu.vector_store %arg9[%swap3A_556, %swap3A_557, %swap3A_558], %gather3A_520 {strides = array<i32>} : memref<8x8x129xf32, #tpu.memory_space<vmem>>, vector<16xf32>,
        %mul3A_560 = arith.constant 16 : i32
        %mul3A_561 = arith.muli %scan3A_246, %mul3A_560 : i32
        %swap3A_562 = arith.constant 3 : i32
        %swap3A_563 = arith.constant 3 : i32
        %swap3A_564 = arith.index_cast %swap3A_562 : i32 to index
        %swap3A_565 = arith.index_cast %swap3A_563 : i32 to index
        %swap3A_566 = arith.index_cast %mul3A_561 : i32 to index
        %swap3A_567 = tpu.vector_load %arg9[%swap3A_564, %swap3A_565, %swap3A_566] {strides = array<i32>} : memref<8x8x129xf32, #tpu.memory_space<vmem>>, vector<16xf32>,
        tpu.vector_store %arg9[%swap3A_564, %swap3A_565, %swap3A_566], %gather3A_523 {strides = array<i32>} : memref<8x8x129xf32, #tpu.memory_space<vmem>>, vector<16xf32>,
        %mul3A_568 = arith.constant 16 : i32
        %mul3A_569 = arith.muli %scan3A_246, %mul3A_568 : i32
        %swap3A_570 = arith.constant 3 : i32
        %swap3A_571 = arith.constant 4 : i32
        %swap3A_572 = arith.index_cast %swap3A_570 : i32 to index
        %swap3A_573 = arith.index_cast %swap3A_571 : i32 to index
        %swap3A_574 = arith.index_cast %mul3A_569 : i32 to index
        %swap3A_575 = tpu.vector_load %arg9[%swap3A_572, %swap3A_573, %swap3A_574] {strides = array<i32>} : memref<8x8x129xf32, #tpu.memory_space<vmem>>, vector<16xf32>,
        tpu.vector_store %arg9[%swap3A_572, %swap3A_573, %swap3A_574], %gather3A_526 {strides = array<i32>} : memref<8x8x129xf32, #tpu.memory_space<vmem>>, vector<16xf32>,
        %mul3A_576 = arith.constant 16 : i32
        %mul3A_577 = arith.muli %scan3A_246, %mul3A_576 : i32
        %swap3A_578 = arith.constant 3 : i32
        %swap3A_579 = arith.constant 5 : i32
        %swap3A_580 = arith.index_cast %swap3A_578 : i32 to index
        %swap3A_581 = arith.index_cast %swap3A_579 : i32 to index
        %swap3A_582 = arith.index_cast %mul3A_577 : i32 to index
        %swap3A_583 = tpu.vector_load %arg9[%swap3A_580, %swap3A_581, %swap3A_582] {strides = array<i32>} : memref<8x8x129xf32, #tpu.memory_space<vmem>>, vector<16xf32>,
        tpu.vector_store %arg9[%swap3A_580, %swap3A_581, %swap3A_582], %gather3A_529 {strides = array<i32>} : memref<8x8x129xf32, #tpu.memory_space<vmem>>, vector<16xf32>,
        %mul3A_584 = arith.constant 16 : i32
        %mul3A_585 = arith.muli %scan3A_246, %mul3A_584 : i32
        %swap3A_586 = arith.constant 3 : i32
        %swap3A_587 = arith.constant 6 : i32
        %swap3A_588 = arith.index_cast %swap3A_586 : i32 to index
        %swap3A_589 = arith.index_cast %swap3A_587 : i32 to index
        %swap3A_590 = arith.index_cast %mul3A_585 : i32 to index
        %swap3A_591 = tpu.vector_load %arg9[%swap3A_588, %swap3A_589, %swap3A_590] {strides = array<i32>} : memref<8x8x129xf32, #tpu.memory_space<vmem>>, vector<16xf32>,
        tpu.vector_store %arg9[%swap3A_588, %swap3A_589, %swap3A_590], %gather3A_532 {strides = array<i32>} : memref<8x8x129xf32, #tpu.memory_space<vmem>>, vector<16xf32>,
        %mul3A_592 = arith.constant 16 : i32
        %mul3A_593 = arith.muli %scan3A_246, %mul3A_592 : i32
        %swap3A_594 = arith.constant 3 : i32
        %swap3A_595 = arith.constant 7 : i32
        %swap3A_596 = arith.index_cast %swap3A_594 : i32 to index
        %swap3A_597 = arith.index_cast %swap3A_595 : i32 to index
        %swap3A_598 = arith.index_cast %mul3A_593 : i32 to index
        %swap3A_599 = tpu.vector_load %arg9[%swap3A_596, %swap3A_597, %swap3A_598] {strides = array<i32>} : memref<8x8x129xf32, #tpu.memory_space<vmem>>, vector<16xf32>,
        tpu.vector_store %arg9[%swap3A_596, %swap3A_597, %swap3A_598], %gather3A_535 {strides = array<i32>} : memref<8x8x129xf32, #tpu.memory_space<vmem>>, vector<16xf32>,
        %broadcast_in_dim3A_600 = arith.constant 32 : i32
        %broadcast_in_dim3A_601 = vector.broadcast %broadcast_in_dim3A_600 : i32 to vector<16xi32>
        %gather3A_602 = tpu.vector_load_idx %arg7[%add3A_250, %broadcast_in_dim3A_601] : memref<128x128xf32, #tpu.memory_space<vmem>>[vector<16xi32>, vector<16xi32>], vector<16xf32>,
        %broadcast_in_dim3A_603 = arith.constant 33 : i32
        %broadcast_in_dim3A_604 = vector.broadcast %broadcast_in_dim3A_603 : i32 to vector<16xi32>
        %gather3A_605 = tpu.vector_load_idx %arg7[%add3A_250, %broadcast_in_dim3A_604] : memref<128x128xf32, #tpu.memory_space<vmem>>[vector<16xi32>, vector<16xi32>], vector<16xf32>,
        %broadcast_in_dim3A_606 = arith.constant 34 : i32
        %broadcast_in_dim3A_607 = vector.broadcast %broadcast_in_dim3A_606 : i32 to vector<16xi32>
        %gather3A_608 = tpu.vector_load_idx %arg7[%add3A_250, %broadcast_in_dim3A_607] : memref<128x128xf32, #tpu.memory_space<vmem>>[vector<16xi32>, vector<16xi32>], vector<16xf32>,
        %broadcast_in_dim3A_609 = arith.constant 35 : i32
        %broadcast_in_dim3A_610 = vector.broadcast %broadcast_in_dim3A_609 : i32 to vector<16xi32>
        %gather3A_611 = tpu.vector_load_idx %arg7[%add3A_250, %broadcast_in_dim3A_610] : memref<128x128xf32, #tpu.memory_space<vmem>>[vector<16xi32>, vector<16xi32>], vector<16xf32>,
        %broadcast_in_dim3A_612 = arith.constant 36 : i32
        %broadcast_in_dim3A_613 = vector.broadcast %broadcast_in_dim3A_612 : i32 to vector<16xi32>
        %gather3A_614 = tpu.vector_load_idx %arg7[%add3A_250, %broadcast_in_dim3A_613] : memref<128x128xf32, #tpu.memory_space<vmem>>[vector<16xi32>, vector<16xi32>], vector<16xf32>,
        %broadcast_in_dim3A_615 = arith.constant 37 : i32
        %broadcast_in_dim3A_616 = vector.broadcast %broadcast_in_dim3A_615 : i32 to vector<16xi32>
        %gather3A_617 = tpu.vector_load_idx %arg7[%add3A_250, %broadcast_in_dim3A_616] : memref<128x128xf32, #tpu.memory_space<vmem>>[vector<16xi32>, vector<16xi32>], vector<16xf32>,
        %broadcast_in_dim3A_618 = arith.constant 38 : i32
        %broadcast_in_dim3A_619 = vector.broadcast %broadcast_in_dim3A_618 : i32 to vector<16xi32>
        %gather3A_620 = tpu.vector_load_idx %arg7[%add3A_250, %broadcast_in_dim3A_619] : memref<128x128xf32, #tpu.memory_space<vmem>>[vector<16xi32>, vector<16xi32>], vector<16xf32>,
        %broadcast_in_dim3A_621 = arith.constant 39 : i32
        %broadcast_in_dim3A_622 = vector.broadcast %broadcast_in_dim3A_621 : i32 to vector<16xi32>
        %gather3A_623 = tpu.vector_load_idx %arg7[%add3A_250, %broadcast_in_dim3A_622] : memref<128x128xf32, #tpu.memory_space<vmem>>[vector<16xi32>, vector<16xi32>], vector<16xf32>,
        %mul3A_624 = arith.constant 16 : i32
        %mul3A_625 = arith.muli %scan3A_246, %mul3A_624 : i32
        %swap3A_626 = arith.constant 4 : i32
        %swap3A_627 = arith.constant 0 : i32
        %swap3A_628 = arith.index_cast %swap3A_626 : i32 to index
        %swap3A_629 = arith.index_cast %swap3A_627 : i32 to index
        %swap3A_630 = arith.index_cast %mul3A_625 : i32 to index
        %swap3A_631 = tpu.vector_load %arg9[%swap3A_628, %swap3A_629, %swap3A_630] {strides = array<i32>} : memref<8x8x129xf32, #tpu.memory_space<vmem>>, vector<16xf32>,
        tpu.vector_store %arg9[%swap3A_628, %swap3A_629, %swap3A_630], %gather3A_602 {strides = array<i32>} : memref<8x8x129xf32, #tpu.memory_space<vmem>>, vector<16xf32>,
        %mul3A_632 = arith.constant 16 : i32
        %mul3A_633 = arith.muli %scan3A_246, %mul3A_632 : i32
        %swap3A_634 = arith.constant 4 : i32
        %swap3A_635 = arith.constant 1 : i32
        %swap3A_636 = arith.index_cast %swap3A_634 : i32 to index
        %swap3A_637 = arith.index_cast %swap3A_635 : i32 to index
        %swap3A_638 = arith.index_cast %mul3A_633 : i32 to index
        %swap3A_639 = tpu.vector_load %arg9[%swap3A_636, %swap3A_637, %swap3A_638] {strides = array<i32>} : memref<8x8x129xf32, #tpu.memory_space<vmem>>, vector<16xf32>,
        tpu.vector_store %arg9[%swap3A_636, %swap3A_637, %swap3A_638], %gather3A_605 {strides = array<i32>} : memref<8x8x129xf32, #tpu.memory_space<vmem>>, vector<16xf32>,
        %mul3A_640 = arith.constant 16 : i32
        %mul3A_641 = arith.muli %scan3A_246, %mul3A_640 : i32
        %swap3A_642 = arith.constant 4 : i32
        %swap3A_643 = arith.constant 2 : i32
        %swap3A_644 = arith.index_cast %swap3A_642 : i32 to index
        %swap3A_645 = arith.index_cast %swap3A_643 : i32 to index
        %swap3A_646 = arith.index_cast %mul3A_641 : i32 to index
        %swap3A_647 = tpu.vector_load %arg9[%swap3A_644, %swap3A_645, %swap3A_646] {strides = array<i32>} : memref<8x8x129xf32, #tpu.memory_space<vmem>>, vector<16xf32>,
        tpu.vector_store %arg9[%swap3A_644, %swap3A_645, %swap3A_646], %gather3A_608 {strides = array<i32>} : memref<8x8x129xf32, #tpu.memory_space<vmem>>, vector<16xf32>,
        %mul3A_648 = arith.constant 16 : i32
        %mul3A_649 = arith.muli %scan3A_246, %mul3A_648 : i32
        %swap3A_650 = arith.constant 4 : i32
        %swap3A_651 = arith.constant 3 : i32
        %swap3A_652 = arith.index_cast %swap3A_650 : i32 to index
        %swap3A_653 = arith.index_cast %swap3A_651 : i32 to index
        %swap3A_654 = arith.index_cast %mul3A_649 : i32 to index
        %swap3A_655 = tpu.vector_load %arg9[%swap3A_652, %swap3A_653, %swap3A_654] {strides = array<i32>} : memref<8x8x129xf32, #tpu.memory_space<vmem>>, vector<16xf32>,
        tpu.vector_store %arg9[%swap3A_652, %swap3A_653, %swap3A_654], %gather3A_611 {strides = array<i32>} : memref<8x8x129xf32, #tpu.memory_space<vmem>>, vector<16xf32>,
        %mul3A_656 = arith.constant 16 : i32
        %mul3A_657 = arith.muli %scan3A_246, %mul3A_656 : i32
        %swap3A_658 = arith.constant 4 : i32
        %swap3A_659 = arith.constant 4 : i32
        %swap3A_660 = arith.index_cast %swap3A_658 : i32 to index
        %swap3A_661 = arith.index_cast %swap3A_659 : i32 to index
        %swap3A_662 = arith.index_cast %mul3A_657 : i32 to index
        %swap3A_663 = tpu.vector_load %arg9[%swap3A_660, %swap3A_661, %swap3A_662] {strides = array<i32>} : memref<8x8x129xf32, #tpu.memory_space<vmem>>, vector<16xf32>,
        tpu.vector_store %arg9[%swap3A_660, %swap3A_661, %swap3A_662], %gather3A_614 {strides = array<i32>} : memref<8x8x129xf32, #tpu.memory_space<vmem>>, vector<16xf32>,
        %mul3A_664 = arith.constant 16 : i32
        %mul3A_665 = arith.muli %scan3A_246, %mul3A_664 : i32
        %swap3A_666 = arith.constant 4 : i32
        %swap3A_667 = arith.constant 5 : i32
        %swap3A_668 = arith.index_cast %swap3A_666 : i32 to index
        %swap3A_669 = arith.index_cast %swap3A_667 : i32 to index
        %swap3A_670 = arith.index_cast %mul3A_665 : i32 to index
        %swap3A_671 = tpu.vector_load %arg9[%swap3A_668, %swap3A_669, %swap3A_670] {strides = array<i32>} : memref<8x8x129xf32, #tpu.memory_space<vmem>>, vector<16xf32>,
        tpu.vector_store %arg9[%swap3A_668, %swap3A_669, %swap3A_670], %gather3A_617 {strides = array<i32>} : memref<8x8x129xf32, #tpu.memory_space<vmem>>, vector<16xf32>,
        %mul3A_672 = arith.constant 16 : i32
        %mul3A_673 = arith.muli %scan3A_246, %mul3A_672 : i32
        %swap3A_674 = arith.constant 4 : i32
        %swap3A_675 = arith.constant 6 : i32
        %swap3A_676 = arith.index_cast %swap3A_674 : i32 to index
        %swap3A_677 = arith.index_cast %swap3A_675 : i32 to index
        %swap3A_678 = arith.index_cast %mul3A_673 : i32 to index
        %swap3A_679 = tpu.vector_load %arg9[%swap3A_676, %swap3A_677, %swap3A_678] {strides = array<i32>} : memref<8x8x129xf32, #tpu.memory_space<vmem>>, vector<16xf32>,
        tpu.vector_store %arg9[%swap3A_676, %swap3A_677, %swap3A_678], %gather3A_620 {strides = array<i32>} : memref<8x8x129xf32, #tpu.memory_space<vmem>>, vector<16xf32>,
        %mul3A_680 = arith.constant 16 : i32
        %mul3A_681 = arith.muli %scan3A_246, %mul3A_680 : i32
        %swap3A_682 = arith.constant 4 : i32
        %swap3A_683 = arith.constant 7 : i32
        %swap3A_684 = arith.index_cast %swap3A_682 : i32 to index
        %swap3A_685 = arith.index_cast %swap3A_683 : i32 to index
        %swap3A_686 = arith.index_cast %mul3A_681 : i32 to index
        %swap3A_687 = tpu.vector_load %arg9[%swap3A_684, %swap3A_685, %swap3A_686] {strides = array<i32>} : memref<8x8x129xf32, #tpu.memory_space<vmem>>, vector<16xf32>,
        tpu.vector_store %arg9[%swap3A_684, %swap3A_685, %swap3A_686], %gather3A_623 {strides = array<i32>} : memref<8x8x129xf32, #tpu.memory_space<vmem>>, vector<16xf32>,
        %broadcast_in_dim3A_688 = arith.constant 40 : i32
        %broadcast_in_dim3A_689 = vector.broadcast %broadcast_in_dim3A_688 : i32 to vector<16xi32>
        %gather3A_690 = tpu.vector_load_idx %arg7[%add3A_250, %broadcast_in_dim3A_689] : memref<128x128xf32, #tpu.memory_space<vmem>>[vector<16xi32>, vector<16xi32>], vector<16xf32>,
        %broadcast_in_dim3A_691 = arith.constant 41 : i32
        %broadcast_in_dim3A_692 = vector.broadcast %broadcast_in_dim3A_691 : i32 to vector<16xi32>
        %gather3A_693 = tpu.vector_load_idx %arg7[%add3A_250, %broadcast_in_dim3A_692] : memref<128x128xf32, #tpu.memory_space<vmem>>[vector<16xi32>, vector<16xi32>], vector<16xf32>,
        %broadcast_in_dim3A_694 = arith.constant 42 : i32
        %broadcast_in_dim3A_695 = vector.broadcast %broadcast_in_dim3A_694 : i32 to vector<16xi32>
        %gather3A_696 = tpu.vector_load_idx %arg7[%add3A_250, %broadcast_in_dim3A_695] : memref<128x128xf32, #tpu.memory_space<vmem>>[vector<16xi32>, vector<16xi32>], vector<16xf32>,
        %broadcast_in_dim3A_697 = arith.constant 43 : i32
        %broadcast_in_dim3A_698 = vector.broadcast %broadcast_in_dim3A_697 : i32 to vector<16xi32>
        %gather3A_699 = tpu.vector_load_idx %arg7[%add3A_250, %broadcast_in_dim3A_698] : memref<128x128xf32, #tpu.memory_space<vmem>>[vector<16xi32>, vector<16xi32>], vector<16xf32>,
        %broadcast_in_dim3A_700 = arith.constant 44 : i32
        %broadcast_in_dim3A_701 = vector.broadcast %broadcast_in_dim3A_700 : i32 to vector<16xi32>
        %gather3A_702 = tpu.vector_load_idx %arg7[%add3A_250, %broadcast_in_dim3A_701] : memref<128x128xf32, #tpu.memory_space<vmem>>[vector<16xi32>, vector<16xi32>], vector<16xf32>,
        %broadcast_in_dim3A_703 = arith.constant 45 : i32
        %broadcast_in_dim3A_704 = vector.broadcast %broadcast_in_dim3A_703 : i32 to vector<16xi32>
        %gather3A_705 = tpu.vector_load_idx %arg7[%add3A_250, %broadcast_in_dim3A_704] : memref<128x128xf32, #tpu.memory_space<vmem>>[vector<16xi32>, vector<16xi32>], vector<16xf32>,
        %broadcast_in_dim3A_706 = arith.constant 46 : i32
        %broadcast_in_dim3A_707 = vector.broadcast %broadcast_in_dim3A_706 : i32 to vector<16xi32>
        %gather3A_708 = tpu.vector_load_idx %arg7[%add3A_250, %broadcast_in_dim3A_707] : memref<128x128xf32, #tpu.memory_space<vmem>>[vector<16xi32>, vector<16xi32>], vector<16xf32>,
        %broadcast_in_dim3A_709 = arith.constant 47 : i32
        %broadcast_in_dim3A_710 = vector.broadcast %broadcast_in_dim3A_709 : i32 to vector<16xi32>
        %gather3A_711 = tpu.vector_load_idx %arg7[%add3A_250, %broadcast_in_dim3A_710] : memref<128x128xf32, #tpu.memory_space<vmem>>[vector<16xi32>, vector<16xi32>], vector<16xf32>,
        %mul3A_712 = arith.constant 16 : i32
        %mul3A_713 = arith.muli %scan3A_246, %mul3A_712 : i32
        %swap3A_714 = arith.constant 5 : i32
        %swap3A_715 = arith.constant 0 : i32
        %swap3A_716 = arith.index_cast %swap3A_714 : i32 to index
        %swap3A_717 = arith.index_cast %swap3A_715 : i32 to index
        %swap3A_718 = arith.index_cast %mul3A_713 : i32 to index
        %swap3A_719 = tpu.vector_load %arg9[%swap3A_716, %swap3A_717, %swap3A_718] {strides = array<i32>} : memref<8x8x129xf32, #tpu.memory_space<vmem>>, vector<16xf32>,
        tpu.vector_store %arg9[%swap3A_716, %swap3A_717, %swap3A_718], %gather3A_690 {strides = array<i32>} : memref<8x8x129xf32, #tpu.memory_space<vmem>>, vector<16xf32>,
        %mul3A_720 = arith.constant 16 : i32
        %mul3A_721 = arith.muli %scan3A_246, %mul3A_720 : i32
        %swap3A_722 = arith.constant 5 : i32
        %swap3A_723 = arith.constant 1 : i32
        %swap3A_724 = arith.index_cast %swap3A_722 : i32 to index
        %swap3A_725 = arith.index_cast %swap3A_723 : i32 to index
        %swap3A_726 = arith.index_cast %mul3A_721 : i32 to index
        %swap3A_727 = tpu.vector_load %arg9[%swap3A_724, %swap3A_725, %swap3A_726] {strides = array<i32>} : memref<8x8x129xf32, #tpu.memory_space<vmem>>, vector<16xf32>,
        tpu.vector_store %arg9[%swap3A_724, %swap3A_725, %swap3A_726], %gather3A_693 {strides = array<i32>} : memref<8x8x129xf32, #tpu.memory_space<vmem>>, vector<16xf32>,
        %mul3A_728 = arith.constant 16 : i32
        %mul3A_729 = arith.muli %scan3A_246, %mul3A_728 : i32
        %swap3A_730 = arith.constant 5 : i32
        %swap3A_731 = arith.constant 2 : i32
        %swap3A_732 = arith.index_cast %swap3A_730 : i32 to index
        %swap3A_733 = arith.index_cast %swap3A_731 : i32 to index
        %swap3A_734 = arith.index_cast %mul3A_729 : i32 to index
        %swap3A_735 = tpu.vector_load %arg9[%swap3A_732, %swap3A_733, %swap3A_734] {strides = array<i32>} : memref<8x8x129xf32, #tpu.memory_space<vmem>>, vector<16xf32>,
        tpu.vector_store %arg9[%swap3A_732, %swap3A_733, %swap3A_734], %gather3A_696 {strides = array<i32>} : memref<8x8x129xf32, #tpu.memory_space<vmem>>, vector<16xf32>,
        %mul3A_736 = arith.constant 16 : i32
        %mul3A_737 = arith.muli %scan3A_246, %mul3A_736 : i32
        %swap3A_738 = arith.constant 5 : i32
        %swap3A_739 = arith.constant 3 : i32
        %swap3A_740 = arith.index_cast %swap3A_738 : i32 to index
        %swap3A_741 = arith.index_cast %swap3A_739 : i32 to index
        %swap3A_742 = arith.index_cast %mul3A_737 : i32 to index
        %swap3A_743 = tpu.vector_load %arg9[%swap3A_740, %swap3A_741, %swap3A_742] {strides = array<i32>} : memref<8x8x129xf32, #tpu.memory_space<vmem>>, vector<16xf32>,
        tpu.vector_store %arg9[%swap3A_740, %swap3A_741, %swap3A_742], %gather3A_699 {strides = array<i32>} : memref<8x8x129xf32, #tpu.memory_space<vmem>>, vector<16xf32>,
        %mul3A_744 = arith.constant 16 : i32
        %mul3A_745 = arith.muli %scan3A_246, %mul3A_744 : i32
        %swap3A_746 = arith.constant 5 : i32
        %swap3A_747 = arith.constant 4 : i32
        %swap3A_748 = arith.index_cast %swap3A_746 : i32 to index
        %swap3A_749 = arith.index_cast %swap3A_747 : i32 to index
        %swap3A_750 = arith.index_cast %mul3A_745 : i32 to index
        %swap3A_751 = tpu.vector_load %arg9[%swap3A_748, %swap3A_749, %swap3A_750] {strides = array<i32>} : memref<8x8x129xf32, #tpu.memory_space<vmem>>, vector<16xf32>,
        tpu.vector_store %arg9[%swap3A_748, %swap3A_749, %swap3A_750], %gather3A_702 {strides = array<i32>} : memref<8x8x129xf32, #tpu.memory_space<vmem>>, vector<16xf32>,
        %mul3A_752 = arith.constant 16 : i32
        %mul3A_753 = arith.muli %scan3A_246, %mul3A_752 : i32
        %swap3A_754 = arith.constant 5 : i32
        %swap3A_755 = arith.constant 5 : i32
        %swap3A_756 = arith.index_cast %swap3A_754 : i32 to index
        %swap3A_757 = arith.index_cast %swap3A_755 : i32 to index
        %swap3A_758 = arith.index_cast %mul3A_753 : i32 to index
        %swap3A_759 = tpu.vector_load %arg9[%swap3A_756, %swap3A_757, %swap3A_758] {strides = array<i32>} : memref<8x8x129xf32, #tpu.memory_space<vmem>>, vector<16xf32>,
        tpu.vector_store %arg9[%swap3A_756, %swap3A_757, %swap3A_758], %gather3A_705 {strides = array<i32>} : memref<8x8x129xf32, #tpu.memory_space<vmem>>, vector<16xf32>,
        %mul3A_760 = arith.constant 16 : i32
        %mul3A_761 = arith.muli %scan3A_246, %mul3A_760 : i32
        %swap3A_762 = arith.constant 5 : i32
        %swap3A_763 = arith.constant 6 : i32
        %swap3A_764 = arith.index_cast %swap3A_762 : i32 to index
        %swap3A_765 = arith.index_cast %swap3A_763 : i32 to index
        %swap3A_766 = arith.index_cast %mul3A_761 : i32 to index
        %swap3A_767 = tpu.vector_load %arg9[%swap3A_764, %swap3A_765, %swap3A_766] {strides = array<i32>} : memref<8x8x129xf32, #tpu.memory_space<vmem>>, vector<16xf32>,
        tpu.vector_store %arg9[%swap3A_764, %swap3A_765, %swap3A_766], %gather3A_708 {strides = array<i32>} : memref<8x8x129xf32, #tpu.memory_space<vmem>>, vector<16xf32>,
        %mul3A_768 = arith.constant 16 : i32
        %mul3A_769 = arith.muli %scan3A_246, %mul3A_768 : i32
        %swap3A_770 = arith.constant 5 : i32
        %swap3A_771 = arith.constant 7 : i32
        %swap3A_772 = arith.index_cast %swap3A_770 : i32 to index
        %swap3A_773 = arith.index_cast %swap3A_771 : i32 to index
        %swap3A_774 = arith.index_cast %mul3A_769 : i32 to index
        %swap3A_775 = tpu.vector_load %arg9[%swap3A_772, %swap3A_773, %swap3A_774] {strides = array<i32>} : memref<8x8x129xf32, #tpu.memory_space<vmem>>, vector<16xf32>,
        tpu.vector_store %arg9[%swap3A_772, %swap3A_773, %swap3A_774], %gather3A_711 {strides = array<i32>} : memref<8x8x129xf32, #tpu.memory_space<vmem>>, vector<16xf32>,
        %broadcast_in_dim3A_776 = arith.constant 48 : i32
        %broadcast_in_dim3A_777 = vector.broadcast %broadcast_in_dim3A_776 : i32 to vector<16xi32>
        %gather3A_778 = tpu.vector_load_idx %arg7[%add3A_250, %broadcast_in_dim3A_777] : memref<128x128xf32, #tpu.memory_space<vmem>>[vector<16xi32>, vector<16xi32>], vector<16xf32>,
        %broadcast_in_dim3A_779 = arith.constant 49 : i32
        %broadcast_in_dim3A_780 = vector.broadcast %broadcast_in_dim3A_779 : i32 to vector<16xi32>
        %gather3A_781 = tpu.vector_load_idx %arg7[%add3A_250, %broadcast_in_dim3A_780] : memref<128x128xf32, #tpu.memory_space<vmem>>[vector<16xi32>, vector<16xi32>], vector<16xf32>,
        %broadcast_in_dim3A_782 = arith.constant 50 : i32
        %broadcast_in_dim3A_783 = vector.broadcast %broadcast_in_dim3A_782 : i32 to vector<16xi32>
        %gather3A_784 = tpu.vector_load_idx %arg7[%add3A_250, %broadcast_in_dim3A_783] : memref<128x128xf32, #tpu.memory_space<vmem>>[vector<16xi32>, vector<16xi32>], vector<16xf32>,
        %broadcast_in_dim3A_785 = arith.constant 51 : i32
        %broadcast_in_dim3A_786 = vector.broadcast %broadcast_in_dim3A_785 : i32 to vector<16xi32>
        %gather3A_787 = tpu.vector_load_idx %arg7[%add3A_250, %broadcast_in_dim3A_786] : memref<128x128xf32, #tpu.memory_space<vmem>>[vector<16xi32>, vector<16xi32>], vector<16xf32>,
        %broadcast_in_dim3A_788 = arith.constant 52 : i32
        %broadcast_in_dim3A_789 = vector.broadcast %broadcast_in_dim3A_788 : i32 to vector<16xi32>
        %gather3A_790 = tpu.vector_load_idx %arg7[%add3A_250, %broadcast_in_dim3A_789] : memref<128x128xf32, #tpu.memory_space<vmem>>[vector<16xi32>, vector<16xi32>], vector<16xf32>,
        %broadcast_in_dim3A_791 = arith.constant 53 : i32
        %broadcast_in_dim3A_792 = vector.broadcast %broadcast_in_dim3A_791 : i32 to vector<16xi32>
        %gather3A_793 = tpu.vector_load_idx %arg7[%add3A_250, %broadcast_in_dim3A_792] : memref<128x128xf32, #tpu.memory_space<vmem>>[vector<16xi32>, vector<16xi32>], vector<16xf32>,
        %broadcast_in_dim3A_794 = arith.constant 54 : i32
        %broadcast_in_dim3A_795 = vector.broadcast %broadcast_in_dim3A_794 : i32 to vector<16xi32>
        %gather3A_796 = tpu.vector_load_idx %arg7[%add3A_250, %broadcast_in_dim3A_795] : memref<128x128xf32, #tpu.memory_space<vmem>>[vector<16xi32>, vector<16xi32>], vector<16xf32>,
        %broadcast_in_dim3A_797 = arith.constant 55 : i32
        %broadcast_in_dim3A_798 = vector.broadcast %broadcast_in_dim3A_797 : i32 to vector<16xi32>
        %gather3A_799 = tpu.vector_load_idx %arg7[%add3A_250, %broadcast_in_dim3A_798] : memref<128x128xf32, #tpu.memory_space<vmem>>[vector<16xi32>, vector<16xi32>], vector<16xf32>,
        %mul3A_800 = arith.constant 16 : i32
        %mul3A_801 = arith.muli %scan3A_246, %mul3A_800 : i32
        %swap3A_802 = arith.constant 6 : i32
        %swap3A_803 = arith.constant 0 : i32
        %swap3A_804 = arith.index_cast %swap3A_802 : i32 to index
        %swap3A_805 = arith.index_cast %swap3A_803 : i32 to index
        %swap3A_806 = arith.index_cast %mul3A_801 : i32 to index
        %swap3A_807 = tpu.vector_load %arg9[%swap3A_804, %swap3A_805, %swap3A_806] {strides = array<i32>} : memref<8x8x129xf32, #tpu.memory_space<vmem>>, vector<16xf32>,
        tpu.vector_store %arg9[%swap3A_804, %swap3A_805, %swap3A_806], %gather3A_778 {strides = array<i32>} : memref<8x8x129xf32, #tpu.memory_space<vmem>>, vector<16xf32>,
        %mul3A_808 = arith.constant 16 : i32
        %mul3A_809 = arith.muli %scan3A_246, %mul3A_808 : i32
        %swap3A_810 = arith.constant 6 : i32
        %swap3A_811 = arith.constant 1 : i32
        %swap3A_812 = arith.index_cast %swap3A_810 : i32 to index
        %swap3A_813 = arith.index_cast %swap3A_811 : i32 to index
        %swap3A_814 = arith.index_cast %mul3A_809 : i32 to index
        %swap3A_815 = tpu.vector_load %arg9[%swap3A_812, %swap3A_813, %swap3A_814] {strides = array<i32>} : memref<8x8x129xf32, #tpu.memory_space<vmem>>, vector<16xf32>,
        tpu.vector_store %arg9[%swap3A_812, %swap3A_813, %swap3A_814], %gather3A_781 {strides = array<i32>} : memref<8x8x129xf32, #tpu.memory_space<vmem>>, vector<16xf32>,
        %mul3A_816 = arith.constant 16 : i32
        %mul3A_817 = arith.muli %scan3A_246, %mul3A_816 : i32
        %swap3A_818 = arith.constant 6 : i32
        %swap3A_819 = arith.constant 2 : i32
        %swap3A_820 = arith.index_cast %swap3A_818 : i32 to index
        %swap3A_821 = arith.index_cast %swap3A_819 : i32 to index
        %swap3A_822 = arith.index_cast %mul3A_817 : i32 to index
        %swap3A_823 = tpu.vector_load %arg9[%swap3A_820, %swap3A_821, %swap3A_822] {strides = array<i32>} : memref<8x8x129xf32, #tpu.memory_space<vmem>>, vector<16xf32>,
        tpu.vector_store %arg9[%swap3A_820, %swap3A_821, %swap3A_822], %gather3A_784 {strides = array<i32>} : memref<8x8x129xf32, #tpu.memory_space<vmem>>, vector<16xf32>,
        %mul3A_824 = arith.constant 16 : i32
        %mul3A_825 = arith.muli %scan3A_246, %mul3A_824 : i32
        %swap3A_826 = arith.constant 6 : i32
        %swap3A_827 = arith.constant 3 : i32
        %swap3A_828 = arith.index_cast %swap3A_826 : i32 to index
        %swap3A_829 = arith.index_cast %swap3A_827 : i32 to index
        %swap3A_830 = arith.index_cast %mul3A_825 : i32 to index
        %swap3A_831 = tpu.vector_load %arg9[%swap3A_828, %swap3A_829, %swap3A_830] {strides = array<i32>} : memref<8x8x129xf32, #tpu.memory_space<vmem>>, vector<16xf32>,
        tpu.vector_store %arg9[%swap3A_828, %swap3A_829, %swap3A_830], %gather3A_787 {strides = array<i32>} : memref<8x8x129xf32, #tpu.memory_space<vmem>>, vector<16xf32>,
        %mul3A_832 = arith.constant 16 : i32
        %mul3A_833 = arith.muli %scan3A_246, %mul3A_832 : i32
        %swap3A_834 = arith.constant 6 : i32
        %swap3A_835 = arith.constant 4 : i32
        %swap3A_836 = arith.index_cast %swap3A_834 : i32 to index
        %swap3A_837 = arith.index_cast %swap3A_835 : i32 to index
        %swap3A_838 = arith.index_cast %mul3A_833 : i32 to index
        %swap3A_839 = tpu.vector_load %arg9[%swap3A_836, %swap3A_837, %swap3A_838] {strides = array<i32>} : memref<8x8x129xf32, #tpu.memory_space<vmem>>, vector<16xf32>,
        tpu.vector_store %arg9[%swap3A_836, %swap3A_837, %swap3A_838], %gather3A_790 {strides = array<i32>} : memref<8x8x129xf32, #tpu.memory_space<vmem>>, vector<16xf32>,
        %mul3A_840 = arith.constant 16 : i32
        %mul3A_841 = arith.muli %scan3A_246, %mul3A_840 : i32
        %swap3A_842 = arith.constant 6 : i32
        %swap3A_843 = arith.constant 5 : i32
        %swap3A_844 = arith.index_cast %swap3A_842 : i32 to index
        %swap3A_845 = arith.index_cast %swap3A_843 : i32 to index
        %swap3A_846 = arith.index_cast %mul3A_841 : i32 to index
        %swap3A_847 = tpu.vector_load %arg9[%swap3A_844, %swap3A_845, %swap3A_846] {strides = array<i32>} : memref<8x8x129xf32, #tpu.memory_space<vmem>>, vector<16xf32>,
        tpu.vector_store %arg9[%swap3A_844, %swap3A_845, %swap3A_846], %gather3A_793 {strides = array<i32>} : memref<8x8x129xf32, #tpu.memory_space<vmem>>, vector<16xf32>,
        %mul3A_848 = arith.constant 16 : i32
        %mul3A_849 = arith.muli %scan3A_246, %mul3A_848 : i32
        %swap3A_850 = arith.constant 6 : i32
        %swap3A_851 = arith.constant 6 : i32
        %swap3A_852 = arith.index_cast %swap3A_850 : i32 to index
        %swap3A_853 = arith.index_cast %swap3A_851 : i32 to index
        %swap3A_854 = arith.index_cast %mul3A_849 : i32 to index
        %swap3A_855 = tpu.vector_load %arg9[%swap3A_852, %swap3A_853, %swap3A_854] {strides = array<i32>} : memref<8x8x129xf32, #tpu.memory_space<vmem>>, vector<16xf32>,
        tpu.vector_store %arg9[%swap3A_852, %swap3A_853, %swap3A_854], %gather3A_796 {strides = array<i32>} : memref<8x8x129xf32, #tpu.memory_space<vmem>>, vector<16xf32>,
        %mul3A_856 = arith.constant 16 : i32
        %mul3A_857 = arith.muli %scan3A_246, %mul3A_856 : i32
        %swap3A_858 = arith.constant 6 : i32
        %swap3A_859 = arith.constant 7 : i32
        %swap3A_860 = arith.index_cast %swap3A_858 : i32 to index
        %swap3A_861 = arith.index_cast %swap3A_859 : i32 to index
        %swap3A_862 = arith.index_cast %mul3A_857 : i32 to index
        %swap3A_863 = tpu.vector_load %arg9[%swap3A_860, %swap3A_861, %swap3A_862] {strides = array<i32>} : memref<8x8x129xf32, #tpu.memory_space<vmem>>, vector<16xf32>,
        tpu.vector_store %arg9[%swap3A_860, %swap3A_861, %swap3A_862], %gather3A_799 {strides = array<i32>} : memref<8x8x129xf32, #tpu.memory_space<vmem>>, vector<16xf32>,
        %broadcast_in_dim3A_864 = arith.constant 56 : i32
        %broadcast_in_dim3A_865 = vector.broadcast %broadcast_in_dim3A_864 : i32 to vector<16xi32>
        %gather3A_866 = tpu.vector_load_idx %arg7[%add3A_250, %broadcast_in_dim3A_865] : memref<128x128xf32, #tpu.memory_space<vmem>>[vector<16xi32>, vector<16xi32>], vector<16xf32>,
        %broadcast_in_dim3A_867 = arith.constant 57 : i32
        %broadcast_in_dim3A_868 = vector.broadcast %broadcast_in_dim3A_867 : i32 to vector<16xi32>
        %gather3A_869 = tpu.vector_load_idx %arg7[%add3A_250, %broadcast_in_dim3A_868] : memref<128x128xf32, #tpu.memory_space<vmem>>[vector<16xi32>, vector<16xi32>], vector<16xf32>,
        %broadcast_in_dim3A_870 = arith.constant 58 : i32
        %broadcast_in_dim3A_871 = vector.broadcast %broadcast_in_dim3A_870 : i32 to vector<16xi32>
        %gather3A_872 = tpu.vector_load_idx %arg7[%add3A_250, %broadcast_in_dim3A_871] : memref<128x128xf32, #tpu.memory_space<vmem>>[vector<16xi32>, vector<16xi32>], vector<16xf32>,
        %broadcast_in_dim3A_873 = arith.constant 59 : i32
        %broadcast_in_dim3A_874 = vector.broadcast %broadcast_in_dim3A_873 : i32 to vector<16xi32>
        %gather3A_875 = tpu.vector_load_idx %arg7[%add3A_250, %broadcast_in_dim3A_874] : memref<128x128xf32, #tpu.memory_space<vmem>>[vector<16xi32>, vector<16xi32>], vector<16xf32>,
        %broadcast_in_dim3A_876 = arith.constant 60 : i32
        %broadcast_in_dim3A_877 = vector.broadcast %broadcast_in_dim3A_876 : i32 to vector<16xi32>
        %gather3A_878 = tpu.vector_load_idx %arg7[%add3A_250, %broadcast_in_dim3A_877] : memref<128x128xf32, #tpu.memory_space<vmem>>[vector<16xi32>, vector<16xi32>], vector<16xf32>,
        %broadcast_in_dim3A_879 = arith.constant 61 : i32
        %broadcast_in_dim3A_880 = vector.broadcast %broadcast_in_dim3A_879 : i32 to vector<16xi32>
        %gather3A_881 = tpu.vector_load_idx %arg7[%add3A_250, %broadcast_in_dim3A_880] : memref<128x128xf32, #tpu.memory_space<vmem>>[vector<16xi32>, vector<16xi32>], vector<16xf32>,
        %broadcast_in_dim3A_882 = arith.constant 62 : i32
        %broadcast_in_dim3A_883 = vector.broadcast %broadcast_in_dim3A_882 : i32 to vector<16xi32>
        %gather3A_884 = tpu.vector_load_idx %arg7[%add3A_250, %broadcast_in_dim3A_883] : memref<128x128xf32, #tpu.memory_space<vmem>>[vector<16xi32>, vector<16xi32>], vector<16xf32>,
        %broadcast_in_dim3A_885 = arith.constant 63 : i32
        %broadcast_in_dim3A_886 = vector.broadcast %broadcast_in_dim3A_885 : i32 to vector<16xi32>
        %gather3A_887 = tpu.vector_load_idx %arg7[%add3A_250, %broadcast_in_dim3A_886] : memref<128x128xf32, #tpu.memory_space<vmem>>[vector<16xi32>, vector<16xi32>], vector<16xf32>,
        %mul3A_888 = arith.constant 16 : i32
        %mul3A_889 = arith.muli %scan3A_246, %mul3A_888 : i32
        %swap3A_890 = arith.constant 7 : i32
        %swap3A_891 = arith.constant 0 : i32
        %swap3A_892 = arith.index_cast %swap3A_890 : i32 to index
        %swap3A_893 = arith.index_cast %swap3A_891 : i32 to index
        %swap3A_894 = arith.index_cast %mul3A_889 : i32 to index
        %swap3A_895 = tpu.vector_load %arg9[%swap3A_892, %swap3A_893, %swap3A_894] {strides = array<i32>} : memref<8x8x129xf32, #tpu.memory_space<vmem>>, vector<16xf32>,
        tpu.vector_store %arg9[%swap3A_892, %swap3A_893, %swap3A_894], %gather3A_866 {strides = array<i32>} : memref<8x8x129xf32, #tpu.memory_space<vmem>>, vector<16xf32>,
        %mul3A_896 = arith.constant 16 : i32
        %mul3A_897 = arith.muli %scan3A_246, %mul3A_896 : i32
        %swap3A_898 = arith.constant 7 : i32
        %swap3A_899 = arith.constant 1 : i32
        %swap3A_900 = arith.index_cast %swap3A_898 : i32 to index
        %swap3A_901 = arith.index_cast %swap3A_899 : i32 to index
        %swap3A_902 = arith.index_cast %mul3A_897 : i32 to index
        %swap3A_903 = tpu.vector_load %arg9[%swap3A_900, %swap3A_901, %swap3A_902] {strides = array<i32>} : memref<8x8x129xf32, #tpu.memory_space<vmem>>, vector<16xf32>,
        tpu.vector_store %arg9[%swap3A_900, %swap3A_901, %swap3A_902], %gather3A_869 {strides = array<i32>} : memref<8x8x129xf32, #tpu.memory_space<vmem>>, vector<16xf32>,
        %mul3A_904 = arith.constant 16 : i32
        %mul3A_905 = arith.muli %scan3A_246, %mul3A_904 : i32
        %swap3A_906 = arith.constant 7 : i32
        %swap3A_907 = arith.constant 2 : i32
        %swap3A_908 = arith.index_cast %swap3A_906 : i32 to index
        %swap3A_909 = arith.index_cast %swap3A_907 : i32 to index
        %swap3A_910 = arith.index_cast %mul3A_905 : i32 to index
        %swap3A_911 = tpu.vector_load %arg9[%swap3A_908, %swap3A_909, %swap3A_910] {strides = array<i32>} : memref<8x8x129xf32, #tpu.memory_space<vmem>>, vector<16xf32>,
        tpu.vector_store %arg9[%swap3A_908, %swap3A_909, %swap3A_910], %gather3A_872 {strides = array<i32>} : memref<8x8x129xf32, #tpu.memory_space<vmem>>, vector<16xf32>,
        %mul3A_912 = arith.constant 16 : i32
        %mul3A_913 = arith.muli %scan3A_246, %mul3A_912 : i32
        %swap3A_914 = arith.constant 7 : i32
        %swap3A_915 = arith.constant 3 : i32
        %swap3A_916 = arith.index_cast %swap3A_914 : i32 to index
        %swap3A_917 = arith.index_cast %swap3A_915 : i32 to index
        %swap3A_918 = arith.index_cast %mul3A_913 : i32 to index
        %swap3A_919 = tpu.vector_load %arg9[%swap3A_916, %swap3A_917, %swap3A_918] {strides = array<i32>} : memref<8x8x129xf32, #tpu.memory_space<vmem>>, vector<16xf32>,
        tpu.vector_store %arg9[%swap3A_916, %swap3A_917, %swap3A_918], %gather3A_875 {strides = array<i32>} : memref<8x8x129xf32, #tpu.memory_space<vmem>>, vector<16xf32>,
        %mul3A_920 = arith.constant 16 : i32
        %mul3A_921 = arith.muli %scan3A_246, %mul3A_920 : i32
        %swap3A_922 = arith.constant 7 : i32
        %swap3A_923 = arith.constant 4 : i32
        %swap3A_924 = arith.index_cast %swap3A_922 : i32 to index
        %swap3A_925 = arith.index_cast %swap3A_923 : i32 to index
        %swap3A_926 = arith.index_cast %mul3A_921 : i32 to index
        %swap3A_927 = tpu.vector_load %arg9[%swap3A_924, %swap3A_925, %swap3A_926] {strides = array<i32>} : memref<8x8x129xf32, #tpu.memory_space<vmem>>, vector<16xf32>,
        tpu.vector_store %arg9[%swap3A_924, %swap3A_925, %swap3A_926], %gather3A_878 {strides = array<i32>} : memref<8x8x129xf32, #tpu.memory_space<vmem>>, vector<16xf32>,
        %mul3A_928 = arith.constant 16 : i32
        %mul3A_929 = arith.muli %scan3A_246, %mul3A_928 : i32
        %swap3A_930 = arith.constant 7 : i32
        %swap3A_931 = arith.constant 5 : i32
        %swap3A_932 = arith.index_cast %swap3A_930 : i32 to index
        %swap3A_933 = arith.index_cast %swap3A_931 : i32 to index
        %swap3A_934 = arith.index_cast %mul3A_929 : i32 to index
        %swap3A_935 = tpu.vector_load %arg9[%swap3A_932, %swap3A_933, %swap3A_934] {strides = array<i32>} : memref<8x8x129xf32, #tpu.memory_space<vmem>>, vector<16xf32>,
        tpu.vector_store %arg9[%swap3A_932, %swap3A_933, %swap3A_934], %gather3A_881 {strides = array<i32>} : memref<8x8x129xf32, #tpu.memory_space<vmem>>, vector<16xf32>,
        %mul3A_936 = arith.constant 16 : i32
        %mul3A_937 = arith.muli %scan3A_246, %mul3A_936 : i32
        %swap3A_938 = arith.constant 7 : i32
        %swap3A_939 = arith.constant 6 : i32
        %swap3A_940 = arith.index_cast %swap3A_938 : i32 to index
        %swap3A_941 = arith.index_cast %swap3A_939 : i32 to index
        %swap3A_942 = arith.index_cast %mul3A_937 : i32 to index
        %swap3A_943 = tpu.vector_load %arg9[%swap3A_940, %swap3A_941, %swap3A_942] {strides = array<i32>} : memref<8x8x129xf32, #tpu.memory_space<vmem>>, vector<16xf32>,
        tpu.vector_store %arg9[%swap3A_940, %swap3A_941, %swap3A_942], %gather3A_884 {strides = array<i32>} : memref<8x8x129xf32, #tpu.memory_space<vmem>>, vector<16xf32>,
        %mul3A_944 = arith.constant 16 : i32
        %mul3A_945 = arith.muli %scan3A_246, %mul3A_944 : i32
        %swap3A_946 = arith.constant 7 : i32
        %swap3A_947 = arith.constant 7 : i32
        %swap3A_948 = arith.index_cast %swap3A_946 : i32 to index
        %swap3A_949 = arith.index_cast %swap3A_947 : i32 to index
        %swap3A_950 = arith.index_cast %mul3A_945 : i32 to index
        %swap3A_951 = tpu.vector_load %arg9[%swap3A_948, %swap3A_949, %swap3A_950] {strides = array<i32>} : memref<8x8x129xf32, #tpu.memory_space<vmem>>, vector<16xf32>,
        tpu.vector_store %arg9[%swap3A_948, %swap3A_949, %swap3A_950], %gather3A_887 {strides = array<i32>} : memref<8x8x129xf32, #tpu.memory_space<vmem>>, vector<16xf32>,
      }
      %scan3A_227 = arith.constant 8 : i32
      %dma_start3A_228 = arith.constant 0 : i32
      %dma_start3A_229 = arith.constant 0 : i32
      %dma_start3A_230 = arith.constant 0 : i32
      %dma_start3A_231 = tpu.memref_slice %arg9[%dma_start3A_228, %dma_start3A_229, %dma_start3A_230] : memref<8x8x129xf32, #tpu.memory_space<vmem>> -> memref<8x8x128xf32, #tpu.memory_space<vmem>>
      %dma_start3A_232 = arith.constant 0 : i32
      %dma_start3A_233 = arith.constant 0 : i32
      %dma_start3A_234 = arith.constant 0 : i32
      %dma_start3A_235 = tpu.memref_slice %arg4[%add3A_195, %dma_start3A_232, %add3A, %dma_start3A_233, %dma_start3A_234] : memref<200x8x32x8x128xf32, #tpu.memory_space<hbm>> -> memref<1x8x1x8x128xf32, #tpu.memory_space<hbm>>
      %dma_start3A_236 = tpu.memref_squeeze %dma_start3A_235 : memref<1x8x1x8x128xf32, #tpu.memory_space<hbm>> -> memref<8x8x128xf32, #tpu.memory_space<hbm>>
      %dma_start3A_237 = arith.constant 0 : i32
      %dma_start3A_238 = arith.constant 0 : i32
      %dma_start3A_239 = arith.constant 0 : i32
      %dma_start3A_240 = tpu.memref_slice %arg4[%add3A_195, %dma_start3A_237, %add3A, %dma_start3A_238, %dma_start3A_239] : memref<200x8x32x8x128xf32, #tpu.memory_space<hbm>> -> memref<1x8x1x8x128xf32, #tpu.memory_space<hbm>>
      %dma_start3A_241 = tpu.memref_squeeze %dma_start3A_240 : memref<1x8x1x8x128xf32, #tpu.memory_space<hbm>> -> memref<8x8x128xf32, #tpu.memory_space<hbm>>
      %dma_start3A_242 = arith.constant 0 : i32
      %dma_start3A_243 = arith.constant 0 : i32
      %dma_start3A_244 = arith.constant 0 : i32
      %dma_start3A_245 = tpu.memref_slice %arg9[%dma_start3A_242, %dma_start3A_243, %dma_start3A_244] : memref<8x8x129xf32, #tpu.memory_space<vmem>> -> memref<8x8x128xf32, #tpu.memory_space<vmem>>
      tpu.enqueue_dma source(%dma_start3A_245 : memref<8x8x128xf32, #tpu.memory_space<vmem>>) target(%dma_start3A_241 : memref<8x8x128xf32, #tpu.memory_space<hbm>>) target_semaphore(%arg13 : memref<!tpu.dma_semaphore, #tpu.memory_space<semaphore_mem>>)
    }
    %scan3A_90 = arith.constant 99 : i32
    %dma_wait3A_91 = arith.constant 198 : i32
    %dma_wait3A_92 = arith.constant 0 : i32
    %dma_wait3A_93 = arith.constant 0 : i32
    %dma_wait3A_94 = arith.constant 0 : i32
    %dma_wait3A_95 = tpu.memref_slice %arg8[%dma_wait3A_92, %dma_wait3A_93, %dma_wait3A_94] : memref<8x8x129xf32, #tpu.memory_space<vmem>> -> memref<8x8x128xf32, #tpu.memory_space<vmem>>
    %dma_wait3A_96 = arith.constant 0 : i32
    %dma_wait3A_97 = arith.constant 0 : i32
    %dma_wait3A_98 = arith.constant 0 : i32
    %dma_wait3A_99 = tpu.memref_slice %arg4[%dma_wait3A_91, %dma_wait3A_96, %add3A, %dma_wait3A_97, %dma_wait3A_98] : memref<200x8x32x8x128xf32, #tpu.memory_space<hbm>> -> memref<1x8x1x8x128xf32, #tpu.memory_space<hbm>>
    %dma_wait3A_100 = tpu.memref_squeeze %dma_wait3A_99 : memref<1x8x1x8x128xf32, #tpu.memory_space<hbm>> -> memref<8x8x128xf32, #tpu.memory_space<hbm>>
    %dma_wait3A_101 = arith.constant 0 : i32
    %dma_wait3A_102 = arith.constant 0 : i32
    %dma_wait3A_103 = arith.constant 0 : i32
    %dma_wait3A_104 = tpu.memref_slice %arg4[%dma_wait3A_91, %dma_wait3A_101, %add3A, %dma_wait3A_102, %dma_wait3A_103] : memref<200x8x32x8x128xf32, #tpu.memory_space<hbm>> -> memref<1x8x1x8x128xf32, #tpu.memory_space<hbm>>
    %dma_wait3A_105 = tpu.memref_squeeze %dma_wait3A_104 : memref<1x8x1x8x128xf32, #tpu.memory_space<hbm>> -> memref<8x8x128xf32, #tpu.memory_space<hbm>>
    %dma_wait3A_106 = arith.constant 0 : i32
    %dma_wait3A_107 = arith.constant 0 : i32
    %dma_wait3A_108 = arith.constant 0 : i32
    %dma_wait3A_109 = tpu.memref_slice %arg8[%dma_wait3A_106, %dma_wait3A_107, %dma_wait3A_108] : memref<8x8x129xf32, #tpu.memory_space<vmem>> -> memref<8x8x128xf32, #tpu.memory_space<vmem>>
    tpu.wait_dma2 semaphore(%arg12 : memref<!tpu.dma_semaphore, #tpu.memory_space<semaphore_mem>>) src(%dma_wait3A_109 : memref<8x8x128xf32, #tpu.memory_space<vmem>>) dst(%dma_wait3A_105 : memref<8x8x128xf32, #tpu.memory_space<hbm>>)
    %dma_wait3A_110 = arith.constant 199 : i32
    %dma_wait3A_111 = arith.constant 0 : i32
    %dma_wait3A_112 = arith.constant 0 : i32
    %dma_wait3A_113 = arith.constant 0 : i32
    %dma_wait3A_114 = tpu.memref_slice %arg9[%dma_wait3A_111, %dma_wait3A_112, %dma_wait3A_113] : memref<8x8x129xf32, #tpu.memory_space<vmem>> -> memref<8x8x128xf32, #tpu.memory_space<vmem>>
    %dma_wait3A_115 = arith.constant 0 : i32
    %dma_wait3A_116 = arith.constant 0 : i32
    %dma_wait3A_117 = arith.constant 0 : i32
    %dma_wait3A_118 = tpu.memref_slice %arg4[%dma_wait3A_110, %dma_wait3A_115, %add3A, %dma_wait3A_116, %dma_wait3A_117] : memref<200x8x32x8x128xf32, #tpu.memory_space<hbm>> -> memref<1x8x1x8x128xf32, #tpu.memory_space<hbm>>
    %dma_wait3A_119 = tpu.memref_squeeze %dma_wait3A_118 : memref<1x8x1x8x128xf32, #tpu.memory_space<hbm>> -> memref<8x8x128xf32, #tpu.memory_space<hbm>>
    %dma_wait3A_120 = arith.constant 0 : i32
    %dma_wait3A_121 = arith.constant 0 : i32
    %dma_wait3A_122 = arith.constant 0 : i32
    %dma_wait3A_123 = tpu.memref_slice %arg4[%dma_wait3A_110, %dma_wait3A_120, %add3A, %dma_wait3A_121, %dma_wait3A_122] : memref<200x8x32x8x128xf32, #tpu.memory_space<hbm>> -> memref<1x8x1x8x128xf32, #tpu.memory_space<hbm>>
    %dma_wait3A_124 = tpu.memref_squeeze %dma_wait3A_123 : memref<1x8x1x8x128xf32, #tpu.memory_space<hbm>> -> memref<8x8x128xf32, #tpu.memory_space<hbm>>
    %dma_wait3A_125 = arith.constant 0 : i32
    %dma_wait3A_126 = arith.constant 0 : i32
    %dma_wait3A_127 = arith.constant 0 : i32
    %dma_wait3A_128 = tpu.memref_slice %arg9[%dma_wait3A_125, %dma_wait3A_126, %dma_wait3A_127] : memref<8x8x129xf32, #tpu.memory_space<vmem>> -> memref<8x8x128xf32, #tpu.memory_space<vmem>>
    tpu.wait_dma2 semaphore(%arg13 : memref<!tpu.dma_semaphore, #tpu.memory_space<semaphore_mem>>) src(%dma_wait3A_128 : memref<8x8x128xf32, #tpu.memory_space<vmem>>) dst(%dma_wait3A_124 : memref<8x8x128xf32, #tpu.memory_space<hbm>>)
    return
  }
}

module attributes {stable_mosaic.version = 14 : i64} {
  func.func @body(%arg0: i32, %arg1: memref<64x8192xf32, #tpu.memory_space<vmem>>, %arg2: memref<8192x128xf32, #tpu.memory_space<vmem>>) attributes {dimension_semantics = [#tpu.dimension_semantics<arbitrary>], iteration_bounds = array<i64: 123>, scalar_prefetch = 0 : i64, scratch_operands = 0 : i64, tpu.core_type = #tpu.core_type<tc>, window_params = [{transform_indices = @transform_0, window_bounds = array<i64: 64, 8192>}, {transform_indices = @transform_1, window_bounds = array<i64: 8192, 128>}]} {
    %get3A = arith.constant 0 : index
    %get3A_0 = arith.constant 0 : index
    %get3A_1 = vector.load %arg1[%get3A, %get3A_0] : memref<64x8192xf32, #tpu.memory_space<vmem>>, vector<64x8192xf32>
    %transpose3A = tpu.transpose %get3A_1, [1, 0] : vector<64x8192xf32> -> vector<8192x64xf32>
    %mul3A = arith.constant 8.000000e+00 : f32
    %mul3A_2 = vector.broadcast %mul3A : f32 to vector<8192x64xf32>
    %mul3A_3 = arith.mulf %transpose3A, %mul3A_2 : vector<8192x64xf32>
    %swap3A = arith.constant 0 : index
    %swap3A_4 = arith.constant 0 : index
    %swap3A_5 = vector.load %arg2[%swap3A, %swap3A_4] : memref<8192x128xf32, #tpu.memory_space<vmem>>, vector<8192x64xf32>
    tpu.vector_store %arg2[%swap3A, %swap3A_4], %mul3A_3 {strides = array<i32>} : memref<8192x128xf32, #tpu.memory_space<vmem>>, vector<8192x64xf32>,
    return
  }
  func.func @transform_0(%arg0: i32) -> (i32, i32) {
    %c0_i32 = arith.constant 0 : i32
    %c0_i32_0 = arith.constant 0 : i32
    return %c0_i32, %arg0 : i32, i32
  }
  func.func @transform_1(%arg0: i32) -> (i32, i32) {
    %c0_i32 = arith.constant 0 : i32
    %c0_i32_0 = arith.constant 0 : i32
    return %arg0, %c0_i32 : i32, i32
  }
}

</mosaic_0001>

<sc_bundles>
// kernel: kernel.4.cloned.1.call-start
scs
__scs_entry_jumppad:
0x0: {  	(pc) =	sbr.rel $0x88, $3  }
0x1: {  	(tag) =	ssettag $0x0;
	lr =	simm.s32 $0x1  }
0x2: {  	[smem:$0x3F9F] =	sst lr;
	_ =	strace $0xD0000000  }
0x3: {  	_ = 	snop  }
0x4: {  	_ = 	snop  }
0x5: {  	_ = 	snop  }
0x6: {  	_ = 	snop  }
0x7: {  	_ = 	snop  }
__scs_overlays_trampoline_lowered:
0x8: {  	[smem:$0x3FAE] =	sst s0  }
0x9: {  	[smem:$0x3FAF] =	sst s1  }
0xa: {  	[smem:$0x3FB0] =	sst s2  }
0xb: {  	[smem:$0x3FB1] =	sst s3  }
0xc: {  	[smem:$0x3FB2] =	sst s4  }
0xd: {  	[smem:$0x3FB3] =	sst s5  }
0xe: {  	[smem:$0x3FB4] =	sst s6  }
0xf: {  	[smem:$0x3FB5] =	sst s7  }
0x10: {  	[smem:$0x3FB6] =	sst s8  }
0x11: {  	[smem:$0x3FB7] =	sst s9;
	s0 =	simm.s32 @!p0 $0x0  }
0x12: {  	s1 =	sld [smem:$0x3F9D];
	s0 =	simm.s32 @p0 $0x1  }
0x13: {  	[smem:$0x3FB8] =	sst s0;
	s0 =	simm.s32 @!p1 $0x0  }
0x14: {  	s2 =	sld [smem:$0x3F9C];
	s0 =	simm.s32 @p1 $0x1  }
0x15: {  	[smem:$0x3FB9] =	sst s0;
	s0 =	simm.s32 @!p2 $0x0  }
0x16: {  	s3 =	sld [smem:$0x3FDB];
	s0 =	simm.s32 @p2 $0x1  }
0x17: {  	s4 =	simm.s32 $0x1BF5;
	[smem:$0x3FBB] =	sst s0  }
0x18: {  	s0 =	sld [smem:$0x3F9E];
	_ =	swait.ge [sflag:s4], $0x0  }
0x19: {  	s7 =	sld [smem:$0x3F9F]  }
0x1a: {  	s8 =	sadd.s32 $0xFFFFE003, lr  }
0x1b: {  	s9 =	sadd.s32 $0xFFFFFEF7, lr;
	s5 =	simm.s32 $0xFFFFFFFF;
	p2 =	slt.u32 s8, $0xFFFFF086  }
0x1c: {  	p1 =	slt.u32 s9, $0xF7A;
	s5 =	simm.s32 @!p2 $0x0  }
0x1d: {  	s5 =	simm.s32 @p1 $0x1;
	p0 =	seq.s32 s7, s2  }
0x1e: {  	s7 =	smul.u32 @!p0 $0xF7A, s2;
	p2 =	seq.s32 @!p0 s5, $0x0  }
0x1f: {  	s9 =	smul.u32 $0xF7A, s1;
	s8 =	simm.s32 @!p0 $0x1BF5;
	p2 =	por !p2, p0  }
0x20: {  	[sflag:s8] =	ssyncset.s32 @!p0 $0xFFFFF086;
	s6 =	sadd.s32 @!p0 s3, s7;
	s7 =	simm.s32 @!p0 $0x108  }
0x21: {  	s3 =	sadd.s32 s3, s9;
	s6 =	sadd.s32 @!p0 $0x88, s6;
	s7 =	simm.s32 @p2 $0x1082  }
0x22: {  	[simem:s7], [sflag:s8] =	dma.local @!p0 [hbm:s6], $0xF7A  }
0x23: {  	s9 =	sor.u32 $0xD0000000, s2;
	s6 =	simm.s32 $0x108;
	_ =	swait.ge @!p0 [sflag:s8], $0x0  }
0x24: {  	s3 =	sadd.s32 $0x88, s3;
	s6 =	simm.s32 @!p1 $0x1082;
	[sflag:s4] =	ssyncset.s32 $0xFFFFF086  }
0x25: {  	[simem:s6], [sflag:s4] =	dma.local [hbm:s3], $0xF7A  }
0x26: {  	[smem:$0x3F9F] =	sst s1;
	(tag) =	ssettag s2;
	_ =	strace s9  }
0x27: {  	s1 =	sld [smem:$0x3FAF]  }
0x28: {  	s2 =	sld [smem:$0x3FB0]  }
0x29: {  	s4 =	sld [smem:$0x3FB2]  }
0x2a: {  	p0 =	seq.s32 s5, $0x0;
	s5 =	sld [smem:$0x3FB3]  }
0x2b: {  	s6 =	sld [smem:$0x3FB4]  }
0x2c: {  	s7 =	sld [smem:$0x3FB5]  }
0x2d: {  	s3 =	simm.s32 $0x108;
	s8 =	sld [smem:$0x3FB6]  }
0x2e: {  	s3 =	simm.s32 @!p0 $0x1082;
	s9 =	sld [smem:$0x3FB7]  }
0x2f: {  	lr =	sadd.s32 s0, s3;
	s0 =	sld [smem:$0x3FAE]  }
0x30: {  	s3 =	sld [smem:$0x3FB1]  }
0x31: {  	[smem:$0x3FBA] =	sst s10  }
0x32: {  	s10 =	sld [smem:$0x3FB8];
	_ =	sdelay $0x3  }
0x33: {  	p0 =	seq.s32 s10, $0x1;
	s10 =	sld [smem:$0x3FBA];
	_ =	sdelay $0x3  }
0x34: {  	[smem:$0x3FBA] =	sst s10  }
0x35: {  	s10 =	sld [smem:$0x3FB9];
	_ =	sdelay $0x3  }
0x36: {  	p1 =	seq.s32 s10, $0x1;
	s10 =	sld [smem:$0x3FBA];
	_ =	sdelay $0x3  }
0x37: {  	[smem:$0x3FBA] =	sst s10  }
0x38: {  	s10 =	sld [smem:$0x3FBB]  }
0x39: {  	_ = 	snop;
	(pc) =	sbr.ind lr, $3  }
0x3a: {  	_ = 	snop  }
0x3b: {  	_ = 	snop  }
0x3c: {  	p2 =	seq.s32 s10, $0x1;
	s10 =	sld [smem:$0x3FBA]  }
0x3d: {  	_ =	shalt  }
0x3e: {  	_ =	shalt  }
0x3f: {  	_ =	shalt  }
0x40: {  	_ =	shalt  }
0x41: {  	_ =	shalt  }
0x42: {  	_ =	shalt  }
0x43: {  	_ =	shalt  }
0x44: {  	_ =	shalt  }
0x45: {  	_ =	shalt  }
0x46: {  	_ =	shalt  }
0x47: {  	_ =	shalt  }
0x48: {  	_ =	shalt  }
0x49: {  	_ =	shalt  }
0x4a: {  	_ =	shalt  }
0x4b: {  	_ =	shalt  }
0x4c: {  	_ =	shalt  }
0x4d: {  	_ =	shalt  }
0x4e: {  	_ =	shalt  }
0x4f: {  	_ =	shalt  }
0x50: {  	_ =	shalt  }
0x51: {  	_ =	shalt  }
0x52: {  	_ =	shalt  }
0x53: {  	_ =	shalt  }
0x54: {  	_ =	shalt  }
0x55: {  	_ =	shalt  }
0x56: {  	_ =	shalt  }
0x57: {  	_ =	shalt  }
0x58: {  	_ =	shalt  }
0x59: {  	_ =	shalt  }
0x5a: {  	_ =	shalt  }
0x5b: {  	_ =	shalt  }
0x5c: {  	_ =	shalt  }
0x5d: {  	_ =	shalt  }
0x5e: {  	_ =	shalt  }
0x5f: {  	_ =	shalt  }
0x60: {  	_ =	shalt  }
0x61: {  	_ =	shalt  }
0x62: {  	_ =	shalt  }
0x63: {  	_ =	shalt  }
0x64: {  	_ =	shalt  }
0x65: {  	_ =	shalt  }
0x66: {  	_ =	shalt  }
0x67: {  	_ =	shalt  }
0x68: {  	_ =	shalt  }
0x69: {  	_ =	shalt  }
0x6a: {  	_ =	shalt  }
0x6b: {  	_ =	shalt  }
0x6c: {  	_ =	shalt  }
0x6d: {  	_ =	shalt  }
0x6e: {  	_ =	shalt  }
0x6f: {  	_ =	shalt  }
0x70: {  	_ =	shalt  }
0x71: {  	_ =	shalt  }
0x72: {  	_ =	shalt  }
0x73: {  	_ =	shalt  }
0x74: {  	_ =	shalt  }
0x75: {  	_ =	shalt  }
0x76: {  	_ =	shalt  }
0x77: {  	_ =	shalt  }
0x78: {  	_ =	shalt  }
0x79: {  	_ =	shalt  }
0x7a: {  	_ =	shalt  }
0x7b: {  	_ =	shalt  }
0x7c: {  	_ =	shalt  }
0x7d: {  	_ =	shalt  }
0x7e: {  	_ =	shalt  }
0x7f: {  	_ =	shalt  }
0x80: {  	_ =	shalt  }
0x81: {  	_ =	shalt  }
0x82: {  	_ =	shalt  }
0x83: {  	_ =	shalt  }
0x84: {  	_ =	shalt  }
0x85: {  	_ =	shalt  }
0x86: {  	_ =	shalt  }
0x87: {  	_ =	shalt  }
.Lfunc_end0:
.L_simem_size_0:
called_computation_lowered:
.L_overlay_start_0:
0x88: {  	s2 =	sld [smem:$0x3FD9]  }
0x89: {  	s3 =	sld [smem:$0x3FFE];
	_ =	sdelay $0x1  }
0x8a: {  	s1 =	srdreg.scid  }
0x8b: {  	s0 =	sand.u32 $0x1, s1  }
0x8c: {  	s17 =	sshll.u32 s0, $0xA;
	s2 =	sadd.s32 s3, s2  }
0x8d: {  	s2 =	sadd.s32 s2, s17  }
0x8e: {  	[smem:$0x3FC6] =	sst s2  }
0x8f: {  	_ = 	snop  }
0x90: {  	s2 =	sld [smem:$0x3FC9]  }
0x91: {  	s18 =	sld [smem:$0x3FD0];
	(tm) =	ssettm $0x1  }
0x92: {  	s4 =	sld [smem:$0x3FFB];
	_ =	sdelay $0x3  }
0x93: {  	_ =	strace s4  }
0x94: {  	s4 =	sld [smem:$0x3FFC];
	_ =	sdelay $0x3  }
0x95: {  	_ =	strace s4  }
0x96: {  	s4 =	sld [smem:$0x3FFD];
	_ =	sdelay $0x3  }
0x97: {  	_ =	strace s4  }
0x98: {  	_ =	strace $0x8FFFFFFF  }
0x99: {  	s19 =	sld [smem:$0x3FDB];
	_ =	sdelay $0x1  }
0x9a: {  	s5 =	simm.s32 $_scs_section_size  }
0x9b: {  	s6 =	simm.s32 $_size__tile_overlayer_lowered;
	s7 =	simm.s32 $_tile_overlayer_lowered  }
0x9c: {  	s22 =	simm.s32 $0x1BFF;
	s21 =	sshll.u32 s7, $0x1;
	s4 =	sadd.s32 s5, s19  }
0x9d: {  	s8 =	simm.s32 $0x0;
	s20 =	sshll.u32 s6, $0x1;
	s6 =	sadd.s32 s21, s4  }
0x9e: {  	[timem:s8], [sflag:s22] =	dma.local [hbm:s6], s20  }
0x9f: {  	_ =	swait.ge [sflag:s22], s20  }
0xa0: {  	s5 =	ssub.s32 $0x0, s20;
	[sflag:s22] =	ssyncset.done $0x0  }
0xa1: {  	[sflag:s22] =	ssyncadd.s32 s5;
	_ =	sdelay $0x1  }
0xa2: {  	s23 =	simm.s32 $0x1B8B  }
0xa3: {  	_ =	swait.ge [sflag:s23], $0x1  }
0xa4: {  	[sflag:s23] =	ssyncset.done $0x0  }
0xa5: {  	s25 =	simm.s32 $0x1B8E;
	s24 =	sld [smem:$0x3FFE];
	[sflag:s23] =	ssyncadd.s32 $0xFFFFFFFF  }
0xa6: {  	s26 =	simm.s32 $execute0_lowered;
	[smem:$0x3FD2] =	sst s25  }
0xa7: {  	s6 =	sshll.u32 s26, $0x1;
	_ =	strace $0x80000046;
	[dreg:$0x1] =	wrdreg $0xFFFFFFFF  }
0xa8: {  	s28 =	simm.s32 $_size_execute0_lowered;
	s4 =	sadd.s32 s4, s6;
	[dreg:$0x0] =	wrdreg $0x0  }
0xa9: {  	s6 =	sshll.u32 s28, $0x1;
	[dreg:$0x2] =	wrdreg s4  }
0xaa: {  	[dreg:$0x3] =	wrdreg s6  }
0xab: {  	[dreg:$0x4] =	wrdreg $0xC0  }
0xac: {  	_ =	task [dreg:s8], $0x5FFFF  }
0xad: {  	[dreg:$0x1] =	wrdreg $0xFFFFFFFF  }
0xae: {  	[dreg:$0x0] =	wrdreg $0x60  }
0xaf: {  	[dreg:$0x2] =	wrdreg s2  }
0xb0: {  	[dreg:$0x3] =	wrdreg s24  }
0xb1: {  	[dreg:$0x4] =	wrdreg s18  }
0xb2: {  	[dreg:$0x5] =	wrdreg $0x9  }
0xb3: {  	_ =	task.clear_ibuf [dreg:s8], $0x6FFFF;
	_ =	strace $0x90000046  }
0xb4: {  	s29 =	simm.s32 $0x9;
	_ =	strace $0x80000048  }
0xb5: {  	_ =	swait.ge [sflag:s29], $0x1  }
0xb6: {  	[sflag:s29] =	ssyncadd.s32 $0xFFFFFFFF  }
0xb7: {  	_ =	strace $0x90000048  }
0xb8: {  	_ =	sfence  }
0xb9: {  	s30 =	sld [smem:$0x0];
	_ =	sdelay $0x2  }
0xba: {  	s31 =	sshll.u32 s1, $0xD;
	s1 =	sshrl.u32 s1, $0x2  }
0xbb: {  	s3 =	sand.u32 $0x4000, s31;
	s1 =	sadd.s32 s1, s30  }
0xbc: {  	s0 =	sor.u32 s3, s0;
	s1 =	sshll.u32 s1, $0x11  }
0xbd: {  	s0 =	sor.u32 s1, s0  }
0xbe: {  	s0 =	sadd.s32 $0x8F2B, s0  }
0xbf: {  	[sflag:s0] =	ssyncadd.remote.s32 $0x1  }
0xc0: {  	_ =	sfence.sel $0xFFFF  }
0xc1: {  	[dreg:$0x0] =	wrdreg $0xFFFFFFFF;
	(pc) =	sbr.abs _section_cstart, $3  }
0xc2: {  	[dreg:$0x1] =	wrdreg $0xFFFFFFFF  }
0xc3: {  	_ =	task.clear_ibuf [dreg:s8], $0x2FFFF;
	_ =	strace $0x9FFFFFFF  }
0xc4: {  	(tm) =	ssettm $0x7FFFFFFF  }
0xc5: {  	_ =	shalt  }
tec
execute0_lowered:
.L_overlay_start_1:
0x0: {  	(tag) =	ssettag $0x1  }
0x1: {  	s0 =	rddreg [dreg:$0x0]  }
0x2: {  	s1 =	rddreg [dreg:$0x1]  }
0x3: {  	s2 =	rddreg [dreg:$0x2]  }
0x4: {  	s4 =	srdreg.scid;
	s5 =	stileid.u32;
	s3 =	simm.s32 $0x0  }
0x5: {  	s14 =	simm.s32 $0x80;
	s15 =	simm.s32 $0x6400;
	s16 =	simm.s32 $0xA400  }
0x6: {  	s17 =	simm.s32 $0x1;
	s28 =	simm.s32 $0x11400;
	s29 =	simm.s32 $0x11C00  }
0x7: {  	s31 =	simm.s32 $0x2;
	s11 =	simm.s32 $0x13400;
	s12 =	simm.s32 $0x13C00  }
0x8: {  	s30 =	simm.s32 $0x14400;
	s10 =	simm.s32 $0x15400;
	s19 =	simm.s32 $0x15C00  }
0x9: {  	s4 =	sand.u32 $0x1, s4;
	s5 =	sshll.u32 s5, $0x1;
	[smem:$0x7FF] =	sst s3  }
0xa: {  	s6 =	ssub.s32 $0x2, s4;
	s5 =	sor.u32 s4, s5;
	_ =	strace $0x80000047  }
0xb: {  	s4 =	sadd.s32 $0x400, s1;
	s7 =	sshrl.u32 s6, $0x1;
	s8 =	sshll.u32 s5, $0x7  }
0xc: {  	s1 =	simm.s32 $0x12C00;
	s20 =	ssub.s32 s6, s7;
	s0 =	sadd.s32 s0, s8  }
0xd: {  	s21 =	sadd.s32 s2, s8;
	s7 =	sshll.u32 s5, $0xA;
	[dreg:$0x5] =	wrdreg s0  }
0xe: {  	s6 =	simm.s32 $0x14C00;
	s22 =	sadd.s32 $0x8000, s21;
	[dreg:$0x4] =	wrdreg s21  }
0xf: {  	s8 =	simm.s32 $0x0;
	s23 =	smax.u32 s20, $0x1;
	[dreg:$0x6] =	wrdreg s22  }
0x10: {  	s9 =	sor.u32 $0x80000, s7;
	s24 =	sadd.s32 $0x1000, s21;
	[dreg:$0x7] =	wrdreg s23  }
0x11: {  	s25 =	sadd.s32 $0x2000, s21;
	s26 =	sadd.s32 $0x3000, s21;
	[dreg:$0x8] =	wrdreg s24  }
0x12: {  	s0 =	simm.s32 $0x12400;
	s21 =	simm.s32 $0x3;
	[dreg:$0x9] =	wrdreg s25  }
0x13: {  	v0 =	vlaneseq.u32;
	s22 =	simm.s32 $0xF400;
	[dreg:$0xa] =	wrdreg s26;
	s24 =	simm.s32 $0xFC00  }
0x14: {  	v0 =	vmul.u32 $0x80, v0;
	s25 =	simm.s32 $0x10400;
	s26 =	simm.s32 $0x10C00;
	s23 =	simm.s32 $0x4  }
.LBB2_1:
0x15: {  	[dreg:$0xb] =	wrdreg s8  }
0x16: {  	s5 =	rddreg [dreg:$0x5]  }
0x17: {  	s18 =	simm.s32 $0x400;
	s13 =	simm.s32 $0x8000;
	s20 =	simm.s32 $0x5  }
0x18: {  	[tilespmem:s3], [sflag:$0x5] =	stream.strided.gather [hbm4b:s5+s18], $0x6400, s13, s18, $0x38;
	[tilespmem:$0x16400] =	vst v63  }
0x19: {  	_ =	swait.ge [sflag:s20], $0x6400  }
0x1a: {  	[sflag:s20] =	ssyncset.done $0x0  }
0x1b: {  	[sflag:s20] =	ssyncadd.s32 $0xFFFF9C00  }
0x1c: {  	[tilespmem:s15], [sflag:$0x1] =	stream.indirect.gather [hbm4b:s4+s14], $0x80, s3, s14, $0xb8;
	[tilespmem:$0x16400] =	vst v63  }
0x1d: {  	_ = 	snop  }
0x1e: {  	[tilespmem:s16], [sflag:$0x2] =	stream.indirect.gather [hbm4b:s4+s14], $0x80, s14, s14, $0xb8;
	[tilespmem:$0x16400] =	vst v63  }
0x1f: {  	_ =	swait.ge [sflag:s17], $0x4000  }
0x20: {  	[sflag:s17] =	ssyncset.done $0x0  }
0x21: {  	s8 =	simm.s32 $0x0;
	s5 =	simm.s32 $0x10400;
	[sflag:s17] =	ssyncadd.s32 $0xFFFFC000  }
.LBB2_2:
0x22: {  	v1 =	vmov s8  }
0x23: {  	v1 =	vshll.u32 v1, $0x7  }
0x24: {  	v1 =	vor.u32 v0, v1  }
0x25: {  	v2 =	vor.u32 $0x1, v1  }
0x26: {  	v3 =	vor.u32 $0x2, v1  }
0x27: {  	v4 =	vor.u32 $0x3, v1  }
0x28: {  	v5 =	vor.u32 $0x4, v1  }
0x29: {  	v7 =	vor.u32 $0x5, v1;
	v6 =	vld.idx.msk [tilespmem:v1+s15+$0x0], $0xffff  }
0x2a: {  	v8 =	vor.u32 $0x6, v1;
	v2 =	vld.idx.msk [tilespmem:v2+s15+$0x0], $0xffff  }
0x2b: {  	v9 =	vor.u32 $0x7, v1;
	v3 =	vld.idx.msk [tilespmem:v3+s15+$0x0], $0xffff  }
0x2c: {  	v4 =	vld.idx.msk [tilespmem:v4+s15+$0x0], $0xffff  }
0x2d: {  	v5 =	vld.idx.msk [tilespmem:v5+s15+$0x0], $0xffff  }
0x2e: {  	v7 =	vld.idx.msk [tilespmem:v7+s15+$0x0], $0xffff  }
0x2f: {  	v8 =	vld.idx.msk [tilespmem:v8+s15+$0x0], $0xffff  }
0x30: {  	v9 =	vld.idx.msk [tilespmem:v9+s15+$0x0], $0xffff;
	[tilespmem:s5+$0xFFFFE000] =	vst v6  }
0x31: {  	[tilespmem:s5+$0xFFFFE080] =	vst v2  }
0x32: {  	[tilespmem:s5+$0xFFFFE100] =	vst v3  }
0x33: {  	v23 =	vor.u32 $0xA, v1;
	[tilespmem:s5+$0xFFFFE180] =	vst v4  }
0x34: {  	v24 =	vor.u32 $0xB, v1;
	[tilespmem:s5+$0xFFFFE200] =	vst v5  }
0x35: {  	v25 =	vor.u32 $0xC, v1;
	[tilespmem:s5+$0xFFFFE280] =	vst v7  }
0x36: {  	v26 =	vor.u32 $0xD, v1;
	[tilespmem:s5+$0xFFFFE300] =	vst v8  }
0x37: {  	v27 =	vor.u32 $0xE, v1;
	[tilespmem:s5+$0xFFFFE380] =	vst v9  }
0x38: {  	v28 =	vor.u32 $0xF, v1;
	v4 =	vld.idx.msk [tilespmem:v23+s15+$0x0], $0xffff  }
0x39: {  	v2 =	vor.u32 $0x8, v1;
	v5 =	vld.idx.msk [tilespmem:v24+s15+$0x0], $0xffff  }
0x3a: {  	v3 =	vor.u32 $0x9, v1;
	v6 =	vld.idx.msk [tilespmem:v25+s15+$0x0], $0xffff  }
0x3b: {  	v7 =	vld.idx.msk [tilespmem:v26+s15+$0x0], $0xffff  }
0x3c: {  	v8 =	vld.idx.msk [tilespmem:v27+s15+$0x0], $0xffff  }
0x3d: {  	v9 =	vld.idx.msk [tilespmem:v28+s15+$0x0], $0xffff  }
0x3e: {  	v2 =	vld.idx.msk [tilespmem:v2+s15+$0x0], $0xffff  }
0x3f: {  	v3 =	vld.idx.msk [tilespmem:v3+s15+$0x0], $0xffff;
	[tilespmem:s5+$0xFFFFE900] =	vst v4  }
0x40: {  	[tilespmem:s5+$0xFFFFE980] =	vst v5  }
0x41: {  	[tilespmem:s5+$0xFFFFEA00] =	vst v6  }
0x42: {  	v29 =	vor.u32 $0x12, v1;
	[tilespmem:s5+$0xFFFFEA80] =	vst v7  }
0x43: {  	v30 =	vor.u32 $0x13, v1;
	[tilespmem:s5+$0xFFFFEB00] =	vst v8  }
0x44: {  	v31 =	vor.u32 $0x14, v1;
	[tilespmem:s5+$0xFFFFEB80] =	vst v9  }
0x45: {  	v32 =	vor.u32 $0x15, v1;
	[tilespmem:s5+$0xFFFFE800] =	vst v2  }
0x46: {  	v33 =	vor.u32 $0x16, v1;
	[tilespmem:s5+$0xFFFFE880] =	vst v3  }
0x47: {  	v34 =	vor.u32 $0x17, v1;
	v4 =	vld.idx.msk [tilespmem:v29+s15+$0x0], $0xffff  }
0x48: {  	v2 =	vor.u32 $0x10, v1;
	v5 =	vld.idx.msk [tilespmem:v30+s15+$0x0], $0xffff  }
0x49: {  	v3 =	vor.u32 $0x11, v1;
	v6 =	vld.idx.msk [tilespmem:v31+s15+$0x0], $0xffff  }
0x4a: {  	v7 =	vld.idx.msk [tilespmem:v32+s15+$0x0], $0xffff  }
0x4b: {  	v8 =	vld.idx.msk [tilespmem:v33+s15+$0x0], $0xffff  }
0x4c: {  	v9 =	vld.idx.msk [tilespmem:v34+s15+$0x0], $0xffff  }
0x4d: {  	v2 =	vld.idx.msk [tilespmem:v2+s15+$0x0], $0xffff  }
0x4e: {  	v3 =	vld.idx.msk [tilespmem:v3+s15+$0x0], $0xffff;
	[tilespmem:s5+$0xFFFFF100] =	vst v4  }
0x4f: {  	[tilespmem:s5+$0xFFFFF180] =	vst v5  }
0x50: {  	[tilespmem:s5+$0xFFFFF200] =	vst v6  }
0x51: {  	v35 =	vor.u32 $0x1A, v1;
	[tilespmem:s5+$0xFFFFF280] =	vst v7  }
0x52: {  	v36 =	vor.u32 $0x1B, v1;
	[tilespmem:s5+$0xFFFFF300] =	vst v8  }
0x53: {  	v37 =	vor.u32 $0x1C, v1;
	[tilespmem:s5+$0xFFFFF380] =	vst v9  }
0x54: {  	v38 =	vor.u32 $0x1D, v1;
	[tilespmem:s5+$0xFFFFF000] =	vst v2  }
0x55: {  	v39 =	vor.u32 $0x1E, v1;
	[tilespmem:s5+$0xFFFFF080] =	vst v3  }
0x56: {  	v40 =	vor.u32 $0x1F, v1;
	v4 =	vld.idx.msk [tilespmem:v35+s15+$0x0], $0xffff  }
0x57: {  	v2 =	vor.u32 $0x18, v1;
	v5 =	vld.idx.msk [tilespmem:v36+s15+$0x0], $0xffff  }
0x58: {  	v3 =	vor.u32 $0x19, v1;
	v6 =	vld.idx.msk [tilespmem:v37+s15+$0x0], $0xffff  }
0x59: {  	v7 =	vld.idx.msk [tilespmem:v38+s15+$0x0], $0xffff  }
0x5a: {  	v8 =	vld.idx.msk [tilespmem:v39+s15+$0x0], $0xffff  }
0x5b: {  	v9 =	vld.idx.msk [tilespmem:v40+s15+$0x0], $0xffff  }
0x5c: {  	v2 =	vld.idx.msk [tilespmem:v2+s15+$0x0], $0xffff  }
0x5d: {  	v3 =	vld.idx.msk [tilespmem:v3+s15+$0x0], $0xffff;
	[tilespmem:s5+$0xFFFFF900] =	vst v4  }
0x5e: {  	[tilespmem:s5+$0xFFFFF980] =	vst v5  }
0x5f: {  	[tilespmem:s5+$0xFFFFFA00] =	vst v6  }
0x60: {  	v41 =	vor.u32 $0x22, v1;
	[tilespmem:s5+$0xFFFFFA80] =	vst v7  }
0x61: {  	v42 =	vor.u32 $0x23, v1;
	[tilespmem:s5+$0xFFFFFB00] =	vst v8  }
0x62: {  	v43 =	vor.u32 $0x24, v1;
	[tilespmem:s5+$0xFFFFFB80] =	vst v9  }
0x63: {  	v44 =	vor.u32 $0x25, v1;
	[tilespmem:s5+$0xFFFFF800] =	vst v2  }
0x64: {  	v45 =	vor.u32 $0x26, v1;
	[tilespmem:s5+$0xFFFFF880] =	vst v3  }
0x65: {  	v46 =	vor.u32 $0x27, v1;
	v4 =	vld.idx.msk [tilespmem:v41+s15+$0x0], $0xffff  }
0x66: {  	v2 =	vor.u32 $0x20, v1;
	v5 =	vld.idx.msk [tilespmem:v42+s15+$0x0], $0xffff  }
0x67: {  	v3 =	vor.u32 $0x21, v1;
	v6 =	vld.idx.msk [tilespmem:v43+s15+$0x0], $0xffff  }
0x68: {  	v7 =	vld.idx.msk [tilespmem:v44+s15+$0x0], $0xffff  }
0x69: {  	v8 =	vld.idx.msk [tilespmem:v45+s15+$0x0], $0xffff  }
0x6a: {  	v9 =	vld.idx.msk [tilespmem:v46+s15+$0x0], $0xffff  }
0x6b: {  	v2 =	vld.idx.msk [tilespmem:v2+s15+$0x0], $0xffff  }
0x6c: {  	v3 =	vld.idx.msk [tilespmem:v3+s15+$0x0], $0xffff;
	[tilespmem:s5+$0x100] =	vst v4  }
0x6d: {  	[tilespmem:s5+$0x180] =	vst v5  }
0x6e: {  	[tilespmem:s5+$0x200] =	vst v6  }
0x6f: {  	v47 =	vor.u32 $0x2A, v1;
	[tilespmem:s5+$0x280] =	vst v7  }
0x70: {  	v48 =	vor.u32 $0x2B, v1;
	[tilespmem:s5+$0x300] =	vst v8  }
0x71: {  	v49 =	vor.u32 $0x2C, v1;
	[tilespmem:s5+$0x380] =	vst v9  }
0x72: {  	v50 =	vor.u32 $0x2D, v1;
	[tilespmem:s5+$0x0] =	vst v2  }
0x73: {  	v51 =	vor.u32 $0x2E, v1;
	[tilespmem:s5+$0x80] =	vst v3  }
0x74: {  	v52 =	vor.u32 $0x2F, v1;
	v4 =	vld.idx.msk [tilespmem:v47+s15+$0x0], $0xffff  }
0x75: {  	v2 =	vor.u32 $0x28, v1;
	v5 =	vld.idx.msk [tilespmem:v48+s15+$0x0], $0xffff  }
0x76: {  	v3 =	vor.u32 $0x29, v1;
	v6 =	vld.idx.msk [tilespmem:v49+s15+$0x0], $0xffff  }
0x77: {  	v7 =	vld.idx.msk [tilespmem:v50+s15+$0x0], $0xffff  }
0x78: {  	v8 =	vld.idx.msk [tilespmem:v51+s15+$0x0], $0xffff  }
0x79: {  	v9 =	vld.idx.msk [tilespmem:v52+s15+$0x0], $0xffff  }
0x7a: {  	v2 =	vld.idx.msk [tilespmem:v2+s15+$0x0], $0xffff  }
0x7b: {  	v3 =	vld.idx.msk [tilespmem:v3+s15+$0x0], $0xffff;
	[tilespmem:s5+$0x900] =	vst v4  }
0x7c: {  	[tilespmem:s5+$0x980] =	vst v5  }
0x7d: {  	[tilespmem:s5+$0xA00] =	vst v6  }
0x7e: {  	v53 =	vor.u32 $0x32, v1;
	[tilespmem:s5+$0xA80] =	vst v7  }
0x7f: {  	v54 =	vor.u32 $0x33, v1;
	[tilespmem:s5+$0xB00] =	vst v8  }
0x80: {  	v55 =	vor.u32 $0x34, v1;
	[tilespmem:s5+$0xB80] =	vst v9  }
0x81: {  	v56 =	vor.u32 $0x35, v1;
	[tilespmem:s5+$0x800] =	vst v2  }
0x82: {  	v57 =	vor.u32 $0x36, v1;
	[tilespmem:s5+$0x880] =	vst v3  }
0x83: {  	v58 =	vor.u32 $0x37, v1;
	v4 =	vld.idx.msk [tilespmem:v53+s15+$0x0], $0xffff  }
0x84: {  	v2 =	vor.u32 $0x30, v1;
	v5 =	vld.idx.msk [tilespmem:v54+s15+$0x0], $0xffff  }
0x85: {  	v3 =	vor.u32 $0x31, v1;
	v6 =	vld.idx.msk [tilespmem:v55+s15+$0x0], $0xffff  }
0x86: {  	v7 =	vld.idx.msk [tilespmem:v56+s15+$0x0], $0xffff  }
0x87: {  	v8 =	vld.idx.msk [tilespmem:v57+s15+$0x0], $0xffff  }
0x88: {  	v9 =	vld.idx.msk [tilespmem:v58+s15+$0x0], $0xffff  }
0x89: {  	v2 =	vld.idx.msk [tilespmem:v2+s15+$0x0], $0xffff  }
0x8a: {  	v3 =	vld.idx.msk [tilespmem:v3+s15+$0x0], $0xffff;
	[tilespmem:s5+$0x1100] =	vst v4  }
0x8b: {  	[tilespmem:s5+$0x1180] =	vst v5  }
0x8c: {  	[tilespmem:s5+$0x1200] =	vst v6  }
0x8d: {  	v59 =	vor.u32 $0x3A, v1;
	[tilespmem:s5+$0x1280] =	vst v7  }
0x8e: {  	v60 =	vor.u32 $0x3B, v1;
	[tilespmem:s5+$0x1300] =	vst v8  }
0x8f: {  	v61 =	vor.u32 $0x3C, v1;
	[tilespmem:s5+$0x1380] =	vst v9  }
0x90: {  	v62 =	vor.u32 $0x3D, v1;
	[tilespmem:s5+$0x1000] =	vst v2  }
0x91: {  	v63 =	vor.u32 $0x3E, v1;
	[tilespmem:s5+$0x1080] =	vst v3  }
0x92: {  	v2 =	vor.u32 $0x38, v1;
	v4 =	vld.idx.msk [tilespmem:v59+s15+$0x0], $0xffff  }
0x93: {  	v3 =	vor.u32 $0x39, v1;
	v5 =	vld.idx.msk [tilespmem:v60+s15+$0x0], $0xffff  }
0x94: {  	v1 =	vor.u32 $0x3F, v1;
	v6 =	vld.idx.msk [tilespmem:v61+s15+$0x0], $0xffff  }
0x95: {  	v7 =	vld.idx.msk [tilespmem:v62+s15+$0x0], $0xffff  }
0x96: {  	v8 =	vld.idx.msk [tilespmem:v63+s15+$0x0], $0xffff  }
0x97: {  	v2 =	vld.idx.msk [tilespmem:v2+s15+$0x0], $0xffff  }
0x98: {  	v3 =	vld.idx.msk [tilespmem:v3+s15+$0x0], $0xffff  }
0x99: {  	v1 =	vld.idx.msk [tilespmem:v1+s15+$0x0], $0xffff;
	[tilespmem:s5+$0x1900] =	vst v4  }
0x9a: {  	[tilespmem:s5+$0x1980] =	vst v5  }
0x9b: {  	p0 =	sne.s32 s8, $0x70;
	[tilespmem:s5+$0x1A00] =	vst v6  }
.Ltmp0:
0x9c: {  	[tilespmem:s5+$0x1A80] =	vst v7;
	(pc) =	sbr.rel @p0 .LBB2_2-.Ltmp0, $4  }
0x9d: {  	[tilespmem:s5+$0x1B00] =	vst v8  }
0x9e: {  	[tilespmem:s5+$0x1800] =	vst v2  }
0x9f: {  	[tilespmem:s5+$0x1880] =	vst v3  }
0xa0: {  	s8 =	sadd.s32 $0x10, s8;
	[tilespmem:s5+$0x1B80] =	vst v1;
	s5 =	sadd.s32 $0x10, s5  }
0xa1: {  	s5 =	simm.s32 $0x0;
	s13 =	rddreg [dreg:$0x4];
	s8 =	simm.s32 $0xE400  }
0xa2: {  	[hbm4b:s13+s5] =	stream.linear.scatter [tilespmem:s8], [sflag:$0x3], $0x400, $0x38;
	[tilespmem:$0x16400] =	vst v63  }
0xa3: {  	s20 =	rddreg [dreg:$0x8];
	s18 =	simm.s32 $0xEC00  }
0xa4: {  	[hbm4b:s20+s5] =	stream.linear.scatter [tilespmem:s18], [sflag:$0x3], $0x400, $0x38;
	[tilespmem:$0x16400] =	vst v63  }
0xa5: {  	s20 =	rddreg [dreg:$0x9]  }
0xa6: {  	[hbm4b:s20+s5] =	stream.linear.scatter [tilespmem:s22], [sflag:$0x3], $0x400, $0x38;
	[tilespmem:$0x16400] =	vst v63  }
0xa7: {  	s18 =	rddreg [dreg:$0xa]  }
0xa8: {  	[hbm4b:s18+s5] =	stream.linear.scatter [tilespmem:s24], [sflag:$0x3], $0x400, $0x38;
	[tilespmem:$0x16400] =	vst v63  }
0xa9: {  	s20 =	sadd.s32 $0x4000, s13  }
0xaa: {  	[hbm4b:s20+s5] =	stream.linear.scatter [tilespmem:s25], [sflag:$0x3], $0x400, $0x38;
	[tilespmem:$0x16400] =	vst v63  }
0xab: {  	s18 =	sadd.s32 $0x5000, s13  }
0xac: {  	[hbm4b:s18+s5] =	stream.linear.scatter [tilespmem:s26], [sflag:$0x3], $0x400, $0x38;
	[tilespmem:$0x16400] =	vst v63  }
0xad: {  	s20 =	sadd.s32 $0x6000, s13  }
0xae: {  	[hbm4b:s20+s5] =	stream.linear.scatter [tilespmem:s28], [sflag:$0x3], $0x400, $0x38;
	[tilespmem:$0x16400] =	vst v63  }
0xaf: {  	s18 =	sadd.s32 $0x7000, s13  }
0xb0: {  	[hbm4b:s18+s5] =	stream.linear.scatter [tilespmem:s29], [sflag:$0x3], $0x400, $0x38;
	[tilespmem:$0x16400] =	vst v63  }
0xb1: {  	s20 =	simm.s32 $0x100  }
0xb2: {  	[tilespmem:s15], [sflag:$0x1] =	stream.indirect.gather [hbm4b:s4+s14], $0x80, s20, s14, $0xb8;
	[tilespmem:$0x16400] =	vst v63  }
0xb3: {  	_ =	swait.ge [sflag:s31], $0x4000  }
0xb4: {  	[sflag:s31] =	ssyncset.done $0x0  }
0xb5: {  	s8 =	simm.s32 $0x14400;
	[sflag:s31] =	ssyncadd.s32 $0xFFFFC000  }
.LBB2_4:
0xb6: {  	v1 =	vmov s5  }
0xb7: {  	v1 =	vshll.u32 v1, $0x7  }
0xb8: {  	v1 =	vor.u32 v0, v1  }
0xb9: {  	v2 =	vor.u32 $0x1, v1  }
0xba: {  	v3 =	vor.u32 $0x2, v1  }
0xbb: {  	v4 =	vor.u32 $0x3, v1  }
0xbc: {  	v5 =	vor.u32 $0x4, v1  }
0xbd: {  	v7 =	vor.u32 $0x5, v1;
	v6 =	vld.idx.msk [tilespmem:v1+s16+$0x0], $0xffff  }
0xbe: {  	v8 =	vor.u32 $0x6, v1;
	v2 =	vld.idx.msk [tilespmem:v2+s16+$0x0], $0xffff  }
0xbf: {  	v9 =	vor.u32 $0x7, v1;
	v3 =	vld.idx.msk [tilespmem:v3+s16+$0x0], $0xffff  }
0xc0: {  	v4 =	vld.idx.msk [tilespmem:v4+s16+$0x0], $0xffff  }
0xc1: {  	v5 =	vld.idx.msk [tilespmem:v5+s16+$0x0], $0xffff  }
0xc2: {  	v7 =	vld.idx.msk [tilespmem:v7+s16+$0x0], $0xffff  }
0xc3: {  	v8 =	vld.idx.msk [tilespmem:v8+s16+$0x0], $0xffff  }
0xc4: {  	v9 =	vld.idx.msk [tilespmem:v9+s16+$0x0], $0xffff;
	[tilespmem:s8+$0xFFFFE000] =	vst v6  }
0xc5: {  	[tilespmem:s8+$0xFFFFE080] =	vst v2  }
0xc6: {  	[tilespmem:s8+$0xFFFFE100] =	vst v3  }
0xc7: {  	v23 =	vor.u32 $0xA, v1;
	[tilespmem:s8+$0xFFFFE180] =	vst v4  }
0xc8: {  	v24 =	vor.u32 $0xB, v1;
	[tilespmem:s8+$0xFFFFE200] =	vst v5  }
0xc9: {  	v25 =	vor.u32 $0xC, v1;
	[tilespmem:s8+$0xFFFFE280] =	vst v7  }
0xca: {  	v26 =	vor.u32 $0xD, v1;
	[tilespmem:s8+$0xFFFFE300] =	vst v8  }
0xcb: {  	v27 =	vor.u32 $0xE, v1;
	[tilespmem:s8+$0xFFFFE380] =	vst v9  }
0xcc: {  	v28 =	vor.u32 $0xF, v1;
	v4 =	vld.idx.msk [tilespmem:v23+s16+$0x0], $0xffff  }
0xcd: {  	v2 =	vor.u32 $0x8, v1;
	v5 =	vld.idx.msk [tilespmem:v24+s16+$0x0], $0xffff  }
0xce: {  	v3 =	vor.u32 $0x9, v1;
	v6 =	vld.idx.msk [tilespmem:v25+s16+$0x0], $0xffff  }
0xcf: {  	v7 =	vld.idx.msk [tilespmem:v26+s16+$0x0], $0xffff  }
0xd0: {  	v8 =	vld.idx.msk [tilespmem:v27+s16+$0x0], $0xffff  }
0xd1: {  	v9 =	vld.idx.msk [tilespmem:v28+s16+$0x0], $0xffff  }
0xd2: {  	v2 =	vld.idx.msk [tilespmem:v2+s16+$0x0], $0xffff  }
0xd3: {  	v3 =	vld.idx.msk [tilespmem:v3+s16+$0x0], $0xffff;
	[tilespmem:s8+$0xFFFFE900] =	vst v4  }
0xd4: {  	[tilespmem:s8+$0xFFFFE980] =	vst v5  }
0xd5: {  	[tilespmem:s8+$0xFFFFEA00] =	vst v6  }
0xd6: {  	v29 =	vor.u32 $0x12, v1;
	[tilespmem:s8+$0xFFFFEA80] =	vst v7  }
0xd7: {  	v30 =	vor.u32 $0x13, v1;
	[tilespmem:s8+$0xFFFFEB00] =	vst v8  }
0xd8: {  	v31 =	vor.u32 $0x14, v1;
	[tilespmem:s8+$0xFFFFEB80] =	vst v9  }
0xd9: {  	v32 =	vor.u32 $0x15, v1;
	[tilespmem:s8+$0xFFFFE800] =	vst v2  }
0xda: {  	v33 =	vor.u32 $0x16, v1;
	[tilespmem:s8+$0xFFFFE880] =	vst v3  }
0xdb: {  	v34 =	vor.u32 $0x17, v1;
	v4 =	vld.idx.msk [tilespmem:v29+s16+$0x0], $0xffff  }
0xdc: {  	v2 =	vor.u32 $0x10, v1;
	v5 =	vld.idx.msk [tilespmem:v30+s16+$0x0], $0xffff  }
0xdd: {  	v3 =	vor.u32 $0x11, v1;
	v6 =	vld.idx.msk [tilespmem:v31+s16+$0x0], $0xffff  }
0xde: {  	v7 =	vld.idx.msk [tilespmem:v32+s16+$0x0], $0xffff  }
0xdf: {  	v8 =	vld.idx.msk [tilespmem:v33+s16+$0x0], $0xffff  }
0xe0: {  	v9 =	vld.idx.msk [tilespmem:v34+s16+$0x0], $0xffff  }
0xe1: {  	v2 =	vld.idx.msk [tilespmem:v2+s16+$0x0], $0xffff  }
0xe2: {  	v3 =	vld.idx.msk [tilespmem:v3+s16+$0x0], $0xffff;
	[tilespmem:s8+$0xFFFFF100] =	vst v4  }
0xe3: {  	[tilespmem:s8+$0xFFFFF180] =	vst v5  }
0xe4: {  	[tilespmem:s8+$0xFFFFF200] =	vst v6  }
0xe5: {  	v35 =	vor.u32 $0x1A, v1;
	[tilespmem:s8+$0xFFFFF280] =	vst v7  }
0xe6: {  	v36 =	vor.u32 $0x1B, v1;
	[tilespmem:s8+$0xFFFFF300] =	vst v8  }
0xe7: {  	v37 =	vor.u32 $0x1C, v1;
	[tilespmem:s8+$0xFFFFF380] =	vst v9  }
0xe8: {  	v38 =	vor.u32 $0x1D, v1;
	[tilespmem:s8+$0xFFFFF000] =	vst v2  }
0xe9: {  	v39 =	vor.u32 $0x1E, v1;
	[tilespmem:s8+$0xFFFFF080] =	vst v3  }
0xea: {  	v40 =	vor.u32 $0x1F, v1;
	v4 =	vld.idx.msk [tilespmem:v35+s16+$0x0], $0xffff  }
0xeb: {  	v2 =	vor.u32 $0x18, v1;
	v5 =	vld.idx.msk [tilespmem:v36+s16+$0x0], $0xffff  }
0xec: {  	v3 =	vor.u32 $0x19, v1;
	v6 =	vld.idx.msk [tilespmem:v37+s16+$0x0], $0xffff  }
0xed: {  	v7 =	vld.idx.msk [tilespmem:v38+s16+$0x0], $0xffff  }
0xee: {  	v8 =	vld.idx.msk [tilespmem:v39+s16+$0x0], $0xffff  }
0xef: {  	v9 =	vld.idx.msk [tilespmem:v40+s16+$0x0], $0xffff  }
0xf0: {  	v2 =	vld.idx.msk [tilespmem:v2+s16+$0x0], $0xffff  }
0xf1: {  	v3 =	vld.idx.msk [tilespmem:v3+s16+$0x0], $0xffff;
	[tilespmem:s8+$0xFFFFF900] =	vst v4  }
0xf2: {  	[tilespmem:s8+$0xFFFFF980] =	vst v5  }
0xf3: {  	[tilespmem:s8+$0xFFFFFA00] =	vst v6  }
0xf4: {  	v41 =	vor.u32 $0x22, v1;
	[tilespmem:s8+$0xFFFFFA80] =	vst v7  }
0xf5: {  	v42 =	vor.u32 $0x23, v1;
	[tilespmem:s8+$0xFFFFFB00] =	vst v8  }
0xf6: {  	v43 =	vor.u32 $0x24, v1;
	[tilespmem:s8+$0xFFFFFB80] =	vst v9  }
0xf7: {  	v44 =	vor.u32 $0x25, v1;
	[tilespmem:s8+$0xFFFFF800] =	vst v2  }
0xf8: {  	v45 =	vor.u32 $0x26, v1;
	[tilespmem:s8+$0xFFFFF880] =	vst v3  }
0xf9: {  	v46 =	vor.u32 $0x27, v1;
	v4 =	vld.idx.msk [tilespmem:v41+s16+$0x0], $0xffff  }
0xfa: {  	v2 =	vor.u32 $0x20, v1;
	v5 =	vld.idx.msk [tilespmem:v42+s16+$0x0], $0xffff  }
0xfb: {  	v3 =	vor.u32 $0x21, v1;
	v6 =	vld.idx.msk [tilespmem:v43+s16+$0x0], $0xffff  }
0xfc: {  	v7 =	vld.idx.msk [tilespmem:v44+s16+$0x0], $0xffff  }
0xfd: {  	v8 =	vld.idx.msk [tilespmem:v45+s16+$0x0], $0xffff  }
0xfe: {  	v9 =	vld.idx.msk [tilespmem:v46+s16+$0x0], $0xffff  }
0xff: {  	v2 =	vld.idx.msk [tilespmem:v2+s16+$0x0], $0xffff  }
0x100: {  	v3 =	vld.idx.msk [tilespmem:v3+s16+$0x0], $0xffff;
	[tilespmem:s8+$0x100] =	vst v4  }
0x101: {  	[tilespmem:s8+$0x180] =	vst v5  }
0x102: {  	[tilespmem:s8+$0x200] =	vst v6  }
0x103: {  	v47 =	vor.u32 $0x2A, v1;
	[tilespmem:s8+$0x280] =	vst v7  }
0x104: {  	v48 =	vor.u32 $0x2B, v1;
	[tilespmem:s8+$0x300] =	vst v8  }
0x105: {  	v49 =	vor.u32 $0x2C, v1;
	[tilespmem:s8+$0x380] =	vst v9  }
0x106: {  	v50 =	vor.u32 $0x2D, v1;
	[tilespmem:s8+$0x0] =	vst v2  }
0x107: {  	v51 =	vor.u32 $0x2E, v1;
	[tilespmem:s8+$0x80] =	vst v3  }
0x108: {  	v52 =	vor.u32 $0x2F, v1;
	v4 =	vld.idx.msk [tilespmem:v47+s16+$0x0], $0xffff  }
0x109: {  	v2 =	vor.u32 $0x28, v1;
	v5 =	vld.idx.msk [tilespmem:v48+s16+$0x0], $0xffff  }
0x10a: {  	v3 =	vor.u32 $0x29, v1;
	v6 =	vld.idx.msk [tilespmem:v49+s16+$0x0], $0xffff  }
0x10b: {  	v7 =	vld.idx.msk [tilespmem:v50+s16+$0x0], $0xffff  }
0x10c: {  	v8 =	vld.idx.msk [tilespmem:v51+s16+$0x0], $0xffff  }
0x10d: {  	v9 =	vld.idx.msk [tilespmem:v52+s16+$0x0], $0xffff  }
0x10e: {  	v2 =	vld.idx.msk [tilespmem:v2+s16+$0x0], $0xffff  }
0x10f: {  	v3 =	vld.idx.msk [tilespmem:v3+s16+$0x0], $0xffff;
	[tilespmem:s8+$0x900] =	vst v4  }
0x110: {  	[tilespmem:s8+$0x980] =	vst v5  }
0x111: {  	[tilespmem:s8+$0xA00] =	vst v6  }
0x112: {  	v53 =	vor.u32 $0x32, v1;
	[tilespmem:s8+$0xA80] =	vst v7  }
0x113: {  	v54 =	vor.u32 $0x33, v1;
	[tilespmem:s8+$0xB00] =	vst v8  }
0x114: {  	v55 =	vor.u32 $0x34, v1;
	[tilespmem:s8+$0xB80] =	vst v9  }
0x115: {  	v56 =	vor.u32 $0x35, v1;
	[tilespmem:s8+$0x800] =	vst v2  }
0x116: {  	v57 =	vor.u32 $0x36, v1;
	[tilespmem:s8+$0x880] =	vst v3  }
0x117: {  	v58 =	vor.u32 $0x37, v1;
	v4 =	vld.idx.msk [tilespmem:v53+s16+$0x0], $0xffff  }
0x118: {  	v2 =	vor.u32 $0x30, v1;
	v5 =	vld.idx.msk [tilespmem:v54+s16+$0x0], $0xffff  }
0x119: {  	v3 =	vor.u32 $0x31, v1;
	v6 =	vld.idx.msk [tilespmem:v55+s16+$0x0], $0xffff  }
0x11a: {  	v7 =	vld.idx.msk [tilespmem:v56+s16+$0x0], $0xffff  }
0x11b: {  	v8 =	vld.idx.msk [tilespmem:v57+s16+$0x0], $0xffff  }
0x11c: {  	v9 =	vld.idx.msk [tilespmem:v58+s16+$0x0], $0xffff  }
0x11d: {  	v2 =	vld.idx.msk [tilespmem:v2+s16+$0x0], $0xffff  }
0x11e: {  	v3 =	vld.idx.msk [tilespmem:v3+s16+$0x0], $0xffff;
	[tilespmem:s8+$0x1100] =	vst v4  }
0x11f: {  	[tilespmem:s8+$0x1180] =	vst v5  }
0x120: {  	[tilespmem:s8+$0x1200] =	vst v6  }
0x121: {  	v59 =	vor.u32 $0x3A, v1;
	[tilespmem:s8+$0x1280] =	vst v7  }
0x122: {  	v60 =	vor.u32 $0x3B, v1;
	[tilespmem:s8+$0x1300] =	vst v8  }
0x123: {  	v61 =	vor.u32 $0x3C, v1;
	[tilespmem:s8+$0x1380] =	vst v9  }
0x124: {  	v62 =	vor.u32 $0x3D, v1;
	[tilespmem:s8+$0x1000] =	vst v2  }
0x125: {  	v63 =	vor.u32 $0x3E, v1;
	[tilespmem:s8+$0x1080] =	vst v3  }
0x126: {  	v2 =	vor.u32 $0x38, v1;
	v4 =	vld.idx.msk [tilespmem:v59+s16+$0x0], $0xffff  }
0x127: {  	v3 =	vor.u32 $0x39, v1;
	v5 =	vld.idx.msk [tilespmem:v60+s16+$0x0], $0xffff  }
0x128: {  	v1 =	vor.u32 $0x3F, v1;
	v6 =	vld.idx.msk [tilespmem:v61+s16+$0x0], $0xffff  }
0x129: {  	v7 =	vld.idx.msk [tilespmem:v62+s16+$0x0], $0xffff  }
0x12a: {  	v8 =	vld.idx.msk [tilespmem:v63+s16+$0x0], $0xffff  }
0x12b: {  	v2 =	vld.idx.msk [tilespmem:v2+s16+$0x0], $0xffff  }
0x12c: {  	v3 =	vld.idx.msk [tilespmem:v3+s16+$0x0], $0xffff  }
0x12d: {  	v1 =	vld.idx.msk [tilespmem:v1+s16+$0x0], $0xffff;
	[tilespmem:s8+$0x1900] =	vst v4  }
0x12e: {  	[tilespmem:s8+$0x1980] =	vst v5  }
0x12f: {  	p0 =	sne.s32 s5, $0x70;
	[tilespmem:s8+$0x1A00] =	vst v6  }
.Ltmp1:
0x130: {  	[tilespmem:s8+$0x1A80] =	vst v7;
	(pc) =	sbr.rel @p0 .LBB2_4-.Ltmp1, $4  }
0x131: {  	[tilespmem:s8+$0x1B00] =	vst v8  }
0x132: {  	[tilespmem:s8+$0x1800] =	vst v2  }
0x133: {  	[tilespmem:s8+$0x1880] =	vst v3  }
0x134: {  	s5 =	sadd.s32 $0x10, s5;
	[tilespmem:s8+$0x1B80] =	vst v1;
	s8 =	sadd.s32 $0x10, s8  }
0x135: {  	s5 =	simm.s32 $0x0;
	s13 =	rddreg [dreg:$0x6]  }
0x136: {  	[hbm4b:s13+s5] =	stream.linear.scatter [tilespmem:s0], [sflag:$0x4], $0x400, $0x38;
	[tilespmem:$0x16400] =	vst v63  }
0x137: {  	s8 =	sadd.s32 $0x1000, s13  }
0x138: {  	[hbm4b:s8+s5] =	stream.linear.scatter [tilespmem:s1], [sflag:$0x4], $0x400, $0x38;
	[tilespmem:$0x16400] =	vst v63  }
0x139: {  	s18 =	sadd.s32 $0x2000, s13  }
0x13a: {  	[hbm4b:s18+s5] =	stream.linear.scatter [tilespmem:s11], [sflag:$0x4], $0x400, $0x38;
	[tilespmem:$0x16400] =	vst v63  }
0x13b: {  	s20 =	sadd.s32 $0x3000, s13  }
0x13c: {  	[hbm4b:s20+s5] =	stream.linear.scatter [tilespmem:s12], [sflag:$0x4], $0x400, $0x38;
	[tilespmem:$0x16400] =	vst v63  }
0x13d: {  	s18 =	sadd.s32 $0x4000, s13  }
0x13e: {  	[hbm4b:s18+s5] =	stream.linear.scatter [tilespmem:s30], [sflag:$0x4], $0x400, $0x38;
	[tilespmem:$0x16400] =	vst v63  }
0x13f: {  	s20 =	sadd.s32 $0x5000, s13  }
0x140: {  	[hbm4b:s20+s5] =	stream.linear.scatter [tilespmem:s6], [sflag:$0x4], $0x400, $0x38;
	[tilespmem:$0x16400] =	vst v63  }
0x141: {  	s18 =	sadd.s32 $0x6000, s13  }
0x142: {  	[hbm4b:s18+s5] =	stream.linear.scatter [tilespmem:s10], [sflag:$0x4], $0x400, $0x38;
	[tilespmem:$0x16400] =	vst v63  }
0x143: {  	s20 =	sadd.s32 $0x7000, s13  }
0x144: {  	[hbm4b:s20+s5] =	stream.linear.scatter [tilespmem:s19], [sflag:$0x4], $0x400, $0x38;
	[tilespmem:$0x16400] =	vst v63  }
.LBB2_6:
0x145: {  	s8 =	sshll.u32 s5, $0x1  }
0x146: {  	s13 =	sadd.s32 $0x3, s8  }
0x147: {  	s8 =	sshll.u32 s13, $0x7  }
0x148: {  	s8 =	sand.u32 $0x3FFFFF80, s8  }
0x149: {  	[tilespmem:s16], [sflag:$0x2] =	stream.indirect.gather [hbm4b:s4+s14], $0x80, s8, s14, $0xb8;
	[tilespmem:$0x16400] =	vst v63  }
0x14a: {  	_ =	swait.ge [sflag:s21], $0x2000  }
0x14b: {  	[sflag:s21] =	ssyncset.done $0x0  }
0x14c: {  	[sflag:s21] =	ssyncadd.s32 $0xFFFFE000  }
0x14d: {  	_ =	swait.ge [sflag:s17], $0x4000  }
0x14e: {  	[sflag:s17] =	ssyncset.done $0x0  }
0x14f: {  	s18 =	simm.s32 $0x0;
	s8 =	simm.s32 $0x10400;
	[sflag:s17] =	ssyncadd.s32 $0xFFFFC000  }
.LBB2_7:
0x150: {  	v1 =	vmov s18  }
0x151: {  	v1 =	vshll.u32 v1, $0x7  }
0x152: {  	v1 =	vor.u32 v0, v1  }
0x153: {  	v2 =	vor.u32 $0x1, v1  }
0x154: {  	v3 =	vor.u32 $0x2, v1  }
0x155: {  	v4 =	vor.u32 $0x3, v1  }
0x156: {  	v5 =	vor.u32 $0x4, v1  }
0x157: {  	v7 =	vor.u32 $0x5, v1;
	v6 =	vld.idx.msk [tilespmem:v1+s15+$0x0], $0xffff  }
0x158: {  	v8 =	vor.u32 $0x6, v1;
	v2 =	vld.idx.msk [tilespmem:v2+s15+$0x0], $0xffff  }
0x159: {  	v9 =	vor.u32 $0x7, v1;
	v3 =	vld.idx.msk [tilespmem:v3+s15+$0x0], $0xffff  }
0x15a: {  	v4 =	vld.idx.msk [tilespmem:v4+s15+$0x0], $0xffff  }
0x15b: {  	v5 =	vld.idx.msk [tilespmem:v5+s15+$0x0], $0xffff  }
0x15c: {  	v7 =	vld.idx.msk [tilespmem:v7+s15+$0x0], $0xffff  }
0x15d: {  	v8 =	vld.idx.msk [tilespmem:v8+s15+$0x0], $0xffff  }
0x15e: {  	v9 =	vld.idx.msk [tilespmem:v9+s15+$0x0], $0xffff;
	[tilespmem:s8+$0xFFFFE000] =	vst v6  }
0x15f: {  	[tilespmem:s8+$0xFFFFE080] =	vst v2  }
0x160: {  	[tilespmem:s8+$0xFFFFE100] =	vst v3  }
0x161: {  	v23 =	vor.u32 $0xA, v1;
	[tilespmem:s8+$0xFFFFE180] =	vst v4  }
0x162: {  	v24 =	vor.u32 $0xB, v1;
	[tilespmem:s8+$0xFFFFE200] =	vst v5  }
0x163: {  	v25 =	vor.u32 $0xC, v1;
	[tilespmem:s8+$0xFFFFE280] =	vst v7  }
0x164: {  	v26 =	vor.u32 $0xD, v1;
	[tilespmem:s8+$0xFFFFE300] =	vst v8  }
0x165: {  	v27 =	vor.u32 $0xE, v1;
	[tilespmem:s8+$0xFFFFE380] =	vst v9  }
0x166: {  	v28 =	vor.u32 $0xF, v1;
	v4 =	vld.idx.msk [tilespmem:v23+s15+$0x0], $0xffff  }
0x167: {  	v2 =	vor.u32 $0x8, v1;
	v5 =	vld.idx.msk [tilespmem:v24+s15+$0x0], $0xffff  }
0x168: {  	v3 =	vor.u32 $0x9, v1;
	v6 =	vld.idx.msk [tilespmem:v25+s15+$0x0], $0xffff  }
0x169: {  	v7 =	vld.idx.msk [tilespmem:v26+s15+$0x0], $0xffff  }
0x16a: {  	v8 =	vld.idx.msk [tilespmem:v27+s15+$0x0], $0xffff  }
0x16b: {  	v9 =	vld.idx.msk [tilespmem:v28+s15+$0x0], $0xffff  }
0x16c: {  	v2 =	vld.idx.msk [tilespmem:v2+s15+$0x0], $0xffff  }
0x16d: {  	v3 =	vld.idx.msk [tilespmem:v3+s15+$0x0], $0xffff;
	[tilespmem:s8+$0xFFFFE900] =	vst v4  }
0x16e: {  	[tilespmem:s8+$0xFFFFE980] =	vst v5  }
0x16f: {  	[tilespmem:s8+$0xFFFFEA00] =	vst v6  }
0x170: {  	v29 =	vor.u32 $0x12, v1;
	[tilespmem:s8+$0xFFFFEA80] =	vst v7  }
0x171: {  	v30 =	vor.u32 $0x13, v1;
	[tilespmem:s8+$0xFFFFEB00] =	vst v8  }
0x172: {  	v31 =	vor.u32 $0x14, v1;
	[tilespmem:s8+$0xFFFFEB80] =	vst v9  }
0x173: {  	v32 =	vor.u32 $0x15, v1;
	[tilespmem:s8+$0xFFFFE800] =	vst v2  }
0x174: {  	v33 =	vor.u32 $0x16, v1;
	[tilespmem:s8+$0xFFFFE880] =	vst v3  }
0x175: {  	v34 =	vor.u32 $0x17, v1;
	v4 =	vld.idx.msk [tilespmem:v29+s15+$0x0], $0xffff  }
0x176: {  	v2 =	vor.u32 $0x10, v1;
	v5 =	vld.idx.msk [tilespmem:v30+s15+$0x0], $0xffff  }
0x177: {  	v3 =	vor.u32 $0x11, v1;
	v6 =	vld.idx.msk [tilespmem:v31+s15+$0x0], $0xffff  }
0x178: {  	v7 =	vld.idx.msk [tilespmem:v32+s15+$0x0], $0xffff  }
0x179: {  	v8 =	vld.idx.msk [tilespmem:v33+s15+$0x0], $0xffff  }
0x17a: {  	v9 =	vld.idx.msk [tilespmem:v34+s15+$0x0], $0xffff  }
0x17b: {  	v2 =	vld.idx.msk [tilespmem:v2+s15+$0x0], $0xffff  }
0x17c: {  	v3 =	vld.idx.msk [tilespmem:v3+s15+$0x0], $0xffff;
	[tilespmem:s8+$0xFFFFF100] =	vst v4  }
0x17d: {  	[tilespmem:s8+$0xFFFFF180] =	vst v5  }
0x17e: {  	[tilespmem:s8+$0xFFFFF200] =	vst v6  }
0x17f: {  	v35 =	vor.u32 $0x1A, v1;
	[tilespmem:s8+$0xFFFFF280] =	vst v7  }
0x180: {  	v36 =	vor.u32 $0x1B, v1;
	[tilespmem:s8+$0xFFFFF300] =	vst v8  }
0x181: {  	v37 =	vor.u32 $0x1C, v1;
	[tilespmem:s8+$0xFFFFF380] =	vst v9  }
0x182: {  	v38 =	vor.u32 $0x1D, v1;
	[tilespmem:s8+$0xFFFFF000] =	vst v2  }
0x183: {  	v39 =	vor.u32 $0x1E, v1;
	[tilespmem:s8+$0xFFFFF080] =	vst v3  }
0x184: {  	v40 =	vor.u32 $0x1F, v1;
	v4 =	vld.idx.msk [tilespmem:v35+s15+$0x0], $0xffff  }
0x185: {  	v2 =	vor.u32 $0x18, v1;
	v5 =	vld.idx.msk [tilespmem:v36+s15+$0x0], $0xffff  }
0x186: {  	v3 =	vor.u32 $0x19, v1;
	v6 =	vld.idx.msk [tilespmem:v37+s15+$0x0], $0xffff  }
0x187: {  	v7 =	vld.idx.msk [tilespmem:v38+s15+$0x0], $0xffff  }
0x188: {  	v8 =	vld.idx.msk [tilespmem:v39+s15+$0x0], $0xffff  }
0x189: {  	v9 =	vld.idx.msk [tilespmem:v40+s15+$0x0], $0xffff  }
0x18a: {  	v2 =	vld.idx.msk [tilespmem:v2+s15+$0x0], $0xffff  }
0x18b: {  	v3 =	vld.idx.msk [tilespmem:v3+s15+$0x0], $0xffff;
	[tilespmem:s8+$0xFFFFF900] =	vst v4  }
0x18c: {  	[tilespmem:s8+$0xFFFFF980] =	vst v5  }
0x18d: {  	[tilespmem:s8+$0xFFFFFA00] =	vst v6  }
0x18e: {  	v41 =	vor.u32 $0x22, v1;
	[tilespmem:s8+$0xFFFFFA80] =	vst v7  }
0x18f: {  	v42 =	vor.u32 $0x23, v1;
	[tilespmem:s8+$0xFFFFFB00] =	vst v8  }
0x190: {  	v43 =	vor.u32 $0x24, v1;
	[tilespmem:s8+$0xFFFFFB80] =	vst v9  }
0x191: {  	v44 =	vor.u32 $0x25, v1;
	[tilespmem:s8+$0xFFFFF800] =	vst v2  }
0x192: {  	v45 =	vor.u32 $0x26, v1;
	[tilespmem:s8+$0xFFFFF880] =	vst v3  }
0x193: {  	v46 =	vor.u32 $0x27, v1;
	v4 =	vld.idx.msk [tilespmem:v41+s15+$0x0], $0xffff  }
0x194: {  	v2 =	vor.u32 $0x20, v1;
	v5 =	vld.idx.msk [tilespmem:v42+s15+$0x0], $0xffff  }
0x195: {  	v3 =	vor.u32 $0x21, v1;
	v6 =	vld.idx.msk [tilespmem:v43+s15+$0x0], $0xffff  }
0x196: {  	v7 =	vld.idx.msk [tilespmem:v44+s15+$0x0], $0xffff  }
0x197: {  	v8 =	vld.idx.msk [tilespmem:v45+s15+$0x0], $0xffff  }
0x198: {  	v9 =	vld.idx.msk [tilespmem:v46+s15+$0x0], $0xffff  }
0x199: {  	v2 =	vld.idx.msk [tilespmem:v2+s15+$0x0], $0xffff  }
0x19a: {  	v3 =	vld.idx.msk [tilespmem:v3+s15+$0x0], $0xffff;
	[tilespmem:s8+$0x100] =	vst v4  }
0x19b: {  	[tilespmem:s8+$0x180] =	vst v5  }
0x19c: {  	[tilespmem:s8+$0x200] =	vst v6  }
0x19d: {  	v47 =	vor.u32 $0x2A, v1;
	[tilespmem:s8+$0x280] =	vst v7  }
0x19e: {  	v48 =	vor.u32 $0x2B, v1;
	[tilespmem:s8+$0x300] =	vst v8  }
0x19f: {  	v49 =	vor.u32 $0x2C, v1;
	[tilespmem:s8+$0x380] =	vst v9  }
0x1a0: {  	v50 =	vor.u32 $0x2D, v1;
	[tilespmem:s8+$0x0] =	vst v2  }
0x1a1: {  	v51 =	vor.u32 $0x2E, v1;
	[tilespmem:s8+$0x80] =	vst v3  }
0x1a2: {  	v52 =	vor.u32 $0x2F, v1;
	v4 =	vld.idx.msk [tilespmem:v47+s15+$0x0], $0xffff  }
0x1a3: {  	v2 =	vor.u32 $0x28, v1;
	v5 =	vld.idx.msk [tilespmem:v48+s15+$0x0], $0xffff  }
0x1a4: {  	v3 =	vor.u32 $0x29, v1;
	v6 =	vld.idx.msk [tilespmem:v49+s15+$0x0], $0xffff  }
0x1a5: {  	v7 =	vld.idx.msk [tilespmem:v50+s15+$0x0], $0xffff  }
0x1a6: {  	v8 =	vld.idx.msk [tilespmem:v51+s15+$0x0], $0xffff  }
0x1a7: {  	v9 =	vld.idx.msk [tilespmem:v52+s15+$0x0], $0xffff  }
0x1a8: {  	v2 =	vld.idx.msk [tilespmem:v2+s15+$0x0], $0xffff  }
0x1a9: {  	v3 =	vld.idx.msk [tilespmem:v3+s15+$0x0], $0xffff;
	[tilespmem:s8+$0x900] =	vst v4  }
0x1aa: {  	[tilespmem:s8+$0x980] =	vst v5  }
0x1ab: {  	[tilespmem:s8+$0xA00] =	vst v6  }
0x1ac: {  	v53 =	vor.u32 $0x32, v1;
	[tilespmem:s8+$0xA80] =	vst v7  }
0x1ad: {  	v54 =	vor.u32 $0x33, v1;
	[tilespmem:s8+$0xB00] =	vst v8  }
0x1ae: {  	v55 =	vor.u32 $0x34, v1;
	[tilespmem:s8+$0xB80] =	vst v9  }
0x1af: {  	v56 =	vor.u32 $0x35, v1;
	[tilespmem:s8+$0x800] =	vst v2  }
0x1b0: {  	v57 =	vor.u32 $0x36, v1;
	[tilespmem:s8+$0x880] =	vst v3  }
0x1b1: {  	v58 =	vor.u32 $0x37, v1;
	v4 =	vld.idx.msk [tilespmem:v53+s15+$0x0], $0xffff  }
0x1b2: {  	v2 =	vor.u32 $0x30, v1;
	v5 =	vld.idx.msk [tilespmem:v54+s15+$0x0], $0xffff  }
0x1b3: {  	v3 =	vor.u32 $0x31, v1;
	v6 =	vld.idx.msk [tilespmem:v55+s15+$0x0], $0xffff  }
0x1b4: {  	v7 =	vld.idx.msk [tilespmem:v56+s15+$0x0], $0xffff  }
0x1b5: {  	v8 =	vld.idx.msk [tilespmem:v57+s15+$0x0], $0xffff  }
0x1b6: {  	v9 =	vld.idx.msk [tilespmem:v58+s15+$0x0], $0xffff  }
0x1b7: {  	v2 =	vld.idx.msk [tilespmem:v2+s15+$0x0], $0xffff  }
0x1b8: {  	v3 =	vld.idx.msk [tilespmem:v3+s15+$0x0], $0xffff;
	[tilespmem:s8+$0x1100] =	vst v4  }
0x1b9: {  	[tilespmem:s8+$0x1180] =	vst v5  }
0x1ba: {  	[tilespmem:s8+$0x1200] =	vst v6  }
0x1bb: {  	v59 =	vor.u32 $0x3A, v1;
	[tilespmem:s8+$0x1280] =	vst v7  }
0x1bc: {  	v60 =	vor.u32 $0x3B, v1;
	[tilespmem:s8+$0x1300] =	vst v8  }
0x1bd: {  	v61 =	vor.u32 $0x3C, v1;
	[tilespmem:s8+$0x1380] =	vst v9  }
0x1be: {  	v62 =	vor.u32 $0x3D, v1;
	[tilespmem:s8+$0x1000] =	vst v2  }
0x1bf: {  	v63 =	vor.u32 $0x3E, v1;
	[tilespmem:s8+$0x1080] =	vst v3  }
0x1c0: {  	v2 =	vor.u32 $0x38, v1;
	v4 =	vld.idx.msk [tilespmem:v59+s15+$0x0], $0xffff  }
0x1c1: {  	v3 =	vor.u32 $0x39, v1;
	v5 =	vld.idx.msk [tilespmem:v60+s15+$0x0], $0xffff  }
0x1c2: {  	v1 =	vor.u32 $0x3F, v1;
	v6 =	vld.idx.msk [tilespmem:v61+s15+$0x0], $0xffff  }
0x1c3: {  	v7 =	vld.idx.msk [tilespmem:v62+s15+$0x0], $0xffff  }
0x1c4: {  	v8 =	vld.idx.msk [tilespmem:v63+s15+$0x0], $0xffff  }
0x1c5: {  	v2 =	vld.idx.msk [tilespmem:v2+s15+$0x0], $0xffff  }
0x1c6: {  	v3 =	vld.idx.msk [tilespmem:v3+s15+$0x0], $0xffff  }
0x1c7: {  	v1 =	vld.idx.msk [tilespmem:v1+s15+$0x0], $0xffff;
	[tilespmem:s8+$0x1900] =	vst v4  }
0x1c8: {  	[tilespmem:s8+$0x1980] =	vst v5  }
0x1c9: {  	p0 =	sne.s32 s18, $0x70;
	[tilespmem:s8+$0x1A00] =	vst v6  }
.Ltmp2:
0x1ca: {  	[tilespmem:s8+$0x1A80] =	vst v7;
	(pc) =	sbr.rel @p0 .LBB2_7-.Ltmp2, $4  }
0x1cb: {  	[tilespmem:s8+$0x1B00] =	vst v8  }
0x1cc: {  	[tilespmem:s8+$0x1800] =	vst v2  }
0x1cd: {  	[tilespmem:s8+$0x1880] =	vst v3  }
0x1ce: {  	s18 =	sadd.s32 $0x10, s18;
	[tilespmem:s8+$0x1B80] =	vst v1;
	s8 =	sadd.s32 $0x10, s8  }
0x1cf: {  	s8 =	sshll.u32 s5, $0x13  }
0x1d0: {  	s8 =	sadd.s32 s9, s8  }
0x1d1: {  	s8 =	sshrl.u32 s8, $0x3  }
0x1d2: {  	s18 =	simm.s32 $0xE400;
	s8 =	sadd.s32 s2, s8  }
0x1d3: {  	[hbm4b:s8+s3] =	stream.linear.scatter [tilespmem:s18], [sflag:$0x3], $0x400, $0x38;
	[tilespmem:$0x16400] =	vst v63  }
0x1d4: {  	s20 =	simm.s32 $0xEC00;
	s18 =	sadd.s32 $0x1000, s8  }
0x1d5: {  	[hbm4b:s18+s3] =	stream.linear.scatter [tilespmem:s20], [sflag:$0x3], $0x400, $0x38;
	[tilespmem:$0x16400] =	vst v63  }
0x1d6: {  	s20 =	sadd.s32 $0x2000, s8  }
0x1d7: {  	[hbm4b:s20+s3] =	stream.linear.scatter [tilespmem:s22], [sflag:$0x3], $0x400, $0x38;
	[tilespmem:$0x16400] =	vst v63  }
0x1d8: {  	s20 =	sadd.s32 $0x3000, s8  }
0x1d9: {  	[hbm4b:s20+s3] =	stream.linear.scatter [tilespmem:s24], [sflag:$0x3], $0x400, $0x38;
	[tilespmem:$0x16400] =	vst v63  }
0x1da: {  	s20 =	sadd.s32 $0x4000, s8  }
0x1db: {  	[hbm4b:s20+s3] =	stream.linear.scatter [tilespmem:s25], [sflag:$0x3], $0x400, $0x38;
	[tilespmem:$0x16400] =	vst v63  }
0x1dc: {  	s20 =	sadd.s32 $0x5000, s8  }
0x1dd: {  	[hbm4b:s20+s3] =	stream.linear.scatter [tilespmem:s26], [sflag:$0x3], $0x400, $0x38;
	[tilespmem:$0x16400] =	vst v63  }
0x1de: {  	s20 =	sadd.s32 $0x6000, s8  }
0x1df: {  	[hbm4b:s20+s3] =	stream.linear.scatter [tilespmem:s28], [sflag:$0x3], $0x400, $0x38;
	[tilespmem:$0x16400] =	vst v63  }
0x1e0: {  	p0 =	seq.s32 s5, $0x62;
	s8 =	sadd.s32 $0x7000, s8  }
0x1e1: {  	[hbm4b:s8+s3] =	stream.linear.scatter [tilespmem:s29], [sflag:$0x3], $0x400, $0x38;
	[tilespmem:$0x16400] =	vst v63  }
0x1e2: {  	s8 =	sshll.u32 @!p0 s5, $0x8  }
0x1e3: {  	s8 =	sand.u32 @!p0 $0x3FFFFF00, s8  }
0x1e4: {  	s18 =	simm.s32 @!p0 $0x80;
	s20 =	simm.s32 @!p0 $0x6400;
	s8 =	sadd.s32 @!p0 $0x200, s8  }
0x1e5: {  	[tilespmem:s20], [sflag:$0x1] =	stream.indirect.gather @!p0 [hbm4b:s4+s18], $0x80, s8, s18, $0xb8;
	[tilespmem:$0x16400] =	vst v63  }
0x1e6: {  	_ =	swait.ge [sflag:s23], $0x2000  }
0x1e7: {  	[sflag:s23] =	ssyncset.done $0x0  }
0x1e8: {  	[sflag:s23] =	ssyncadd.s32 $0xFFFFE000  }
0x1e9: {  	_ =	swait.ge [sflag:s31], $0x4000  }
0x1ea: {  	[sflag:s31] =	ssyncset.done $0x0  }
0x1eb: {  	s8 =	simm.s32 $0x0;
	s18 =	simm.s32 $0x14400;
	[sflag:s31] =	ssyncadd.s32 $0xFFFFC000  }
.LBB2_9:
0x1ec: {  	v1 =	vmov s8  }
0x1ed: {  	v1 =	vshll.u32 v1, $0x7  }
0x1ee: {  	v1 =	vor.u32 v0, v1  }
0x1ef: {  	v2 =	vor.u32 $0x1, v1  }
0x1f0: {  	v3 =	vor.u32 $0x2, v1  }
0x1f1: {  	v4 =	vor.u32 $0x3, v1  }
0x1f2: {  	v5 =	vor.u32 $0x4, v1  }
0x1f3: {  	v7 =	vor.u32 $0x5, v1;
	v6 =	vld.idx.msk [tilespmem:v1+s16+$0x0], $0xffff  }
0x1f4: {  	v8 =	vor.u32 $0x6, v1;
	v2 =	vld.idx.msk [tilespmem:v2+s16+$0x0], $0xffff  }
0x1f5: {  	v9 =	vor.u32 $0x7, v1;
	v3 =	vld.idx.msk [tilespmem:v3+s16+$0x0], $0xffff  }
0x1f6: {  	v4 =	vld.idx.msk [tilespmem:v4+s16+$0x0], $0xffff  }
0x1f7: {  	v5 =	vld.idx.msk [tilespmem:v5+s16+$0x0], $0xffff  }
0x1f8: {  	v7 =	vld.idx.msk [tilespmem:v7+s16+$0x0], $0xffff  }
0x1f9: {  	v8 =	vld.idx.msk [tilespmem:v8+s16+$0x0], $0xffff  }
0x1fa: {  	v9 =	vld.idx.msk [tilespmem:v9+s16+$0x0], $0xffff;
	[tilespmem:s18+$0xFFFFE000] =	vst v6  }
0x1fb: {  	[tilespmem:s18+$0xFFFFE080] =	vst v2  }
0x1fc: {  	[tilespmem:s18+$0xFFFFE100] =	vst v3  }
0x1fd: {  	v23 =	vor.u32 $0xA, v1;
	[tilespmem:s18+$0xFFFFE180] =	vst v4  }
0x1fe: {  	v24 =	vor.u32 $0xB, v1;
	[tilespmem:s18+$0xFFFFE200] =	vst v5  }
0x1ff: {  	v25 =	vor.u32 $0xC, v1;
	[tilespmem:s18+$0xFFFFE280] =	vst v7  }
0x200: {  	v26 =	vor.u32 $0xD, v1;
	[tilespmem:s18+$0xFFFFE300] =	vst v8  }
0x201: {  	v27 =	vor.u32 $0xE, v1;
	[tilespmem:s18+$0xFFFFE380] =	vst v9  }
0x202: {  	v28 =	vor.u32 $0xF, v1;
	v4 =	vld.idx.msk [tilespmem:v23+s16+$0x0], $0xffff  }
0x203: {  	v2 =	vor.u32 $0x8, v1;
	v5 =	vld.idx.msk [tilespmem:v24+s16+$0x0], $0xffff  }
0x204: {  	v3 =	vor.u32 $0x9, v1;
	v6 =	vld.idx.msk [tilespmem:v25+s16+$0x0], $0xffff  }
0x205: {  	v7 =	vld.idx.msk [tilespmem:v26+s16+$0x0], $0xffff  }
0x206: {  	v8 =	vld.idx.msk [tilespmem:v27+s16+$0x0], $0xffff  }
0x207: {  	v9 =	vld.idx.msk [tilespmem:v28+s16+$0x0], $0xffff  }
0x208: {  	v2 =	vld.idx.msk [tilespmem:v2+s16+$0x0], $0xffff  }
0x209: {  	v3 =	vld.idx.msk [tilespmem:v3+s16+$0x0], $0xffff;
	[tilespmem:s18+$0xFFFFE900] =	vst v4  }
0x20a: {  	[tilespmem:s18+$0xFFFFE980] =	vst v5  }
0x20b: {  	[tilespmem:s18+$0xFFFFEA00] =	vst v6  }
0x20c: {  	v29 =	vor.u32 $0x12, v1;
	[tilespmem:s18+$0xFFFFEA80] =	vst v7  }
0x20d: {  	v30 =	vor.u32 $0x13, v1;
	[tilespmem:s18+$0xFFFFEB00] =	vst v8  }
0x20e: {  	v31 =	vor.u32 $0x14, v1;
	[tilespmem:s18+$0xFFFFEB80] =	vst v9  }
0x20f: {  	v32 =	vor.u32 $0x15, v1;
	[tilespmem:s18+$0xFFFFE800] =	vst v2  }
0x210: {  	v33 =	vor.u32 $0x16, v1;
	[tilespmem:s18+$0xFFFFE880] =	vst v3  }
0x211: {  	v34 =	vor.u32 $0x17, v1;
	v4 =	vld.idx.msk [tilespmem:v29+s16+$0x0], $0xffff  }
0x212: {  	v2 =	vor.u32 $0x10, v1;
	v5 =	vld.idx.msk [tilespmem:v30+s16+$0x0], $0xffff  }
0x213: {  	v3 =	vor.u32 $0x11, v1;
	v6 =	vld.idx.msk [tilespmem:v31+s16+$0x0], $0xffff  }
0x214: {  	v7 =	vld.idx.msk [tilespmem:v32+s16+$0x0], $0xffff  }
0x215: {  	v8 =	vld.idx.msk [tilespmem:v33+s16+$0x0], $0xffff  }
0x216: {  	v9 =	vld.idx.msk [tilespmem:v34+s16+$0x0], $0xffff  }
0x217: {  	v2 =	vld.idx.msk [tilespmem:v2+s16+$0x0], $0xffff  }
0x218: {  	v3 =	vld.idx.msk [tilespmem:v3+s16+$0x0], $0xffff;
	[tilespmem:s18+$0xFFFFF100] =	vst v4  }
0x219: {  	[tilespmem:s18+$0xFFFFF180] =	vst v5  }
0x21a: {  	[tilespmem:s18+$0xFFFFF200] =	vst v6  }
0x21b: {  	v35 =	vor.u32 $0x1A, v1;
	[tilespmem:s18+$0xFFFFF280] =	vst v7  }
0x21c: {  	v36 =	vor.u32 $0x1B, v1;
	[tilespmem:s18+$0xFFFFF300] =	vst v8  }
0x21d: {  	v37 =	vor.u32 $0x1C, v1;
	[tilespmem:s18+$0xFFFFF380] =	vst v9  }
0x21e: {  	v38 =	vor.u32 $0x1D, v1;
	[tilespmem:s18+$0xFFFFF000] =	vst v2  }
0x21f: {  	v39 =	vor.u32 $0x1E, v1;
	[tilespmem:s18+$0xFFFFF080] =	vst v3  }
0x220: {  	v40 =	vor.u32 $0x1F, v1;
	v4 =	vld.idx.msk [tilespmem:v35+s16+$0x0], $0xffff  }
0x221: {  	v2 =	vor.u32 $0x18, v1;
	v5 =	vld.idx.msk [tilespmem:v36+s16+$0x0], $0xffff  }
0x222: {  	v3 =	vor.u32 $0x19, v1;
	v6 =	vld.idx.msk [tilespmem:v37+s16+$0x0], $0xffff  }
0x223: {  	v7 =	vld.idx.msk [tilespmem:v38+s16+$0x0], $0xffff  }
0x224: {  	v8 =	vld.idx.msk [tilespmem:v39+s16+$0x0], $0xffff  }
0x225: {  	v9 =	vld.idx.msk [tilespmem:v40+s16+$0x0], $0xffff  }
0x226: {  	v2 =	vld.idx.msk [tilespmem:v2+s16+$0x0], $0xffff  }
0x227: {  	v3 =	vld.idx.msk [tilespmem:v3+s16+$0x0], $0xffff;
	[tilespmem:s18+$0xFFFFF900] =	vst v4  }
0x228: {  	[tilespmem:s18+$0xFFFFF980] =	vst v5  }
0x229: {  	[tilespmem:s18+$0xFFFFFA00] =	vst v6  }
0x22a: {  	v41 =	vor.u32 $0x22, v1;
	[tilespmem:s18+$0xFFFFFA80] =	vst v7  }
0x22b: {  	v42 =	vor.u32 $0x23, v1;
	[tilespmem:s18+$0xFFFFFB00] =	vst v8  }
0x22c: {  	v43 =	vor.u32 $0x24, v1;
	[tilespmem:s18+$0xFFFFFB80] =	vst v9  }
0x22d: {  	v44 =	vor.u32 $0x25, v1;
	[tilespmem:s18+$0xFFFFF800] =	vst v2  }
0x22e: {  	v45 =	vor.u32 $0x26, v1;
	[tilespmem:s18+$0xFFFFF880] =	vst v3  }
0x22f: {  	v46 =	vor.u32 $0x27, v1;
	v4 =	vld.idx.msk [tilespmem:v41+s16+$0x0], $0xffff  }
0x230: {  	v2 =	vor.u32 $0x20, v1;
	v5 =	vld.idx.msk [tilespmem:v42+s16+$0x0], $0xffff  }
0x231: {  	v3 =	vor.u32 $0x21, v1;
	v6 =	vld.idx.msk [tilespmem:v43+s16+$0x0], $0xffff  }
0x232: {  	v7 =	vld.idx.msk [tilespmem:v44+s16+$0x0], $0xffff  }
0x233: {  	v8 =	vld.idx.msk [tilespmem:v45+s16+$0x0], $0xffff  }
0x234: {  	v9 =	vld.idx.msk [tilespmem:v46+s16+$0x0], $0xffff  }
0x235: {  	v2 =	vld.idx.msk [tilespmem:v2+s16+$0x0], $0xffff  }
0x236: {  	v3 =	vld.idx.msk [tilespmem:v3+s16+$0x0], $0xffff;
	[tilespmem:s18+$0x100] =	vst v4  }
0x237: {  	[tilespmem:s18+$0x180] =	vst v5  }
0x238: {  	[tilespmem:s18+$0x200] =	vst v6  }
0x239: {  	v47 =	vor.u32 $0x2A, v1;
	[tilespmem:s18+$0x280] =	vst v7  }
0x23a: {  	v48 =	vor.u32 $0x2B, v1;
	[tilespmem:s18+$0x300] =	vst v8  }
0x23b: {  	v49 =	vor.u32 $0x2C, v1;
	[tilespmem:s18+$0x380] =	vst v9  }
0x23c: {  	v50 =	vor.u32 $0x2D, v1;
	[tilespmem:s18+$0x0] =	vst v2  }
0x23d: {  	v51 =	vor.u32 $0x2E, v1;
	[tilespmem:s18+$0x80] =	vst v3  }
0x23e: {  	v52 =	vor.u32 $0x2F, v1;
	v4 =	vld.idx.msk [tilespmem:v47+s16+$0x0], $0xffff  }
0x23f: {  	v2 =	vor.u32 $0x28, v1;
	v5 =	vld.idx.msk [tilespmem:v48+s16+$0x0], $0xffff  }
0x240: {  	v3 =	vor.u32 $0x29, v1;
	v6 =	vld.idx.msk [tilespmem:v49+s16+$0x0], $0xffff  }
0x241: {  	v7 =	vld.idx.msk [tilespmem:v50+s16+$0x0], $0xffff  }
0x242: {  	v8 =	vld.idx.msk [tilespmem:v51+s16+$0x0], $0xffff  }
0x243: {  	v9 =	vld.idx.msk [tilespmem:v52+s16+$0x0], $0xffff  }
0x244: {  	v2 =	vld.idx.msk [tilespmem:v2+s16+$0x0], $0xffff  }
0x245: {  	v3 =	vld.idx.msk [tilespmem:v3+s16+$0x0], $0xffff;
	[tilespmem:s18+$0x900] =	vst v4  }
0x246: {  	[tilespmem:s18+$0x980] =	vst v5  }
0x247: {  	[tilespmem:s18+$0xA00] =	vst v6  }
0x248: {  	v53 =	vor.u32 $0x32, v1;
	[tilespmem:s18+$0xA80] =	vst v7  }
0x249: {  	v54 =	vor.u32 $0x33, v1;
	[tilespmem:s18+$0xB00] =	vst v8  }
0x24a: {  	v55 =	vor.u32 $0x34, v1;
	[tilespmem:s18+$0xB80] =	vst v9  }
0x24b: {  	v56 =	vor.u32 $0x35, v1;
	[tilespmem:s18+$0x800] =	vst v2  }
0x24c: {  	v57 =	vor.u32 $0x36, v1;
	[tilespmem:s18+$0x880] =	vst v3  }
0x24d: {  	v58 =	vor.u32 $0x37, v1;
	v4 =	vld.idx.msk [tilespmem:v53+s16+$0x0], $0xffff  }
0x24e: {  	v2 =	vor.u32 $0x30, v1;
	v5 =	vld.idx.msk [tilespmem:v54+s16+$0x0], $0xffff  }
0x24f: {  	v3 =	vor.u32 $0x31, v1;
	v6 =	vld.idx.msk [tilespmem:v55+s16+$0x0], $0xffff  }
0x250: {  	v7 =	vld.idx.msk [tilespmem:v56+s16+$0x0], $0xffff  }
0x251: {  	v8 =	vld.idx.msk [tilespmem:v57+s16+$0x0], $0xffff  }
0x252: {  	v9 =	vld.idx.msk [tilespmem:v58+s16+$0x0], $0xffff  }
0x253: {  	v2 =	vld.idx.msk [tilespmem:v2+s16+$0x0], $0xffff  }
0x254: {  	v3 =	vld.idx.msk [tilespmem:v3+s16+$0x0], $0xffff;
	[tilespmem:s18+$0x1100] =	vst v4  }
0x255: {  	[tilespmem:s18+$0x1180] =	vst v5  }
0x256: {  	[tilespmem:s18+$0x1200] =	vst v6  }
0x257: {  	v59 =	vor.u32 $0x3A, v1;
	[tilespmem:s18+$0x1280] =	vst v7  }
0x258: {  	v60 =	vor.u32 $0x3B, v1;
	[tilespmem:s18+$0x1300] =	vst v8  }
0x259: {  	v61 =	vor.u32 $0x3C, v1;
	[tilespmem:s18+$0x1380] =	vst v9  }
0x25a: {  	v62 =	vor.u32 $0x3D, v1;
	[tilespmem:s18+$0x1000] =	vst v2  }
0x25b: {  	v63 =	vor.u32 $0x3E, v1;
	[tilespmem:s18+$0x1080] =	vst v3  }
0x25c: {  	v2 =	vor.u32 $0x38, v1;
	v4 =	vld.idx.msk [tilespmem:v59+s16+$0x0], $0xffff  }
0x25d: {  	v3 =	vor.u32 $0x39, v1;
	v5 =	vld.idx.msk [tilespmem:v60+s16+$0x0], $0xffff  }
0x25e: {  	v1 =	vor.u32 $0x3F, v1;
	v6 =	vld.idx.msk [tilespmem:v61+s16+$0x0], $0xffff  }
0x25f: {  	v7 =	vld.idx.msk [tilespmem:v62+s16+$0x0], $0xffff  }
0x260: {  	v8 =	vld.idx.msk [tilespmem:v63+s16+$0x0], $0xffff  }
0x261: {  	v2 =	vld.idx.msk [tilespmem:v2+s16+$0x0], $0xffff  }
0x262: {  	v3 =	vld.idx.msk [tilespmem:v3+s16+$0x0], $0xffff  }
0x263: {  	v1 =	vld.idx.msk [tilespmem:v1+s16+$0x0], $0xffff;
	[tilespmem:s18+$0x1900] =	vst v4  }
0x264: {  	[tilespmem:s18+$0x1980] =	vst v5  }
0x265: {  	p0 =	sne.s32 s8, $0x70;
	[tilespmem:s18+$0x1A00] =	vst v6  }
.Ltmp3:
0x266: {  	[tilespmem:s18+$0x1A80] =	vst v7;
	(pc) =	sbr.rel @p0 .LBB2_9-.Ltmp3, $4  }
0x267: {  	[tilespmem:s18+$0x1B00] =	vst v8  }
0x268: {  	[tilespmem:s18+$0x1800] =	vst v2  }
0x269: {  	[tilespmem:s18+$0x1880] =	vst v3  }
0x26a: {  	s8 =	sadd.s32 $0x10, s8;
	[tilespmem:s18+$0x1B80] =	vst v1;
	s18 =	sadd.s32 $0x10, s18  }
0x26b: {  	s8 =	sshll.u32 s13, $0x12  }
0x26c: {  	s8 =	sor.u32 s7, s8  }
0x26d: {  	s8 =	sshrl.u32 s8, $0x3  }
0x26e: {  	s8 =	sadd.s32 s2, s8  }
0x26f: {  	[hbm4b:s8+s3] =	stream.linear.scatter [tilespmem:s0], [sflag:$0x4], $0x400, $0x38;
	[tilespmem:$0x16400] =	vst v63  }
0x270: {  	s18 =	sadd.s32 $0x1000, s8  }
0x271: {  	[hbm4b:s18+s3] =	stream.linear.scatter [tilespmem:s1], [sflag:$0x4], $0x400, $0x38;
	[tilespmem:$0x16400] =	vst v63  }
0x272: {  	s20 =	sadd.s32 $0x2000, s8  }
0x273: {  	[hbm4b:s20+s3] =	stream.linear.scatter [tilespmem:s11], [sflag:$0x4], $0x400, $0x38;
	[tilespmem:$0x16400] =	vst v63  }
0x274: {  	s18 =	sadd.s32 $0x3000, s8  }
0x275: {  	[hbm4b:s18+s3] =	stream.linear.scatter [tilespmem:s12], [sflag:$0x4], $0x400, $0x38;
	[tilespmem:$0x16400] =	vst v63  }
0x276: {  	s5 =	sadd.s32 $0x1, s5;
	s20 =	sadd.s32 $0x4000, s8  }
0x277: {  	[hbm4b:s20+s3] =	stream.linear.scatter [tilespmem:s30], [sflag:$0x4], $0x400, $0x38;
	[tilespmem:$0x16400] =	vst v63  }
0x278: {  	p0 =	sne.s32 s5, $0x63;
	s18 =	sadd.s32 $0x5000, s8  }
0x279: {  	[hbm4b:s18+s3] =	stream.linear.scatter [tilespmem:s6], [sflag:$0x4], $0x400, $0x38;
	[tilespmem:$0x16400] =	vst v63  }
.Ltmp4:
0x27a: {  	_ = 	snop;
	(pc) =	sbr.rel @p0 .LBB2_6-.Ltmp4, $4  }
0x27b: {  	s20 =	sadd.s32 $0x6000, s8  }
0x27c: {  	[hbm4b:s20+s3] =	stream.linear.scatter [tilespmem:s10], [sflag:$0x4], $0x400, $0x38;
	[tilespmem:$0x16400] =	vst v63  }
0x27d: {  	s8 =	sadd.s32 $0x7000, s8  }
0x27e: {  	[hbm4b:s8+s3] =	stream.linear.scatter [tilespmem:s19], [sflag:$0x4], $0x400, $0x38;
	[tilespmem:$0x16400] =	vst v63  }
0x27f: {  	_ =	swait.ge [sflag:s21], $0x2000  }
0x280: {  	[sflag:s21] =	ssyncset.done $0x0  }
0x281: {  	[sflag:s21] =	ssyncadd.s32 $0xFFFFE000  }
0x282: {  	_ =	swait.ge [sflag:s23], $0x2000  }
0x283: {  	s8 =	rddreg [dreg:$0xb]  }
0x284: {  	s5 =	rddreg [dreg:$0x7];
	s8 =	sadd.s32 $0x1, s8  }
0x285: {  	p0 =	sne.s32 s8, s5  }
.Ltmp5:
0x286: {  	_ = 	snop;
	(pc) =	sbr.rel @p0 .LBB2_1-.Ltmp5, $3  }
0x287: {  	_ =	sdelay $0x1  }
0x288: {  	[sflag:s23] =	ssyncset.done $0x0  }
0x289: {  	[sflag:s23] =	ssyncadd.s32 $0xFFFFE000  }
0x28a: {  	_ =	sfence.sel $0x180000  }
0x28b: {  	[bflag:$0x0] =	sbarrier.arrive $0xFFFF  }
0x28c: {  	_ =	strace $0x90000047  }
0x28d: {  	s0 =	stileid.u32;
	[bflag:$0x2] =	sbarrier.arrive $0xFFFF  }
0x28e: {  	p0 =	sne.s32 s0, $0x0;
	s0 =	rddreg [dreg:$0x3]  }
0x28f: {  	s0 =	sadd.s32 @!p0 $0x100000, s0  }
0x290: {  	[sflag:s0] =	ssyncadd.tile.s32 @!p0 $0x1;
	_ =	shalt  }
.Lfunc_end2:
_tile_overlayer_lowered:
.L_overlay_start_2:
0x291: {  	(tag) =	ssettag $0x2  }
0x292: {  	s0 =	rddreg [dreg:$0x0];
	s2 =	stileid.u32  }
0x293: {  	s1 =	rddreg [dreg:$0x1];
	p0 =	sne.s32 s2, $0x0  }
0x294: {  	s3 =	rddreg [dreg:$0x2];
	[bflag:$0x3] =	sbarrier.arrive $0xFFFF;
	s2 =	simm.s32 @!p0 $0x1C05  }
0x295: {  	[timem:s3], [sflag:s2] =	dma.local @!p0 [hbm:s0], s1  }
0x296: {  	s0 =	simm.s32 @!p0 $0x5  }
0x297: {  	_ =	swait.ge @!p0 [sflag:s0], s1  }
0x298: {  	s1 =	ssub.s32 @!p0 $0x0, s1;
	[sflag:s0] =	ssyncset.done @!p0 $0x0  }
0x299: {  	[sflag:s0] =	ssyncadd.s32 @!p0 s1  }
0x29a: {  	[bflag:$0x3] =	sbarrier.arrive $0xFFFF  }
0x29b: {  	_ =	shalt  }

</sc_bundles>
